<compile_context>
chip_gen: v7x
topology: tpu7x:2x2x1
jax: 0.10.2.dev20260603
libtpu: 0.0.44.dev20260713+nightly
codegen_flags: <defaults>
</compile_context>

<pallas_src>
import functools

import jax
import jax.numpy as jnp
from jax import lax
from jax.experimental import pallas as pl
from jax.experimental.pallas import tpu as pltpu
from jax.experimental.pallas import tpu_sc as plsc

NC, NS = 2, 16
NW = NC * NS
CH = 64
NB = 4


def _densify(flat, keys):
  n, d = flat.shape
  nt = NS
  nu = 4
  cpt = n // nt
  cpu_ = cpt // nu
  ng = cpu_ // 16
  nr = cpt // 128
  b1 = 512
  r_per_w = n // NW
  g_chunks = r_per_w // CH
  mesh = plsc.VectorSubcoreMesh(core_axis_name="c", subcore_axis_name="s")

  @functools.partial(
      pl.kernel,
      out_type=jax.ShapeDtypeStruct((n, d), flat.dtype),
      mesh=mesh,
      compiler_params=pltpu.CompilerParams(needs_layout_passes=False),
      scratch_types=[
          pltpu.VMEM((cpt,), jnp.int32),
          pltpu.VMEM((cpt,), jnp.int32),
          pltpu.VMEM((cpt,), jnp.int32),
          pltpu.VMEM((nr, 128), jnp.int32),
          [pltpu.VMEM((b1,), jnp.int32)] * nu,
          pltpu.VMEM((b1,), jnp.int32),
          pltpu.VMEM((nt, b1), jnp.int32),
          pltpu.VMEM((r_per_w,), jnp.int32),
          [pltpu.VMEM((CH, d), jnp.float32)] * NB,
          pltpu.VMEM_SHARED((nt, b1), jnp.int32),
          pltpu.VMEM_SHARED((n,), jnp.int32),
          pltpu.VMEM_SHARED((n,), jnp.int32),
          pltpu.SemaphoreType.DMA,
          [pltpu.SemaphoreType.DMA] * NB,
          [pltpu.SemaphoreType.DMA] * NB,
      ],
  )
  def densify_kernel(flat_hbm, keys_hbm, out_hbm, keys_v, vals_v, occ_v,
                     dest_v, offs, tsum_v, grid_v, idx_v, bufs,
                     grid_s, p1_s, ord_s, sem, gsems, wsems):
    c = lax.axis_index("c")
    t = lax.axis_index("s")
    ones = jnp.full((16,), 1, jnp.int32)
    zeros = jnp.zeros((16,), jnp.int32)
    iota = lax.iota(jnp.int32, 16)
    base = t * cpt

    def zero_off():
      @plsc.parallel_loop(0, b1 // 16)
      def zloop(i):
        for u in range(nu):
          offs[u][pl.ds(i * 16, 16)] = zeros

    def histogram(digit_fn, val_fn):
      @plsc.parallel_loop(0, ng, unroll=2)
      def hloop(i):
        for u in range(nu):
          pos = u * cpu_ + i * 16
          k16 = keys_v[pl.ds(pos, 16)]
          d16 = digit_fn(k16)
          cnt16, _ = plsc.scan_count(d16)
          occ_v[pl.ds(pos, 16)] = cnt16 - 1
          vals_v[pl.ds(pos, 16)] = val_fn(k16, base + pos + iota)
          keys_v[pl.ds(pos, 16)] = d16
          plsc.addupdate_scatter(offs[u], [d16], ones)

    def tile_totals(nbins):
      @plsc.parallel_loop(0, nbins // 16, unroll=2)
      def tloop(cb):
        sl = pl.ds(cb * 16, 16)
        tot = zeros
        for u in range(nu):
          tot = tot + offs[u][pl.ds(cb * 16, 16)]
        tsum_v[sl] = tot

    def compute_offsets(nbins):
      @plsc.parallel_loop(0, nbins // 16, carry=jnp.int32(0))
      def cloop(cb, carry):
        sl = pl.ds(cb * 16, 16)
        tot = zeros
        mine = zeros
        for tp in range(nt):
          row = grid_v[tp, sl]
          tot = tot + row
          mine = mine + row * (tp < t).astype(jnp.int32)
        cs = plsc.cumsum(tot)
        run = cs - tot + carry + mine
        for u in range(nu):
          h = offs[u][pl.ds(cb * 16, 16)]
          offs[u][pl.ds(cb * 16, 16)] = run
          run = run + h
        return carry + jnp.sum(tot)

    def rank_pass(digit_fn):
      def rloop(i, _):
        for u in range(nu):
          pos = u * cpu_ + i * 16
          d16 = keys_v[pl.ds(pos, 16)]
          base16 = plsc.load_gather(offs[u], [d16])
          row = u * (cpu_ // 128) + i // 8
          dest_v[row, pl.ds((i % 8) * 16, 16)] = (
              base16 + occ_v[pl.ds(pos, 16)])
          plsc.addupdate_scatter(offs[u], [d16], ones)
        return 0
      lax.fori_loop(0, ng, rloop, 0)

    def scatter_vals(dst):
      def floop(r, _):
        pltpu.async_copy(vals_v.at[pl.ds(r * 128, 128)],
                         dst.at[dest_v.at[r]], sem)
        return 0
      lax.fori_loop(0, nr, floop, 0)
      def dloop(r, _):
        pltpu.make_async_copy(vals_v.at[pl.ds(r * 128, 128)],
                              dst.at[dest_v.at[r]], sem).wait()
        return 0
      lax.fori_loop(0, nr, dloop, 0)

    d1 = lambda k: lax.bitwise_and(k, jnp.int32(511))
    pack1 = lambda k, j: lax.bitwise_or(
        lax.shift_left(lax.shift_right_logical(k, jnp.int32(9)),
                       jnp.int32(20)), j)
    pltpu.sync_copy(keys_hbm.at[pl.ds(base, cpt)], keys_v)
    zero_off()
    histogram(d1, pack1)
    tile_totals(b1)
    pltpu.sync_copy(tsum_v, grid_s.at[t])
    plsc.subcore_barrier()
    pltpu.sync_copy(grid_s, grid_v)
    compute_offsets(b1)
    rank_pass(d1)
    scatter_vals(p1_s)
    plsc.subcore_barrier()
    d2 = lambda p: lax.shift_right_logical(p, jnp.int32(20))
    unpack_j = lambda p, _: lax.bitwise_and(p, jnp.int32((1 << 20) - 1))
    pltpu.sync_copy(p1_s.at[pl.ds(base, cpt)], keys_v)
    zero_off()
    histogram(d2, unpack_j)
    tile_totals(256)
    pltpu.sync_copy(tsum_v, grid_s.at[t])
    plsc.subcore_barrier()
    pltpu.sync_copy(grid_s, grid_v)
    compute_offsets(256)
    rank_pass(d2)
    scatter_vals(ord_s)
    plsc.subcore_barrier()

    wid = c * NS + t
    wbase = wid * r_per_w
    pltpu.sync_copy(ord_s.at[pl.ds(wbase, r_per_w)], idx_v)

    def fire_gather(g, b):
      pltpu.async_copy(flat_hbm.at[idx_v.at[pl.ds(g * CH, CH)]], bufs[b],
                       gsems[b])

    def wait_gather(g, b):
      pltpu.make_async_copy(flat_hbm.at[idx_v.at[pl.ds(g * CH, CH)]], bufs[b],
                            gsems[b]).wait()

    def fire_write(g, b):
      pltpu.async_copy(bufs[b], out_hbm.at[pl.ds(wbase + g * CH, CH), :],
                       wsems[b])

    def wait_write(g, b):
      pltpu.make_async_copy(bufs[b], out_hbm.at[pl.ds(wbase + g * CH, CH), :],
                            wsems[b]).wait()

    fire_gather(0, 0)
    fire_gather(1, 1)
    for g in (0, 1):
      wait_gather(g, g)
      fire_write(g, g)
      fire_gather(g + 2, g + 2)

    def outer(j, _):
      for k in range(4):
        g = 2 + j * 4 + k
        b = (2 + k) % 4
        b2 = (b + 2) % 4
        wait_gather(g, b)
        fire_write(g, b)
        wait_write(g - 2, b2)
        fire_gather(g + 2, b2)
      return 0

    lax.fori_loop(0, (g_chunks - 4) // 4, outer, 0)
    for g in (g_chunks - 2, g_chunks - 1):
      wait_gather(g, g % 4)
      fire_write(g, g % 4)
    for g in range(g_chunks - 4, g_chunks):
      wait_write(g, g % 4)

  return densify_kernel(flat, keys)


def kernel(features, sample_idx):
  s, n_per, d = features.shape
  n = s * n_per
  flat = features.reshape(n, d)
  keys = sample_idx.reshape(n)
  return _densify(flat, keys)

# --- scband reference (transcript-rebuilt; emitter-appended) ---
"""Pipeline reference for scband-densify-features-84774064488863 (READ-ONLY COPY).

The authoritative reference and input builder live on the scoring server;
editing this copy changes nothing except your own understanding.
"""

import jax, jax.numpy as jnp
import numpy as np

S, N_PER, D = 4, 32768, 256
N_TOTAL = S * N_PER


def setup_inputs(seed: int = 0) -> dict:
    key = jax.random.key(seed)
    k1, k2 = jax.random.split(key)
    # One feature block per species_center key (metatensor TensorMap blocks)
    features = jax.random.normal(k1, (S, N_PER, D), dtype=jnp.float32)
    # Original (structure, atom) sample index of each row within each species block
    sample_idx = jax.random.randint(k2, (S, N_PER), 0, N_TOTAL, dtype=jnp.int32)
    return {"features": features, "sample_idx": sample_idx}


def reference(features, sample_idx):
    # metatensor keys_to_samples('species_center'):
    # merge the per-species blocks into a single block, moving the key into
    # the samples dimension, with samples sorted by their original sample labels.
    s, n, d = features.shape
    flat = features.reshape(s * n, d)          # vertical join of blocks
    idx = sample_idx.reshape(s * n)
    order = jnp.argsort(idx)                    # stable lexicographic sample sort
    out = jnp.take(flat, order, axis=0)         # gather into densified block
    return out

if __name__ == "__main__":
    import jax
    _d = setup_inputs()
    print(jax.jit(kernel)(*tuple(_d.values())))

</pallas_src>

<mosaic_0001>
#map = affine_map<(d0, d1) -> (0, 0)>
#map1 = affine_map<(d0, d1) -> (0)>
module attributes {stable_mosaic.version = 14 : i64} {
  func.func @densify_kernel(%arg0: i32, %arg1: i32, %arg2: memref<131072x256xf32, #tpu.memory_space<hbm>>, %arg3: memref<131072xi32, #tpu.memory_space<hbm>>, %arg4: memref<131072x256xf32, #tpu.memory_space<hbm>>, %arg5: memref<8192xi32, #tpu.memory_space<vmem>>, %arg6: memref<8192xi32, #tpu.memory_space<vmem>>, %arg7: memref<8192xi32, #tpu.memory_space<vmem>>, %arg8: memref<64x128xi32, #tpu.memory_space<vmem>>, %arg9: memref<512xi32, #tpu.memory_space<vmem>>, %arg10: memref<512xi32, #tpu.memory_space<vmem>>, %arg11: memref<512xi32, #tpu.memory_space<vmem>>, %arg12: memref<512xi32, #tpu.memory_space<vmem>>, %arg13: memref<512xi32, #tpu.memory_space<vmem>>, %arg14: memref<16x512xi32, #tpu.memory_space<vmem>>, %arg15: memref<4096xi32, #tpu.memory_space<vmem>>, %arg16: memref<64x256xf32, #tpu.memory_space<vmem>>, %arg17: memref<64x256xf32, #tpu.memory_space<vmem>>, %arg18: memref<64x256xf32, #tpu.memory_space<vmem>>, %arg19: memref<64x256xf32, #tpu.memory_space<vmem>>, %arg20: memref<16x512xi32, #tpu.memory_space<vmem_shared>>, %arg21: memref<131072xi32, #tpu.memory_space<vmem_shared>>, %arg22: memref<131072xi32, #tpu.memory_space<vmem_shared>>, %arg23: memref<!tpu.dma_semaphore, #tpu.memory_space<semaphore_mem>>, %arg24: memref<!tpu.dma_semaphore, #tpu.memory_space<semaphore_mem>>, %arg25: memref<!tpu.dma_semaphore, #tpu.memory_space<semaphore_mem>>, %arg26: memref<!tpu.dma_semaphore, #tpu.memory_space<semaphore_mem>>, %arg27: memref<!tpu.dma_semaphore, #tpu.memory_space<semaphore_mem>>, %arg28: memref<!tpu.dma_semaphore, #tpu.memory_space<semaphore_mem>>, %arg29: memref<!tpu.dma_semaphore, #tpu.memory_space<semaphore_mem>>, %arg30: memref<!tpu.dma_semaphore, #tpu.memory_space<semaphore_mem>>, %arg31: memref<!tpu.dma_semaphore, #tpu.memory_space<semaphore_mem>>) attributes {dimension_semantics = [#tpu.dimension_semantics<core_parallel>, #tpu.dimension_semantics<subcore_parallel>], iteration_bounds = array<i64: 2, 16>, scalar_prefetch = 0 : i64, scratch_operands = 27 : i64, tpu.core_type = #tpu.core_type<sc_vector_subcore>, window_params = [{transform_indices = #map}, {transform_indices = #map1}, {transform_indices = #map}]} {
    %broadcast_in_dim3A = arith.constant 1 : i32
    %broadcast_in_dim3A_0 = vector.broadcast %broadcast_in_dim3A : i32 to vector<16xi32>
    %broadcast_in_dim3A_1 = arith.constant 0 : i32
    %broadcast_in_dim3A_2 = vector.broadcast %broadcast_in_dim3A_1 : i32 to vector<16xi32>
    %iota3A = tpu.iota {dimensions = array<i32: 0>} : vector<16xi32>
    %mul3A = arith.constant 8192 : i32
    %mul3A_3 = arith.muli %arg1, %mul3A : i32
    "tpu.region"() ({
      %run_scoped3A = tpu.sem_alloc : memref<!tpu.dma_semaphore, #tpu.memory_space<semaphore_mem>>
      %dma_start3A_172 = tpu.memref_slice %arg3[%mul3A_3] : memref<131072xi32, #tpu.memory_space<hbm>> -> memref<8192xi32, #tpu.memory_space<hbm>>
      %dma_start3A_173 = tpu.memref_slice %arg3[%mul3A_3] : memref<131072xi32, #tpu.memory_space<hbm>> -> memref<8192xi32, #tpu.memory_space<hbm>>
      tpu.enqueue_dma source(%dma_start3A_173 : memref<8192xi32, #tpu.memory_space<hbm>>) target(%arg5 : memref<8192xi32, #tpu.memory_space<vmem>>) target_semaphore(%run_scoped3A : memref<!tpu.dma_semaphore, #tpu.memory_space<semaphore_mem>>)
      %dma_wait3A_174 = tpu.memref_slice %arg3[%mul3A_3] : memref<131072xi32, #tpu.memory_space<hbm>> -> memref<8192xi32, #tpu.memory_space<hbm>>
      %dma_wait3A_175 = tpu.memref_slice %arg3[%mul3A_3] : memref<131072xi32, #tpu.memory_space<hbm>> -> memref<8192xi32, #tpu.memory_space<hbm>>
      tpu.wait_dma2 semaphore(%run_scoped3A : memref<!tpu.dma_semaphore, #tpu.memory_space<semaphore_mem>>) src(%dma_wait3A_175 : memref<8192xi32, #tpu.memory_space<hbm>>) dst(%arg5 : memref<8192xi32, #tpu.memory_space<vmem>>)
      tpu.yield
    }) : () -> ()
    %parallel_loop3A = arith.constant 0 : i32
    %parallel_loop3A_4 = arith.constant 32 : i32
    %parallel_loop3A_5 = arith.constant 1 : i32
    scf.for %parallel_loop3A_172 = %parallel_loop3A to %parallel_loop3A_4 step %parallel_loop3A_5  : i32 {
      %parallel_loop3A_173 = arith.constant 16 : i32
      %parallel_loop3A_174 = arith.muli %parallel_loop3A_172, %parallel_loop3A_173 : i32
      %parallel_loop3A_175 = arith.index_cast %parallel_loop3A_174 : i32 to index
      %parallel_loop3A_176 = tpu.vector_load %arg9[%parallel_loop3A_175] {strides = array<i32>} : memref<512xi32, #tpu.memory_space<vmem>>, vector<16xi32>,
      tpu.vector_store %arg9[%parallel_loop3A_175], %broadcast_in_dim3A_2 {strides = array<i32>} : memref<512xi32, #tpu.memory_space<vmem>>, vector<16xi32>,
      %parallel_loop3A_177 = arith.constant 16 : i32
      %parallel_loop3A_178 = arith.muli %parallel_loop3A_172, %parallel_loop3A_177 : i32
      %parallel_loop3A_179 = arith.index_cast %parallel_loop3A_178 : i32 to index
      %parallel_loop3A_180 = tpu.vector_load %arg10[%parallel_loop3A_179] {strides = array<i32>} : memref<512xi32, #tpu.memory_space<vmem>>, vector<16xi32>,
      tpu.vector_store %arg10[%parallel_loop3A_179], %broadcast_in_dim3A_2 {strides = array<i32>} : memref<512xi32, #tpu.memory_space<vmem>>, vector<16xi32>,
      %parallel_loop3A_181 = arith.constant 16 : i32
      %parallel_loop3A_182 = arith.muli %parallel_loop3A_172, %parallel_loop3A_181 : i32
      %parallel_loop3A_183 = arith.index_cast %parallel_loop3A_182 : i32 to index
      %parallel_loop3A_184 = tpu.vector_load %arg11[%parallel_loop3A_183] {strides = array<i32>} : memref<512xi32, #tpu.memory_space<vmem>>, vector<16xi32>,
      tpu.vector_store %arg11[%parallel_loop3A_183], %broadcast_in_dim3A_2 {strides = array<i32>} : memref<512xi32, #tpu.memory_space<vmem>>, vector<16xi32>,
      %parallel_loop3A_185 = arith.constant 16 : i32
      %parallel_loop3A_186 = arith.muli %parallel_loop3A_172, %parallel_loop3A_185 : i32
      %parallel_loop3A_187 = arith.index_cast %parallel_loop3A_186 : i32 to index
      %parallel_loop3A_188 = tpu.vector_load %arg12[%parallel_loop3A_187] {strides = array<i32>} : memref<512xi32, #tpu.memory_space<vmem>>, vector<16xi32>,
      tpu.vector_store %arg12[%parallel_loop3A_187], %broadcast_in_dim3A_2 {strides = array<i32>} : memref<512xi32, #tpu.memory_space<vmem>>, vector<16xi32>,
    } {sc.loop_unroll_factor = 1 : i64, sc.parallel_access}
    %parallel_loop3A_6 = arith.constant 0 : i32
    %parallel_loop3A_7 = arith.constant 128 : i32
    %parallel_loop3A_8 = arith.constant 1 : i32
    scf.for %parallel_loop3A_172 = %parallel_loop3A_6 to %parallel_loop3A_7 step %parallel_loop3A_8  : i32 {
      %parallel_loop3A_173 = arith.constant 16 : i32
      %parallel_loop3A_174 = arith.muli %parallel_loop3A_172, %parallel_loop3A_173 : i32
      %parallel_loop3A_175 = arith.constant 0 : i32
      %parallel_loop3A_176 = arith.addi %parallel_loop3A_175, %parallel_loop3A_174 : i32
      %parallel_loop3A_177 = arith.index_cast %parallel_loop3A_176 : i32 to index
      %parallel_loop3A_178 = tpu.vector_load %arg5[%parallel_loop3A_177] {strides = array<i32>} : memref<8192xi32, #tpu.memory_space<vmem>>, vector<16xi32>,
      %parallel_loop3A_179 = arith.constant 511 : i32
      %parallel_loop3A_180 = vector.broadcast %parallel_loop3A_179 : i32 to vector<16xi32>
      %parallel_loop3A_181 = arith.andi %parallel_loop3A_178, %parallel_loop3A_180 : vector<16xi32>
      %parallel_loop3A_182 = arith.constant true
      %parallel_loop3A_183 = vector.broadcast %parallel_loop3A_182 : i1 to vector<16xi1>
      %parallel_loop3A_184, %parallel_loop3A_185 = tpu.scan_count mask(%parallel_loop3A_183 : vector<16xi1>) value(%parallel_loop3A_181 : vector<16xi32>) : vector<16xi1>, vector<16xi32>
      %parallel_loop3A_186 = arith.constant 1 : i32
      %parallel_loop3A_187 = vector.broadcast %parallel_loop3A_186 : i32 to vector<16xi32>
      %parallel_loop3A_188 = arith.subi %parallel_loop3A_185, %parallel_loop3A_187 : vector<16xi32>
      %parallel_loop3A_189 = arith.index_cast %parallel_loop3A_176 : i32 to index
      %parallel_loop3A_190 = tpu.vector_load %arg7[%parallel_loop3A_189] {strides = array<i32>} : memref<8192xi32, #tpu.memory_space<vmem>>, vector<16xi32>,
      tpu.vector_store %arg7[%parallel_loop3A_189], %parallel_loop3A_188 {strides = array<i32>} : memref<8192xi32, #tpu.memory_space<vmem>>, vector<16xi32>,
      %parallel_loop3A_191 = arith.addi %mul3A_3, %parallel_loop3A_176 : i32
      %parallel_loop3A_192 = vector.broadcast %parallel_loop3A_191 : i32 to vector<16xi32>
      %parallel_loop3A_193 = arith.addi %parallel_loop3A_192, %iota3A : vector<16xi32>
      %parallel_loop3A_194 = arith.constant 9 : i32
      %parallel_loop3A_195 = vector.broadcast %parallel_loop3A_194 : i32 to vector<16xi32>
      %parallel_loop3A_196 = arith.shrui %parallel_loop3A_178, %parallel_loop3A_195 : vector<16xi32>
      %parallel_loop3A_197 = arith.constant 20 : i32
      %parallel_loop3A_198 = vector.broadcast %parallel_loop3A_197 : i32 to vector<16xi32>
      %parallel_loop3A_199 = arith.shli %parallel_loop3A_196, %parallel_loop3A_198 : vector<16xi32>
      %parallel_loop3A_200 = arith.ori %parallel_loop3A_199, %parallel_loop3A_193 : vector<16xi32>
      %parallel_loop3A_201 = arith.index_cast %parallel_loop3A_176 : i32 to index
      %parallel_loop3A_202 = tpu.vector_load %arg6[%parallel_loop3A_201] {strides = array<i32>} : memref<8192xi32, #tpu.memory_space<vmem>>, vector<16xi32>,
      tpu.vector_store %arg6[%parallel_loop3A_201], %parallel_loop3A_200 {strides = array<i32>} : memref<8192xi32, #tpu.memory_space<vmem>>, vector<16xi32>,
      %parallel_loop3A_203 = arith.index_cast %parallel_loop3A_176 : i32 to index
      %parallel_loop3A_204 = tpu.vector_load %arg5[%parallel_loop3A_203] {strides = array<i32>} : memref<8192xi32, #tpu.memory_space<vmem>>, vector<16xi32>,
      tpu.vector_store %arg5[%parallel_loop3A_203], %parallel_loop3A_181 {strides = array<i32>} : memref<8192xi32, #tpu.memory_space<vmem>>, vector<16xi32>,
      tpu.vector_store_idx %arg9[%parallel_loop3A_181], %broadcast_in_dim3A_0 {add = true} : memref<512xi32, #tpu.memory_space<vmem>>[vector<16xi32>], vector<16xi32>,
      %parallel_loop3A_205 = arith.constant 16 : i32
      %parallel_loop3A_206 = arith.muli %parallel_loop3A_172, %parallel_loop3A_205 : i32
      %parallel_loop3A_207 = arith.constant 2048 : i32
      %parallel_loop3A_208 = arith.addi %parallel_loop3A_207, %parallel_loop3A_206 : i32
      %parallel_loop3A_209 = arith.index_cast %parallel_loop3A_208 : i32 to index
      %parallel_loop3A_210 = tpu.vector_load %arg5[%parallel_loop3A_209] {strides = array<i32>} : memref<8192xi32, #tpu.memory_space<vmem>>, vector<16xi32>,
      %parallel_loop3A_211 = arith.constant 511 : i32
      %parallel_loop3A_212 = vector.broadcast %parallel_loop3A_211 : i32 to vector<16xi32>
      %parallel_loop3A_213 = arith.andi %parallel_loop3A_210, %parallel_loop3A_212 : vector<16xi32>
      %parallel_loop3A_214 = arith.constant true
      %parallel_loop3A_215 = vector.broadcast %parallel_loop3A_214 : i1 to vector<16xi1>
      %parallel_loop3A_216, %parallel_loop3A_217 = tpu.scan_count mask(%parallel_loop3A_215 : vector<16xi1>) value(%parallel_loop3A_213 : vector<16xi32>) : vector<16xi1>, vector<16xi32>
      %parallel_loop3A_218 = arith.constant 1 : i32
      %parallel_loop3A_219 = vector.broadcast %parallel_loop3A_218 : i32 to vector<16xi32>
      %parallel_loop3A_220 = arith.subi %parallel_loop3A_217, %parallel_loop3A_219 : vector<16xi32>
      %parallel_loop3A_221 = arith.index_cast %parallel_loop3A_208 : i32 to index
      %parallel_loop3A_222 = tpu.vector_load %arg7[%parallel_loop3A_221] {strides = array<i32>} : memref<8192xi32, #tpu.memory_space<vmem>>, vector<16xi32>,
      tpu.vector_store %arg7[%parallel_loop3A_221], %parallel_loop3A_220 {strides = array<i32>} : memref<8192xi32, #tpu.memory_space<vmem>>, vector<16xi32>,
      %parallel_loop3A_223 = arith.addi %mul3A_3, %parallel_loop3A_208 : i32
      %parallel_loop3A_224 = vector.broadcast %parallel_loop3A_223 : i32 to vector<16xi32>
      %parallel_loop3A_225 = arith.addi %parallel_loop3A_224, %iota3A : vector<16xi32>
      %parallel_loop3A_226 = arith.constant 9 : i32
      %parallel_loop3A_227 = vector.broadcast %parallel_loop3A_226 : i32 to vector<16xi32>
      %parallel_loop3A_228 = arith.shrui %parallel_loop3A_210, %parallel_loop3A_227 : vector<16xi32>
      %parallel_loop3A_229 = arith.constant 20 : i32
      %parallel_loop3A_230 = vector.broadcast %parallel_loop3A_229 : i32 to vector<16xi32>
      %parallel_loop3A_231 = arith.shli %parallel_loop3A_228, %parallel_loop3A_230 : vector<16xi32>
      %parallel_loop3A_232 = arith.ori %parallel_loop3A_231, %parallel_loop3A_225 : vector<16xi32>
      %parallel_loop3A_233 = arith.index_cast %parallel_loop3A_208 : i32 to index
      %parallel_loop3A_234 = tpu.vector_load %arg6[%parallel_loop3A_233] {strides = array<i32>} : memref<8192xi32, #tpu.memory_space<vmem>>, vector<16xi32>,
      tpu.vector_store %arg6[%parallel_loop3A_233], %parallel_loop3A_232 {strides = array<i32>} : memref<8192xi32, #tpu.memory_space<vmem>>, vector<16xi32>,
      %parallel_loop3A_235 = arith.index_cast %parallel_loop3A_208 : i32 to index
      %parallel_loop3A_236 = tpu.vector_load %arg5[%parallel_loop3A_235] {strides = array<i32>} : memref<8192xi32, #tpu.memory_space<vmem>>, vector<16xi32>,
      tpu.vector_store %arg5[%parallel_loop3A_235], %parallel_loop3A_213 {strides = array<i32>} : memref<8192xi32, #tpu.memory_space<vmem>>, vector<16xi32>,
      tpu.vector_store_idx %arg10[%parallel_loop3A_213], %broadcast_in_dim3A_0 {add = true} : memref<512xi32, #tpu.memory_space<vmem>>[vector<16xi32>], vector<16xi32>,
      %parallel_loop3A_237 = arith.constant 16 : i32
      %parallel_loop3A_238 = arith.muli %parallel_loop3A_172, %parallel_loop3A_237 : i32
      %parallel_loop3A_239 = arith.constant 4096 : i32
      %parallel_loop3A_240 = arith.addi %parallel_loop3A_239, %parallel_loop3A_238 : i32
      %parallel_loop3A_241 = arith.index_cast %parallel_loop3A_240 : i32 to index
      %parallel_loop3A_242 = tpu.vector_load %arg5[%parallel_loop3A_241] {strides = array<i32>} : memref<8192xi32, #tpu.memory_space<vmem>>, vector<16xi32>,
      %parallel_loop3A_243 = arith.constant 511 : i32
      %parallel_loop3A_244 = vector.broadcast %parallel_loop3A_243 : i32 to vector<16xi32>
      %parallel_loop3A_245 = arith.andi %parallel_loop3A_242, %parallel_loop3A_244 : vector<16xi32>
      %parallel_loop3A_246 = arith.constant true
      %parallel_loop3A_247 = vector.broadcast %parallel_loop3A_246 : i1 to vector<16xi1>
      %parallel_loop3A_248, %parallel_loop3A_249 = tpu.scan_count mask(%parallel_loop3A_247 : vector<16xi1>) value(%parallel_loop3A_245 : vector<16xi32>) : vector<16xi1>, vector<16xi32>
      %parallel_loop3A_250 = arith.constant 1 : i32
      %parallel_loop3A_251 = vector.broadcast %parallel_loop3A_250 : i32 to vector<16xi32>
      %parallel_loop3A_252 = arith.subi %parallel_loop3A_249, %parallel_loop3A_251 : vector<16xi32>
      %parallel_loop3A_253 = arith.index_cast %parallel_loop3A_240 : i32 to index
      %parallel_loop3A_254 = tpu.vector_load %arg7[%parallel_loop3A_253] {strides = array<i32>} : memref<8192xi32, #tpu.memory_space<vmem>>, vector<16xi32>,
      tpu.vector_store %arg7[%parallel_loop3A_253], %parallel_loop3A_252 {strides = array<i32>} : memref<8192xi32, #tpu.memory_space<vmem>>, vector<16xi32>,
      %parallel_loop3A_255 = arith.addi %mul3A_3, %parallel_loop3A_240 : i32
      %parallel_loop3A_256 = vector.broadcast %parallel_loop3A_255 : i32 to vector<16xi32>
      %parallel_loop3A_257 = arith.addi %parallel_loop3A_256, %iota3A : vector<16xi32>
      %parallel_loop3A_258 = arith.constant 9 : i32
      %parallel_loop3A_259 = vector.broadcast %parallel_loop3A_258 : i32 to vector<16xi32>
      %parallel_loop3A_260 = arith.shrui %parallel_loop3A_242, %parallel_loop3A_259 : vector<16xi32>
      %parallel_loop3A_261 = arith.constant 20 : i32
      %parallel_loop3A_262 = vector.broadcast %parallel_loop3A_261 : i32 to vector<16xi32>
      %parallel_loop3A_263 = arith.shli %parallel_loop3A_260, %parallel_loop3A_262 : vector<16xi32>
      %parallel_loop3A_264 = arith.ori %parallel_loop3A_263, %parallel_loop3A_257 : vector<16xi32>
      %parallel_loop3A_265 = arith.index_cast %parallel_loop3A_240 : i32 to index
      %parallel_loop3A_266 = tpu.vector_load %arg6[%parallel_loop3A_265] {strides = array<i32>} : memref<8192xi32, #tpu.memory_space<vmem>>, vector<16xi32>,
      tpu.vector_store %arg6[%parallel_loop3A_265], %parallel_loop3A_264 {strides = array<i32>} : memref<8192xi32, #tpu.memory_space<vmem>>, vector<16xi32>,
      %parallel_loop3A_267 = arith.index_cast %parallel_loop3A_240 : i32 to index
      %parallel_loop3A_268 = tpu.vector_load %arg5[%parallel_loop3A_267] {strides = array<i32>} : memref<8192xi32, #tpu.memory_space<vmem>>, vector<16xi32>,
      tpu.vector_store %arg5[%parallel_loop3A_267], %parallel_loop3A_245 {strides = array<i32>} : memref<8192xi32, #tpu.memory_space<vmem>>, vector<16xi32>,
      tpu.vector_store_idx %arg11[%parallel_loop3A_245], %broadcast_in_dim3A_0 {add = true} : memref<512xi32, #tpu.memory_space<vmem>>[vector<16xi32>], vector<16xi32>,
      %parallel_loop3A_269 = arith.constant 16 : i32
      %parallel_loop3A_270 = arith.muli %parallel_loop3A_172, %parallel_loop3A_269 : i32
      %parallel_loop3A_271 = arith.constant 6144 : i32
      %parallel_loop3A_272 = arith.addi %parallel_loop3A_271, %parallel_loop3A_270 : i32
      %parallel_loop3A_273 = arith.index_cast %parallel_loop3A_272 : i32 to index
      %parallel_loop3A_274 = tpu.vector_load %arg5[%parallel_loop3A_273] {strides = array<i32>} : memref<8192xi32, #tpu.memory_space<vmem>>, vector<16xi32>,
      %parallel_loop3A_275 = arith.constant 511 : i32
      %parallel_loop3A_276 = vector.broadcast %parallel_loop3A_275 : i32 to vector<16xi32>
      %parallel_loop3A_277 = arith.andi %parallel_loop3A_274, %parallel_loop3A_276 : vector<16xi32>
      %parallel_loop3A_278 = arith.constant true
      %parallel_loop3A_279 = vector.broadcast %parallel_loop3A_278 : i1 to vector<16xi1>
      %parallel_loop3A_280, %parallel_loop3A_281 = tpu.scan_count mask(%parallel_loop3A_279 : vector<16xi1>) value(%parallel_loop3A_277 : vector<16xi32>) : vector<16xi1>, vector<16xi32>
      %parallel_loop3A_282 = arith.constant 1 : i32
      %parallel_loop3A_283 = vector.broadcast %parallel_loop3A_282 : i32 to vector<16xi32>
      %parallel_loop3A_284 = arith.subi %parallel_loop3A_281, %parallel_loop3A_283 : vector<16xi32>
      %parallel_loop3A_285 = arith.index_cast %parallel_loop3A_272 : i32 to index
      %parallel_loop3A_286 = tpu.vector_load %arg7[%parallel_loop3A_285] {strides = array<i32>} : memref<8192xi32, #tpu.memory_space<vmem>>, vector<16xi32>,
      tpu.vector_store %arg7[%parallel_loop3A_285], %parallel_loop3A_284 {strides = array<i32>} : memref<8192xi32, #tpu.memory_space<vmem>>, vector<16xi32>,
      %parallel_loop3A_287 = arith.addi %mul3A_3, %parallel_loop3A_272 : i32
      %parallel_loop3A_288 = vector.broadcast %parallel_loop3A_287 : i32 to vector<16xi32>
      %parallel_loop3A_289 = arith.addi %parallel_loop3A_288, %iota3A : vector<16xi32>
      %parallel_loop3A_290 = arith.constant 9 : i32
      %parallel_loop3A_291 = vector.broadcast %parallel_loop3A_290 : i32 to vector<16xi32>
      %parallel_loop3A_292 = arith.shrui %parallel_loop3A_274, %parallel_loop3A_291 : vector<16xi32>
      %parallel_loop3A_293 = arith.constant 20 : i32
      %parallel_loop3A_294 = vector.broadcast %parallel_loop3A_293 : i32 to vector<16xi32>
      %parallel_loop3A_295 = arith.shli %parallel_loop3A_292, %parallel_loop3A_294 : vector<16xi32>
      %parallel_loop3A_296 = arith.ori %parallel_loop3A_295, %parallel_loop3A_289 : vector<16xi32>
      %parallel_loop3A_297 = arith.index_cast %parallel_loop3A_272 : i32 to index
      %parallel_loop3A_298 = tpu.vector_load %arg6[%parallel_loop3A_297] {strides = array<i32>} : memref<8192xi32, #tpu.memory_space<vmem>>, vector<16xi32>,
      tpu.vector_store %arg6[%parallel_loop3A_297], %parallel_loop3A_296 {strides = array<i32>} : memref<8192xi32, #tpu.memory_space<vmem>>, vector<16xi32>,
      %parallel_loop3A_299 = arith.index_cast %parallel_loop3A_272 : i32 to index
      %parallel_loop3A_300 = tpu.vector_load %arg5[%parallel_loop3A_299] {strides = array<i32>} : memref<8192xi32, #tpu.memory_space<vmem>>, vector<16xi32>,
      tpu.vector_store %arg5[%parallel_loop3A_299], %parallel_loop3A_277 {strides = array<i32>} : memref<8192xi32, #tpu.memory_space<vmem>>, vector<16xi32>,
      tpu.vector_store_idx %arg12[%parallel_loop3A_277], %broadcast_in_dim3A_0 {add = true} : memref<512xi32, #tpu.memory_space<vmem>>[vector<16xi32>], vector<16xi32>,
    } {sc.loop_unroll_factor = 2 : i64, sc.parallel_access}
    %parallel_loop3A_9 = arith.constant 0 : i32
    %parallel_loop3A_10 = arith.constant 32 : i32
    %parallel_loop3A_11 = arith.constant 1 : i32
    scf.for %parallel_loop3A_172 = %parallel_loop3A_9 to %parallel_loop3A_10 step %parallel_loop3A_11  : i32 {
      %parallel_loop3A_173 = arith.constant 16 : i32
      %parallel_loop3A_174 = arith.muli %parallel_loop3A_172, %parallel_loop3A_173 : i32
      %parallel_loop3A_175 = arith.constant 16 : i32
      %parallel_loop3A_176 = arith.muli %parallel_loop3A_172, %parallel_loop3A_175 : i32
      %parallel_loop3A_177 = arith.index_cast %parallel_loop3A_176 : i32 to index
      %parallel_loop3A_178 = tpu.vector_load %arg9[%parallel_loop3A_177] {strides = array<i32>} : memref<512xi32, #tpu.memory_space<vmem>>, vector<16xi32>,
      %parallel_loop3A_179 = arith.addi %broadcast_in_dim3A_2, %parallel_loop3A_178 : vector<16xi32>
      %parallel_loop3A_180 = arith.constant 16 : i32
      %parallel_loop3A_181 = arith.muli %parallel_loop3A_172, %parallel_loop3A_180 : i32
      %parallel_loop3A_182 = arith.index_cast %parallel_loop3A_181 : i32 to index
      %parallel_loop3A_183 = tpu.vector_load %arg10[%parallel_loop3A_182] {strides = array<i32>} : memref<512xi32, #tpu.memory_space<vmem>>, vector<16xi32>,
      %parallel_loop3A_184 = arith.addi %parallel_loop3A_179, %parallel_loop3A_183 : vector<16xi32>
      %parallel_loop3A_185 = arith.constant 16 : i32
      %parallel_loop3A_186 = arith.muli %parallel_loop3A_172, %parallel_loop3A_185 : i32
      %parallel_loop3A_187 = arith.index_cast %parallel_loop3A_186 : i32 to index
      %parallel_loop3A_188 = tpu.vector_load %arg11[%parallel_loop3A_187] {strides = array<i32>} : memref<512xi32, #tpu.memory_space<vmem>>, vector<16xi32>,
      %parallel_loop3A_189 = arith.addi %parallel_loop3A_184, %parallel_loop3A_188 : vector<16xi32>
      %parallel_loop3A_190 = arith.constant 16 : i32
      %parallel_loop3A_191 = arith.muli %parallel_loop3A_172, %parallel_loop3A_190 : i32
      %parallel_loop3A_192 = arith.index_cast %parallel_loop3A_191 : i32 to index
      %parallel_loop3A_193 = tpu.vector_load %arg12[%parallel_loop3A_192] {strides = array<i32>} : memref<512xi32, #tpu.memory_space<vmem>>, vector<16xi32>,
      %parallel_loop3A_194 = arith.addi %parallel_loop3A_189, %parallel_loop3A_193 : vector<16xi32>
      %parallel_loop3A_195 = arith.index_cast %parallel_loop3A_174 : i32 to index
      %parallel_loop3A_196 = tpu.vector_load %arg13[%parallel_loop3A_195] {strides = array<i32>} : memref<512xi32, #tpu.memory_space<vmem>>, vector<16xi32>,
      tpu.vector_store %arg13[%parallel_loop3A_195], %parallel_loop3A_194 {strides = array<i32>} : memref<512xi32, #tpu.memory_space<vmem>>, vector<16xi32>,
    } {sc.loop_unroll_factor = 2 : i64, sc.parallel_access}
    "tpu.region"() ({
      %run_scoped3A = tpu.sem_alloc : memref<!tpu.dma_semaphore, #tpu.memory_space<semaphore_mem>>
      %dma_start3A_172 = arith.constant 0 : i32
      %dma_start3A_173 = tpu.memref_slice %arg20[%arg1, %dma_start3A_172] : memref<16x512xi32, #tpu.memory_space<vmem_shared>> -> memref<1x512xi32, #tpu.memory_space<vmem_shared>>
      %dma_start3A_174 = tpu.memref_squeeze %dma_start3A_173 : memref<1x512xi32, #tpu.memory_space<vmem_shared>> -> memref<512xi32, #tpu.memory_space<vmem_shared>>
      %dma_start3A_175 = arith.constant 0 : i32
      %dma_start3A_176 = tpu.memref_slice %arg20[%arg1, %dma_start3A_175] : memref<16x512xi32, #tpu.memory_space<vmem_shared>> -> memref<1x512xi32, #tpu.memory_space<vmem_shared>>
      %dma_start3A_177 = tpu.memref_squeeze %dma_start3A_176 : memref<1x512xi32, #tpu.memory_space<vmem_shared>> -> memref<512xi32, #tpu.memory_space<vmem_shared>>
      tpu.enqueue_dma source(%arg13 : memref<512xi32, #tpu.memory_space<vmem>>) target(%dma_start3A_177 : memref<512xi32, #tpu.memory_space<vmem_shared>>) target_semaphore(%run_scoped3A : memref<!tpu.dma_semaphore, #tpu.memory_space<semaphore_mem>>)
      %dma_wait3A_178 = arith.constant 0 : i32
      %dma_wait3A_179 = tpu.memref_slice %arg20[%arg1, %dma_wait3A_178] : memref<16x512xi32, #tpu.memory_space<vmem_shared>> -> memref<1x512xi32, #tpu.memory_space<vmem_shared>>
      %dma_wait3A_180 = tpu.memref_squeeze %dma_wait3A_179 : memref<1x512xi32, #tpu.memory_space<vmem_shared>> -> memref<512xi32, #tpu.memory_space<vmem_shared>>
      %dma_wait3A_181 = arith.constant 0 : i32
      %dma_wait3A_182 = tpu.memref_slice %arg20[%arg1, %dma_wait3A_181] : memref<16x512xi32, #tpu.memory_space<vmem_shared>> -> memref<1x512xi32, #tpu.memory_space<vmem_shared>>
      %dma_wait3A_183 = tpu.memref_squeeze %dma_wait3A_182 : memref<1x512xi32, #tpu.memory_space<vmem_shared>> -> memref<512xi32, #tpu.memory_space<vmem_shared>>
      tpu.wait_dma2 semaphore(%run_scoped3A : memref<!tpu.dma_semaphore, #tpu.memory_space<semaphore_mem>>) src(%arg13 : memref<512xi32, #tpu.memory_space<vmem>>) dst(%dma_wait3A_183 : memref<512xi32, #tpu.memory_space<vmem_shared>>)
      tpu.yield
    }) : () -> ()
    %barrier3A = arith.constant 0 : index
    tpu.barrier barrier_id(%barrier3A)
    "tpu.region"() ({
      %run_scoped3A = tpu.sem_alloc : memref<!tpu.dma_semaphore, #tpu.memory_space<semaphore_mem>>
      tpu.enqueue_dma source(%arg20 : memref<16x512xi32, #tpu.memory_space<vmem_shared>>) target(%arg14 : memref<16x512xi32, #tpu.memory_space<vmem>>) target_semaphore(%run_scoped3A : memref<!tpu.dma_semaphore, #tpu.memory_space<semaphore_mem>>)
      tpu.wait_dma2 semaphore(%run_scoped3A : memref<!tpu.dma_semaphore, #tpu.memory_space<semaphore_mem>>) src(%arg20 : memref<16x512xi32, #tpu.memory_space<vmem_shared>>) dst(%arg14 : memref<16x512xi32, #tpu.memory_space<vmem>>)
      tpu.yield
    }) : () -> ()
    %parallel_loop3A_12 = arith.constant 0 : i32
    %parallel_loop3A_13 = arith.constant 32 : i32
    %parallel_loop3A_14 = arith.constant 1 : i32
    %parallel_loop3A_15 = arith.constant 0 : i32
    %parallel_loop3A_16 = scf.for %parallel_loop3A_172 = %parallel_loop3A_12 to %parallel_loop3A_13 step %parallel_loop3A_14 iter_args(%parallel_loop3A_173 = %parallel_loop3A_15) -> (i32)  : i32 {
      %parallel_loop3A_174 = arith.constant 16 : i32
      %parallel_loop3A_175 = arith.muli %parallel_loop3A_172, %parallel_loop3A_174 : i32
      %parallel_loop3A_176 = arith.constant 0 : i32
      %parallel_loop3A_177 = arith.index_cast %parallel_loop3A_176 : i32 to index
      %parallel_loop3A_178 = arith.index_cast %parallel_loop3A_175 : i32 to index
      %parallel_loop3A_179 = tpu.vector_load %arg14[%parallel_loop3A_177, %parallel_loop3A_178] {strides = array<i32>} : memref<16x512xi32, #tpu.memory_space<vmem>>, vector<16xi32>,
      %parallel_loop3A_180 = arith.addi %broadcast_in_dim3A_2, %parallel_loop3A_179 : vector<16xi32>
      %parallel_loop3A_181 = arith.constant 0 : i32
      %parallel_loop3A_182 = arith.cmpi sgt, %arg1, %parallel_loop3A_181 : i32
      %parallel_loop3A_183 = arith.extui %parallel_loop3A_182 : i1 to i32
      %parallel_loop3A_184 = vector.broadcast %parallel_loop3A_183 : i32 to vector<16xi32>
      %parallel_loop3A_185 = arith.muli %parallel_loop3A_179, %parallel_loop3A_184 : vector<16xi32>
      %parallel_loop3A_186 = arith.addi %broadcast_in_dim3A_2, %parallel_loop3A_185 : vector<16xi32>
      %parallel_loop3A_187 = arith.constant 1 : i32
      %parallel_loop3A_188 = arith.index_cast %parallel_loop3A_187 : i32 to index
      %parallel_loop3A_189 = arith.index_cast %parallel_loop3A_175 : i32 to index
      %parallel_loop3A_190 = tpu.vector_load %arg14[%parallel_loop3A_188, %parallel_loop3A_189] {strides = array<i32>} : memref<16x512xi32, #tpu.memory_space<vmem>>, vector<16xi32>,
      %parallel_loop3A_191 = arith.addi %parallel_loop3A_180, %parallel_loop3A_190 : vector<16xi32>
      %parallel_loop3A_192 = arith.constant 1 : i32
      %parallel_loop3A_193 = arith.cmpi sgt, %arg1, %parallel_loop3A_192 : i32
      %parallel_loop3A_194 = arith.extui %parallel_loop3A_193 : i1 to i32
      %parallel_loop3A_195 = vector.broadcast %parallel_loop3A_194 : i32 to vector<16xi32>
      %parallel_loop3A_196 = arith.muli %parallel_loop3A_190, %parallel_loop3A_195 : vector<16xi32>
      %parallel_loop3A_197 = arith.addi %parallel_loop3A_186, %parallel_loop3A_196 : vector<16xi32>
      %parallel_loop3A_198 = arith.constant 2 : i32
      %parallel_loop3A_199 = arith.index_cast %parallel_loop3A_198 : i32 to index
      %parallel_loop3A_200 = arith.index_cast %parallel_loop3A_175 : i32 to index
      %parallel_loop3A_201 = tpu.vector_load %arg14[%parallel_loop3A_199, %parallel_loop3A_200] {strides = array<i32>} : memref<16x512xi32, #tpu.memory_space<vmem>>, vector<16xi32>,
      %parallel_loop3A_202 = arith.addi %parallel_loop3A_191, %parallel_loop3A_201 : vector<16xi32>
      %parallel_loop3A_203 = arith.constant 2 : i32
      %parallel_loop3A_204 = arith.cmpi sgt, %arg1, %parallel_loop3A_203 : i32
      %parallel_loop3A_205 = arith.extui %parallel_loop3A_204 : i1 to i32
      %parallel_loop3A_206 = vector.broadcast %parallel_loop3A_205 : i32 to vector<16xi32>
      %parallel_loop3A_207 = arith.muli %parallel_loop3A_201, %parallel_loop3A_206 : vector<16xi32>
      %parallel_loop3A_208 = arith.addi %parallel_loop3A_197, %parallel_loop3A_207 : vector<16xi32>
      %parallel_loop3A_209 = arith.constant 3 : i32
      %parallel_loop3A_210 = arith.index_cast %parallel_loop3A_209 : i32 to index
      %parallel_loop3A_211 = arith.index_cast %parallel_loop3A_175 : i32 to index
      %parallel_loop3A_212 = tpu.vector_load %arg14[%parallel_loop3A_210, %parallel_loop3A_211] {strides = array<i32>} : memref<16x512xi32, #tpu.memory_space<vmem>>, vector<16xi32>,
      %parallel_loop3A_213 = arith.addi %parallel_loop3A_202, %parallel_loop3A_212 : vector<16xi32>
      %parallel_loop3A_214 = arith.constant 3 : i32
      %parallel_loop3A_215 = arith.cmpi sgt, %arg1, %parallel_loop3A_214 : i32
      %parallel_loop3A_216 = arith.extui %parallel_loop3A_215 : i1 to i32
      %parallel_loop3A_217 = vector.broadcast %parallel_loop3A_216 : i32 to vector<16xi32>
      %parallel_loop3A_218 = arith.muli %parallel_loop3A_212, %parallel_loop3A_217 : vector<16xi32>
      %parallel_loop3A_219 = arith.addi %parallel_loop3A_208, %parallel_loop3A_218 : vector<16xi32>
      %parallel_loop3A_220 = arith.constant 4 : i32
      %parallel_loop3A_221 = arith.index_cast %parallel_loop3A_220 : i32 to index
      %parallel_loop3A_222 = arith.index_cast %parallel_loop3A_175 : i32 to index
      %parallel_loop3A_223 = tpu.vector_load %arg14[%parallel_loop3A_221, %parallel_loop3A_222] {strides = array<i32>} : memref<16x512xi32, #tpu.memory_space<vmem>>, vector<16xi32>,
      %parallel_loop3A_224 = arith.addi %parallel_loop3A_213, %parallel_loop3A_223 : vector<16xi32>
      %parallel_loop3A_225 = arith.constant 4 : i32
      %parallel_loop3A_226 = arith.cmpi sgt, %arg1, %parallel_loop3A_225 : i32
      %parallel_loop3A_227 = arith.extui %parallel_loop3A_226 : i1 to i32
      %parallel_loop3A_228 = vector.broadcast %parallel_loop3A_227 : i32 to vector<16xi32>
      %parallel_loop3A_229 = arith.muli %parallel_loop3A_223, %parallel_loop3A_228 : vector<16xi32>
      %parallel_loop3A_230 = arith.addi %parallel_loop3A_219, %parallel_loop3A_229 : vector<16xi32>
      %parallel_loop3A_231 = arith.constant 5 : i32
      %parallel_loop3A_232 = arith.index_cast %parallel_loop3A_231 : i32 to index
      %parallel_loop3A_233 = arith.index_cast %parallel_loop3A_175 : i32 to index
      %parallel_loop3A_234 = tpu.vector_load %arg14[%parallel_loop3A_232, %parallel_loop3A_233] {strides = array<i32>} : memref<16x512xi32, #tpu.memory_space<vmem>>, vector<16xi32>,
      %parallel_loop3A_235 = arith.addi %parallel_loop3A_224, %parallel_loop3A_234 : vector<16xi32>
      %parallel_loop3A_236 = arith.constant 5 : i32
      %parallel_loop3A_237 = arith.cmpi sgt, %arg1, %parallel_loop3A_236 : i32
      %parallel_loop3A_238 = arith.extui %parallel_loop3A_237 : i1 to i32
      %parallel_loop3A_239 = vector.broadcast %parallel_loop3A_238 : i32 to vector<16xi32>
      %parallel_loop3A_240 = arith.muli %parallel_loop3A_234, %parallel_loop3A_239 : vector<16xi32>
      %parallel_loop3A_241 = arith.addi %parallel_loop3A_230, %parallel_loop3A_240 : vector<16xi32>
      %parallel_loop3A_242 = arith.constant 6 : i32
      %parallel_loop3A_243 = arith.index_cast %parallel_loop3A_242 : i32 to index
      %parallel_loop3A_244 = arith.index_cast %parallel_loop3A_175 : i32 to index
      %parallel_loop3A_245 = tpu.vector_load %arg14[%parallel_loop3A_243, %parallel_loop3A_244] {strides = array<i32>} : memref<16x512xi32, #tpu.memory_space<vmem>>, vector<16xi32>,
      %parallel_loop3A_246 = arith.addi %parallel_loop3A_235, %parallel_loop3A_245 : vector<16xi32>
      %parallel_loop3A_247 = arith.constant 6 : i32
      %parallel_loop3A_248 = arith.cmpi sgt, %arg1, %parallel_loop3A_247 : i32
      %parallel_loop3A_249 = arith.extui %parallel_loop3A_248 : i1 to i32
      %parallel_loop3A_250 = vector.broadcast %parallel_loop3A_249 : i32 to vector<16xi32>
      %parallel_loop3A_251 = arith.muli %parallel_loop3A_245, %parallel_loop3A_250 : vector<16xi32>
      %parallel_loop3A_252 = arith.addi %parallel_loop3A_241, %parallel_loop3A_251 : vector<16xi32>
      %parallel_loop3A_253 = arith.constant 7 : i32
      %parallel_loop3A_254 = arith.index_cast %parallel_loop3A_253 : i32 to index
      %parallel_loop3A_255 = arith.index_cast %parallel_loop3A_175 : i32 to index
      %parallel_loop3A_256 = tpu.vector_load %arg14[%parallel_loop3A_254, %parallel_loop3A_255] {strides = array<i32>} : memref<16x512xi32, #tpu.memory_space<vmem>>, vector<16xi32>,
      %parallel_loop3A_257 = arith.addi %parallel_loop3A_246, %parallel_loop3A_256 : vector<16xi32>
      %parallel_loop3A_258 = arith.constant 7 : i32
      %parallel_loop3A_259 = arith.cmpi sgt, %arg1, %parallel_loop3A_258 : i32
      %parallel_loop3A_260 = arith.extui %parallel_loop3A_259 : i1 to i32
      %parallel_loop3A_261 = vector.broadcast %parallel_loop3A_260 : i32 to vector<16xi32>
      %parallel_loop3A_262 = arith.muli %parallel_loop3A_256, %parallel_loop3A_261 : vector<16xi32>
      %parallel_loop3A_263 = arith.addi %parallel_loop3A_252, %parallel_loop3A_262 : vector<16xi32>
      %parallel_loop3A_264 = arith.constant 8 : i32
      %parallel_loop3A_265 = arith.index_cast %parallel_loop3A_264 : i32 to index
      %parallel_loop3A_266 = arith.index_cast %parallel_loop3A_175 : i32 to index
      %parallel_loop3A_267 = tpu.vector_load %arg14[%parallel_loop3A_265, %parallel_loop3A_266] {strides = array<i32>} : memref<16x512xi32, #tpu.memory_space<vmem>>, vector<16xi32>,
      %parallel_loop3A_268 = arith.addi %parallel_loop3A_257, %parallel_loop3A_267 : vector<16xi32>
      %parallel_loop3A_269 = arith.constant 8 : i32
      %parallel_loop3A_270 = arith.cmpi sgt, %arg1, %parallel_loop3A_269 : i32
      %parallel_loop3A_271 = arith.extui %parallel_loop3A_270 : i1 to i32
      %parallel_loop3A_272 = vector.broadcast %parallel_loop3A_271 : i32 to vector<16xi32>
      %parallel_loop3A_273 = arith.muli %parallel_loop3A_267, %parallel_loop3A_272 : vector<16xi32>
      %parallel_loop3A_274 = arith.addi %parallel_loop3A_263, %parallel_loop3A_273 : vector<16xi32>
      %parallel_loop3A_275 = arith.constant 9 : i32
      %parallel_loop3A_276 = arith.index_cast %parallel_loop3A_275 : i32 to index
      %parallel_loop3A_277 = arith.index_cast %parallel_loop3A_175 : i32 to index
      %parallel_loop3A_278 = tpu.vector_load %arg14[%parallel_loop3A_276, %parallel_loop3A_277] {strides = array<i32>} : memref<16x512xi32, #tpu.memory_space<vmem>>, vector<16xi32>,
      %parallel_loop3A_279 = arith.addi %parallel_loop3A_268, %parallel_loop3A_278 : vector<16xi32>
      %parallel_loop3A_280 = arith.constant 9 : i32
      %parallel_loop3A_281 = arith.cmpi sgt, %arg1, %parallel_loop3A_280 : i32
      %parallel_loop3A_282 = arith.extui %parallel_loop3A_281 : i1 to i32
      %parallel_loop3A_283 = vector.broadcast %parallel_loop3A_282 : i32 to vector<16xi32>
      %parallel_loop3A_284 = arith.muli %parallel_loop3A_278, %parallel_loop3A_283 : vector<16xi32>
      %parallel_loop3A_285 = arith.addi %parallel_loop3A_274, %parallel_loop3A_284 : vector<16xi32>
      %parallel_loop3A_286 = arith.constant 10 : i32
      %parallel_loop3A_287 = arith.index_cast %parallel_loop3A_286 : i32 to index
      %parallel_loop3A_288 = arith.index_cast %parallel_loop3A_175 : i32 to index
      %parallel_loop3A_289 = tpu.vector_load %arg14[%parallel_loop3A_287, %parallel_loop3A_288] {strides = array<i32>} : memref<16x512xi32, #tpu.memory_space<vmem>>, vector<16xi32>,
      %parallel_loop3A_290 = arith.addi %parallel_loop3A_279, %parallel_loop3A_289 : vector<16xi32>
      %parallel_loop3A_291 = arith.constant 10 : i32
      %parallel_loop3A_292 = arith.cmpi sgt, %arg1, %parallel_loop3A_291 : i32
      %parallel_loop3A_293 = arith.extui %parallel_loop3A_292 : i1 to i32
      %parallel_loop3A_294 = vector.broadcast %parallel_loop3A_293 : i32 to vector<16xi32>
      %parallel_loop3A_295 = arith.muli %parallel_loop3A_289, %parallel_loop3A_294 : vector<16xi32>
      %parallel_loop3A_296 = arith.addi %parallel_loop3A_285, %parallel_loop3A_295 : vector<16xi32>
      %parallel_loop3A_297 = arith.constant 11 : i32
      %parallel_loop3A_298 = arith.index_cast %parallel_loop3A_297 : i32 to index
      %parallel_loop3A_299 = arith.index_cast %parallel_loop3A_175 : i32 to index
      %parallel_loop3A_300 = tpu.vector_load %arg14[%parallel_loop3A_298, %parallel_loop3A_299] {strides = array<i32>} : memref<16x512xi32, #tpu.memory_space<vmem>>, vector<16xi32>,
      %parallel_loop3A_301 = arith.addi %parallel_loop3A_290, %parallel_loop3A_300 : vector<16xi32>
      %parallel_loop3A_302 = arith.constant 11 : i32
      %parallel_loop3A_303 = arith.cmpi sgt, %arg1, %parallel_loop3A_302 : i32
      %parallel_loop3A_304 = arith.extui %parallel_loop3A_303 : i1 to i32
      %parallel_loop3A_305 = vector.broadcast %parallel_loop3A_304 : i32 to vector<16xi32>
      %parallel_loop3A_306 = arith.muli %parallel_loop3A_300, %parallel_loop3A_305 : vector<16xi32>
      %parallel_loop3A_307 = arith.addi %parallel_loop3A_296, %parallel_loop3A_306 : vector<16xi32>
      %parallel_loop3A_308 = arith.constant 12 : i32
      %parallel_loop3A_309 = arith.index_cast %parallel_loop3A_308 : i32 to index
      %parallel_loop3A_310 = arith.index_cast %parallel_loop3A_175 : i32 to index
      %parallel_loop3A_311 = tpu.vector_load %arg14[%parallel_loop3A_309, %parallel_loop3A_310] {strides = array<i32>} : memref<16x512xi32, #tpu.memory_space<vmem>>, vector<16xi32>,
      %parallel_loop3A_312 = arith.addi %parallel_loop3A_301, %parallel_loop3A_311 : vector<16xi32>
      %parallel_loop3A_313 = arith.constant 12 : i32
      %parallel_loop3A_314 = arith.cmpi sgt, %arg1, %parallel_loop3A_313 : i32
      %parallel_loop3A_315 = arith.extui %parallel_loop3A_314 : i1 to i32
      %parallel_loop3A_316 = vector.broadcast %parallel_loop3A_315 : i32 to vector<16xi32>
      %parallel_loop3A_317 = arith.muli %parallel_loop3A_311, %parallel_loop3A_316 : vector<16xi32>
      %parallel_loop3A_318 = arith.addi %parallel_loop3A_307, %parallel_loop3A_317 : vector<16xi32>
      %parallel_loop3A_319 = arith.constant 13 : i32
      %parallel_loop3A_320 = arith.index_cast %parallel_loop3A_319 : i32 to index
      %parallel_loop3A_321 = arith.index_cast %parallel_loop3A_175 : i32 to index
      %parallel_loop3A_322 = tpu.vector_load %arg14[%parallel_loop3A_320, %parallel_loop3A_321] {strides = array<i32>} : memref<16x512xi32, #tpu.memory_space<vmem>>, vector<16xi32>,
      %parallel_loop3A_323 = arith.addi %parallel_loop3A_312, %parallel_loop3A_322 : vector<16xi32>
      %parallel_loop3A_324 = arith.constant 13 : i32
      %parallel_loop3A_325 = arith.cmpi sgt, %arg1, %parallel_loop3A_324 : i32
      %parallel_loop3A_326 = arith.extui %parallel_loop3A_325 : i1 to i32
      %parallel_loop3A_327 = vector.broadcast %parallel_loop3A_326 : i32 to vector<16xi32>
      %parallel_loop3A_328 = arith.muli %parallel_loop3A_322, %parallel_loop3A_327 : vector<16xi32>
      %parallel_loop3A_329 = arith.addi %parallel_loop3A_318, %parallel_loop3A_328 : vector<16xi32>
      %parallel_loop3A_330 = arith.constant 14 : i32
      %parallel_loop3A_331 = arith.index_cast %parallel_loop3A_330 : i32 to index
      %parallel_loop3A_332 = arith.index_cast %parallel_loop3A_175 : i32 to index
      %parallel_loop3A_333 = tpu.vector_load %arg14[%parallel_loop3A_331, %parallel_loop3A_332] {strides = array<i32>} : memref<16x512xi32, #tpu.memory_space<vmem>>, vector<16xi32>,
      %parallel_loop3A_334 = arith.addi %parallel_loop3A_323, %parallel_loop3A_333 : vector<16xi32>
      %parallel_loop3A_335 = arith.constant 14 : i32
      %parallel_loop3A_336 = arith.cmpi sgt, %arg1, %parallel_loop3A_335 : i32
      %parallel_loop3A_337 = arith.extui %parallel_loop3A_336 : i1 to i32
      %parallel_loop3A_338 = vector.broadcast %parallel_loop3A_337 : i32 to vector<16xi32>
      %parallel_loop3A_339 = arith.muli %parallel_loop3A_333, %parallel_loop3A_338 : vector<16xi32>
      %parallel_loop3A_340 = arith.addi %parallel_loop3A_329, %parallel_loop3A_339 : vector<16xi32>
      %parallel_loop3A_341 = arith.constant 15 : i32
      %parallel_loop3A_342 = arith.index_cast %parallel_loop3A_341 : i32 to index
      %parallel_loop3A_343 = arith.index_cast %parallel_loop3A_175 : i32 to index
      %parallel_loop3A_344 = tpu.vector_load %arg14[%parallel_loop3A_342, %parallel_loop3A_343] {strides = array<i32>} : memref<16x512xi32, #tpu.memory_space<vmem>>, vector<16xi32>,
      %parallel_loop3A_345 = arith.addi %parallel_loop3A_334, %parallel_loop3A_344 : vector<16xi32>
      %parallel_loop3A_346 = arith.constant 15 : i32
      %parallel_loop3A_347 = arith.cmpi sgt, %arg1, %parallel_loop3A_346 : i32
      %parallel_loop3A_348 = arith.extui %parallel_loop3A_347 : i1 to i32
      %parallel_loop3A_349 = vector.broadcast %parallel_loop3A_348 : i32 to vector<16xi32>
      %parallel_loop3A_350 = arith.muli %parallel_loop3A_344, %parallel_loop3A_349 : vector<16xi32>
      %parallel_loop3A_351 = arith.addi %parallel_loop3A_340, %parallel_loop3A_350 : vector<16xi32>
      %parallel_loop3A_352 = arith.constant true
      %parallel_loop3A_353 = vector.broadcast %parallel_loop3A_352 : i1 to vector<16xi1>
      %parallel_loop3A_354 = tpu.scan <sum>, %parallel_loop3A_345 masked %parallel_loop3A_353 : vector<16xi32>, vector<16xi1> -> vector<16xi32>
      %parallel_loop3A_355 = arith.subi %parallel_loop3A_354, %parallel_loop3A_345 : vector<16xi32>
      %parallel_loop3A_356 = vector.broadcast %parallel_loop3A_173 : i32 to vector<16xi32>
      %parallel_loop3A_357 = arith.addi %parallel_loop3A_355, %parallel_loop3A_356 : vector<16xi32>
      %parallel_loop3A_358 = arith.addi %parallel_loop3A_357, %parallel_loop3A_351 : vector<16xi32>
      %parallel_loop3A_359 = arith.constant 16 : i32
      %parallel_loop3A_360 = arith.muli %parallel_loop3A_172, %parallel_loop3A_359 : i32
      %parallel_loop3A_361 = arith.index_cast %parallel_loop3A_360 : i32 to index
      %parallel_loop3A_362 = tpu.vector_load %arg9[%parallel_loop3A_361] {strides = array<i32>} : memref<512xi32, #tpu.memory_space<vmem>>, vector<16xi32>,
      %parallel_loop3A_363 = arith.constant 16 : i32
      %parallel_loop3A_364 = arith.muli %parallel_loop3A_172, %parallel_loop3A_363 : i32
      %parallel_loop3A_365 = arith.index_cast %parallel_loop3A_364 : i32 to index
      %parallel_loop3A_366 = tpu.vector_load %arg9[%parallel_loop3A_365] {strides = array<i32>} : memref<512xi32, #tpu.memory_space<vmem>>, vector<16xi32>,
      tpu.vector_store %arg9[%parallel_loop3A_365], %parallel_loop3A_358 {strides = array<i32>} : memref<512xi32, #tpu.memory_space<vmem>>, vector<16xi32>,
      %parallel_loop3A_367 = arith.addi %parallel_loop3A_358, %parallel_loop3A_362 : vector<16xi32>
      %parallel_loop3A_368 = arith.constant 16 : i32
      %parallel_loop3A_369 = arith.muli %parallel_loop3A_172, %parallel_loop3A_368 : i32
      %parallel_loop3A_370 = arith.index_cast %parallel_loop3A_369 : i32 to index
      %parallel_loop3A_371 = tpu.vector_load %arg10[%parallel_loop3A_370] {strides = array<i32>} : memref<512xi32, #tpu.memory_space<vmem>>, vector<16xi32>,
      %parallel_loop3A_372 = arith.constant 16 : i32
      %parallel_loop3A_373 = arith.muli %parallel_loop3A_172, %parallel_loop3A_372 : i32
      %parallel_loop3A_374 = arith.index_cast %parallel_loop3A_373 : i32 to index
      %parallel_loop3A_375 = tpu.vector_load %arg10[%parallel_loop3A_374] {strides = array<i32>} : memref<512xi32, #tpu.memory_space<vmem>>, vector<16xi32>,
      tpu.vector_store %arg10[%parallel_loop3A_374], %parallel_loop3A_367 {strides = array<i32>} : memref<512xi32, #tpu.memory_space<vmem>>, vector<16xi32>,
      %parallel_loop3A_376 = arith.addi %parallel_loop3A_367, %parallel_loop3A_371 : vector<16xi32>
      %parallel_loop3A_377 = arith.constant 16 : i32
      %parallel_loop3A_378 = arith.muli %parallel_loop3A_172, %parallel_loop3A_377 : i32
      %parallel_loop3A_379 = arith.index_cast %parallel_loop3A_378 : i32 to index
      %parallel_loop3A_380 = tpu.vector_load %arg11[%parallel_loop3A_379] {strides = array<i32>} : memref<512xi32, #tpu.memory_space<vmem>>, vector<16xi32>,
      %parallel_loop3A_381 = arith.constant 16 : i32
      %parallel_loop3A_382 = arith.muli %parallel_loop3A_172, %parallel_loop3A_381 : i32
      %parallel_loop3A_383 = arith.index_cast %parallel_loop3A_382 : i32 to index
      %parallel_loop3A_384 = tpu.vector_load %arg11[%parallel_loop3A_383] {strides = array<i32>} : memref<512xi32, #tpu.memory_space<vmem>>, vector<16xi32>,
      tpu.vector_store %arg11[%parallel_loop3A_383], %parallel_loop3A_376 {strides = array<i32>} : memref<512xi32, #tpu.memory_space<vmem>>, vector<16xi32>,
      %parallel_loop3A_385 = arith.addi %parallel_loop3A_376, %parallel_loop3A_380 : vector<16xi32>
      %parallel_loop3A_386 = arith.constant 16 : i32
      %parallel_loop3A_387 = arith.muli %parallel_loop3A_172, %parallel_loop3A_386 : i32
      %parallel_loop3A_388 = arith.index_cast %parallel_loop3A_387 : i32 to index
      %parallel_loop3A_389 = tpu.vector_load %arg12[%parallel_loop3A_388] {strides = array<i32>} : memref<512xi32, #tpu.memory_space<vmem>>, vector<16xi32>,
      %parallel_loop3A_390 = arith.constant 16 : i32
      %parallel_loop3A_391 = arith.muli %parallel_loop3A_172, %parallel_loop3A_390 : i32
      %parallel_loop3A_392 = arith.index_cast %parallel_loop3A_391 : i32 to index
      %parallel_loop3A_393 = tpu.vector_load %arg12[%parallel_loop3A_392] {strides = array<i32>} : memref<512xi32, #tpu.memory_space<vmem>>, vector<16xi32>,
      tpu.vector_store %arg12[%parallel_loop3A_392], %parallel_loop3A_385 {strides = array<i32>} : memref<512xi32, #tpu.memory_space<vmem>>, vector<16xi32>,
      %parallel_loop3A_394 = arith.addi %parallel_loop3A_385, %parallel_loop3A_389 : vector<16xi32>
      %parallel_loop3A_395 = arith.constant true
      %parallel_loop3A_396 = vector.broadcast %parallel_loop3A_395 : i1 to vector<16xi1>
      %parallel_loop3A_397 = tpu.scan <sum>, %parallel_loop3A_345 masked %parallel_loop3A_396 : vector<16xi32>, vector<16xi1> -> vector<16xi32>
      %parallel_loop3A_398 = vector.extract %parallel_loop3A_397[15] : i32 from vector<16xi32>
      %parallel_loop3A_399 = arith.addi %parallel_loop3A_173, %parallel_loop3A_398 : i32
      scf.yield %parallel_loop3A_399 : i32
    } {sc.loop_unroll_factor = 1 : i64, sc.parallel_access}
    %scan3A = arith.constant 0 : i32
    %scan3A_17 = arith.constant 0 : i32
    %scan3A_18 = arith.constant 128 : i32
    %scan3A_19 = arith.addi %scan3A_17, %scan3A_18 : i32
    %scan3A_20 = arith.constant 1 : i32
    %scan3A_21 = scf.for %scan3A_172 = %scan3A_17 to %scan3A_19 step %scan3A_20 iter_args(%scan3A_173 = %scan3A) -> (i32)  : i32 {
      %mul3A_174 = arith.constant 16 : i32
      %mul3A_175 = arith.muli %scan3A_172, %mul3A_174 : i32
      %add3A_176 = arith.constant 0 : i32
      %add3A_177 = arith.addi %add3A_176, %mul3A_175 : i32
      %get3A = arith.index_cast %add3A_177 : i32 to index
      %get3A_178 = tpu.vector_load %arg5[%get3A] {strides = array<i32>} : memref<8192xi32, #tpu.memory_space<vmem>>, vector<16xi32>,
      %gather3A = tpu.vector_load_idx %arg9[%get3A_178] : memref<512xi32, #tpu.memory_space<vmem>>[vector<16xi32>], vector<16xi32>,
      %jit3A = arith.constant 8 : i32
      %div3A = arith.divsi %scan3A_172, %jit3A : i32
      %sign3A = arith.constant 0 : i32
      %sign3A_179 = arith.cmpi sgt, %scan3A_172, %sign3A : i32
      %sign3A_180 = arith.extui %sign3A_179 : i1 to i32
      %sign3A_181 = arith.constant 0 : i32
      %sign3A_182 = arith.cmpi slt, %scan3A_172, %sign3A_181 : i32
      %sign3A_183 = arith.extui %sign3A_182 : i1 to i32
      %sign3A_184 = arith.subi %sign3A_180, %sign3A_183 : i32
      %sign3A_185 = arith.constant 0 : i32
      %sign3A_186 = arith.cmpi sgt, %jit3A, %sign3A_185 : i32
      %sign3A_187 = arith.extui %sign3A_186 : i1 to i32
      %sign3A_188 = arith.constant 0 : i32
      %sign3A_189 = arith.cmpi slt, %jit3A, %sign3A_188 : i32
      %sign3A_190 = arith.extui %sign3A_189 : i1 to i32
      %sign3A_191 = arith.subi %sign3A_187, %sign3A_190 : i32
      %ne3A = arith.cmpi ne, %sign3A_184, %sign3A_191 : i32
      %rem3A = arith.remsi %scan3A_172, %jit3A : i32
      %ne3A_192 = arith.constant 0 : i32
      %ne3A_193 = arith.cmpi ne, %rem3A, %ne3A_192 : i32
      %and3A = arith.andi %ne3A, %ne3A_193 : i1
      %sub3A = arith.constant 1 : i32
      %sub3A_194 = arith.subi %div3A, %sub3A : i32
      %select_n3A = arith.select %and3A, %sub3A_194, %div3A : i32
      %add3A_195 = arith.constant 0 : i32
      %add3A_196 = arith.addi %add3A_195, %select_n3A : i32
      %get3A_197 = arith.index_cast %add3A_177 : i32 to index
      %get3A_198 = tpu.vector_load %arg7[%get3A_197] {strides = array<i32>} : memref<8192xi32, #tpu.memory_space<vmem>>, vector<16xi32>,
      %add3A_199 = arith.addi %gather3A, %get3A_198 : vector<16xi32>
      %jit3A_200 = arith.constant 8 : i32
      %eq3A = arith.constant 0 : i32
      %eq3A_201 = arith.cmpi eq, %jit3A_200, %eq3A : i32
      %jit3A_202 = arith.constant 1 : i32
      %select_n3A_203 = arith.select %eq3A_201, %jit3A_202, %jit3A_200 : i32
      %rem3A_204 = arith.remsi %scan3A_172, %select_n3A_203 : i32
      %ne3A_205 = arith.constant 0 : i32
      %ne3A_206 = arith.cmpi ne, %rem3A_204, %ne3A_205 : i32
      %lt3A = arith.constant 0 : i32
      %lt3A_207 = arith.cmpi slt, %rem3A_204, %lt3A : i32
      %lt3A_208 = arith.constant 0 : i32
      %lt3A_209 = arith.cmpi slt, %select_n3A_203, %lt3A_208 : i32
      %ne3A_210 = arith.xori %lt3A_207, %lt3A_209 : i1
      %and3A_211 = arith.andi %ne3A_210, %ne3A_206 : i1
      %add3A_212 = arith.addi %rem3A_204, %select_n3A_203 : i32
      %select_n3A_213 = arith.select %and3A_211, %add3A_212, %rem3A_204 : i32
      %mul3A_214 = arith.constant 16 : i32
      %mul3A_215 = arith.muli %select_n3A_213, %mul3A_214 : i32
      %swap3A = arith.index_cast %add3A_196 : i32 to index
      %swap3A_216 = arith.index_cast %mul3A_215 : i32 to index
      %swap3A_217 = tpu.vector_load %arg8[%swap3A, %swap3A_216] {strides = array<i32>} : memref<64x128xi32, #tpu.memory_space<vmem>>, vector<16xi32>,
      tpu.vector_store %arg8[%swap3A, %swap3A_216], %add3A_199 {strides = array<i32>} : memref<64x128xi32, #tpu.memory_space<vmem>>, vector<16xi32>,
      tpu.vector_store_idx %arg9[%get3A_178], %broadcast_in_dim3A_0 {add = true} : memref<512xi32, #tpu.memory_space<vmem>>[vector<16xi32>], vector<16xi32>,
      %mul3A_218 = arith.constant 16 : i32
      %mul3A_219 = arith.muli %scan3A_172, %mul3A_218 : i32
      %add3A_220 = arith.constant 2048 : i32
      %add3A_221 = arith.addi %add3A_220, %mul3A_219 : i32
      %get3A_222 = arith.index_cast %add3A_221 : i32 to index
      %get3A_223 = tpu.vector_load %arg5[%get3A_222] {strides = array<i32>} : memref<8192xi32, #tpu.memory_space<vmem>>, vector<16xi32>,
      %gather3A_224 = tpu.vector_load_idx %arg10[%get3A_223] : memref<512xi32, #tpu.memory_space<vmem>>[vector<16xi32>], vector<16xi32>,
      %jit3A_225 = arith.constant 8 : i32
      %div3A_226 = arith.divsi %scan3A_172, %jit3A_225 : i32
      %sign3A_227 = arith.constant 0 : i32
      %sign3A_228 = arith.cmpi sgt, %scan3A_172, %sign3A_227 : i32
      %sign3A_229 = arith.extui %sign3A_228 : i1 to i32
      %sign3A_230 = arith.constant 0 : i32
      %sign3A_231 = arith.cmpi slt, %scan3A_172, %sign3A_230 : i32
      %sign3A_232 = arith.extui %sign3A_231 : i1 to i32
      %sign3A_233 = arith.subi %sign3A_229, %sign3A_232 : i32
      %sign3A_234 = arith.constant 0 : i32
      %sign3A_235 = arith.cmpi sgt, %jit3A_225, %sign3A_234 : i32
      %sign3A_236 = arith.extui %sign3A_235 : i1 to i32
      %sign3A_237 = arith.constant 0 : i32
      %sign3A_238 = arith.cmpi slt, %jit3A_225, %sign3A_237 : i32
      %sign3A_239 = arith.extui %sign3A_238 : i1 to i32
      %sign3A_240 = arith.subi %sign3A_236, %sign3A_239 : i32
      %ne3A_241 = arith.cmpi ne, %sign3A_233, %sign3A_240 : i32
      %rem3A_242 = arith.remsi %scan3A_172, %jit3A_225 : i32
      %ne3A_243 = arith.constant 0 : i32
      %ne3A_244 = arith.cmpi ne, %rem3A_242, %ne3A_243 : i32
      %and3A_245 = arith.andi %ne3A_241, %ne3A_244 : i1
      %sub3A_246 = arith.constant 1 : i32
      %sub3A_247 = arith.subi %div3A_226, %sub3A_246 : i32
      %select_n3A_248 = arith.select %and3A_245, %sub3A_247, %div3A_226 : i32
      %add3A_249 = arith.constant 16 : i32
      %add3A_250 = arith.addi %add3A_249, %select_n3A_248 : i32
      %get3A_251 = arith.index_cast %add3A_221 : i32 to index
      %get3A_252 = tpu.vector_load %arg7[%get3A_251] {strides = array<i32>} : memref<8192xi32, #tpu.memory_space<vmem>>, vector<16xi32>,
      %add3A_253 = arith.addi %gather3A_224, %get3A_252 : vector<16xi32>
      %jit3A_254 = arith.constant 8 : i32
      %eq3A_255 = arith.constant 0 : i32
      %eq3A_256 = arith.cmpi eq, %jit3A_254, %eq3A_255 : i32
      %jit3A_257 = arith.constant 1 : i32
      %select_n3A_258 = arith.select %eq3A_256, %jit3A_257, %jit3A_254 : i32
      %rem3A_259 = arith.remsi %scan3A_172, %select_n3A_258 : i32
      %ne3A_260 = arith.constant 0 : i32
      %ne3A_261 = arith.cmpi ne, %rem3A_259, %ne3A_260 : i32
      %lt3A_262 = arith.constant 0 : i32
      %lt3A_263 = arith.cmpi slt, %rem3A_259, %lt3A_262 : i32
      %lt3A_264 = arith.constant 0 : i32
      %lt3A_265 = arith.cmpi slt, %select_n3A_258, %lt3A_264 : i32
      %ne3A_266 = arith.xori %lt3A_263, %lt3A_265 : i1
      %and3A_267 = arith.andi %ne3A_266, %ne3A_261 : i1
      %add3A_268 = arith.addi %rem3A_259, %select_n3A_258 : i32
      %select_n3A_269 = arith.select %and3A_267, %add3A_268, %rem3A_259 : i32
      %mul3A_270 = arith.constant 16 : i32
      %mul3A_271 = arith.muli %select_n3A_269, %mul3A_270 : i32
      %swap3A_272 = arith.index_cast %add3A_250 : i32 to index
      %swap3A_273 = arith.index_cast %mul3A_271 : i32 to index
      %swap3A_274 = tpu.vector_load %arg8[%swap3A_272, %swap3A_273] {strides = array<i32>} : memref<64x128xi32, #tpu.memory_space<vmem>>, vector<16xi32>,
      tpu.vector_store %arg8[%swap3A_272, %swap3A_273], %add3A_253 {strides = array<i32>} : memref<64x128xi32, #tpu.memory_space<vmem>>, vector<16xi32>,
      tpu.vector_store_idx %arg10[%get3A_223], %broadcast_in_dim3A_0 {add = true} : memref<512xi32, #tpu.memory_space<vmem>>[vector<16xi32>], vector<16xi32>,
      %mul3A_275 = arith.constant 16 : i32
      %mul3A_276 = arith.muli %scan3A_172, %mul3A_275 : i32
      %add3A_277 = arith.constant 4096 : i32
      %add3A_278 = arith.addi %add3A_277, %mul3A_276 : i32
      %get3A_279 = arith.index_cast %add3A_278 : i32 to index
      %get3A_280 = tpu.vector_load %arg5[%get3A_279] {strides = array<i32>} : memref<8192xi32, #tpu.memory_space<vmem>>, vector<16xi32>,
      %gather3A_281 = tpu.vector_load_idx %arg11[%get3A_280] : memref<512xi32, #tpu.memory_space<vmem>>[vector<16xi32>], vector<16xi32>,
      %jit3A_282 = arith.constant 8 : i32
      %div3A_283 = arith.divsi %scan3A_172, %jit3A_282 : i32
      %sign3A_284 = arith.constant 0 : i32
      %sign3A_285 = arith.cmpi sgt, %scan3A_172, %sign3A_284 : i32
      %sign3A_286 = arith.extui %sign3A_285 : i1 to i32
      %sign3A_287 = arith.constant 0 : i32
      %sign3A_288 = arith.cmpi slt, %scan3A_172, %sign3A_287 : i32
      %sign3A_289 = arith.extui %sign3A_288 : i1 to i32
      %sign3A_290 = arith.subi %sign3A_286, %sign3A_289 : i32
      %sign3A_291 = arith.constant 0 : i32
      %sign3A_292 = arith.cmpi sgt, %jit3A_282, %sign3A_291 : i32
      %sign3A_293 = arith.extui %sign3A_292 : i1 to i32
      %sign3A_294 = arith.constant 0 : i32
      %sign3A_295 = arith.cmpi slt, %jit3A_282, %sign3A_294 : i32
      %sign3A_296 = arith.extui %sign3A_295 : i1 to i32
      %sign3A_297 = arith.subi %sign3A_293, %sign3A_296 : i32
      %ne3A_298 = arith.cmpi ne, %sign3A_290, %sign3A_297 : i32
      %rem3A_299 = arith.remsi %scan3A_172, %jit3A_282 : i32
      %ne3A_300 = arith.constant 0 : i32
      %ne3A_301 = arith.cmpi ne, %rem3A_299, %ne3A_300 : i32
      %and3A_302 = arith.andi %ne3A_298, %ne3A_301 : i1
      %sub3A_303 = arith.constant 1 : i32
      %sub3A_304 = arith.subi %div3A_283, %sub3A_303 : i32
      %select_n3A_305 = arith.select %and3A_302, %sub3A_304, %div3A_283 : i32
      %add3A_306 = arith.constant 32 : i32
      %add3A_307 = arith.addi %add3A_306, %select_n3A_305 : i32
      %get3A_308 = arith.index_cast %add3A_278 : i32 to index
      %get3A_309 = tpu.vector_load %arg7[%get3A_308] {strides = array<i32>} : memref<8192xi32, #tpu.memory_space<vmem>>, vector<16xi32>,
      %add3A_310 = arith.addi %gather3A_281, %get3A_309 : vector<16xi32>
      %jit3A_311 = arith.constant 8 : i32
      %eq3A_312 = arith.constant 0 : i32
      %eq3A_313 = arith.cmpi eq, %jit3A_311, %eq3A_312 : i32
      %jit3A_314 = arith.constant 1 : i32
      %select_n3A_315 = arith.select %eq3A_313, %jit3A_314, %jit3A_311 : i32
      %rem3A_316 = arith.remsi %scan3A_172, %select_n3A_315 : i32
      %ne3A_317 = arith.constant 0 : i32
      %ne3A_318 = arith.cmpi ne, %rem3A_316, %ne3A_317 : i32
      %lt3A_319 = arith.constant 0 : i32
      %lt3A_320 = arith.cmpi slt, %rem3A_316, %lt3A_319 : i32
      %lt3A_321 = arith.constant 0 : i32
      %lt3A_322 = arith.cmpi slt, %select_n3A_315, %lt3A_321 : i32
      %ne3A_323 = arith.xori %lt3A_320, %lt3A_322 : i1
      %and3A_324 = arith.andi %ne3A_323, %ne3A_318 : i1
      %add3A_325 = arith.addi %rem3A_316, %select_n3A_315 : i32
      %select_n3A_326 = arith.select %and3A_324, %add3A_325, %rem3A_316 : i32
      %mul3A_327 = arith.constant 16 : i32
      %mul3A_328 = arith.muli %select_n3A_326, %mul3A_327 : i32
      %swap3A_329 = arith.index_cast %add3A_307 : i32 to index
      %swap3A_330 = arith.index_cast %mul3A_328 : i32 to index
      %swap3A_331 = tpu.vector_load %arg8[%swap3A_329, %swap3A_330] {strides = array<i32>} : memref<64x128xi32, #tpu.memory_space<vmem>>, vector<16xi32>,
      tpu.vector_store %arg8[%swap3A_329, %swap3A_330], %add3A_310 {strides = array<i32>} : memref<64x128xi32, #tpu.memory_space<vmem>>, vector<16xi32>,
      tpu.vector_store_idx %arg11[%get3A_280], %broadcast_in_dim3A_0 {add = true} : memref<512xi32, #tpu.memory_space<vmem>>[vector<16xi32>], vector<16xi32>,
      %mul3A_332 = arith.constant 16 : i32
      %mul3A_333 = arith.muli %scan3A_172, %mul3A_332 : i32
      %add3A_334 = arith.constant 6144 : i32
      %add3A_335 = arith.addi %add3A_334, %mul3A_333 : i32
      %get3A_336 = arith.index_cast %add3A_335 : i32 to index
      %get3A_337 = tpu.vector_load %arg5[%get3A_336] {strides = array<i32>} : memref<8192xi32, #tpu.memory_space<vmem>>, vector<16xi32>,
      %gather3A_338 = tpu.vector_load_idx %arg12[%get3A_337] : memref<512xi32, #tpu.memory_space<vmem>>[vector<16xi32>], vector<16xi32>,
      %jit3A_339 = arith.constant 8 : i32
      %div3A_340 = arith.divsi %scan3A_172, %jit3A_339 : i32
      %sign3A_341 = arith.constant 0 : i32
      %sign3A_342 = arith.cmpi sgt, %scan3A_172, %sign3A_341 : i32
      %sign3A_343 = arith.extui %sign3A_342 : i1 to i32
      %sign3A_344 = arith.constant 0 : i32
      %sign3A_345 = arith.cmpi slt, %scan3A_172, %sign3A_344 : i32
      %sign3A_346 = arith.extui %sign3A_345 : i1 to i32
      %sign3A_347 = arith.subi %sign3A_343, %sign3A_346 : i32
      %sign3A_348 = arith.constant 0 : i32
      %sign3A_349 = arith.cmpi sgt, %jit3A_339, %sign3A_348 : i32
      %sign3A_350 = arith.extui %sign3A_349 : i1 to i32
      %sign3A_351 = arith.constant 0 : i32
      %sign3A_352 = arith.cmpi slt, %jit3A_339, %sign3A_351 : i32
      %sign3A_353 = arith.extui %sign3A_352 : i1 to i32
      %sign3A_354 = arith.subi %sign3A_350, %sign3A_353 : i32
      %ne3A_355 = arith.cmpi ne, %sign3A_347, %sign3A_354 : i32
      %rem3A_356 = arith.remsi %scan3A_172, %jit3A_339 : i32
      %ne3A_357 = arith.constant 0 : i32
      %ne3A_358 = arith.cmpi ne, %rem3A_356, %ne3A_357 : i32
      %and3A_359 = arith.andi %ne3A_355, %ne3A_358 : i1
      %sub3A_360 = arith.constant 1 : i32
      %sub3A_361 = arith.subi %div3A_340, %sub3A_360 : i32
      %select_n3A_362 = arith.select %and3A_359, %sub3A_361, %div3A_340 : i32
      %add3A_363 = arith.constant 48 : i32
      %add3A_364 = arith.addi %add3A_363, %select_n3A_362 : i32
      %get3A_365 = arith.index_cast %add3A_335 : i32 to index
      %get3A_366 = tpu.vector_load %arg7[%get3A_365] {strides = array<i32>} : memref<8192xi32, #tpu.memory_space<vmem>>, vector<16xi32>,
      %add3A_367 = arith.addi %gather3A_338, %get3A_366 : vector<16xi32>
      %jit3A_368 = arith.constant 8 : i32
      %eq3A_369 = arith.constant 0 : i32
      %eq3A_370 = arith.cmpi eq, %jit3A_368, %eq3A_369 : i32
      %jit3A_371 = arith.constant 1 : i32
      %select_n3A_372 = arith.select %eq3A_370, %jit3A_371, %jit3A_368 : i32
      %rem3A_373 = arith.remsi %scan3A_172, %select_n3A_372 : i32
      %ne3A_374 = arith.constant 0 : i32
      %ne3A_375 = arith.cmpi ne, %rem3A_373, %ne3A_374 : i32
      %lt3A_376 = arith.constant 0 : i32
      %lt3A_377 = arith.cmpi slt, %rem3A_373, %lt3A_376 : i32
      %lt3A_378 = arith.constant 0 : i32
      %lt3A_379 = arith.cmpi slt, %select_n3A_372, %lt3A_378 : i32
      %ne3A_380 = arith.xori %lt3A_377, %lt3A_379 : i1
      %and3A_381 = arith.andi %ne3A_380, %ne3A_375 : i1
      %add3A_382 = arith.addi %rem3A_373, %select_n3A_372 : i32
      %select_n3A_383 = arith.select %and3A_381, %add3A_382, %rem3A_373 : i32
      %mul3A_384 = arith.constant 16 : i32
      %mul3A_385 = arith.muli %select_n3A_383, %mul3A_384 : i32
      %swap3A_386 = arith.index_cast %add3A_364 : i32 to index
      %swap3A_387 = arith.index_cast %mul3A_385 : i32 to index
      %swap3A_388 = tpu.vector_load %arg8[%swap3A_386, %swap3A_387] {strides = array<i32>} : memref<64x128xi32, #tpu.memory_space<vmem>>, vector<16xi32>,
      tpu.vector_store %arg8[%swap3A_386, %swap3A_387], %add3A_367 {strides = array<i32>} : memref<64x128xi32, #tpu.memory_space<vmem>>, vector<16xi32>,
      tpu.vector_store_idx %arg12[%get3A_337], %broadcast_in_dim3A_0 {add = true} : memref<512xi32, #tpu.memory_space<vmem>>[vector<16xi32>], vector<16xi32>,
      %scan3A_389 = arith.constant 0 : i32
      scf.yield %scan3A_389 : i32
    }
    %scan3A_22 = arith.constant 128 : i32
    %scan3A_23 = arith.constant 0 : i32
    %scan3A_24 = arith.constant 0 : i32
    %scan3A_25 = arith.constant 64 : i32
    %scan3A_26 = arith.addi %scan3A_24, %scan3A_25 : i32
    %scan3A_27 = arith.constant 1 : i32
    %scan3A_28 = scf.for %scan3A_172 = %scan3A_24 to %scan3A_26 step %scan3A_27 iter_args(%scan3A_173 = %scan3A_23) -> (i32)  : i32 {
      %mul3A_174 = arith.constant 128 : i32
      %mul3A_175 = arith.muli %scan3A_172, %mul3A_174 : i32
      %dma_start3A_176 = tpu.memref_slice %arg6[%mul3A_175] : memref<8192xi32, #tpu.memory_space<vmem>> -> memref<128xi32, #tpu.memory_space<vmem>>
      %dma_start3A_177 = arith.constant 0 : i32
      %dma_start3A_178 = tpu.memref_slice %arg8[%scan3A_172, %dma_start3A_177] : memref<64x128xi32, #tpu.memory_space<vmem>> -> memref<1x128xi32, #tpu.memory_space<vmem>>
      %dma_start3A_179 = tpu.memref_squeeze %dma_start3A_178 : memref<1x128xi32, #tpu.memory_space<vmem>> -> memref<128xi32, #tpu.memory_space<vmem>>
      %dma_start3A_180 = arith.constant 0 : i32
      %dma_start3A_181 = tpu.memref_slice %arg21[%dma_start3A_180] : memref<131072xi32, #tpu.memory_space<vmem_shared>> -> memref<131072xi32, #tpu.memory_space<vmem_shared>>
      tpu.enqueue_indirect_dma source(%dma_start3A_176 : memref<128xi32, #tpu.memory_space<vmem>>) target(%dma_start3A_181 : memref<131072xi32, #tpu.memory_space<vmem_shared>>) offsets(%dma_start3A_179 : memref<128xi32, #tpu.memory_space<vmem>>) semaphore(%arg23 : memref<!tpu.dma_semaphore, #tpu.memory_space<semaphore_mem>>)
      %scan3A_182 = arith.constant 0 : i32
      scf.yield %scan3A_182 : i32
    }
    %scan3A_29 = arith.constant 64 : i32
    %scan3A_30 = arith.constant 0 : i32
    %scan3A_31 = arith.constant 0 : i32
    %scan3A_32 = arith.constant 64 : i32
    %scan3A_33 = arith.addi %scan3A_31, %scan3A_32 : i32
    %scan3A_34 = arith.constant 1 : i32
    %scan3A_35 = scf.for %scan3A_172 = %scan3A_31 to %scan3A_33 step %scan3A_34 iter_args(%scan3A_173 = %scan3A_30) -> (i32)  : i32 {
      %mul3A_174 = arith.constant 128 : i32
      %mul3A_175 = arith.muli %scan3A_172, %mul3A_174 : i32
      %dma_wait3A_176 = tpu.memref_slice %arg6[%mul3A_175] : memref<8192xi32, #tpu.memory_space<vmem>> -> memref<128xi32, #tpu.memory_space<vmem>>
      %dma_wait3A_177 = arith.constant 0 : i32
      %dma_wait3A_178 = tpu.memref_slice %arg8[%scan3A_172, %dma_wait3A_177] : memref<64x128xi32, #tpu.memory_space<vmem>> -> memref<1x128xi32, #tpu.memory_space<vmem>>
      %dma_wait3A_179 = tpu.memref_squeeze %dma_wait3A_178 : memref<1x128xi32, #tpu.memory_space<vmem>> -> memref<128xi32, #tpu.memory_space<vmem>>
      %dma_wait3A_180 = arith.constant 0 : i32
      %dma_wait3A_181 = tpu.memref_slice %arg21[%dma_wait3A_180] : memref<131072xi32, #tpu.memory_space<vmem_shared>> -> memref<131072xi32, #tpu.memory_space<vmem_shared>>
      tpu.wait_indirect_dma semaphore(%arg23 : memref<!tpu.dma_semaphore, #tpu.memory_space<semaphore_mem>>) src(%dma_wait3A_176 : memref<128xi32, #tpu.memory_space<vmem>>) dst(%dma_wait3A_181 : memref<131072xi32, #tpu.memory_space<vmem_shared>>)
      %scan3A_182 = arith.constant 0 : i32
      scf.yield %scan3A_182 : i32
    }
    %scan3A_36 = arith.constant 64 : i32
    %barrier3A_37 = arith.constant 0 : index
    tpu.barrier barrier_id(%barrier3A_37)
    "tpu.region"() ({
      %run_scoped3A = tpu.sem_alloc : memref<!tpu.dma_semaphore, #tpu.memory_space<semaphore_mem>>
      %dma_start3A_172 = tpu.memref_slice %arg21[%mul3A_3] : memref<131072xi32, #tpu.memory_space<vmem_shared>> -> memref<8192xi32, #tpu.memory_space<vmem_shared>>
      %dma_start3A_173 = tpu.memref_slice %arg21[%mul3A_3] : memref<131072xi32, #tpu.memory_space<vmem_shared>> -> memref<8192xi32, #tpu.memory_space<vmem_shared>>
      tpu.enqueue_dma source(%dma_start3A_173 : memref<8192xi32, #tpu.memory_space<vmem_shared>>) target(%arg5 : memref<8192xi32, #tpu.memory_space<vmem>>) target_semaphore(%run_scoped3A : memref<!tpu.dma_semaphore, #tpu.memory_space<semaphore_mem>>)
      %dma_wait3A_174 = tpu.memref_slice %arg21[%mul3A_3] : memref<131072xi32, #tpu.memory_space<vmem_shared>> -> memref<8192xi32, #tpu.memory_space<vmem_shared>>
      %dma_wait3A_175 = tpu.memref_slice %arg21[%mul3A_3] : memref<131072xi32, #tpu.memory_space<vmem_shared>> -> memref<8192xi32, #tpu.memory_space<vmem_shared>>
      tpu.wait_dma2 semaphore(%run_scoped3A : memref<!tpu.dma_semaphore, #tpu.memory_space<semaphore_mem>>) src(%dma_wait3A_175 : memref<8192xi32, #tpu.memory_space<vmem_shared>>) dst(%arg5 : memref<8192xi32, #tpu.memory_space<vmem>>)
      tpu.yield
    }) : () -> ()
    %parallel_loop3A_38 = arith.constant 0 : i32
    %parallel_loop3A_39 = arith.constant 32 : i32
    %parallel_loop3A_40 = arith.constant 1 : i32
    scf.for %parallel_loop3A_172 = %parallel_loop3A_38 to %parallel_loop3A_39 step %parallel_loop3A_40  : i32 {
      %parallel_loop3A_173 = arith.constant 16 : i32
      %parallel_loop3A_174 = arith.muli %parallel_loop3A_172, %parallel_loop3A_173 : i32
      %parallel_loop3A_175 = arith.index_cast %parallel_loop3A_174 : i32 to index
      %parallel_loop3A_176 = tpu.vector_load %arg9[%parallel_loop3A_175] {strides = array<i32>} : memref<512xi32, #tpu.memory_space<vmem>>, vector<16xi32>,
      tpu.vector_store %arg9[%parallel_loop3A_175], %broadcast_in_dim3A_2 {strides = array<i32>} : memref<512xi32, #tpu.memory_space<vmem>>, vector<16xi32>,
      %parallel_loop3A_177 = arith.constant 16 : i32
      %parallel_loop3A_178 = arith.muli %parallel_loop3A_172, %parallel_loop3A_177 : i32
      %parallel_loop3A_179 = arith.index_cast %parallel_loop3A_178 : i32 to index
      %parallel_loop3A_180 = tpu.vector_load %arg10[%parallel_loop3A_179] {strides = array<i32>} : memref<512xi32, #tpu.memory_space<vmem>>, vector<16xi32>,
      tpu.vector_store %arg10[%parallel_loop3A_179], %broadcast_in_dim3A_2 {strides = array<i32>} : memref<512xi32, #tpu.memory_space<vmem>>, vector<16xi32>,
      %parallel_loop3A_181 = arith.constant 16 : i32
      %parallel_loop3A_182 = arith.muli %parallel_loop3A_172, %parallel_loop3A_181 : i32
      %parallel_loop3A_183 = arith.index_cast %parallel_loop3A_182 : i32 to index
      %parallel_loop3A_184 = tpu.vector_load %arg11[%parallel_loop3A_183] {strides = array<i32>} : memref<512xi32, #tpu.memory_space<vmem>>, vector<16xi32>,
      tpu.vector_store %arg11[%parallel_loop3A_183], %broadcast_in_dim3A_2 {strides = array<i32>} : memref<512xi32, #tpu.memory_space<vmem>>, vector<16xi32>,
      %parallel_loop3A_185 = arith.constant 16 : i32
      %parallel_loop3A_186 = arith.muli %parallel_loop3A_172, %parallel_loop3A_185 : i32
      %parallel_loop3A_187 = arith.index_cast %parallel_loop3A_186 : i32 to index
      %parallel_loop3A_188 = tpu.vector_load %arg12[%parallel_loop3A_187] {strides = array<i32>} : memref<512xi32, #tpu.memory_space<vmem>>, vector<16xi32>,
      tpu.vector_store %arg12[%parallel_loop3A_187], %broadcast_in_dim3A_2 {strides = array<i32>} : memref<512xi32, #tpu.memory_space<vmem>>, vector<16xi32>,
    } {sc.loop_unroll_factor = 1 : i64, sc.parallel_access}
    %parallel_loop3A_41 = arith.constant 0 : i32
    %parallel_loop3A_42 = arith.constant 128 : i32
    %parallel_loop3A_43 = arith.constant 1 : i32
    scf.for %parallel_loop3A_172 = %parallel_loop3A_41 to %parallel_loop3A_42 step %parallel_loop3A_43  : i32 {
      %parallel_loop3A_173 = arith.constant 16 : i32
      %parallel_loop3A_174 = arith.muli %parallel_loop3A_172, %parallel_loop3A_173 : i32
      %parallel_loop3A_175 = arith.constant 0 : i32
      %parallel_loop3A_176 = arith.addi %parallel_loop3A_175, %parallel_loop3A_174 : i32
      %parallel_loop3A_177 = arith.index_cast %parallel_loop3A_176 : i32 to index
      %parallel_loop3A_178 = tpu.vector_load %arg5[%parallel_loop3A_177] {strides = array<i32>} : memref<8192xi32, #tpu.memory_space<vmem>>, vector<16xi32>,
      %parallel_loop3A_179 = arith.constant 20 : i32
      %parallel_loop3A_180 = vector.broadcast %parallel_loop3A_179 : i32 to vector<16xi32>
      %parallel_loop3A_181 = arith.shrui %parallel_loop3A_178, %parallel_loop3A_180 : vector<16xi32>
      %parallel_loop3A_182 = arith.constant true
      %parallel_loop3A_183 = vector.broadcast %parallel_loop3A_182 : i1 to vector<16xi1>
      %parallel_loop3A_184, %parallel_loop3A_185 = tpu.scan_count mask(%parallel_loop3A_183 : vector<16xi1>) value(%parallel_loop3A_181 : vector<16xi32>) : vector<16xi1>, vector<16xi32>
      %parallel_loop3A_186 = arith.constant 1 : i32
      %parallel_loop3A_187 = vector.broadcast %parallel_loop3A_186 : i32 to vector<16xi32>
      %parallel_loop3A_188 = arith.subi %parallel_loop3A_185, %parallel_loop3A_187 : vector<16xi32>
      %parallel_loop3A_189 = arith.index_cast %parallel_loop3A_176 : i32 to index
      %parallel_loop3A_190 = tpu.vector_load %arg7[%parallel_loop3A_189] {strides = array<i32>} : memref<8192xi32, #tpu.memory_space<vmem>>, vector<16xi32>,
      tpu.vector_store %arg7[%parallel_loop3A_189], %parallel_loop3A_188 {strides = array<i32>} : memref<8192xi32, #tpu.memory_space<vmem>>, vector<16xi32>,
      %parallel_loop3A_191 = arith.addi %mul3A_3, %parallel_loop3A_176 : i32
      %parallel_loop3A_192 = vector.broadcast %parallel_loop3A_191 : i32 to vector<16xi32>
      %parallel_loop3A_193 = arith.addi %parallel_loop3A_192, %iota3A : vector<16xi32>
      %parallel_loop3A_194 = arith.constant 1048575 : i32
      %parallel_loop3A_195 = vector.broadcast %parallel_loop3A_194 : i32 to vector<16xi32>
      %parallel_loop3A_196 = arith.andi %parallel_loop3A_178, %parallel_loop3A_195 : vector<16xi32>
      %parallel_loop3A_197 = arith.index_cast %parallel_loop3A_176 : i32 to index
      %parallel_loop3A_198 = tpu.vector_load %arg6[%parallel_loop3A_197] {strides = array<i32>} : memref<8192xi32, #tpu.memory_space<vmem>>, vector<16xi32>,
      tpu.vector_store %arg6[%parallel_loop3A_197], %parallel_loop3A_196 {strides = array<i32>} : memref<8192xi32, #tpu.memory_space<vmem>>, vector<16xi32>,
      %parallel_loop3A_199 = arith.index_cast %parallel_loop3A_176 : i32 to index
      %parallel_loop3A_200 = tpu.vector_load %arg5[%parallel_loop3A_199] {strides = array<i32>} : memref<8192xi32, #tpu.memory_space<vmem>>, vector<16xi32>,
      tpu.vector_store %arg5[%parallel_loop3A_199], %parallel_loop3A_181 {strides = array<i32>} : memref<8192xi32, #tpu.memory_space<vmem>>, vector<16xi32>,
      tpu.vector_store_idx %arg9[%parallel_loop3A_181], %broadcast_in_dim3A_0 {add = true} : memref<512xi32, #tpu.memory_space<vmem>>[vector<16xi32>], vector<16xi32>,
      %parallel_loop3A_201 = arith.constant 16 : i32
      %parallel_loop3A_202 = arith.muli %parallel_loop3A_172, %parallel_loop3A_201 : i32
      %parallel_loop3A_203 = arith.constant 2048 : i32
      %parallel_loop3A_204 = arith.addi %parallel_loop3A_203, %parallel_loop3A_202 : i32
      %parallel_loop3A_205 = arith.index_cast %parallel_loop3A_204 : i32 to index
      %parallel_loop3A_206 = tpu.vector_load %arg5[%parallel_loop3A_205] {strides = array<i32>} : memref<8192xi32, #tpu.memory_space<vmem>>, vector<16xi32>,
      %parallel_loop3A_207 = arith.constant 20 : i32
      %parallel_loop3A_208 = vector.broadcast %parallel_loop3A_207 : i32 to vector<16xi32>
      %parallel_loop3A_209 = arith.shrui %parallel_loop3A_206, %parallel_loop3A_208 : vector<16xi32>
      %parallel_loop3A_210 = arith.constant true
      %parallel_loop3A_211 = vector.broadcast %parallel_loop3A_210 : i1 to vector<16xi1>
      %parallel_loop3A_212, %parallel_loop3A_213 = tpu.scan_count mask(%parallel_loop3A_211 : vector<16xi1>) value(%parallel_loop3A_209 : vector<16xi32>) : vector<16xi1>, vector<16xi32>
      %parallel_loop3A_214 = arith.constant 1 : i32
      %parallel_loop3A_215 = vector.broadcast %parallel_loop3A_214 : i32 to vector<16xi32>
      %parallel_loop3A_216 = arith.subi %parallel_loop3A_213, %parallel_loop3A_215 : vector<16xi32>
      %parallel_loop3A_217 = arith.index_cast %parallel_loop3A_204 : i32 to index
      %parallel_loop3A_218 = tpu.vector_load %arg7[%parallel_loop3A_217] {strides = array<i32>} : memref<8192xi32, #tpu.memory_space<vmem>>, vector<16xi32>,
      tpu.vector_store %arg7[%parallel_loop3A_217], %parallel_loop3A_216 {strides = array<i32>} : memref<8192xi32, #tpu.memory_space<vmem>>, vector<16xi32>,
      %parallel_loop3A_219 = arith.addi %mul3A_3, %parallel_loop3A_204 : i32
      %parallel_loop3A_220 = vector.broadcast %parallel_loop3A_219 : i32 to vector<16xi32>
      %parallel_loop3A_221 = arith.addi %parallel_loop3A_220, %iota3A : vector<16xi32>
      %parallel_loop3A_222 = arith.constant 1048575 : i32
      %parallel_loop3A_223 = vector.broadcast %parallel_loop3A_222 : i32 to vector<16xi32>
      %parallel_loop3A_224 = arith.andi %parallel_loop3A_206, %parallel_loop3A_223 : vector<16xi32>
      %parallel_loop3A_225 = arith.index_cast %parallel_loop3A_204 : i32 to index
      %parallel_loop3A_226 = tpu.vector_load %arg6[%parallel_loop3A_225] {strides = array<i32>} : memref<8192xi32, #tpu.memory_space<vmem>>, vector<16xi32>,
      tpu.vector_store %arg6[%parallel_loop3A_225], %parallel_loop3A_224 {strides = array<i32>} : memref<8192xi32, #tpu.memory_space<vmem>>, vector<16xi32>,
      %parallel_loop3A_227 = arith.index_cast %parallel_loop3A_204 : i32 to index
      %parallel_loop3A_228 = tpu.vector_load %arg5[%parallel_loop3A_227] {strides = array<i32>} : memref<8192xi32, #tpu.memory_space<vmem>>, vector<16xi32>,
      tpu.vector_store %arg5[%parallel_loop3A_227], %parallel_loop3A_209 {strides = array<i32>} : memref<8192xi32, #tpu.memory_space<vmem>>, vector<16xi32>,
      tpu.vector_store_idx %arg10[%parallel_loop3A_209], %broadcast_in_dim3A_0 {add = true} : memref<512xi32, #tpu.memory_space<vmem>>[vector<16xi32>], vector<16xi32>,
      %parallel_loop3A_229 = arith.constant 16 : i32
      %parallel_loop3A_230 = arith.muli %parallel_loop3A_172, %parallel_loop3A_229 : i32
      %parallel_loop3A_231 = arith.constant 4096 : i32
      %parallel_loop3A_232 = arith.addi %parallel_loop3A_231, %parallel_loop3A_230 : i32
      %parallel_loop3A_233 = arith.index_cast %parallel_loop3A_232 : i32 to index
      %parallel_loop3A_234 = tpu.vector_load %arg5[%parallel_loop3A_233] {strides = array<i32>} : memref<8192xi32, #tpu.memory_space<vmem>>, vector<16xi32>,
      %parallel_loop3A_235 = arith.constant 20 : i32
      %parallel_loop3A_236 = vector.broadcast %parallel_loop3A_235 : i32 to vector<16xi32>
      %parallel_loop3A_237 = arith.shrui %parallel_loop3A_234, %parallel_loop3A_236 : vector<16xi32>
      %parallel_loop3A_238 = arith.constant true
      %parallel_loop3A_239 = vector.broadcast %parallel_loop3A_238 : i1 to vector<16xi1>
      %parallel_loop3A_240, %parallel_loop3A_241 = tpu.scan_count mask(%parallel_loop3A_239 : vector<16xi1>) value(%parallel_loop3A_237 : vector<16xi32>) : vector<16xi1>, vector<16xi32>
      %parallel_loop3A_242 = arith.constant 1 : i32
      %parallel_loop3A_243 = vector.broadcast %parallel_loop3A_242 : i32 to vector<16xi32>
      %parallel_loop3A_244 = arith.subi %parallel_loop3A_241, %parallel_loop3A_243 : vector<16xi32>
      %parallel_loop3A_245 = arith.index_cast %parallel_loop3A_232 : i32 to index
      %parallel_loop3A_246 = tpu.vector_load %arg7[%parallel_loop3A_245] {strides = array<i32>} : memref<8192xi32, #tpu.memory_space<vmem>>, vector<16xi32>,
      tpu.vector_store %arg7[%parallel_loop3A_245], %parallel_loop3A_244 {strides = array<i32>} : memref<8192xi32, #tpu.memory_space<vmem>>, vector<16xi32>,
      %parallel_loop3A_247 = arith.addi %mul3A_3, %parallel_loop3A_232 : i32
      %parallel_loop3A_248 = vector.broadcast %parallel_loop3A_247 : i32 to vector<16xi32>
      %parallel_loop3A_249 = arith.addi %parallel_loop3A_248, %iota3A : vector<16xi32>
      %parallel_loop3A_250 = arith.constant 1048575 : i32
      %parallel_loop3A_251 = vector.broadcast %parallel_loop3A_250 : i32 to vector<16xi32>
      %parallel_loop3A_252 = arith.andi %parallel_loop3A_234, %parallel_loop3A_251 : vector<16xi32>
      %parallel_loop3A_253 = arith.index_cast %parallel_loop3A_232 : i32 to index
      %parallel_loop3A_254 = tpu.vector_load %arg6[%parallel_loop3A_253] {strides = array<i32>} : memref<8192xi32, #tpu.memory_space<vmem>>, vector<16xi32>,
      tpu.vector_store %arg6[%parallel_loop3A_253], %parallel_loop3A_252 {strides = array<i32>} : memref<8192xi32, #tpu.memory_space<vmem>>, vector<16xi32>,
      %parallel_loop3A_255 = arith.index_cast %parallel_loop3A_232 : i32 to index
      %parallel_loop3A_256 = tpu.vector_load %arg5[%parallel_loop3A_255] {strides = array<i32>} : memref<8192xi32, #tpu.memory_space<vmem>>, vector<16xi32>,
      tpu.vector_store %arg5[%parallel_loop3A_255], %parallel_loop3A_237 {strides = array<i32>} : memref<8192xi32, #tpu.memory_space<vmem>>, vector<16xi32>,
      tpu.vector_store_idx %arg11[%parallel_loop3A_237], %broadcast_in_dim3A_0 {add = true} : memref<512xi32, #tpu.memory_space<vmem>>[vector<16xi32>], vector<16xi32>,
      %parallel_loop3A_257 = arith.constant 16 : i32
      %parallel_loop3A_258 = arith.muli %parallel_loop3A_172, %parallel_loop3A_257 : i32
      %parallel_loop3A_259 = arith.constant 6144 : i32
      %parallel_loop3A_260 = arith.addi %parallel_loop3A_259, %parallel_loop3A_258 : i32
      %parallel_loop3A_261 = arith.index_cast %parallel_loop3A_260 : i32 to index
      %parallel_loop3A_262 = tpu.vector_load %arg5[%parallel_loop3A_261] {strides = array<i32>} : memref<8192xi32, #tpu.memory_space<vmem>>, vector<16xi32>,
      %parallel_loop3A_263 = arith.constant 20 : i32
      %parallel_loop3A_264 = vector.broadcast %parallel_loop3A_263 : i32 to vector<16xi32>
      %parallel_loop3A_265 = arith.shrui %parallel_loop3A_262, %parallel_loop3A_264 : vector<16xi32>
      %parallel_loop3A_266 = arith.constant true
      %parallel_loop3A_267 = vector.broadcast %parallel_loop3A_266 : i1 to vector<16xi1>
      %parallel_loop3A_268, %parallel_loop3A_269 = tpu.scan_count mask(%parallel_loop3A_267 : vector<16xi1>) value(%parallel_loop3A_265 : vector<16xi32>) : vector<16xi1>, vector<16xi32>
      %parallel_loop3A_270 = arith.constant 1 : i32
      %parallel_loop3A_271 = vector.broadcast %parallel_loop3A_270 : i32 to vector<16xi32>
      %parallel_loop3A_272 = arith.subi %parallel_loop3A_269, %parallel_loop3A_271 : vector<16xi32>
      %parallel_loop3A_273 = arith.index_cast %parallel_loop3A_260 : i32 to index
      %parallel_loop3A_274 = tpu.vector_load %arg7[%parallel_loop3A_273] {strides = array<i32>} : memref<8192xi32, #tpu.memory_space<vmem>>, vector<16xi32>,
      tpu.vector_store %arg7[%parallel_loop3A_273], %parallel_loop3A_272 {strides = array<i32>} : memref<8192xi32, #tpu.memory_space<vmem>>, vector<16xi32>,
      %parallel_loop3A_275 = arith.addi %mul3A_3, %parallel_loop3A_260 : i32
      %parallel_loop3A_276 = vector.broadcast %parallel_loop3A_275 : i32 to vector<16xi32>
      %parallel_loop3A_277 = arith.addi %parallel_loop3A_276, %iota3A : vector<16xi32>
      %parallel_loop3A_278 = arith.constant 1048575 : i32
      %parallel_loop3A_279 = vector.broadcast %parallel_loop3A_278 : i32 to vector<16xi32>
      %parallel_loop3A_280 = arith.andi %parallel_loop3A_262, %parallel_loop3A_279 : vector<16xi32>
      %parallel_loop3A_281 = arith.index_cast %parallel_loop3A_260 : i32 to index
      %parallel_loop3A_282 = tpu.vector_load %arg6[%parallel_loop3A_281] {strides = array<i32>} : memref<8192xi32, #tpu.memory_space<vmem>>, vector<16xi32>,
      tpu.vector_store %arg6[%parallel_loop3A_281], %parallel_loop3A_280 {strides = array<i32>} : memref<8192xi32, #tpu.memory_space<vmem>>, vector<16xi32>,
      %parallel_loop3A_283 = arith.index_cast %parallel_loop3A_260 : i32 to index
      %parallel_loop3A_284 = tpu.vector_load %arg5[%parallel_loop3A_283] {strides = array<i32>} : memref<8192xi32, #tpu.memory_space<vmem>>, vector<16xi32>,
      tpu.vector_store %arg5[%parallel_loop3A_283], %parallel_loop3A_265 {strides = array<i32>} : memref<8192xi32, #tpu.memory_space<vmem>>, vector<16xi32>,
      tpu.vector_store_idx %arg12[%parallel_loop3A_265], %broadcast_in_dim3A_0 {add = true} : memref<512xi32, #tpu.memory_space<vmem>>[vector<16xi32>], vector<16xi32>,
    } {sc.loop_unroll_factor = 2 : i64, sc.parallel_access}
    %parallel_loop3A_44 = arith.constant 0 : i32
    %parallel_loop3A_45 = arith.constant 16 : i32
    %parallel_loop3A_46 = arith.constant 1 : i32
    scf.for %parallel_loop3A_172 = %parallel_loop3A_44 to %parallel_loop3A_45 step %parallel_loop3A_46  : i32 {
      %parallel_loop3A_173 = arith.constant 16 : i32
      %parallel_loop3A_174 = arith.muli %parallel_loop3A_172, %parallel_loop3A_173 : i32
      %parallel_loop3A_175 = arith.constant 16 : i32
      %parallel_loop3A_176 = arith.muli %parallel_loop3A_172, %parallel_loop3A_175 : i32
      %parallel_loop3A_177 = arith.index_cast %parallel_loop3A_176 : i32 to index
      %parallel_loop3A_178 = tpu.vector_load %arg9[%parallel_loop3A_177] {strides = array<i32>} : memref<512xi32, #tpu.memory_space<vmem>>, vector<16xi32>,
      %parallel_loop3A_179 = arith.addi %broadcast_in_dim3A_2, %parallel_loop3A_178 : vector<16xi32>
      %parallel_loop3A_180 = arith.constant 16 : i32
      %parallel_loop3A_181 = arith.muli %parallel_loop3A_172, %parallel_loop3A_180 : i32
      %parallel_loop3A_182 = arith.index_cast %parallel_loop3A_181 : i32 to index
      %parallel_loop3A_183 = tpu.vector_load %arg10[%parallel_loop3A_182] {strides = array<i32>} : memref<512xi32, #tpu.memory_space<vmem>>, vector<16xi32>,
      %parallel_loop3A_184 = arith.addi %parallel_loop3A_179, %parallel_loop3A_183 : vector<16xi32>
      %parallel_loop3A_185 = arith.constant 16 : i32
      %parallel_loop3A_186 = arith.muli %parallel_loop3A_172, %parallel_loop3A_185 : i32
      %parallel_loop3A_187 = arith.index_cast %parallel_loop3A_186 : i32 to index
      %parallel_loop3A_188 = tpu.vector_load %arg11[%parallel_loop3A_187] {strides = array<i32>} : memref<512xi32, #tpu.memory_space<vmem>>, vector<16xi32>,
      %parallel_loop3A_189 = arith.addi %parallel_loop3A_184, %parallel_loop3A_188 : vector<16xi32>
      %parallel_loop3A_190 = arith.constant 16 : i32
      %parallel_loop3A_191 = arith.muli %parallel_loop3A_172, %parallel_loop3A_190 : i32
      %parallel_loop3A_192 = arith.index_cast %parallel_loop3A_191 : i32 to index
      %parallel_loop3A_193 = tpu.vector_load %arg12[%parallel_loop3A_192] {strides = array<i32>} : memref<512xi32, #tpu.memory_space<vmem>>, vector<16xi32>,
      %parallel_loop3A_194 = arith.addi %parallel_loop3A_189, %parallel_loop3A_193 : vector<16xi32>
      %parallel_loop3A_195 = arith.index_cast %parallel_loop3A_174 : i32 to index
      %parallel_loop3A_196 = tpu.vector_load %arg13[%parallel_loop3A_195] {strides = array<i32>} : memref<512xi32, #tpu.memory_space<vmem>>, vector<16xi32>,
      tpu.vector_store %arg13[%parallel_loop3A_195], %parallel_loop3A_194 {strides = array<i32>} : memref<512xi32, #tpu.memory_space<vmem>>, vector<16xi32>,
    } {sc.loop_unroll_factor = 2 : i64, sc.parallel_access}
    "tpu.region"() ({
      %run_scoped3A = tpu.sem_alloc : memref<!tpu.dma_semaphore, #tpu.memory_space<semaphore_mem>>
      %dma_start3A_172 = arith.constant 0 : i32
      %dma_start3A_173 = tpu.memref_slice %arg20[%arg1, %dma_start3A_172] : memref<16x512xi32, #tpu.memory_space<vmem_shared>> -> memref<1x512xi32, #tpu.memory_space<vmem_shared>>
      %dma_start3A_174 = tpu.memref_squeeze %dma_start3A_173 : memref<1x512xi32, #tpu.memory_space<vmem_shared>> -> memref<512xi32, #tpu.memory_space<vmem_shared>>
      %dma_start3A_175 = arith.constant 0 : i32
      %dma_start3A_176 = tpu.memref_slice %arg20[%arg1, %dma_start3A_175] : memref<16x512xi32, #tpu.memory_space<vmem_shared>> -> memref<1x512xi32, #tpu.memory_space<vmem_shared>>
      %dma_start3A_177 = tpu.memref_squeeze %dma_start3A_176 : memref<1x512xi32, #tpu.memory_space<vmem_shared>> -> memref<512xi32, #tpu.memory_space<vmem_shared>>
      tpu.enqueue_dma source(%arg13 : memref<512xi32, #tpu.memory_space<vmem>>) target(%dma_start3A_177 : memref<512xi32, #tpu.memory_space<vmem_shared>>) target_semaphore(%run_scoped3A : memref<!tpu.dma_semaphore, #tpu.memory_space<semaphore_mem>>)
      %dma_wait3A_178 = arith.constant 0 : i32
      %dma_wait3A_179 = tpu.memref_slice %arg20[%arg1, %dma_wait3A_178] : memref<16x512xi32, #tpu.memory_space<vmem_shared>> -> memref<1x512xi32, #tpu.memory_space<vmem_shared>>
      %dma_wait3A_180 = tpu.memref_squeeze %dma_wait3A_179 : memref<1x512xi32, #tpu.memory_space<vmem_shared>> -> memref<512xi32, #tpu.memory_space<vmem_shared>>
      %dma_wait3A_181 = arith.constant 0 : i32
      %dma_wait3A_182 = tpu.memref_slice %arg20[%arg1, %dma_wait3A_181] : memref<16x512xi32, #tpu.memory_space<vmem_shared>> -> memref<1x512xi32, #tpu.memory_space<vmem_shared>>
      %dma_wait3A_183 = tpu.memref_squeeze %dma_wait3A_182 : memref<1x512xi32, #tpu.memory_space<vmem_shared>> -> memref<512xi32, #tpu.memory_space<vmem_shared>>
      tpu.wait_dma2 semaphore(%run_scoped3A : memref<!tpu.dma_semaphore, #tpu.memory_space<semaphore_mem>>) src(%arg13 : memref<512xi32, #tpu.memory_space<vmem>>) dst(%dma_wait3A_183 : memref<512xi32, #tpu.memory_space<vmem_shared>>)
      tpu.yield
    }) : () -> ()
    %barrier3A_47 = arith.constant 0 : index
    tpu.barrier barrier_id(%barrier3A_47)
    "tpu.region"() ({
      %run_scoped3A = tpu.sem_alloc : memref<!tpu.dma_semaphore, #tpu.memory_space<semaphore_mem>>
      tpu.enqueue_dma source(%arg20 : memref<16x512xi32, #tpu.memory_space<vmem_shared>>) target(%arg14 : memref<16x512xi32, #tpu.memory_space<vmem>>) target_semaphore(%run_scoped3A : memref<!tpu.dma_semaphore, #tpu.memory_space<semaphore_mem>>)
      tpu.wait_dma2 semaphore(%run_scoped3A : memref<!tpu.dma_semaphore, #tpu.memory_space<semaphore_mem>>) src(%arg20 : memref<16x512xi32, #tpu.memory_space<vmem_shared>>) dst(%arg14 : memref<16x512xi32, #tpu.memory_space<vmem>>)
      tpu.yield
    }) : () -> ()
    %parallel_loop3A_48 = arith.constant 0 : i32
    %parallel_loop3A_49 = arith.constant 16 : i32
    %parallel_loop3A_50 = arith.constant 1 : i32
    %parallel_loop3A_51 = arith.constant 0 : i32
    %parallel_loop3A_52 = scf.for %parallel_loop3A_172 = %parallel_loop3A_48 to %parallel_loop3A_49 step %parallel_loop3A_50 iter_args(%parallel_loop3A_173 = %parallel_loop3A_51) -> (i32)  : i32 {
      %parallel_loop3A_174 = arith.constant 16 : i32
      %parallel_loop3A_175 = arith.muli %parallel_loop3A_172, %parallel_loop3A_174 : i32
      %parallel_loop3A_176 = arith.constant 0 : i32
      %parallel_loop3A_177 = arith.index_cast %parallel_loop3A_176 : i32 to index
      %parallel_loop3A_178 = arith.index_cast %parallel_loop3A_175 : i32 to index
      %parallel_loop3A_179 = tpu.vector_load %arg14[%parallel_loop3A_177, %parallel_loop3A_178] {strides = array<i32>} : memref<16x512xi32, #tpu.memory_space<vmem>>, vector<16xi32>,
      %parallel_loop3A_180 = arith.addi %broadcast_in_dim3A_2, %parallel_loop3A_179 : vector<16xi32>
      %parallel_loop3A_181 = arith.constant 0 : i32
      %parallel_loop3A_182 = arith.cmpi sgt, %arg1, %parallel_loop3A_181 : i32
      %parallel_loop3A_183 = arith.extui %parallel_loop3A_182 : i1 to i32
      %parallel_loop3A_184 = vector.broadcast %parallel_loop3A_183 : i32 to vector<16xi32>
      %parallel_loop3A_185 = arith.muli %parallel_loop3A_179, %parallel_loop3A_184 : vector<16xi32>
      %parallel_loop3A_186 = arith.addi %broadcast_in_dim3A_2, %parallel_loop3A_185 : vector<16xi32>
      %parallel_loop3A_187 = arith.constant 1 : i32
      %parallel_loop3A_188 = arith.index_cast %parallel_loop3A_187 : i32 to index
      %parallel_loop3A_189 = arith.index_cast %parallel_loop3A_175 : i32 to index
      %parallel_loop3A_190 = tpu.vector_load %arg14[%parallel_loop3A_188, %parallel_loop3A_189] {strides = array<i32>} : memref<16x512xi32, #tpu.memory_space<vmem>>, vector<16xi32>,
      %parallel_loop3A_191 = arith.addi %parallel_loop3A_180, %parallel_loop3A_190 : vector<16xi32>
      %parallel_loop3A_192 = arith.constant 1 : i32
      %parallel_loop3A_193 = arith.cmpi sgt, %arg1, %parallel_loop3A_192 : i32
      %parallel_loop3A_194 = arith.extui %parallel_loop3A_193 : i1 to i32
      %parallel_loop3A_195 = vector.broadcast %parallel_loop3A_194 : i32 to vector<16xi32>
      %parallel_loop3A_196 = arith.muli %parallel_loop3A_190, %parallel_loop3A_195 : vector<16xi32>
      %parallel_loop3A_197 = arith.addi %parallel_loop3A_186, %parallel_loop3A_196 : vector<16xi32>
      %parallel_loop3A_198 = arith.constant 2 : i32
      %parallel_loop3A_199 = arith.index_cast %parallel_loop3A_198 : i32 to index
      %parallel_loop3A_200 = arith.index_cast %parallel_loop3A_175 : i32 to index
      %parallel_loop3A_201 = tpu.vector_load %arg14[%parallel_loop3A_199, %parallel_loop3A_200] {strides = array<i32>} : memref<16x512xi32, #tpu.memory_space<vmem>>, vector<16xi32>,
      %parallel_loop3A_202 = arith.addi %parallel_loop3A_191, %parallel_loop3A_201 : vector<16xi32>
      %parallel_loop3A_203 = arith.constant 2 : i32
      %parallel_loop3A_204 = arith.cmpi sgt, %arg1, %parallel_loop3A_203 : i32
      %parallel_loop3A_205 = arith.extui %parallel_loop3A_204 : i1 to i32
      %parallel_loop3A_206 = vector.broadcast %parallel_loop3A_205 : i32 to vector<16xi32>
      %parallel_loop3A_207 = arith.muli %parallel_loop3A_201, %parallel_loop3A_206 : vector<16xi32>
      %parallel_loop3A_208 = arith.addi %parallel_loop3A_197, %parallel_loop3A_207 : vector<16xi32>
      %parallel_loop3A_209 = arith.constant 3 : i32
      %parallel_loop3A_210 = arith.index_cast %parallel_loop3A_209 : i32 to index
      %parallel_loop3A_211 = arith.index_cast %parallel_loop3A_175 : i32 to index
      %parallel_loop3A_212 = tpu.vector_load %arg14[%parallel_loop3A_210, %parallel_loop3A_211] {strides = array<i32>} : memref<16x512xi32, #tpu.memory_space<vmem>>, vector<16xi32>,
      %parallel_loop3A_213 = arith.addi %parallel_loop3A_202, %parallel_loop3A_212 : vector<16xi32>
      %parallel_loop3A_214 = arith.constant 3 : i32
      %parallel_loop3A_215 = arith.cmpi sgt, %arg1, %parallel_loop3A_214 : i32
      %parallel_loop3A_216 = arith.extui %parallel_loop3A_215 : i1 to i32
      %parallel_loop3A_217 = vector.broadcast %parallel_loop3A_216 : i32 to vector<16xi32>
      %parallel_loop3A_218 = arith.muli %parallel_loop3A_212, %parallel_loop3A_217 : vector<16xi32>
      %parallel_loop3A_219 = arith.addi %parallel_loop3A_208, %parallel_loop3A_218 : vector<16xi32>
      %parallel_loop3A_220 = arith.constant 4 : i32
      %parallel_loop3A_221 = arith.index_cast %parallel_loop3A_220 : i32 to index
      %parallel_loop3A_222 = arith.index_cast %parallel_loop3A_175 : i32 to index
      %parallel_loop3A_223 = tpu.vector_load %arg14[%parallel_loop3A_221, %parallel_loop3A_222] {strides = array<i32>} : memref<16x512xi32, #tpu.memory_space<vmem>>, vector<16xi32>,
      %parallel_loop3A_224 = arith.addi %parallel_loop3A_213, %parallel_loop3A_223 : vector<16xi32>
      %parallel_loop3A_225 = arith.constant 4 : i32
      %parallel_loop3A_226 = arith.cmpi sgt, %arg1, %parallel_loop3A_225 : i32
      %parallel_loop3A_227 = arith.extui %parallel_loop3A_226 : i1 to i32
      %parallel_loop3A_228 = vector.broadcast %parallel_loop3A_227 : i32 to vector<16xi32>
      %parallel_loop3A_229 = arith.muli %parallel_loop3A_223, %parallel_loop3A_228 : vector<16xi32>
      %parallel_loop3A_230 = arith.addi %parallel_loop3A_219, %parallel_loop3A_229 : vector<16xi32>
      %parallel_loop3A_231 = arith.constant 5 : i32
      %parallel_loop3A_232 = arith.index_cast %parallel_loop3A_231 : i32 to index
      %parallel_loop3A_233 = arith.index_cast %parallel_loop3A_175 : i32 to index
      %parallel_loop3A_234 = tpu.vector_load %arg14[%parallel_loop3A_232, %parallel_loop3A_233] {strides = array<i32>} : memref<16x512xi32, #tpu.memory_space<vmem>>, vector<16xi32>,
      %parallel_loop3A_235 = arith.addi %parallel_loop3A_224, %parallel_loop3A_234 : vector<16xi32>
      %parallel_loop3A_236 = arith.constant 5 : i32
      %parallel_loop3A_237 = arith.cmpi sgt, %arg1, %parallel_loop3A_236 : i32
      %parallel_loop3A_238 = arith.extui %parallel_loop3A_237 : i1 to i32
      %parallel_loop3A_239 = vector.broadcast %parallel_loop3A_238 : i32 to vector<16xi32>
      %parallel_loop3A_240 = arith.muli %parallel_loop3A_234, %parallel_loop3A_239 : vector<16xi32>
      %parallel_loop3A_241 = arith.addi %parallel_loop3A_230, %parallel_loop3A_240 : vector<16xi32>
      %parallel_loop3A_242 = arith.constant 6 : i32
      %parallel_loop3A_243 = arith.index_cast %parallel_loop3A_242 : i32 to index
      %parallel_loop3A_244 = arith.index_cast %parallel_loop3A_175 : i32 to index
      %parallel_loop3A_245 = tpu.vector_load %arg14[%parallel_loop3A_243, %parallel_loop3A_244] {strides = array<i32>} : memref<16x512xi32, #tpu.memory_space<vmem>>, vector<16xi32>,
      %parallel_loop3A_246 = arith.addi %parallel_loop3A_235, %parallel_loop3A_245 : vector<16xi32>
      %parallel_loop3A_247 = arith.constant 6 : i32
      %parallel_loop3A_248 = arith.cmpi sgt, %arg1, %parallel_loop3A_247 : i32
      %parallel_loop3A_249 = arith.extui %parallel_loop3A_248 : i1 to i32
      %parallel_loop3A_250 = vector.broadcast %parallel_loop3A_249 : i32 to vector<16xi32>
      %parallel_loop3A_251 = arith.muli %parallel_loop3A_245, %parallel_loop3A_250 : vector<16xi32>
      %parallel_loop3A_252 = arith.addi %parallel_loop3A_241, %parallel_loop3A_251 : vector<16xi32>
      %parallel_loop3A_253 = arith.constant 7 : i32
      %parallel_loop3A_254 = arith.index_cast %parallel_loop3A_253 : i32 to index
      %parallel_loop3A_255 = arith.index_cast %parallel_loop3A_175 : i32 to index
      %parallel_loop3A_256 = tpu.vector_load %arg14[%parallel_loop3A_254, %parallel_loop3A_255] {strides = array<i32>} : memref<16x512xi32, #tpu.memory_space<vmem>>, vector<16xi32>,
      %parallel_loop3A_257 = arith.addi %parallel_loop3A_246, %parallel_loop3A_256 : vector<16xi32>
      %parallel_loop3A_258 = arith.constant 7 : i32
      %parallel_loop3A_259 = arith.cmpi sgt, %arg1, %parallel_loop3A_258 : i32
      %parallel_loop3A_260 = arith.extui %parallel_loop3A_259 : i1 to i32
      %parallel_loop3A_261 = vector.broadcast %parallel_loop3A_260 : i32 to vector<16xi32>
      %parallel_loop3A_262 = arith.muli %parallel_loop3A_256, %parallel_loop3A_261 : vector<16xi32>
      %parallel_loop3A_263 = arith.addi %parallel_loop3A_252, %parallel_loop3A_262 : vector<16xi32>
      %parallel_loop3A_264 = arith.constant 8 : i32
      %parallel_loop3A_265 = arith.index_cast %parallel_loop3A_264 : i32 to index
      %parallel_loop3A_266 = arith.index_cast %parallel_loop3A_175 : i32 to index
      %parallel_loop3A_267 = tpu.vector_load %arg14[%parallel_loop3A_265, %parallel_loop3A_266] {strides = array<i32>} : memref<16x512xi32, #tpu.memory_space<vmem>>, vector<16xi32>,
      %parallel_loop3A_268 = arith.addi %parallel_loop3A_257, %parallel_loop3A_267 : vector<16xi32>
      %parallel_loop3A_269 = arith.constant 8 : i32
      %parallel_loop3A_270 = arith.cmpi sgt, %arg1, %parallel_loop3A_269 : i32
      %parallel_loop3A_271 = arith.extui %parallel_loop3A_270 : i1 to i32
      %parallel_loop3A_272 = vector.broadcast %parallel_loop3A_271 : i32 to vector<16xi32>
      %parallel_loop3A_273 = arith.muli %parallel_loop3A_267, %parallel_loop3A_272 : vector<16xi32>
      %parallel_loop3A_274 = arith.addi %parallel_loop3A_263, %parallel_loop3A_273 : vector<16xi32>
      %parallel_loop3A_275 = arith.constant 9 : i32
      %parallel_loop3A_276 = arith.index_cast %parallel_loop3A_275 : i32 to index
      %parallel_loop3A_277 = arith.index_cast %parallel_loop3A_175 : i32 to index
      %parallel_loop3A_278 = tpu.vector_load %arg14[%parallel_loop3A_276, %parallel_loop3A_277] {strides = array<i32>} : memref<16x512xi32, #tpu.memory_space<vmem>>, vector<16xi32>,
      %parallel_loop3A_279 = arith.addi %parallel_loop3A_268, %parallel_loop3A_278 : vector<16xi32>
      %parallel_loop3A_280 = arith.constant 9 : i32
      %parallel_loop3A_281 = arith.cmpi sgt, %arg1, %parallel_loop3A_280 : i32
      %parallel_loop3A_282 = arith.extui %parallel_loop3A_281 : i1 to i32
      %parallel_loop3A_283 = vector.broadcast %parallel_loop3A_282 : i32 to vector<16xi32>
      %parallel_loop3A_284 = arith.muli %parallel_loop3A_278, %parallel_loop3A_283 : vector<16xi32>
      %parallel_loop3A_285 = arith.addi %parallel_loop3A_274, %parallel_loop3A_284 : vector<16xi32>
      %parallel_loop3A_286 = arith.constant 10 : i32
      %parallel_loop3A_287 = arith.index_cast %parallel_loop3A_286 : i32 to index
      %parallel_loop3A_288 = arith.index_cast %parallel_loop3A_175 : i32 to index
      %parallel_loop3A_289 = tpu.vector_load %arg14[%parallel_loop3A_287, %parallel_loop3A_288] {strides = array<i32>} : memref<16x512xi32, #tpu.memory_space<vmem>>, vector<16xi32>,
      %parallel_loop3A_290 = arith.addi %parallel_loop3A_279, %parallel_loop3A_289 : vector<16xi32>
      %parallel_loop3A_291 = arith.constant 10 : i32
      %parallel_loop3A_292 = arith.cmpi sgt, %arg1, %parallel_loop3A_291 : i32
      %parallel_loop3A_293 = arith.extui %parallel_loop3A_292 : i1 to i32
      %parallel_loop3A_294 = vector.broadcast %parallel_loop3A_293 : i32 to vector<16xi32>
      %parallel_loop3A_295 = arith.muli %parallel_loop3A_289, %parallel_loop3A_294 : vector<16xi32>
      %parallel_loop3A_296 = arith.addi %parallel_loop3A_285, %parallel_loop3A_295 : vector<16xi32>
      %parallel_loop3A_297 = arith.constant 11 : i32
      %parallel_loop3A_298 = arith.index_cast %parallel_loop3A_297 : i32 to index
      %parallel_loop3A_299 = arith.index_cast %parallel_loop3A_175 : i32 to index
      %parallel_loop3A_300 = tpu.vector_load %arg14[%parallel_loop3A_298, %parallel_loop3A_299] {strides = array<i32>} : memref<16x512xi32, #tpu.memory_space<vmem>>, vector<16xi32>,
      %parallel_loop3A_301 = arith.addi %parallel_loop3A_290, %parallel_loop3A_300 : vector<16xi32>
      %parallel_loop3A_302 = arith.constant 11 : i32
      %parallel_loop3A_303 = arith.cmpi sgt, %arg1, %parallel_loop3A_302 : i32
      %parallel_loop3A_304 = arith.extui %parallel_loop3A_303 : i1 to i32
      %parallel_loop3A_305 = vector.broadcast %parallel_loop3A_304 : i32 to vector<16xi32>
      %parallel_loop3A_306 = arith.muli %parallel_loop3A_300, %parallel_loop3A_305 : vector<16xi32>
      %parallel_loop3A_307 = arith.addi %parallel_loop3A_296, %parallel_loop3A_306 : vector<16xi32>
      %parallel_loop3A_308 = arith.constant 12 : i32
      %parallel_loop3A_309 = arith.index_cast %parallel_loop3A_308 : i32 to index
      %parallel_loop3A_310 = arith.index_cast %parallel_loop3A_175 : i32 to index
      %parallel_loop3A_311 = tpu.vector_load %arg14[%parallel_loop3A_309, %parallel_loop3A_310] {strides = array<i32>} : memref<16x512xi32, #tpu.memory_space<vmem>>, vector<16xi32>,
      %parallel_loop3A_312 = arith.addi %parallel_loop3A_301, %parallel_loop3A_311 : vector<16xi32>
      %parallel_loop3A_313 = arith.constant 12 : i32
      %parallel_loop3A_314 = arith.cmpi sgt, %arg1, %parallel_loop3A_313 : i32
      %parallel_loop3A_315 = arith.extui %parallel_loop3A_314 : i1 to i32
      %parallel_loop3A_316 = vector.broadcast %parallel_loop3A_315 : i32 to vector<16xi32>
      %parallel_loop3A_317 = arith.muli %parallel_loop3A_311, %parallel_loop3A_316 : vector<16xi32>
      %parallel_loop3A_318 = arith.addi %parallel_loop3A_307, %parallel_loop3A_317 : vector<16xi32>
      %parallel_loop3A_319 = arith.constant 13 : i32
      %parallel_loop3A_320 = arith.index_cast %parallel_loop3A_319 : i32 to index
      %parallel_loop3A_321 = arith.index_cast %parallel_loop3A_175 : i32 to index
      %parallel_loop3A_322 = tpu.vector_load %arg14[%parallel_loop3A_320, %parallel_loop3A_321] {strides = array<i32>} : memref<16x512xi32, #tpu.memory_space<vmem>>, vector<16xi32>,
      %parallel_loop3A_323 = arith.addi %parallel_loop3A_312, %parallel_loop3A_322 : vector<16xi32>
      %parallel_loop3A_324 = arith.constant 13 : i32
      %parallel_loop3A_325 = arith.cmpi sgt, %arg1, %parallel_loop3A_324 : i32
      %parallel_loop3A_326 = arith.extui %parallel_loop3A_325 : i1 to i32
      %parallel_loop3A_327 = vector.broadcast %parallel_loop3A_326 : i32 to vector<16xi32>
      %parallel_loop3A_328 = arith.muli %parallel_loop3A_322, %parallel_loop3A_327 : vector<16xi32>
      %parallel_loop3A_329 = arith.addi %parallel_loop3A_318, %parallel_loop3A_328 : vector<16xi32>
      %parallel_loop3A_330 = arith.constant 14 : i32
      %parallel_loop3A_331 = arith.index_cast %parallel_loop3A_330 : i32 to index
      %parallel_loop3A_332 = arith.index_cast %parallel_loop3A_175 : i32 to index
      %parallel_loop3A_333 = tpu.vector_load %arg14[%parallel_loop3A_331, %parallel_loop3A_332] {strides = array<i32>} : memref<16x512xi32, #tpu.memory_space<vmem>>, vector<16xi32>,
      %parallel_loop3A_334 = arith.addi %parallel_loop3A_323, %parallel_loop3A_333 : vector<16xi32>
      %parallel_loop3A_335 = arith.constant 14 : i32
      %parallel_loop3A_336 = arith.cmpi sgt, %arg1, %parallel_loop3A_335 : i32
      %parallel_loop3A_337 = arith.extui %parallel_loop3A_336 : i1 to i32
      %parallel_loop3A_338 = vector.broadcast %parallel_loop3A_337 : i32 to vector<16xi32>
      %parallel_loop3A_339 = arith.muli %parallel_loop3A_333, %parallel_loop3A_338 : vector<16xi32>
      %parallel_loop3A_340 = arith.addi %parallel_loop3A_329, %parallel_loop3A_339 : vector<16xi32>
      %parallel_loop3A_341 = arith.constant 15 : i32
      %parallel_loop3A_342 = arith.index_cast %parallel_loop3A_341 : i32 to index
      %parallel_loop3A_343 = arith.index_cast %parallel_loop3A_175 : i32 to index
      %parallel_loop3A_344 = tpu.vector_load %arg14[%parallel_loop3A_342, %parallel_loop3A_343] {strides = array<i32>} : memref<16x512xi32, #tpu.memory_space<vmem>>, vector<16xi32>,
      %parallel_loop3A_345 = arith.addi %parallel_loop3A_334, %parallel_loop3A_344 : vector<16xi32>
      %parallel_loop3A_346 = arith.constant 15 : i32
      %parallel_loop3A_347 = arith.cmpi sgt, %arg1, %parallel_loop3A_346 : i32
      %parallel_loop3A_348 = arith.extui %parallel_loop3A_347 : i1 to i32
      %parallel_loop3A_349 = vector.broadcast %parallel_loop3A_348 : i32 to vector<16xi32>
      %parallel_loop3A_350 = arith.muli %parallel_loop3A_344, %parallel_loop3A_349 : vector<16xi32>
      %parallel_loop3A_351 = arith.addi %parallel_loop3A_340, %parallel_loop3A_350 : vector<16xi32>
      %parallel_loop3A_352 = arith.constant true
      %parallel_loop3A_353 = vector.broadcast %parallel_loop3A_352 : i1 to vector<16xi1>
      %parallel_loop3A_354 = tpu.scan <sum>, %parallel_loop3A_345 masked %parallel_loop3A_353 : vector<16xi32>, vector<16xi1> -> vector<16xi32>
      %parallel_loop3A_355 = arith.subi %parallel_loop3A_354, %parallel_loop3A_345 : vector<16xi32>
      %parallel_loop3A_356 = vector.broadcast %parallel_loop3A_173 : i32 to vector<16xi32>
      %parallel_loop3A_357 = arith.addi %parallel_loop3A_355, %parallel_loop3A_356 : vector<16xi32>
      %parallel_loop3A_358 = arith.addi %parallel_loop3A_357, %parallel_loop3A_351 : vector<16xi32>
      %parallel_loop3A_359 = arith.constant 16 : i32
      %parallel_loop3A_360 = arith.muli %parallel_loop3A_172, %parallel_loop3A_359 : i32
      %parallel_loop3A_361 = arith.index_cast %parallel_loop3A_360 : i32 to index
      %parallel_loop3A_362 = tpu.vector_load %arg9[%parallel_loop3A_361] {strides = array<i32>} : memref<512xi32, #tpu.memory_space<vmem>>, vector<16xi32>,
      %parallel_loop3A_363 = arith.constant 16 : i32
      %parallel_loop3A_364 = arith.muli %parallel_loop3A_172, %parallel_loop3A_363 : i32
      %parallel_loop3A_365 = arith.index_cast %parallel_loop3A_364 : i32 to index
      %parallel_loop3A_366 = tpu.vector_load %arg9[%parallel_loop3A_365] {strides = array<i32>} : memref<512xi32, #tpu.memory_space<vmem>>, vector<16xi32>,
      tpu.vector_store %arg9[%parallel_loop3A_365], %parallel_loop3A_358 {strides = array<i32>} : memref<512xi32, #tpu.memory_space<vmem>>, vector<16xi32>,
      %parallel_loop3A_367 = arith.addi %parallel_loop3A_358, %parallel_loop3A_362 : vector<16xi32>
      %parallel_loop3A_368 = arith.constant 16 : i32
      %parallel_loop3A_369 = arith.muli %parallel_loop3A_172, %parallel_loop3A_368 : i32
      %parallel_loop3A_370 = arith.index_cast %parallel_loop3A_369 : i32 to index
      %parallel_loop3A_371 = tpu.vector_load %arg10[%parallel_loop3A_370] {strides = array<i32>} : memref<512xi32, #tpu.memory_space<vmem>>, vector<16xi32>,
      %parallel_loop3A_372 = arith.constant 16 : i32
      %parallel_loop3A_373 = arith.muli %parallel_loop3A_172, %parallel_loop3A_372 : i32
      %parallel_loop3A_374 = arith.index_cast %parallel_loop3A_373 : i32 to index
      %parallel_loop3A_375 = tpu.vector_load %arg10[%parallel_loop3A_374] {strides = array<i32>} : memref<512xi32, #tpu.memory_space<vmem>>, vector<16xi32>,
      tpu.vector_store %arg10[%parallel_loop3A_374], %parallel_loop3A_367 {strides = array<i32>} : memref<512xi32, #tpu.memory_space<vmem>>, vector<16xi32>,
      %parallel_loop3A_376 = arith.addi %parallel_loop3A_367, %parallel_loop3A_371 : vector<16xi32>
      %parallel_loop3A_377 = arith.constant 16 : i32
      %parallel_loop3A_378 = arith.muli %parallel_loop3A_172, %parallel_loop3A_377 : i32
      %parallel_loop3A_379 = arith.index_cast %parallel_loop3A_378 : i32 to index
      %parallel_loop3A_380 = tpu.vector_load %arg11[%parallel_loop3A_379] {strides = array<i32>} : memref<512xi32, #tpu.memory_space<vmem>>, vector<16xi32>,
      %parallel_loop3A_381 = arith.constant 16 : i32
      %parallel_loop3A_382 = arith.muli %parallel_loop3A_172, %parallel_loop3A_381 : i32
      %parallel_loop3A_383 = arith.index_cast %parallel_loop3A_382 : i32 to index
      %parallel_loop3A_384 = tpu.vector_load %arg11[%parallel_loop3A_383] {strides = array<i32>} : memref<512xi32, #tpu.memory_space<vmem>>, vector<16xi32>,
      tpu.vector_store %arg11[%parallel_loop3A_383], %parallel_loop3A_376 {strides = array<i32>} : memref<512xi32, #tpu.memory_space<vmem>>, vector<16xi32>,
      %parallel_loop3A_385 = arith.addi %parallel_loop3A_376, %parallel_loop3A_380 : vector<16xi32>
      %parallel_loop3A_386 = arith.constant 16 : i32
      %parallel_loop3A_387 = arith.muli %parallel_loop3A_172, %parallel_loop3A_386 : i32
      %parallel_loop3A_388 = arith.index_cast %parallel_loop3A_387 : i32 to index
      %parallel_loop3A_389 = tpu.vector_load %arg12[%parallel_loop3A_388] {strides = array<i32>} : memref<512xi32, #tpu.memory_space<vmem>>, vector<16xi32>,
      %parallel_loop3A_390 = arith.constant 16 : i32
      %parallel_loop3A_391 = arith.muli %parallel_loop3A_172, %parallel_loop3A_390 : i32
      %parallel_loop3A_392 = arith.index_cast %parallel_loop3A_391 : i32 to index
      %parallel_loop3A_393 = tpu.vector_load %arg12[%parallel_loop3A_392] {strides = array<i32>} : memref<512xi32, #tpu.memory_space<vmem>>, vector<16xi32>,
      tpu.vector_store %arg12[%parallel_loop3A_392], %parallel_loop3A_385 {strides = array<i32>} : memref<512xi32, #tpu.memory_space<vmem>>, vector<16xi32>,
      %parallel_loop3A_394 = arith.addi %parallel_loop3A_385, %parallel_loop3A_389 : vector<16xi32>
      %parallel_loop3A_395 = arith.constant true
      %parallel_loop3A_396 = vector.broadcast %parallel_loop3A_395 : i1 to vector<16xi1>
      %parallel_loop3A_397 = tpu.scan <sum>, %parallel_loop3A_345 masked %parallel_loop3A_396 : vector<16xi32>, vector<16xi1> -> vector<16xi32>
      %parallel_loop3A_398 = vector.extract %parallel_loop3A_397[15] : i32 from vector<16xi32>
      %parallel_loop3A_399 = arith.addi %parallel_loop3A_173, %parallel_loop3A_398 : i32
      scf.yield %parallel_loop3A_399 : i32
    } {sc.loop_unroll_factor = 1 : i64, sc.parallel_access}
    %scan3A_53 = arith.constant 0 : i32
    %scan3A_54 = arith.constant 0 : i32
    %scan3A_55 = arith.constant 128 : i32
    %scan3A_56 = arith.addi %scan3A_54, %scan3A_55 : i32
    %scan3A_57 = arith.constant 1 : i32
    %scan3A_58 = scf.for %scan3A_172 = %scan3A_54 to %scan3A_56 step %scan3A_57 iter_args(%scan3A_173 = %scan3A_53) -> (i32)  : i32 {
      %mul3A_174 = arith.constant 16 : i32
      %mul3A_175 = arith.muli %scan3A_172, %mul3A_174 : i32
      %add3A_176 = arith.constant 0 : i32
      %add3A_177 = arith.addi %add3A_176, %mul3A_175 : i32
      %get3A = arith.index_cast %add3A_177 : i32 to index
      %get3A_178 = tpu.vector_load %arg5[%get3A] {strides = array<i32>} : memref<8192xi32, #tpu.memory_space<vmem>>, vector<16xi32>,
      %gather3A = tpu.vector_load_idx %arg9[%get3A_178] : memref<512xi32, #tpu.memory_space<vmem>>[vector<16xi32>], vector<16xi32>,
      %jit3A = arith.constant 8 : i32
      %div3A = arith.divsi %scan3A_172, %jit3A : i32
      %sign3A = arith.constant 0 : i32
      %sign3A_179 = arith.cmpi sgt, %scan3A_172, %sign3A : i32
      %sign3A_180 = arith.extui %sign3A_179 : i1 to i32
      %sign3A_181 = arith.constant 0 : i32
      %sign3A_182 = arith.cmpi slt, %scan3A_172, %sign3A_181 : i32
      %sign3A_183 = arith.extui %sign3A_182 : i1 to i32
      %sign3A_184 = arith.subi %sign3A_180, %sign3A_183 : i32
      %sign3A_185 = arith.constant 0 : i32
      %sign3A_186 = arith.cmpi sgt, %jit3A, %sign3A_185 : i32
      %sign3A_187 = arith.extui %sign3A_186 : i1 to i32
      %sign3A_188 = arith.constant 0 : i32
      %sign3A_189 = arith.cmpi slt, %jit3A, %sign3A_188 : i32
      %sign3A_190 = arith.extui %sign3A_189 : i1 to i32
      %sign3A_191 = arith.subi %sign3A_187, %sign3A_190 : i32
      %ne3A = arith.cmpi ne, %sign3A_184, %sign3A_191 : i32
      %rem3A = arith.remsi %scan3A_172, %jit3A : i32
      %ne3A_192 = arith.constant 0 : i32
      %ne3A_193 = arith.cmpi ne, %rem3A, %ne3A_192 : i32
      %and3A = arith.andi %ne3A, %ne3A_193 : i1
      %sub3A = arith.constant 1 : i32
      %sub3A_194 = arith.subi %div3A, %sub3A : i32
      %select_n3A = arith.select %and3A, %sub3A_194, %div3A : i32
      %add3A_195 = arith.constant 0 : i32
      %add3A_196 = arith.addi %add3A_195, %select_n3A : i32
      %get3A_197 = arith.index_cast %add3A_177 : i32 to index
      %get3A_198 = tpu.vector_load %arg7[%get3A_197] {strides = array<i32>} : memref<8192xi32, #tpu.memory_space<vmem>>, vector<16xi32>,
      %add3A_199 = arith.addi %gather3A, %get3A_198 : vector<16xi32>
      %jit3A_200 = arith.constant 8 : i32
      %eq3A = arith.constant 0 : i32
      %eq3A_201 = arith.cmpi eq, %jit3A_200, %eq3A : i32
      %jit3A_202 = arith.constant 1 : i32
      %select_n3A_203 = arith.select %eq3A_201, %jit3A_202, %jit3A_200 : i32
      %rem3A_204 = arith.remsi %scan3A_172, %select_n3A_203 : i32
      %ne3A_205 = arith.constant 0 : i32
      %ne3A_206 = arith.cmpi ne, %rem3A_204, %ne3A_205 : i32
      %lt3A = arith.constant 0 : i32
      %lt3A_207 = arith.cmpi slt, %rem3A_204, %lt3A : i32
      %lt3A_208 = arith.constant 0 : i32
      %lt3A_209 = arith.cmpi slt, %select_n3A_203, %lt3A_208 : i32
      %ne3A_210 = arith.xori %lt3A_207, %lt3A_209 : i1
      %and3A_211 = arith.andi %ne3A_210, %ne3A_206 : i1
      %add3A_212 = arith.addi %rem3A_204, %select_n3A_203 : i32
      %select_n3A_213 = arith.select %and3A_211, %add3A_212, %rem3A_204 : i32
      %mul3A_214 = arith.constant 16 : i32
      %mul3A_215 = arith.muli %select_n3A_213, %mul3A_214 : i32
      %swap3A = arith.index_cast %add3A_196 : i32 to index
      %swap3A_216 = arith.index_cast %mul3A_215 : i32 to index
      %swap3A_217 = tpu.vector_load %arg8[%swap3A, %swap3A_216] {strides = array<i32>} : memref<64x128xi32, #tpu.memory_space<vmem>>, vector<16xi32>,
      tpu.vector_store %arg8[%swap3A, %swap3A_216], %add3A_199 {strides = array<i32>} : memref<64x128xi32, #tpu.memory_space<vmem>>, vector<16xi32>,
      tpu.vector_store_idx %arg9[%get3A_178], %broadcast_in_dim3A_0 {add = true} : memref<512xi32, #tpu.memory_space<vmem>>[vector<16xi32>], vector<16xi32>,
      %mul3A_218 = arith.constant 16 : i32
      %mul3A_219 = arith.muli %scan3A_172, %mul3A_218 : i32
      %add3A_220 = arith.constant 2048 : i32
      %add3A_221 = arith.addi %add3A_220, %mul3A_219 : i32
      %get3A_222 = arith.index_cast %add3A_221 : i32 to index
      %get3A_223 = tpu.vector_load %arg5[%get3A_222] {strides = array<i32>} : memref<8192xi32, #tpu.memory_space<vmem>>, vector<16xi32>,
      %gather3A_224 = tpu.vector_load_idx %arg10[%get3A_223] : memref<512xi32, #tpu.memory_space<vmem>>[vector<16xi32>], vector<16xi32>,
      %jit3A_225 = arith.constant 8 : i32
      %div3A_226 = arith.divsi %scan3A_172, %jit3A_225 : i32
      %sign3A_227 = arith.constant 0 : i32
      %sign3A_228 = arith.cmpi sgt, %scan3A_172, %sign3A_227 : i32
      %sign3A_229 = arith.extui %sign3A_228 : i1 to i32
      %sign3A_230 = arith.constant 0 : i32
      %sign3A_231 = arith.cmpi slt, %scan3A_172, %sign3A_230 : i32
      %sign3A_232 = arith.extui %sign3A_231 : i1 to i32
      %sign3A_233 = arith.subi %sign3A_229, %sign3A_232 : i32
      %sign3A_234 = arith.constant 0 : i32
      %sign3A_235 = arith.cmpi sgt, %jit3A_225, %sign3A_234 : i32
      %sign3A_236 = arith.extui %sign3A_235 : i1 to i32
      %sign3A_237 = arith.constant 0 : i32
      %sign3A_238 = arith.cmpi slt, %jit3A_225, %sign3A_237 : i32
      %sign3A_239 = arith.extui %sign3A_238 : i1 to i32
      %sign3A_240 = arith.subi %sign3A_236, %sign3A_239 : i32
      %ne3A_241 = arith.cmpi ne, %sign3A_233, %sign3A_240 : i32
      %rem3A_242 = arith.remsi %scan3A_172, %jit3A_225 : i32
      %ne3A_243 = arith.constant 0 : i32
      %ne3A_244 = arith.cmpi ne, %rem3A_242, %ne3A_243 : i32
      %and3A_245 = arith.andi %ne3A_241, %ne3A_244 : i1
      %sub3A_246 = arith.constant 1 : i32
      %sub3A_247 = arith.subi %div3A_226, %sub3A_246 : i32
      %select_n3A_248 = arith.select %and3A_245, %sub3A_247, %div3A_226 : i32
      %add3A_249 = arith.constant 16 : i32
      %add3A_250 = arith.addi %add3A_249, %select_n3A_248 : i32
      %get3A_251 = arith.index_cast %add3A_221 : i32 to index
      %get3A_252 = tpu.vector_load %arg7[%get3A_251] {strides = array<i32>} : memref<8192xi32, #tpu.memory_space<vmem>>, vector<16xi32>,
      %add3A_253 = arith.addi %gather3A_224, %get3A_252 : vector<16xi32>
      %jit3A_254 = arith.constant 8 : i32
      %eq3A_255 = arith.constant 0 : i32
      %eq3A_256 = arith.cmpi eq, %jit3A_254, %eq3A_255 : i32
      %jit3A_257 = arith.constant 1 : i32
      %select_n3A_258 = arith.select %eq3A_256, %jit3A_257, %jit3A_254 : i32
      %rem3A_259 = arith.remsi %scan3A_172, %select_n3A_258 : i32
      %ne3A_260 = arith.constant 0 : i32
      %ne3A_261 = arith.cmpi ne, %rem3A_259, %ne3A_260 : i32
      %lt3A_262 = arith.constant 0 : i32
      %lt3A_263 = arith.cmpi slt, %rem3A_259, %lt3A_262 : i32
      %lt3A_264 = arith.constant 0 : i32
      %lt3A_265 = arith.cmpi slt, %select_n3A_258, %lt3A_264 : i32
      %ne3A_266 = arith.xori %lt3A_263, %lt3A_265 : i1
      %and3A_267 = arith.andi %ne3A_266, %ne3A_261 : i1
      %add3A_268 = arith.addi %rem3A_259, %select_n3A_258 : i32
      %select_n3A_269 = arith.select %and3A_267, %add3A_268, %rem3A_259 : i32
      %mul3A_270 = arith.constant 16 : i32
      %mul3A_271 = arith.muli %select_n3A_269, %mul3A_270 : i32
      %swap3A_272 = arith.index_cast %add3A_250 : i32 to index
      %swap3A_273 = arith.index_cast %mul3A_271 : i32 to index
      %swap3A_274 = tpu.vector_load %arg8[%swap3A_272, %swap3A_273] {strides = array<i32>} : memref<64x128xi32, #tpu.memory_space<vmem>>, vector<16xi32>,
      tpu.vector_store %arg8[%swap3A_272, %swap3A_273], %add3A_253 {strides = array<i32>} : memref<64x128xi32, #tpu.memory_space<vmem>>, vector<16xi32>,
      tpu.vector_store_idx %arg10[%get3A_223], %broadcast_in_dim3A_0 {add = true} : memref<512xi32, #tpu.memory_space<vmem>>[vector<16xi32>], vector<16xi32>,
      %mul3A_275 = arith.constant 16 : i32
      %mul3A_276 = arith.muli %scan3A_172, %mul3A_275 : i32
      %add3A_277 = arith.constant 4096 : i32
      %add3A_278 = arith.addi %add3A_277, %mul3A_276 : i32
      %get3A_279 = arith.index_cast %add3A_278 : i32 to index
      %get3A_280 = tpu.vector_load %arg5[%get3A_279] {strides = array<i32>} : memref<8192xi32, #tpu.memory_space<vmem>>, vector<16xi32>,
      %gather3A_281 = tpu.vector_load_idx %arg11[%get3A_280] : memref<512xi32, #tpu.memory_space<vmem>>[vector<16xi32>], vector<16xi32>,
      %jit3A_282 = arith.constant 8 : i32
      %div3A_283 = arith.divsi %scan3A_172, %jit3A_282 : i32
      %sign3A_284 = arith.constant 0 : i32
      %sign3A_285 = arith.cmpi sgt, %scan3A_172, %sign3A_284 : i32
      %sign3A_286 = arith.extui %sign3A_285 : i1 to i32
      %sign3A_287 = arith.constant 0 : i32
      %sign3A_288 = arith.cmpi slt, %scan3A_172, %sign3A_287 : i32
      %sign3A_289 = arith.extui %sign3A_288 : i1 to i32
      %sign3A_290 = arith.subi %sign3A_286, %sign3A_289 : i32
      %sign3A_291 = arith.constant 0 : i32
      %sign3A_292 = arith.cmpi sgt, %jit3A_282, %sign3A_291 : i32
      %sign3A_293 = arith.extui %sign3A_292 : i1 to i32
      %sign3A_294 = arith.constant 0 : i32
      %sign3A_295 = arith.cmpi slt, %jit3A_282, %sign3A_294 : i32
      %sign3A_296 = arith.extui %sign3A_295 : i1 to i32
      %sign3A_297 = arith.subi %sign3A_293, %sign3A_296 : i32
      %ne3A_298 = arith.cmpi ne, %sign3A_290, %sign3A_297 : i32
      %rem3A_299 = arith.remsi %scan3A_172, %jit3A_282 : i32
      %ne3A_300 = arith.constant 0 : i32
      %ne3A_301 = arith.cmpi ne, %rem3A_299, %ne3A_300 : i32
      %and3A_302 = arith.andi %ne3A_298, %ne3A_301 : i1
      %sub3A_303 = arith.constant 1 : i32
      %sub3A_304 = arith.subi %div3A_283, %sub3A_303 : i32
      %select_n3A_305 = arith.select %and3A_302, %sub3A_304, %div3A_283 : i32
      %add3A_306 = arith.constant 32 : i32
      %add3A_307 = arith.addi %add3A_306, %select_n3A_305 : i32
      %get3A_308 = arith.index_cast %add3A_278 : i32 to index
      %get3A_309 = tpu.vector_load %arg7[%get3A_308] {strides = array<i32>} : memref<8192xi32, #tpu.memory_space<vmem>>, vector<16xi32>,
      %add3A_310 = arith.addi %gather3A_281, %get3A_309 : vector<16xi32>
      %jit3A_311 = arith.constant 8 : i32
      %eq3A_312 = arith.constant 0 : i32
      %eq3A_313 = arith.cmpi eq, %jit3A_311, %eq3A_312 : i32
      %jit3A_314 = arith.constant 1 : i32
      %select_n3A_315 = arith.select %eq3A_313, %jit3A_314, %jit3A_311 : i32
      %rem3A_316 = arith.remsi %scan3A_172, %select_n3A_315 : i32
      %ne3A_317 = arith.constant 0 : i32
      %ne3A_318 = arith.cmpi ne, %rem3A_316, %ne3A_317 : i32
      %lt3A_319 = arith.constant 0 : i32
      %lt3A_320 = arith.cmpi slt, %rem3A_316, %lt3A_319 : i32
      %lt3A_321 = arith.constant 0 : i32
      %lt3A_322 = arith.cmpi slt, %select_n3A_315, %lt3A_321 : i32
      %ne3A_323 = arith.xori %lt3A_320, %lt3A_322 : i1
      %and3A_324 = arith.andi %ne3A_323, %ne3A_318 : i1
      %add3A_325 = arith.addi %rem3A_316, %select_n3A_315 : i32
      %select_n3A_326 = arith.select %and3A_324, %add3A_325, %rem3A_316 : i32
      %mul3A_327 = arith.constant 16 : i32
      %mul3A_328 = arith.muli %select_n3A_326, %mul3A_327 : i32
      %swap3A_329 = arith.index_cast %add3A_307 : i32 to index
      %swap3A_330 = arith.index_cast %mul3A_328 : i32 to index
      %swap3A_331 = tpu.vector_load %arg8[%swap3A_329, %swap3A_330] {strides = array<i32>} : memref<64x128xi32, #tpu.memory_space<vmem>>, vector<16xi32>,
      tpu.vector_store %arg8[%swap3A_329, %swap3A_330], %add3A_310 {strides = array<i32>} : memref<64x128xi32, #tpu.memory_space<vmem>>, vector<16xi32>,
      tpu.vector_store_idx %arg11[%get3A_280], %broadcast_in_dim3A_0 {add = true} : memref<512xi32, #tpu.memory_space<vmem>>[vector<16xi32>], vector<16xi32>,
      %mul3A_332 = arith.constant 16 : i32
      %mul3A_333 = arith.muli %scan3A_172, %mul3A_332 : i32
      %add3A_334 = arith.constant 6144 : i32
      %add3A_335 = arith.addi %add3A_334, %mul3A_333 : i32
      %get3A_336 = arith.index_cast %add3A_335 : i32 to index
      %get3A_337 = tpu.vector_load %arg5[%get3A_336] {strides = array<i32>} : memref<8192xi32, #tpu.memory_space<vmem>>, vector<16xi32>,
      %gather3A_338 = tpu.vector_load_idx %arg12[%get3A_337] : memref<512xi32, #tpu.memory_space<vmem>>[vector<16xi32>], vector<16xi32>,
      %jit3A_339 = arith.constant 8 : i32
      %div3A_340 = arith.divsi %scan3A_172, %jit3A_339 : i32
      %sign3A_341 = arith.constant 0 : i32
      %sign3A_342 = arith.cmpi sgt, %scan3A_172, %sign3A_341 : i32
      %sign3A_343 = arith.extui %sign3A_342 : i1 to i32
      %sign3A_344 = arith.constant 0 : i32
      %sign3A_345 = arith.cmpi slt, %scan3A_172, %sign3A_344 : i32
      %sign3A_346 = arith.extui %sign3A_345 : i1 to i32
      %sign3A_347 = arith.subi %sign3A_343, %sign3A_346 : i32
      %sign3A_348 = arith.constant 0 : i32
      %sign3A_349 = arith.cmpi sgt, %jit3A_339, %sign3A_348 : i32
      %sign3A_350 = arith.extui %sign3A_349 : i1 to i32
      %sign3A_351 = arith.constant 0 : i32
      %sign3A_352 = arith.cmpi slt, %jit3A_339, %sign3A_351 : i32
      %sign3A_353 = arith.extui %sign3A_352 : i1 to i32
      %sign3A_354 = arith.subi %sign3A_350, %sign3A_353 : i32
      %ne3A_355 = arith.cmpi ne, %sign3A_347, %sign3A_354 : i32
      %rem3A_356 = arith.remsi %scan3A_172, %jit3A_339 : i32
      %ne3A_357 = arith.constant 0 : i32
      %ne3A_358 = arith.cmpi ne, %rem3A_356, %ne3A_357 : i32
      %and3A_359 = arith.andi %ne3A_355, %ne3A_358 : i1
      %sub3A_360 = arith.constant 1 : i32
      %sub3A_361 = arith.subi %div3A_340, %sub3A_360 : i32
      %select_n3A_362 = arith.select %and3A_359, %sub3A_361, %div3A_340 : i32
      %add3A_363 = arith.constant 48 : i32
      %add3A_364 = arith.addi %add3A_363, %select_n3A_362 : i32
      %get3A_365 = arith.index_cast %add3A_335 : i32 to index
      %get3A_366 = tpu.vector_load %arg7[%get3A_365] {strides = array<i32>} : memref<8192xi32, #tpu.memory_space<vmem>>, vector<16xi32>,
      %add3A_367 = arith.addi %gather3A_338, %get3A_366 : vector<16xi32>
      %jit3A_368 = arith.constant 8 : i32
      %eq3A_369 = arith.constant 0 : i32
      %eq3A_370 = arith.cmpi eq, %jit3A_368, %eq3A_369 : i32
      %jit3A_371 = arith.constant 1 : i32
      %select_n3A_372 = arith.select %eq3A_370, %jit3A_371, %jit3A_368 : i32
      %rem3A_373 = arith.remsi %scan3A_172, %select_n3A_372 : i32
      %ne3A_374 = arith.constant 0 : i32
      %ne3A_375 = arith.cmpi ne, %rem3A_373, %ne3A_374 : i32
      %lt3A_376 = arith.constant 0 : i32
      %lt3A_377 = arith.cmpi slt, %rem3A_373, %lt3A_376 : i32
      %lt3A_378 = arith.constant 0 : i32
      %lt3A_379 = arith.cmpi slt, %select_n3A_372, %lt3A_378 : i32
      %ne3A_380 = arith.xori %lt3A_377, %lt3A_379 : i1
      %and3A_381 = arith.andi %ne3A_380, %ne3A_375 : i1
      %add3A_382 = arith.addi %rem3A_373, %select_n3A_372 : i32
      %select_n3A_383 = arith.select %and3A_381, %add3A_382, %rem3A_373 : i32
      %mul3A_384 = arith.constant 16 : i32
      %mul3A_385 = arith.muli %select_n3A_383, %mul3A_384 : i32
      %swap3A_386 = arith.index_cast %add3A_364 : i32 to index
      %swap3A_387 = arith.index_cast %mul3A_385 : i32 to index
      %swap3A_388 = tpu.vector_load %arg8[%swap3A_386, %swap3A_387] {strides = array<i32>} : memref<64x128xi32, #tpu.memory_space<vmem>>, vector<16xi32>,
      tpu.vector_store %arg8[%swap3A_386, %swap3A_387], %add3A_367 {strides = array<i32>} : memref<64x128xi32, #tpu.memory_space<vmem>>, vector<16xi32>,
      tpu.vector_store_idx %arg12[%get3A_337], %broadcast_in_dim3A_0 {add = true} : memref<512xi32, #tpu.memory_space<vmem>>[vector<16xi32>], vector<16xi32>,
      %scan3A_389 = arith.constant 0 : i32
      scf.yield %scan3A_389 : i32
    }
    %scan3A_59 = arith.constant 128 : i32
    %scan3A_60 = arith.constant 0 : i32
    %scan3A_61 = arith.constant 0 : i32
    %scan3A_62 = arith.constant 64 : i32
    %scan3A_63 = arith.addi %scan3A_61, %scan3A_62 : i32
    %scan3A_64 = arith.constant 1 : i32
    %scan3A_65 = scf.for %scan3A_172 = %scan3A_61 to %scan3A_63 step %scan3A_64 iter_args(%scan3A_173 = %scan3A_60) -> (i32)  : i32 {
      %mul3A_174 = arith.constant 128 : i32
      %mul3A_175 = arith.muli %scan3A_172, %mul3A_174 : i32
      %dma_start3A_176 = tpu.memref_slice %arg6[%mul3A_175] : memref<8192xi32, #tpu.memory_space<vmem>> -> memref<128xi32, #tpu.memory_space<vmem>>
      %dma_start3A_177 = arith.constant 0 : i32
      %dma_start3A_178 = tpu.memref_slice %arg8[%scan3A_172, %dma_start3A_177] : memref<64x128xi32, #tpu.memory_space<vmem>> -> memref<1x128xi32, #tpu.memory_space<vmem>>
      %dma_start3A_179 = tpu.memref_squeeze %dma_start3A_178 : memref<1x128xi32, #tpu.memory_space<vmem>> -> memref<128xi32, #tpu.memory_space<vmem>>
      %dma_start3A_180 = arith.constant 0 : i32
      %dma_start3A_181 = tpu.memref_slice %arg22[%dma_start3A_180] : memref<131072xi32, #tpu.memory_space<vmem_shared>> -> memref<131072xi32, #tpu.memory_space<vmem_shared>>
      tpu.enqueue_indirect_dma source(%dma_start3A_176 : memref<128xi32, #tpu.memory_space<vmem>>) target(%dma_start3A_181 : memref<131072xi32, #tpu.memory_space<vmem_shared>>) offsets(%dma_start3A_179 : memref<128xi32, #tpu.memory_space<vmem>>) semaphore(%arg23 : memref<!tpu.dma_semaphore, #tpu.memory_space<semaphore_mem>>)
      %scan3A_182 = arith.constant 0 : i32
      scf.yield %scan3A_182 : i32
    }
    %scan3A_66 = arith.constant 64 : i32
    %scan3A_67 = arith.constant 0 : i32
    %scan3A_68 = arith.constant 0 : i32
    %scan3A_69 = arith.constant 64 : i32
    %scan3A_70 = arith.addi %scan3A_68, %scan3A_69 : i32
    %scan3A_71 = arith.constant 1 : i32
    %scan3A_72 = scf.for %scan3A_172 = %scan3A_68 to %scan3A_70 step %scan3A_71 iter_args(%scan3A_173 = %scan3A_67) -> (i32)  : i32 {
      %mul3A_174 = arith.constant 128 : i32
      %mul3A_175 = arith.muli %scan3A_172, %mul3A_174 : i32
      %dma_wait3A_176 = tpu.memref_slice %arg6[%mul3A_175] : memref<8192xi32, #tpu.memory_space<vmem>> -> memref<128xi32, #tpu.memory_space<vmem>>
      %dma_wait3A_177 = arith.constant 0 : i32
      %dma_wait3A_178 = tpu.memref_slice %arg8[%scan3A_172, %dma_wait3A_177] : memref<64x128xi32, #tpu.memory_space<vmem>> -> memref<1x128xi32, #tpu.memory_space<vmem>>
      %dma_wait3A_179 = tpu.memref_squeeze %dma_wait3A_178 : memref<1x128xi32, #tpu.memory_space<vmem>> -> memref<128xi32, #tpu.memory_space<vmem>>
      %dma_wait3A_180 = arith.constant 0 : i32
      %dma_wait3A_181 = tpu.memref_slice %arg22[%dma_wait3A_180] : memref<131072xi32, #tpu.memory_space<vmem_shared>> -> memref<131072xi32, #tpu.memory_space<vmem_shared>>
      tpu.wait_indirect_dma semaphore(%arg23 : memref<!tpu.dma_semaphore, #tpu.memory_space<semaphore_mem>>) src(%dma_wait3A_176 : memref<128xi32, #tpu.memory_space<vmem>>) dst(%dma_wait3A_181 : memref<131072xi32, #tpu.memory_space<vmem_shared>>)
      %scan3A_182 = arith.constant 0 : i32
      scf.yield %scan3A_182 : i32
    }
    %scan3A_73 = arith.constant 64 : i32
    %barrier3A_74 = arith.constant 0 : index
    tpu.barrier barrier_id(%barrier3A_74)
    %mul3A_75 = arith.constant 16 : i32
    %mul3A_76 = arith.muli %arg0, %mul3A_75 : i32
    %add3A = arith.addi %mul3A_76, %arg1 : i32
    %mul3A_77 = arith.constant 4096 : i32
    %mul3A_78 = arith.muli %add3A, %mul3A_77 : i32
    "tpu.region"() ({
      %run_scoped3A = tpu.sem_alloc : memref<!tpu.dma_semaphore, #tpu.memory_space<semaphore_mem>>
      %dma_start3A_172 = tpu.memref_slice %arg22[%mul3A_78] : memref<131072xi32, #tpu.memory_space<vmem_shared>> -> memref<4096xi32, #tpu.memory_space<vmem_shared>>
      %dma_start3A_173 = tpu.memref_slice %arg22[%mul3A_78] : memref<131072xi32, #tpu.memory_space<vmem_shared>> -> memref<4096xi32, #tpu.memory_space<vmem_shared>>
      tpu.enqueue_dma source(%dma_start3A_173 : memref<4096xi32, #tpu.memory_space<vmem_shared>>) target(%arg15 : memref<4096xi32, #tpu.memory_space<vmem>>) target_semaphore(%run_scoped3A : memref<!tpu.dma_semaphore, #tpu.memory_space<semaphore_mem>>)
      %dma_wait3A_174 = tpu.memref_slice %arg22[%mul3A_78] : memref<131072xi32, #tpu.memory_space<vmem_shared>> -> memref<4096xi32, #tpu.memory_space<vmem_shared>>
      %dma_wait3A_175 = tpu.memref_slice %arg22[%mul3A_78] : memref<131072xi32, #tpu.memory_space<vmem_shared>> -> memref<4096xi32, #tpu.memory_space<vmem_shared>>
      tpu.wait_dma2 semaphore(%run_scoped3A : memref<!tpu.dma_semaphore, #tpu.memory_space<semaphore_mem>>) src(%dma_wait3A_175 : memref<4096xi32, #tpu.memory_space<vmem_shared>>) dst(%arg15 : memref<4096xi32, #tpu.memory_space<vmem>>)
      tpu.yield
    }) : () -> ()
    %dma_start3A = arith.constant 0 : i32
    %dma_start3A_79 = tpu.memref_slice %arg15[%dma_start3A] : memref<4096xi32, #tpu.memory_space<vmem>> -> memref<64xi32, #tpu.memory_space<vmem>>
    %dma_start3A_80 = arith.constant 0 : i32
    %dma_start3A_81 = arith.constant 0 : i32
    %dma_start3A_82 = tpu.memref_slice %arg2[%dma_start3A_80, %dma_start3A_81] : memref<131072x256xf32, #tpu.memory_space<hbm>> -> memref<131072x256xf32, #tpu.memory_space<hbm>>
    tpu.enqueue_indirect_dma source(%dma_start3A_82 : memref<131072x256xf32, #tpu.memory_space<hbm>>) target(%arg16 : memref<64x256xf32, #tpu.memory_space<vmem>>) offsets(%dma_start3A_79 : memref<64xi32, #tpu.memory_space<vmem>>) semaphore(%arg24 : memref<!tpu.dma_semaphore, #tpu.memory_space<semaphore_mem>>)
    %dma_start3A_83 = arith.constant 64 : i32
    %dma_start3A_84 = tpu.memref_slice %arg15[%dma_start3A_83] : memref<4096xi32, #tpu.memory_space<vmem>> -> memref<64xi32, #tpu.memory_space<vmem>>
    %dma_start3A_85 = arith.constant 0 : i32
    %dma_start3A_86 = arith.constant 0 : i32
    %dma_start3A_87 = tpu.memref_slice %arg2[%dma_start3A_85, %dma_start3A_86] : memref<131072x256xf32, #tpu.memory_space<hbm>> -> memref<131072x256xf32, #tpu.memory_space<hbm>>
    tpu.enqueue_indirect_dma source(%dma_start3A_87 : memref<131072x256xf32, #tpu.memory_space<hbm>>) target(%arg17 : memref<64x256xf32, #tpu.memory_space<vmem>>) offsets(%dma_start3A_84 : memref<64xi32, #tpu.memory_space<vmem>>) semaphore(%arg25 : memref<!tpu.dma_semaphore, #tpu.memory_space<semaphore_mem>>)
    %dma_wait3A = arith.constant 0 : i32
    %dma_wait3A_88 = tpu.memref_slice %arg15[%dma_wait3A] : memref<4096xi32, #tpu.memory_space<vmem>> -> memref<64xi32, #tpu.memory_space<vmem>>
    %dma_wait3A_89 = arith.constant 0 : i32
    %dma_wait3A_90 = arith.constant 0 : i32
    %dma_wait3A_91 = tpu.memref_slice %arg2[%dma_wait3A_89, %dma_wait3A_90] : memref<131072x256xf32, #tpu.memory_space<hbm>> -> memref<131072x256xf32, #tpu.memory_space<hbm>>
    tpu.wait_indirect_dma semaphore(%arg24 : memref<!tpu.dma_semaphore, #tpu.memory_space<semaphore_mem>>) src(%dma_wait3A_91 : memref<131072x256xf32, #tpu.memory_space<hbm>>) dst(%arg16 : memref<64x256xf32, #tpu.memory_space<vmem>>)
    %add3A_92 = arith.constant 0 : i32
    %add3A_93 = arith.addi %mul3A_78, %add3A_92 : i32
    %dma_start3A_94 = arith.constant 0 : i32
    %dma_start3A_95 = tpu.memref_slice %arg4[%add3A_93, %dma_start3A_94] : memref<131072x256xf32, #tpu.memory_space<hbm>> -> memref<64x256xf32, #tpu.memory_space<hbm>>
    %dma_start3A_96 = arith.constant 0 : i32
    %dma_start3A_97 = tpu.memref_slice %arg4[%add3A_93, %dma_start3A_96] : memref<131072x256xf32, #tpu.memory_space<hbm>> -> memref<64x256xf32, #tpu.memory_space<hbm>>
    tpu.enqueue_dma source(%arg16 : memref<64x256xf32, #tpu.memory_space<vmem>>) target(%dma_start3A_97 : memref<64x256xf32, #tpu.memory_space<hbm>>) target_semaphore(%arg28 : memref<!tpu.dma_semaphore, #tpu.memory_space<semaphore_mem>>)
    %dma_start3A_98 = arith.constant 128 : i32
    %dma_start3A_99 = tpu.memref_slice %arg15[%dma_start3A_98] : memref<4096xi32, #tpu.memory_space<vmem>> -> memref<64xi32, #tpu.memory_space<vmem>>
    %dma_start3A_100 = arith.constant 0 : i32
    %dma_start3A_101 = arith.constant 0 : i32
    %dma_start3A_102 = tpu.memref_slice %arg2[%dma_start3A_100, %dma_start3A_101] : memref<131072x256xf32, #tpu.memory_space<hbm>> -> memref<131072x256xf32, #tpu.memory_space<hbm>>
    tpu.enqueue_indirect_dma source(%dma_start3A_102 : memref<131072x256xf32, #tpu.memory_space<hbm>>) target(%arg18 : memref<64x256xf32, #tpu.memory_space<vmem>>) offsets(%dma_start3A_99 : memref<64xi32, #tpu.memory_space<vmem>>) semaphore(%arg26 : memref<!tpu.dma_semaphore, #tpu.memory_space<semaphore_mem>>)
    %dma_wait3A_103 = arith.constant 64 : i32
    %dma_wait3A_104 = tpu.memref_slice %arg15[%dma_wait3A_103] : memref<4096xi32, #tpu.memory_space<vmem>> -> memref<64xi32, #tpu.memory_space<vmem>>
    %dma_wait3A_105 = arith.constant 0 : i32
    %dma_wait3A_106 = arith.constant 0 : i32
    %dma_wait3A_107 = tpu.memref_slice %arg2[%dma_wait3A_105, %dma_wait3A_106] : memref<131072x256xf32, #tpu.memory_space<hbm>> -> memref<131072x256xf32, #tpu.memory_space<hbm>>
    tpu.wait_indirect_dma semaphore(%arg25 : memref<!tpu.dma_semaphore, #tpu.memory_space<semaphore_mem>>) src(%dma_wait3A_107 : memref<131072x256xf32, #tpu.memory_space<hbm>>) dst(%arg17 : memref<64x256xf32, #tpu.memory_space<vmem>>)
    %add3A_108 = arith.constant 64 : i32
    %add3A_109 = arith.addi %mul3A_78, %add3A_108 : i32
    %dma_start3A_110 = arith.constant 0 : i32
    %dma_start3A_111 = tpu.memref_slice %arg4[%add3A_109, %dma_start3A_110] : memref<131072x256xf32, #tpu.memory_space<hbm>> -> memref<64x256xf32, #tpu.memory_space<hbm>>
    %dma_start3A_112 = arith.constant 0 : i32
    %dma_start3A_113 = tpu.memref_slice %arg4[%add3A_109, %dma_start3A_112] : memref<131072x256xf32, #tpu.memory_space<hbm>> -> memref<64x256xf32, #tpu.memory_space<hbm>>
    tpu.enqueue_dma source(%arg17 : memref<64x256xf32, #tpu.memory_space<vmem>>) target(%dma_start3A_113 : memref<64x256xf32, #tpu.memory_space<hbm>>) target_semaphore(%arg29 : memref<!tpu.dma_semaphore, #tpu.memory_space<semaphore_mem>>)
    %dma_start3A_114 = arith.constant 192 : i32
    %dma_start3A_115 = tpu.memref_slice %arg15[%dma_start3A_114] : memref<4096xi32, #tpu.memory_space<vmem>> -> memref<64xi32, #tpu.memory_space<vmem>>
    %dma_start3A_116 = arith.constant 0 : i32
    %dma_start3A_117 = arith.constant 0 : i32
    %dma_start3A_118 = tpu.memref_slice %arg2[%dma_start3A_116, %dma_start3A_117] : memref<131072x256xf32, #tpu.memory_space<hbm>> -> memref<131072x256xf32, #tpu.memory_space<hbm>>
    tpu.enqueue_indirect_dma source(%dma_start3A_118 : memref<131072x256xf32, #tpu.memory_space<hbm>>) target(%arg19 : memref<64x256xf32, #tpu.memory_space<vmem>>) offsets(%dma_start3A_115 : memref<64xi32, #tpu.memory_space<vmem>>) semaphore(%arg27 : memref<!tpu.dma_semaphore, #tpu.memory_space<semaphore_mem>>)
    %scan3A_119 = arith.constant 0 : i32
    %scan3A_120 = arith.constant 0 : i32
    %scan3A_121 = arith.constant 15 : i32
    %scan3A_122 = arith.addi %scan3A_120, %scan3A_121 : i32
    %scan3A_123 = arith.constant 1 : i32
    %scan3A_124 = scf.for %scan3A_172 = %scan3A_120 to %scan3A_122 step %scan3A_123 iter_args(%scan3A_173 = %scan3A_119) -> (i32)  : i32 {
      %mul3A_174 = arith.constant 4 : i32
      %mul3A_175 = arith.muli %scan3A_172, %mul3A_174 : i32
      %add3A_176 = arith.constant 2 : i32
      %add3A_177 = arith.addi %add3A_176, %mul3A_175 : i32
      %add3A_178 = arith.constant 0 : i32
      %add3A_179 = arith.addi %add3A_177, %add3A_178 : i32
      %mul3A_180 = arith.constant 64 : i32
      %mul3A_181 = arith.muli %add3A_179, %mul3A_180 : i32
      %dma_wait3A_182 = tpu.memref_slice %arg15[%mul3A_181] : memref<4096xi32, #tpu.memory_space<vmem>> -> memref<64xi32, #tpu.memory_space<vmem>>
      %dma_wait3A_183 = arith.constant 0 : i32
      %dma_wait3A_184 = arith.constant 0 : i32
      %dma_wait3A_185 = tpu.memref_slice %arg2[%dma_wait3A_183, %dma_wait3A_184] : memref<131072x256xf32, #tpu.memory_space<hbm>> -> memref<131072x256xf32, #tpu.memory_space<hbm>>
      tpu.wait_indirect_dma semaphore(%arg26 : memref<!tpu.dma_semaphore, #tpu.memory_space<semaphore_mem>>) src(%dma_wait3A_185 : memref<131072x256xf32, #tpu.memory_space<hbm>>) dst(%arg18 : memref<64x256xf32, #tpu.memory_space<vmem>>)
      %mul3A_186 = arith.constant 64 : i32
      %mul3A_187 = arith.muli %add3A_179, %mul3A_186 : i32
      %add3A_188 = arith.addi %mul3A_78, %mul3A_187 : i32
      %dma_start3A_189 = arith.constant 0 : i32
      %dma_start3A_190 = tpu.memref_slice %arg4[%add3A_188, %dma_start3A_189] : memref<131072x256xf32, #tpu.memory_space<hbm>> -> memref<64x256xf32, #tpu.memory_space<hbm>>
      %dma_start3A_191 = arith.constant 0 : i32
      %dma_start3A_192 = tpu.memref_slice %arg4[%add3A_188, %dma_start3A_191] : memref<131072x256xf32, #tpu.memory_space<hbm>> -> memref<64x256xf32, #tpu.memory_space<hbm>>
      tpu.enqueue_dma source(%arg18 : memref<64x256xf32, #tpu.memory_space<vmem>>) target(%dma_start3A_192 : memref<64x256xf32, #tpu.memory_space<hbm>>) target_semaphore(%arg30 : memref<!tpu.dma_semaphore, #tpu.memory_space<semaphore_mem>>)
      %sub3A = arith.constant 2 : i32
      %sub3A_193 = arith.subi %add3A_179, %sub3A : i32
      %mul3A_194 = arith.constant 64 : i32
      %mul3A_195 = arith.muli %sub3A_193, %mul3A_194 : i32
      %add3A_196 = arith.addi %mul3A_78, %mul3A_195 : i32
      %dma_wait3A_197 = arith.constant 0 : i32
      %dma_wait3A_198 = tpu.memref_slice %arg4[%add3A_196, %dma_wait3A_197] : memref<131072x256xf32, #tpu.memory_space<hbm>> -> memref<64x256xf32, #tpu.memory_space<hbm>>
      %dma_wait3A_199 = arith.constant 0 : i32
      %dma_wait3A_200 = tpu.memref_slice %arg4[%add3A_196, %dma_wait3A_199] : memref<131072x256xf32, #tpu.memory_space<hbm>> -> memref<64x256xf32, #tpu.memory_space<hbm>>
      tpu.wait_dma2 semaphore(%arg28 : memref<!tpu.dma_semaphore, #tpu.memory_space<semaphore_mem>>) src(%arg16 : memref<64x256xf32, #tpu.memory_space<vmem>>) dst(%dma_wait3A_200 : memref<64x256xf32, #tpu.memory_space<hbm>>)
      %add3A_201 = arith.constant 2 : i32
      %add3A_202 = arith.addi %add3A_179, %add3A_201 : i32
      %mul3A_203 = arith.constant 64 : i32
      %mul3A_204 = arith.muli %add3A_202, %mul3A_203 : i32
      %dma_start3A_205 = tpu.memref_slice %arg15[%mul3A_204] : memref<4096xi32, #tpu.memory_space<vmem>> -> memref<64xi32, #tpu.memory_space<vmem>>
      %dma_start3A_206 = arith.constant 0 : i32
      %dma_start3A_207 = arith.constant 0 : i32
      %dma_start3A_208 = tpu.memref_slice %arg2[%dma_start3A_206, %dma_start3A_207] : memref<131072x256xf32, #tpu.memory_space<hbm>> -> memref<131072x256xf32, #tpu.memory_space<hbm>>
      tpu.enqueue_indirect_dma source(%dma_start3A_208 : memref<131072x256xf32, #tpu.memory_space<hbm>>) target(%arg16 : memref<64x256xf32, #tpu.memory_space<vmem>>) offsets(%dma_start3A_205 : memref<64xi32, #tpu.memory_space<vmem>>) semaphore(%arg24 : memref<!tpu.dma_semaphore, #tpu.memory_space<semaphore_mem>>)
      %mul3A_209 = arith.constant 4 : i32
      %mul3A_210 = arith.muli %scan3A_172, %mul3A_209 : i32
      %add3A_211 = arith.constant 2 : i32
      %add3A_212 = arith.addi %add3A_211, %mul3A_210 : i32
      %add3A_213 = arith.constant 1 : i32
      %add3A_214 = arith.addi %add3A_212, %add3A_213 : i32
      %mul3A_215 = arith.constant 64 : i32
      %mul3A_216 = arith.muli %add3A_214, %mul3A_215 : i32
      %dma_wait3A_217 = tpu.memref_slice %arg15[%mul3A_216] : memref<4096xi32, #tpu.memory_space<vmem>> -> memref<64xi32, #tpu.memory_space<vmem>>
      %dma_wait3A_218 = arith.constant 0 : i32
      %dma_wait3A_219 = arith.constant 0 : i32
      %dma_wait3A_220 = tpu.memref_slice %arg2[%dma_wait3A_218, %dma_wait3A_219] : memref<131072x256xf32, #tpu.memory_space<hbm>> -> memref<131072x256xf32, #tpu.memory_space<hbm>>
      tpu.wait_indirect_dma semaphore(%arg27 : memref<!tpu.dma_semaphore, #tpu.memory_space<semaphore_mem>>) src(%dma_wait3A_220 : memref<131072x256xf32, #tpu.memory_space<hbm>>) dst(%arg19 : memref<64x256xf32, #tpu.memory_space<vmem>>)
      %mul3A_221 = arith.constant 64 : i32
      %mul3A_222 = arith.muli %add3A_214, %mul3A_221 : i32
      %add3A_223 = arith.addi %mul3A_78, %mul3A_222 : i32
      %dma_start3A_224 = arith.constant 0 : i32
      %dma_start3A_225 = tpu.memref_slice %arg4[%add3A_223, %dma_start3A_224] : memref<131072x256xf32, #tpu.memory_space<hbm>> -> memref<64x256xf32, #tpu.memory_space<hbm>>
      %dma_start3A_226 = arith.constant 0 : i32
      %dma_start3A_227 = tpu.memref_slice %arg4[%add3A_223, %dma_start3A_226] : memref<131072x256xf32, #tpu.memory_space<hbm>> -> memref<64x256xf32, #tpu.memory_space<hbm>>
      tpu.enqueue_dma source(%arg19 : memref<64x256xf32, #tpu.memory_space<vmem>>) target(%dma_start3A_227 : memref<64x256xf32, #tpu.memory_space<hbm>>) target_semaphore(%arg31 : memref<!tpu.dma_semaphore, #tpu.memory_space<semaphore_mem>>)
      %sub3A_228 = arith.constant 2 : i32
      %sub3A_229 = arith.subi %add3A_214, %sub3A_228 : i32
      %mul3A_230 = arith.constant 64 : i32
      %mul3A_231 = arith.muli %sub3A_229, %mul3A_230 : i32
      %add3A_232 = arith.addi %mul3A_78, %mul3A_231 : i32
      %dma_wait3A_233 = arith.constant 0 : i32
      %dma_wait3A_234 = tpu.memref_slice %arg4[%add3A_232, %dma_wait3A_233] : memref<131072x256xf32, #tpu.memory_space<hbm>> -> memref<64x256xf32, #tpu.memory_space<hbm>>
      %dma_wait3A_235 = arith.constant 0 : i32
      %dma_wait3A_236 = tpu.memref_slice %arg4[%add3A_232, %dma_wait3A_235] : memref<131072x256xf32, #tpu.memory_space<hbm>> -> memref<64x256xf32, #tpu.memory_space<hbm>>
      tpu.wait_dma2 semaphore(%arg29 : memref<!tpu.dma_semaphore, #tpu.memory_space<semaphore_mem>>) src(%arg17 : memref<64x256xf32, #tpu.memory_space<vmem>>) dst(%dma_wait3A_236 : memref<64x256xf32, #tpu.memory_space<hbm>>)
      %add3A_237 = arith.constant 2 : i32
      %add3A_238 = arith.addi %add3A_214, %add3A_237 : i32
      %mul3A_239 = arith.constant 64 : i32
      %mul3A_240 = arith.muli %add3A_238, %mul3A_239 : i32
      %dma_start3A_241 = tpu.memref_slice %arg15[%mul3A_240] : memref<4096xi32, #tpu.memory_space<vmem>> -> memref<64xi32, #tpu.memory_space<vmem>>
      %dma_start3A_242 = arith.constant 0 : i32
      %dma_start3A_243 = arith.constant 0 : i32
      %dma_start3A_244 = tpu.memref_slice %arg2[%dma_start3A_242, %dma_start3A_243] : memref<131072x256xf32, #tpu.memory_space<hbm>> -> memref<131072x256xf32, #tpu.memory_space<hbm>>
      tpu.enqueue_indirect_dma source(%dma_start3A_244 : memref<131072x256xf32, #tpu.memory_space<hbm>>) target(%arg17 : memref<64x256xf32, #tpu.memory_space<vmem>>) offsets(%dma_start3A_241 : memref<64xi32, #tpu.memory_space<vmem>>) semaphore(%arg25 : memref<!tpu.dma_semaphore, #tpu.memory_space<semaphore_mem>>)
      %mul3A_245 = arith.constant 4 : i32
      %mul3A_246 = arith.muli %scan3A_172, %mul3A_245 : i32
      %add3A_247 = arith.constant 2 : i32
      %add3A_248 = arith.addi %add3A_247, %mul3A_246 : i32
      %add3A_249 = arith.constant 2 : i32
      %add3A_250 = arith.addi %add3A_248, %add3A_249 : i32
      %mul3A_251 = arith.constant 64 : i32
      %mul3A_252 = arith.muli %add3A_250, %mul3A_251 : i32
      %dma_wait3A_253 = tpu.memref_slice %arg15[%mul3A_252] : memref<4096xi32, #tpu.memory_space<vmem>> -> memref<64xi32, #tpu.memory_space<vmem>>
      %dma_wait3A_254 = arith.constant 0 : i32
      %dma_wait3A_255 = arith.constant 0 : i32
      %dma_wait3A_256 = tpu.memref_slice %arg2[%dma_wait3A_254, %dma_wait3A_255] : memref<131072x256xf32, #tpu.memory_space<hbm>> -> memref<131072x256xf32, #tpu.memory_space<hbm>>
      tpu.wait_indirect_dma semaphore(%arg24 : memref<!tpu.dma_semaphore, #tpu.memory_space<semaphore_mem>>) src(%dma_wait3A_256 : memref<131072x256xf32, #tpu.memory_space<hbm>>) dst(%arg16 : memref<64x256xf32, #tpu.memory_space<vmem>>)
      %mul3A_257 = arith.constant 64 : i32
      %mul3A_258 = arith.muli %add3A_250, %mul3A_257 : i32
      %add3A_259 = arith.addi %mul3A_78, %mul3A_258 : i32
      %dma_start3A_260 = arith.constant 0 : i32
      %dma_start3A_261 = tpu.memref_slice %arg4[%add3A_259, %dma_start3A_260] : memref<131072x256xf32, #tpu.memory_space<hbm>> -> memref<64x256xf32, #tpu.memory_space<hbm>>
      %dma_start3A_262 = arith.constant 0 : i32
      %dma_start3A_263 = tpu.memref_slice %arg4[%add3A_259, %dma_start3A_262] : memref<131072x256xf32, #tpu.memory_space<hbm>> -> memref<64x256xf32, #tpu.memory_space<hbm>>
      tpu.enqueue_dma source(%arg16 : memref<64x256xf32, #tpu.memory_space<vmem>>) target(%dma_start3A_263 : memref<64x256xf32, #tpu.memory_space<hbm>>) target_semaphore(%arg28 : memref<!tpu.dma_semaphore, #tpu.memory_space<semaphore_mem>>)
      %sub3A_264 = arith.constant 2 : i32
      %sub3A_265 = arith.subi %add3A_250, %sub3A_264 : i32
      %mul3A_266 = arith.constant 64 : i32
      %mul3A_267 = arith.muli %sub3A_265, %mul3A_266 : i32
      %add3A_268 = arith.addi %mul3A_78, %mul3A_267 : i32
      %dma_wait3A_269 = arith.constant 0 : i32
      %dma_wait3A_270 = tpu.memref_slice %arg4[%add3A_268, %dma_wait3A_269] : memref<131072x256xf32, #tpu.memory_space<hbm>> -> memref<64x256xf32, #tpu.memory_space<hbm>>
      %dma_wait3A_271 = arith.constant 0 : i32
      %dma_wait3A_272 = tpu.memref_slice %arg4[%add3A_268, %dma_wait3A_271] : memref<131072x256xf32, #tpu.memory_space<hbm>> -> memref<64x256xf32, #tpu.memory_space<hbm>>
      tpu.wait_dma2 semaphore(%arg30 : memref<!tpu.dma_semaphore, #tpu.memory_space<semaphore_mem>>) src(%arg18 : memref<64x256xf32, #tpu.memory_space<vmem>>) dst(%dma_wait3A_272 : memref<64x256xf32, #tpu.memory_space<hbm>>)
      %add3A_273 = arith.constant 2 : i32
      %add3A_274 = arith.addi %add3A_250, %add3A_273 : i32
      %mul3A_275 = arith.constant 64 : i32
      %mul3A_276 = arith.muli %add3A_274, %mul3A_275 : i32
      %dma_start3A_277 = tpu.memref_slice %arg15[%mul3A_276] : memref<4096xi32, #tpu.memory_space<vmem>> -> memref<64xi32, #tpu.memory_space<vmem>>
      %dma_start3A_278 = arith.constant 0 : i32
      %dma_start3A_279 = arith.constant 0 : i32
      %dma_start3A_280 = tpu.memref_slice %arg2[%dma_start3A_278, %dma_start3A_279] : memref<131072x256xf32, #tpu.memory_space<hbm>> -> memref<131072x256xf32, #tpu.memory_space<hbm>>
      tpu.enqueue_indirect_dma source(%dma_start3A_280 : memref<131072x256xf32, #tpu.memory_space<hbm>>) target(%arg18 : memref<64x256xf32, #tpu.memory_space<vmem>>) offsets(%dma_start3A_277 : memref<64xi32, #tpu.memory_space<vmem>>) semaphore(%arg26 : memref<!tpu.dma_semaphore, #tpu.memory_space<semaphore_mem>>)
      %mul3A_281 = arith.constant 4 : i32
      %mul3A_282 = arith.muli %scan3A_172, %mul3A_281 : i32
      %add3A_283 = arith.constant 2 : i32
      %add3A_284 = arith.addi %add3A_283, %mul3A_282 : i32
      %add3A_285 = arith.constant 3 : i32
      %add3A_286 = arith.addi %add3A_284, %add3A_285 : i32
      %mul3A_287 = arith.constant 64 : i32
      %mul3A_288 = arith.muli %add3A_286, %mul3A_287 : i32
      %dma_wait3A_289 = tpu.memref_slice %arg15[%mul3A_288] : memref<4096xi32, #tpu.memory_space<vmem>> -> memref<64xi32, #tpu.memory_space<vmem>>
      %dma_wait3A_290 = arith.constant 0 : i32
      %dma_wait3A_291 = arith.constant 0 : i32
      %dma_wait3A_292 = tpu.memref_slice %arg2[%dma_wait3A_290, %dma_wait3A_291] : memref<131072x256xf32, #tpu.memory_space<hbm>> -> memref<131072x256xf32, #tpu.memory_space<hbm>>
      tpu.wait_indirect_dma semaphore(%arg25 : memref<!tpu.dma_semaphore, #tpu.memory_space<semaphore_mem>>) src(%dma_wait3A_292 : memref<131072x256xf32, #tpu.memory_space<hbm>>) dst(%arg17 : memref<64x256xf32, #tpu.memory_space<vmem>>)
      %mul3A_293 = arith.constant 64 : i32
      %mul3A_294 = arith.muli %add3A_286, %mul3A_293 : i32
      %add3A_295 = arith.addi %mul3A_78, %mul3A_294 : i32
      %dma_start3A_296 = arith.constant 0 : i32
      %dma_start3A_297 = tpu.memref_slice %arg4[%add3A_295, %dma_start3A_296] : memref<131072x256xf32, #tpu.memory_space<hbm>> -> memref<64x256xf32, #tpu.memory_space<hbm>>
      %dma_start3A_298 = arith.constant 0 : i32
      %dma_start3A_299 = tpu.memref_slice %arg4[%add3A_295, %dma_start3A_298] : memref<131072x256xf32, #tpu.memory_space<hbm>> -> memref<64x256xf32, #tpu.memory_space<hbm>>
      tpu.enqueue_dma source(%arg17 : memref<64x256xf32, #tpu.memory_space<vmem>>) target(%dma_start3A_299 : memref<64x256xf32, #tpu.memory_space<hbm>>) target_semaphore(%arg29 : memref<!tpu.dma_semaphore, #tpu.memory_space<semaphore_mem>>)
      %sub3A_300 = arith.constant 2 : i32
      %sub3A_301 = arith.subi %add3A_286, %sub3A_300 : i32
      %mul3A_302 = arith.constant 64 : i32
      %mul3A_303 = arith.muli %sub3A_301, %mul3A_302 : i32
      %add3A_304 = arith.addi %mul3A_78, %mul3A_303 : i32
      %dma_wait3A_305 = arith.constant 0 : i32
      %dma_wait3A_306 = tpu.memref_slice %arg4[%add3A_304, %dma_wait3A_305] : memref<131072x256xf32, #tpu.memory_space<hbm>> -> memref<64x256xf32, #tpu.memory_space<hbm>>
      %dma_wait3A_307 = arith.constant 0 : i32
      %dma_wait3A_308 = tpu.memref_slice %arg4[%add3A_304, %dma_wait3A_307] : memref<131072x256xf32, #tpu.memory_space<hbm>> -> memref<64x256xf32, #tpu.memory_space<hbm>>
      tpu.wait_dma2 semaphore(%arg31 : memref<!tpu.dma_semaphore, #tpu.memory_space<semaphore_mem>>) src(%arg19 : memref<64x256xf32, #tpu.memory_space<vmem>>) dst(%dma_wait3A_308 : memref<64x256xf32, #tpu.memory_space<hbm>>)
      %add3A_309 = arith.constant 2 : i32
      %add3A_310 = arith.addi %add3A_286, %add3A_309 : i32
      %mul3A_311 = arith.constant 64 : i32
      %mul3A_312 = arith.muli %add3A_310, %mul3A_311 : i32
      %dma_start3A_313 = tpu.memref_slice %arg15[%mul3A_312] : memref<4096xi32, #tpu.memory_space<vmem>> -> memref<64xi32, #tpu.memory_space<vmem>>
      %dma_start3A_314 = arith.constant 0 : i32
      %dma_start3A_315 = arith.constant 0 : i32
      %dma_start3A_316 = tpu.memref_slice %arg2[%dma_start3A_314, %dma_start3A_315] : memref<131072x256xf32, #tpu.memory_space<hbm>> -> memref<131072x256xf32, #tpu.memory_space<hbm>>
      tpu.enqueue_indirect_dma source(%dma_start3A_316 : memref<131072x256xf32, #tpu.memory_space<hbm>>) target(%arg19 : memref<64x256xf32, #tpu.memory_space<vmem>>) offsets(%dma_start3A_313 : memref<64xi32, #tpu.memory_space<vmem>>) semaphore(%arg27 : memref<!tpu.dma_semaphore, #tpu.memory_space<semaphore_mem>>)
      %scan3A_317 = arith.constant 0 : i32
      scf.yield %scan3A_317 : i32
    }
    %scan3A_125 = arith.constant 15 : i32
    %dma_wait3A_126 = arith.constant 3968 : i32
    %dma_wait3A_127 = tpu.memref_slice %arg15[%dma_wait3A_126] : memref<4096xi32, #tpu.memory_space<vmem>> -> memref<64xi32, #tpu.memory_space<vmem>>
    %dma_wait3A_128 = arith.constant 0 : i32
    %dma_wait3A_129 = arith.constant 0 : i32
    %dma_wait3A_130 = tpu.memref_slice %arg2[%dma_wait3A_128, %dma_wait3A_129] : memref<131072x256xf32, #tpu.memory_space<hbm>> -> memref<131072x256xf32, #tpu.memory_space<hbm>>
    tpu.wait_indirect_dma semaphore(%arg26 : memref<!tpu.dma_semaphore, #tpu.memory_space<semaphore_mem>>) src(%dma_wait3A_130 : memref<131072x256xf32, #tpu.memory_space<hbm>>) dst(%arg18 : memref<64x256xf32, #tpu.memory_space<vmem>>)
    %add3A_131 = arith.constant 3968 : i32
    %add3A_132 = arith.addi %mul3A_78, %add3A_131 : i32
    %dma_start3A_133 = arith.constant 0 : i32
    %dma_start3A_134 = tpu.memref_slice %arg4[%add3A_132, %dma_start3A_133] : memref<131072x256xf32, #tpu.memory_space<hbm>> -> memref<64x256xf32, #tpu.memory_space<hbm>>
    %dma_start3A_135 = arith.constant 0 : i32
    %dma_start3A_136 = tpu.memref_slice %arg4[%add3A_132, %dma_start3A_135] : memref<131072x256xf32, #tpu.memory_space<hbm>> -> memref<64x256xf32, #tpu.memory_space<hbm>>
    tpu.enqueue_dma source(%arg18 : memref<64x256xf32, #tpu.memory_space<vmem>>) target(%dma_start3A_136 : memref<64x256xf32, #tpu.memory_space<hbm>>) target_semaphore(%arg30 : memref<!tpu.dma_semaphore, #tpu.memory_space<semaphore_mem>>)
    %dma_wait3A_137 = arith.constant 4032 : i32
    %dma_wait3A_138 = tpu.memref_slice %arg15[%dma_wait3A_137] : memref<4096xi32, #tpu.memory_space<vmem>> -> memref<64xi32, #tpu.memory_space<vmem>>
    %dma_wait3A_139 = arith.constant 0 : i32
    %dma_wait3A_140 = arith.constant 0 : i32
    %dma_wait3A_141 = tpu.memref_slice %arg2[%dma_wait3A_139, %dma_wait3A_140] : memref<131072x256xf32, #tpu.memory_space<hbm>> -> memref<131072x256xf32, #tpu.memory_space<hbm>>
    tpu.wait_indirect_dma semaphore(%arg27 : memref<!tpu.dma_semaphore, #tpu.memory_space<semaphore_mem>>) src(%dma_wait3A_141 : memref<131072x256xf32, #tpu.memory_space<hbm>>) dst(%arg19 : memref<64x256xf32, #tpu.memory_space<vmem>>)
    %add3A_142 = arith.constant 4032 : i32
    %add3A_143 = arith.addi %mul3A_78, %add3A_142 : i32
    %dma_start3A_144 = arith.constant 0 : i32
    %dma_start3A_145 = tpu.memref_slice %arg4[%add3A_143, %dma_start3A_144] : memref<131072x256xf32, #tpu.memory_space<hbm>> -> memref<64x256xf32, #tpu.memory_space<hbm>>
    %dma_start3A_146 = arith.constant 0 : i32
    %dma_start3A_147 = tpu.memref_slice %arg4[%add3A_143, %dma_start3A_146] : memref<131072x256xf32, #tpu.memory_space<hbm>> -> memref<64x256xf32, #tpu.memory_space<hbm>>
    tpu.enqueue_dma source(%arg19 : memref<64x256xf32, #tpu.memory_space<vmem>>) target(%dma_start3A_147 : memref<64x256xf32, #tpu.memory_space<hbm>>) target_semaphore(%arg31 : memref<!tpu.dma_semaphore, #tpu.memory_space<semaphore_mem>>)
    %add3A_148 = arith.constant 3840 : i32
    %add3A_149 = arith.addi %mul3A_78, %add3A_148 : i32
    %dma_wait3A_150 = arith.constant 0 : i32
    %dma_wait3A_151 = tpu.memref_slice %arg4[%add3A_149, %dma_wait3A_150] : memref<131072x256xf32, #tpu.memory_space<hbm>> -> memref<64x256xf32, #tpu.memory_space<hbm>>
    %dma_wait3A_152 = arith.constant 0 : i32
    %dma_wait3A_153 = tpu.memref_slice %arg4[%add3A_149, %dma_wait3A_152] : memref<131072x256xf32, #tpu.memory_space<hbm>> -> memref<64x256xf32, #tpu.memory_space<hbm>>
    tpu.wait_dma2 semaphore(%arg28 : memref<!tpu.dma_semaphore, #tpu.memory_space<semaphore_mem>>) src(%arg16 : memref<64x256xf32, #tpu.memory_space<vmem>>) dst(%dma_wait3A_153 : memref<64x256xf32, #tpu.memory_space<hbm>>)
    %add3A_154 = arith.constant 3904 : i32
    %add3A_155 = arith.addi %mul3A_78, %add3A_154 : i32
    %dma_wait3A_156 = arith.constant 0 : i32
    %dma_wait3A_157 = tpu.memref_slice %arg4[%add3A_155, %dma_wait3A_156] : memref<131072x256xf32, #tpu.memory_space<hbm>> -> memref<64x256xf32, #tpu.memory_space<hbm>>
    %dma_wait3A_158 = arith.constant 0 : i32
    %dma_wait3A_159 = tpu.memref_slice %arg4[%add3A_155, %dma_wait3A_158] : memref<131072x256xf32, #tpu.memory_space<hbm>> -> memref<64x256xf32, #tpu.memory_space<hbm>>
    tpu.wait_dma2 semaphore(%arg29 : memref<!tpu.dma_semaphore, #tpu.memory_space<semaphore_mem>>) src(%arg17 : memref<64x256xf32, #tpu.memory_space<vmem>>) dst(%dma_wait3A_159 : memref<64x256xf32, #tpu.memory_space<hbm>>)
    %add3A_160 = arith.constant 3968 : i32
    %add3A_161 = arith.addi %mul3A_78, %add3A_160 : i32
    %dma_wait3A_162 = arith.constant 0 : i32
    %dma_wait3A_163 = tpu.memref_slice %arg4[%add3A_161, %dma_wait3A_162] : memref<131072x256xf32, #tpu.memory_space<hbm>> -> memref<64x256xf32, #tpu.memory_space<hbm>>
    %dma_wait3A_164 = arith.constant 0 : i32
    %dma_wait3A_165 = tpu.memref_slice %arg4[%add3A_161, %dma_wait3A_164] : memref<131072x256xf32, #tpu.memory_space<hbm>> -> memref<64x256xf32, #tpu.memory_space<hbm>>
    tpu.wait_dma2 semaphore(%arg30 : memref<!tpu.dma_semaphore, #tpu.memory_space<semaphore_mem>>) src(%arg18 : memref<64x256xf32, #tpu.memory_space<vmem>>) dst(%dma_wait3A_165 : memref<64x256xf32, #tpu.memory_space<hbm>>)
    %add3A_166 = arith.constant 4032 : i32
    %add3A_167 = arith.addi %mul3A_78, %add3A_166 : i32
    %dma_wait3A_168 = arith.constant 0 : i32
    %dma_wait3A_169 = tpu.memref_slice %arg4[%add3A_167, %dma_wait3A_168] : memref<131072x256xf32, #tpu.memory_space<hbm>> -> memref<64x256xf32, #tpu.memory_space<hbm>>
    %dma_wait3A_170 = arith.constant 0 : i32
    %dma_wait3A_171 = tpu.memref_slice %arg4[%add3A_167, %dma_wait3A_170] : memref<131072x256xf32, #tpu.memory_space<hbm>> -> memref<64x256xf32, #tpu.memory_space<hbm>>
    tpu.wait_dma2 semaphore(%arg31 : memref<!tpu.dma_semaphore, #tpu.memory_space<semaphore_mem>>) src(%arg19 : memref<64x256xf32, #tpu.memory_space<vmem>>) dst(%dma_wait3A_171 : memref<64x256xf32, #tpu.memory_space<hbm>>)
    return
  }
}

</mosaic_0001>

<sc_bundles>
// kernel: kernel.3.cloned.1.call-start
scs
__scs_entry_jumppad:
0x0: {  	(pc) =	sbr.rel $0x88, $3  }
0x1: {  	(tag) =	ssettag $0x0;
	lr =	simm.s32 $0x1  }
0x2: {  	[smem:$0x3F9F] =	sst lr;
	_ =	strace $0xD0000000  }
0x3: {  	_ = 	snop  }
0x4: {  	_ = 	snop  }
0x5: {  	_ = 	snop  }
0x6: {  	_ = 	snop  }
0x7: {  	_ = 	snop  }
__scs_overlays_trampoline_lowered:
0x8: {  	[smem:$0x3FAE] =	sst s0  }
0x9: {  	[smem:$0x3FAF] =	sst s1  }
0xa: {  	[smem:$0x3FB0] =	sst s2  }
0xb: {  	[smem:$0x3FB1] =	sst s3  }
0xc: {  	[smem:$0x3FB2] =	sst s4  }
0xd: {  	[smem:$0x3FB3] =	sst s5  }
0xe: {  	[smem:$0x3FB4] =	sst s6  }
0xf: {  	[smem:$0x3FB5] =	sst s7  }
0x10: {  	[smem:$0x3FB6] =	sst s8  }
0x11: {  	[smem:$0x3FB7] =	sst s9;
	s0 =	simm.s32 @!p0 $0x0  }
0x12: {  	s1 =	sld [smem:$0x3F9D];
	s0 =	simm.s32 @p0 $0x1  }
0x13: {  	[smem:$0x3FB8] =	sst s0;
	s0 =	simm.s32 @!p1 $0x0  }
0x14: {  	s2 =	sld [smem:$0x3F9C];
	s0 =	simm.s32 @p1 $0x1  }
0x15: {  	[smem:$0x3FB9] =	sst s0;
	s0 =	simm.s32 @!p2 $0x0  }
0x16: {  	s3 =	sld [smem:$0x3FDB];
	s0 =	simm.s32 @p2 $0x1  }
0x17: {  	s4 =	simm.s32 $0x1BF5;
	[smem:$0x3FBB] =	sst s0  }
0x18: {  	s0 =	sld [smem:$0x3F9E];
	_ =	swait.ge [sflag:s4], $0x0  }
0x19: {  	s7 =	sld [smem:$0x3F9F]  }
0x1a: {  	s8 =	sadd.s32 $0xFFFFE003, lr  }
0x1b: {  	s9 =	sadd.s32 $0xFFFFFEF7, lr;
	s5 =	simm.s32 $0xFFFFFFFF;
	p2 =	slt.u32 s8, $0xFFFFF086  }
0x1c: {  	p1 =	slt.u32 s9, $0xF7A;
	s5 =	simm.s32 @!p2 $0x0  }
0x1d: {  	s5 =	simm.s32 @p1 $0x1;
	p0 =	seq.s32 s7, s2  }
0x1e: {  	s7 =	smul.u32 @!p0 $0xF7A, s2;
	p2 =	seq.s32 @!p0 s5, $0x0  }
0x1f: {  	s9 =	smul.u32 $0xF7A, s1;
	s8 =	simm.s32 @!p0 $0x1BF5;
	p2 =	por !p2, p0  }
0x20: {  	[sflag:s8] =	ssyncset.s32 @!p0 $0xFFFFF086;
	s6 =	sadd.s32 @!p0 s3, s7;
	s7 =	simm.s32 @!p0 $0x108  }
0x21: {  	s3 =	sadd.s32 s3, s9;
	s6 =	sadd.s32 @!p0 $0x88, s6;
	s7 =	simm.s32 @p2 $0x1082  }
0x22: {  	[simem:s7], [sflag:s8] =	dma.local @!p0 [hbm:s6], $0xF7A  }
0x23: {  	s9 =	sor.u32 $0xD0000000, s2;
	s6 =	simm.s32 $0x108;
	_ =	swait.ge @!p0 [sflag:s8], $0x0  }
0x24: {  	s3 =	sadd.s32 $0x88, s3;
	s6 =	simm.s32 @!p1 $0x1082;
	[sflag:s4] =	ssyncset.s32 $0xFFFFF086  }
0x25: {  	[simem:s6], [sflag:s4] =	dma.local [hbm:s3], $0xF7A  }
0x26: {  	[smem:$0x3F9F] =	sst s1;
	(tag) =	ssettag s2;
	_ =	strace s9  }
0x27: {  	s1 =	sld [smem:$0x3FAF]  }
0x28: {  	s2 =	sld [smem:$0x3FB0]  }
0x29: {  	s4 =	sld [smem:$0x3FB2]  }
0x2a: {  	p0 =	seq.s32 s5, $0x0;
	s5 =	sld [smem:$0x3FB3]  }
0x2b: {  	s6 =	sld [smem:$0x3FB4]  }
0x2c: {  	s7 =	sld [smem:$0x3FB5]  }
0x2d: {  	s3 =	simm.s32 $0x108;
	s8 =	sld [smem:$0x3FB6]  }
0x2e: {  	s3 =	simm.s32 @!p0 $0x1082;
	s9 =	sld [smem:$0x3FB7]  }
0x2f: {  	lr =	sadd.s32 s0, s3;
	s0 =	sld [smem:$0x3FAE]  }
0x30: {  	s3 =	sld [smem:$0x3FB1]  }
0x31: {  	[smem:$0x3FBA] =	sst s10  }
0x32: {  	s10 =	sld [smem:$0x3FB8];
	_ =	sdelay $0x3  }
0x33: {  	p0 =	seq.s32 s10, $0x1;
	s10 =	sld [smem:$0x3FBA];
	_ =	sdelay $0x3  }
0x34: {  	[smem:$0x3FBA] =	sst s10  }
0x35: {  	s10 =	sld [smem:$0x3FB9];
	_ =	sdelay $0x3  }
0x36: {  	p1 =	seq.s32 s10, $0x1;
	s10 =	sld [smem:$0x3FBA];
	_ =	sdelay $0x3  }
0x37: {  	[smem:$0x3FBA] =	sst s10  }
0x38: {  	s10 =	sld [smem:$0x3FBB]  }
0x39: {  	_ = 	snop;
	(pc) =	sbr.ind lr, $3  }
0x3a: {  	_ = 	snop  }
0x3b: {  	_ = 	snop  }
0x3c: {  	p2 =	seq.s32 s10, $0x1;
	s10 =	sld [smem:$0x3FBA]  }
0x3d: {  	_ =	shalt  }
0x3e: {  	_ =	shalt  }
0x3f: {  	_ =	shalt  }
0x40: {  	_ =	shalt  }
0x41: {  	_ =	shalt  }
0x42: {  	_ =	shalt  }
0x43: {  	_ =	shalt  }
0x44: {  	_ =	shalt  }
0x45: {  	_ =	shalt  }
0x46: {  	_ =	shalt  }
0x47: {  	_ =	shalt  }
0x48: {  	_ =	shalt  }
0x49: {  	_ =	shalt  }
0x4a: {  	_ =	shalt  }
0x4b: {  	_ =	shalt  }
0x4c: {  	_ =	shalt  }
0x4d: {  	_ =	shalt  }
0x4e: {  	_ =	shalt  }
0x4f: {  	_ =	shalt  }
0x50: {  	_ =	shalt  }
0x51: {  	_ =	shalt  }
0x52: {  	_ =	shalt  }
0x53: {  	_ =	shalt  }
0x54: {  	_ =	shalt  }
0x55: {  	_ =	shalt  }
0x56: {  	_ =	shalt  }
0x57: {  	_ =	shalt  }
0x58: {  	_ =	shalt  }
0x59: {  	_ =	shalt  }
0x5a: {  	_ =	shalt  }
0x5b: {  	_ =	shalt  }
0x5c: {  	_ =	shalt  }
0x5d: {  	_ =	shalt  }
0x5e: {  	_ =	shalt  }
0x5f: {  	_ =	shalt  }
0x60: {  	_ =	shalt  }
0x61: {  	_ =	shalt  }
0x62: {  	_ =	shalt  }
0x63: {  	_ =	shalt  }
0x64: {  	_ =	shalt  }
0x65: {  	_ =	shalt  }
0x66: {  	_ =	shalt  }
0x67: {  	_ =	shalt  }
0x68: {  	_ =	shalt  }
0x69: {  	_ =	shalt  }
0x6a: {  	_ =	shalt  }
0x6b: {  	_ =	shalt  }
0x6c: {  	_ =	shalt  }
0x6d: {  	_ =	shalt  }
0x6e: {  	_ =	shalt  }
0x6f: {  	_ =	shalt  }
0x70: {  	_ =	shalt  }
0x71: {  	_ =	shalt  }
0x72: {  	_ =	shalt  }
0x73: {  	_ =	shalt  }
0x74: {  	_ =	shalt  }
0x75: {  	_ =	shalt  }
0x76: {  	_ =	shalt  }
0x77: {  	_ =	shalt  }
0x78: {  	_ =	shalt  }
0x79: {  	_ =	shalt  }
0x7a: {  	_ =	shalt  }
0x7b: {  	_ =	shalt  }
0x7c: {  	_ =	shalt  }
0x7d: {  	_ =	shalt  }
0x7e: {  	_ =	shalt  }
0x7f: {  	_ =	shalt  }
0x80: {  	_ =	shalt  }
0x81: {  	_ =	shalt  }
0x82: {  	_ =	shalt  }
0x83: {  	_ =	shalt  }
0x84: {  	_ =	shalt  }
0x85: {  	_ =	shalt  }
0x86: {  	_ =	shalt  }
0x87: {  	_ =	shalt  }
.Lfunc_end0:
.L_simem_size_0:
called_computation_lowered:
.L_overlay_start_0:
0x88: {  	s2 =	sld [smem:$0x3FD9]  }
0x89: {  	s3 =	sld [smem:$0x3FFE];
	_ =	sdelay $0x1  }
0x8a: {  	s1 =	srdreg.scid  }
0x8b: {  	s0 =	sand.u32 $0x1, s1  }
0x8c: {  	s17 =	sshll.u32 s0, $0xA;
	s2 =	sadd.s32 s3, s2  }
0x8d: {  	s2 =	sadd.s32 s2, s17  }
0x8e: {  	[smem:$0x3FC6] =	sst s2  }
0x8f: {  	_ = 	snop  }
0x90: {  	s2 =	sld [smem:$0x3FC9]  }
0x91: {  	s18 =	sld [smem:$0x3FD0];
	(tm) =	ssettm $0x1  }
0x92: {  	s4 =	sld [smem:$0x3FFB];
	_ =	sdelay $0x3  }
0x93: {  	_ =	strace s4  }
0x94: {  	s4 =	sld [smem:$0x3FFC];
	_ =	sdelay $0x3  }
0x95: {  	_ =	strace s4  }
0x96: {  	s4 =	sld [smem:$0x3FFD];
	_ =	sdelay $0x3  }
0x97: {  	_ =	strace s4  }
0x98: {  	_ =	strace $0x8FFFFFFF  }
0x99: {  	s19 =	sld [smem:$0x3FDB];
	_ =	sdelay $0x1  }
0x9a: {  	s5 =	simm.s32 $_scs_section_size  }
0x9b: {  	s6 =	simm.s32 $_size__tile_overlayer_lowered;
	s7 =	simm.s32 $_tile_overlayer_lowered  }
0x9c: {  	s22 =	simm.s32 $0x1BFF;
	s21 =	sshll.u32 s7, $0x1;
	s4 =	sadd.s32 s5, s19  }
0x9d: {  	s8 =	simm.s32 $0x0;
	s20 =	sshll.u32 s6, $0x1;
	s6 =	sadd.s32 s21, s4  }
0x9e: {  	[timem:s8], [sflag:s22] =	dma.local [hbm:s6], s20  }
0x9f: {  	_ =	swait.ge [sflag:s22], s20  }
0xa0: {  	s5 =	ssub.s32 $0x0, s20;
	[sflag:s22] =	ssyncset.done $0x0  }
0xa1: {  	[sflag:s22] =	ssyncadd.s32 s5;
	_ =	sdelay $0x1  }
0xa2: {  	s23 =	simm.s32 $0x1B8B  }
0xa3: {  	_ =	swait.ge [sflag:s23], $0x1  }
0xa4: {  	[sflag:s23] =	ssyncset.done $0x0  }
0xa5: {  	s25 =	simm.s32 $0x1B8E;
	s24 =	sld [smem:$0x3FFE];
	[sflag:s23] =	ssyncadd.s32 $0xFFFFFFFF  }
0xa6: {  	s26 =	simm.s32 $execute0_lowered;
	[smem:$0x3FD2] =	sst s25  }
0xa7: {  	s6 =	sshll.u32 s26, $0x1;
	_ =	strace $0x80000046;
	[dreg:$0x1] =	wrdreg $0xFFFFFFFF  }
0xa8: {  	s28 =	simm.s32 $_size_execute0_lowered;
	s4 =	sadd.s32 s4, s6;
	[dreg:$0x0] =	wrdreg $0x0  }
0xa9: {  	s6 =	sshll.u32 s28, $0x1;
	[dreg:$0x2] =	wrdreg s4  }
0xaa: {  	[dreg:$0x3] =	wrdreg s6  }
0xab: {  	[dreg:$0x4] =	wrdreg $0xC0  }
0xac: {  	_ =	task [dreg:s8], $0x5FFFF  }
0xad: {  	[dreg:$0x1] =	wrdreg $0xFFFFFFFF  }
0xae: {  	[dreg:$0x0] =	wrdreg $0x60  }
0xaf: {  	[dreg:$0x2] =	wrdreg s2  }
0xb0: {  	[dreg:$0x3] =	wrdreg s24  }
0xb1: {  	[dreg:$0x4] =	wrdreg s18  }
0xb2: {  	[dreg:$0x5] =	wrdreg $0x1BA000  }
0xb3: {  	[dreg:$0x6] =	wrdreg $0x1BC000  }
0xb4: {  	[dreg:$0x7] =	wrdreg $0x1DC000  }
0xb5: {  	[dreg:$0x8] =	wrdreg $0x9  }
0xb6: {  	_ =	task.clear_ibuf [dreg:s8], $0x9FFFF;
	_ =	strace $0x90000046  }
0xb7: {  	s29 =	simm.s32 $0x9;
	_ =	strace $0x80000048  }
0xb8: {  	_ =	swait.ge [sflag:s29], $0x1  }
0xb9: {  	[sflag:s29] =	ssyncadd.s32 $0xFFFFFFFF  }
0xba: {  	_ =	strace $0x90000048  }
0xbb: {  	_ =	sfence  }
0xbc: {  	s30 =	sld [smem:$0x0];
	_ =	sdelay $0x2  }
0xbd: {  	s31 =	sshll.u32 s1, $0xD;
	s1 =	sshrl.u32 s1, $0x2  }
0xbe: {  	s3 =	sand.u32 $0x4000, s31;
	s1 =	sadd.s32 s1, s30  }
0xbf: {  	s0 =	sor.u32 s3, s0;
	s1 =	sshll.u32 s1, $0x11  }
0xc0: {  	s0 =	sor.u32 s1, s0  }
0xc1: {  	s0 =	sadd.s32 $0x8F2B, s0  }
0xc2: {  	[sflag:s0] =	ssyncadd.remote.s32 $0x1  }
0xc3: {  	_ =	sfence.sel $0xFFFF  }
0xc4: {  	[dreg:$0x0] =	wrdreg $0xFFFFFFFF;
	(pc) =	sbr.abs _section_cstart, $3  }
0xc5: {  	[dreg:$0x1] =	wrdreg $0xFFFFFFFF  }
0xc6: {  	_ =	task.clear_ibuf [dreg:s8], $0x2FFFF;
	_ =	strace $0x9FFFFFFF  }
0xc7: {  	(tm) =	ssettm $0x7FFFFFFF  }
tec
execute0_lowered:
.L_overlay_start_1:
0x0: {  	(tag) =	ssettag $0x1  }
0x1: {  	s0 =	rddreg [dreg:$0x0]  }
0x2: {  	s1 =	rddreg [dreg:$0x1]  }
0x3: {  	s15 =	rddreg [dreg:$0x2]  }
0x4: {  	s6 =	rddreg [dreg:$0x3]  }
0x5: {  	s21 =	rddreg [dreg:$0x4]  }
0x6: {  	s22 =	rddreg [dreg:$0x5];
	s5 =	simm.s32 $0x0;
	s13 =	stileid.u32  }
0x7: {  	s2 =	srdreg.scid;
	s7 =	simm.s32 $0x1;
	s8 =	simm.s32 $0x1  }
0x8: {  	s10 =	simm.s32 $0x1;
	s9 =	simm.s32 $0x1;
	s11 =	simm.s32 $0x1  }
0x9: {  	s12 =	simm.s32 $0x1;
	s14 =	simm.s32 $0x1;
	[smem:$0x7FF] =	sst s5  }
0xa: {  	s3 =	sshll.u32 s13, $0xA;
	s17 =	sand.u32 $0x1, s2;
	s23 =	sshll.u32 s13, $0x9  }
0xb: {  	s4 =	sshll.u32 s13, $0x7;
	p0 =	sgt.u32 s13, $0x1;
	s26 =	sshll.u32 s13, $0x11  }
0xc: {  	p1 =	sgt.u32 s13, $0xD;
	_ =	strace $0x80000047;
	s16 =	sadd.s32 s3, s1  }
0xd: {  	s20 =	ssub.s32 $0x2, s17;
	s2 =	sand.u32 $0x1000, s23;
	s25 =	sand.u32 $0x380, s4  }
0xe: {  	s1 =	simm.s32 $0x1;
	s3 =	simm.s32 $0x1;
	s4 =	simm.s32 $0x1  }
0xf: {  	s19 =	sshll.u32 s17, $0x10;
	s17 =	sshll.u32 s17, $0x15;
	s24 =	sshrl.u32 s20, $0x1  }
0x10: {  	s2 =	sadd.s32 s2, s6;
	s1 =	simm.s32 @!p0 $0x0;
	p0 =	sgt.u32 s13, $0x2  }
0x11: {  	s6 =	simm.s32 $0x1;
	s16 =	sadd.s32 $0x400, s16;
	s18 =	ssub.s32 s20, s24  }
0x12: {  	s23 =	sadd.s32 s25, s2;
	s3 =	simm.s32 @!p0 $0x0;
	p0 =	sgt.u32 s13, $0x3  }
0x13: {  	s2 =	simm.s32 $0x1;
	s20 =	sshll.u32 s13, $0xC;
	[dreg:$0xa] =	wrdreg s16  }
0x14: {  	s16 =	simm.s32 $0x1;
	s2 =	simm.s32 @!p0 $0x0;
	p0 =	sgt.u32 s13, $0x4  }
0x15: {  	s19 =	sor.u32 s20, s19;
	s18 =	smax.u32 s18, $0x1;
	[dreg:$0x8] =	wrdreg s23  }
0x16: {  	s4 =	simm.s32 @!p0 $0x0;
	p0 =	sgt.u32 s13, $0x5;
	s20 =	sshll.u32 s19, $0x5  }
0x17: {  	s19 =	sadd.s32 s19, s22;
	[dreg:$0xc] =	wrdreg s18;
	s22 =	simm.s32 $0xA  }
0x18: {  	s18 =	simm.s32 $0x8000;
	v3 =	vmov s2;
	s2 =	simm.s32 $0x0;
	s7 =	simm.s32 @!p0 $0x0  }
0x19: {  	p0 =	sgt.u32 s13, $0x6;
	s20 =	sadd.s32 s15, s20;
	s15 =	sadd.s32 s17, s15  }
0x1a: {  	[dreg:$0xb] =	wrdreg s19;
	s19 =	simm.s32 $0x8200;
	s6 =	simm.s32 @!p0 $0x0  }
0x1b: {  	p0 =	sgt.u32 s13, $0x7;
	s17 =	sadd.s32 s26, s15;
	s15 =	simm.s32 $0x1  }
0x1c: {  	s29 =	sadd.s32 $0x800, s20;
	s30 =	sadd.s32 $0x1F000, s20;
	[dreg:$0x9] =	wrdreg s20  }
0x1d: {  	s31 =	sadd.s32 $0x1F800, s20;
	s20 =	simm.s32 $0x8400;
	s8 =	simm.s32 @!p0 $0x0  }
0x1e: {  	p0 =	sgt.u32 s13, $0x8;
	s15 =	simm.s32 @!p1 $0x0;
	p1 =	seq.s32 s13, $0xF  }
0x1f: {  	[dreg:$0x7] =	wrdreg s17;
	s10 =	simm.s32 @!p0 $0x0;
	p0 =	sgt.u32 s13, $0x9  }
0x20: {  	s17 =	simm.s32 $0x1;
	s9 =	simm.s32 @!p0 $0x0;
	p0 =	sgt.u32 s13, $0xA  }
0x21: {  	v15 =	vimm.s32 $0x0;
	v16 =	vlaneseq.u32;
	v17 =	vimm.s32 $0x1;
	[dreg:$0xf] =	wrdreg s29;
	s11 =	simm.s32 @!p0 $0x0;
	p0 =	sgt.u32 s13, $0xB  }
0x22: {  	vm0 =	vmmov $0xffff;
	v1 =	vmov s1;
	v2 =	vmov s3;
	[dreg:$0x10] =	wrdreg s30;
	s12 =	simm.s32 @!p0 $0x0;
	p0 =	sgt.u32 s13, $0xC  }
0x23: {  	v4 =	vmov s4;
	v5 =	vmov s7;
	v6 =	vmov s6;
	s14 =	simm.s32 @!p0 $0x0;
	p0 =	sne.s32 s13, $0x0;
	s13 =	sshll.u32 s13, $0xD  }
0x24: {  	[dreg:$0x11] =	wrdreg s31;
	s16 =	simm.s32 @!p1 $0x0;
	v7 =	vmov s8;
	v13 =	vmov s15;
	v8 =	vmov s10;
	s28 =	sadd.s32 s13, s21  }
0x25: {  	v14 =	vmov s16;
	v9 =	vmov s9;
	v10 =	vmov s11;
	s17 =	simm.s32 @!p0 $0x0;
	s13 =	sor.u32 $0x1810, s13;
	[dreg:$0xd] =	wrdreg s28  }
0x26: {  	v11 =	vmov s12;
	s21 =	simm.s32 $0x8600;
	v12 =	vmov s14;
	[dreg:$0xe] =	wrdreg s13;
	s13 =	simm.s32 $0x1;
	v0 =	vmov s17  }
.LBB2_1:
0x27: {  	[dreg:$0x12] =	wrdreg s2  }
0x28: {  	s1 =	rddreg [dreg:$0xa]  }
0x29: {  	[tilespmem:s5], [sflag:$0xA] =	stream.linear.gather [hbm4b:s1+s5], $0x2000, $0x38;
	[tilespmem:$0x1FC00] =	vst v63  }
0x2a: {  	_ =	swait.ge [sflag:s22], $0x2000  }
0x2b: {  	[sflag:s22] =	ssyncset.done $0x0  }
0x2c: {  	s1 =	simm.s32 $0x0;
	[sflag:s22] =	ssyncadd.s32 $0xFFFFE000  }
.LBB2_2:
0x2d: {  	p1 =	sne.s32 s1, $0x7C0  }
.Ltmp0:
0x2e: {  	s2 =	sshra.s32 s1, $0x2;
	(pc) =	sbr.rel @p1 .LBB2_2-.Ltmp0, $4  }
0x2f: {  	[tilespmem:s2+$0x8000] =	vst v15  }
0x30: {  	[tilespmem:s2+$0x8200] =	vst v15  }
0x31: {  	[tilespmem:s2+$0x8400] =	vst v15  }
0x32: {  	s1 =	sadd.s32 $0x40, s1;
	[tilespmem:s2+$0x8600] =	vst v15  }
0x33: {  	s3 =	simm.s32 $0x1000  }
0x34: {  	v18 =	vld [tilespmem:s3+$0xFFFFF000]  }
0x35: {  	v19 =	vld [tilespmem:s3+$0xFFFFF010];
	_ =	sdelay $0x3  }
0x36: {  	v20 =	vand.u32 $0x1FF, v18  }
0x37: {  	v21 =	vand.u32 $0x1FF, v19;
	(xrf1) =	vunique.msk.u32 $0xffff, v20  }
0x38: {  	(xrf1) =	vunique.msk.u32 $0xffff, v21;
	_ =	sdelay $0xc  }
0x39: {  	s6 =	rddreg [dreg:$0xe];
	v19 =	vshll.u32 v19, $0xB;
	_, v22, _ =	vpop (xrf1)  }
0x3a: {  	s23 =	simm.s32 $0x5000;
	s1 =	sadd.s32 $0xFFFFE800, s6;
	v19 =	vand.u32 $0xFFF00000, v19;
	v22 =	vadd.s32 $0xFFFFFFFF, v22;
	_, v23, _ =	vpop (xrf1)  }
0x3b: {  	v19 =	vor.u32 s1, v19;
	[tilespmem:s23+$0xFFFFF000] =	vst v22;
	v22 =	vadd.s32 $0xFFFFFFFF, v23  }
0x3c: {  	s25 =	simm.s32 $0x3000;
	v18 =	vshll.u32 v18, $0xB;
	v19 =	vor.u32 v16, v19;
	[tilespmem:s23+$0xFFFFF010] =	vst v22  }
0x3d: {  	s9 =	sadd.s32 $0xFFFFE7F0, s6;
	v18 =	vand.u32 $0xFFF00000, v18;
	[tilespmem:s25+$0xFFFFF010] =	vst v19  }
0x3e: {  	v18 =	vor.u32 s9, v18;
	[tilespmem:s3+$0xFFFFF010] =	vst v21  }
0x3f: {  	v18 =	vor.u32 v16, v18;
	[tilespmem:v21+s18+$0x0] =	vst.idx.add.s32.msk $0xffff, v17  }
0x40: {  	[tilespmem:s25+$0xFFFFF000] =	vst v18;
	v18 =	vld [tilespmem:s3+$0xFFFFF810];
	_ =	sdelay $0x2  }
0x41: {  	[tilespmem:s3+$0xFFFFF000] =	vst v20  }
0x42: {  	[tilespmem:v20+s18+$0x0] =	vst.idx.add.s32.msk $0xffff, v17  }
0x43: {  	s4 =	simm.s32 $0x1020;
	v19 =	vld [tilespmem:s3+$0xFFFFF800];
	v22 =	vand.u32 $0x1FF, v18  }
0x44: {  	v20 =	vld [tilespmem:s4+$0xFFFFF000];
	(xrf1) =	vunique.msk.u32 $0xffff, v22  }
0x45: {  	v21 =	vld [tilespmem:s4+$0xFFFFF010];
	_ =	sdelay $0x2  }
0x46: {  	v23 =	vand.u32 $0x1FF, v19  }
0x47: {  	v24 =	vand.u32 $0x1FF, v20;
	(xrf1) =	vunique.msk.u32 $0xffff, v23  }
0x48: {  	v25 =	vand.u32 $0x1FF, v21;
	(xrf1) =	vunique.msk.u32 $0xffff, v24  }
0x49: {  	(xrf1) =	vunique.msk.u32 $0xffff, v25;
	_ =	sdelay $0x6  }
0x4a: {  	_, v26, _ =	vpop (xrf1)  }
0x4b: {  	v18 =	vshll.u32 v18, $0xB;
	v26 =	vadd.s32 $0xFFFFFFFF, v26  }
0x4c: {  	s10 =	sadd.s32 $0xFFFFF000, s6;
	v18 =	vand.u32 $0xFFF00000, v18  }
0x4d: {  	v18 =	vor.u32 s10, v18  }
0x4e: {  	v18 =	vor.u32 v16, v18;
	[tilespmem:s23+$0xFFFFF810] =	vst v26  }
0x4f: {  	[tilespmem:s25+$0xFFFFF810] =	vst v18;
	_, v26, _ =	vpop (xrf1)  }
0x50: {  	s26 =	sadd.s32 $0x20, s6;
	v18 =	vshll.u32 v21, $0xB;
	[tilespmem:s3+$0xFFFFF810] =	vst v22;
	_, v21, _ =	vpop (xrf1)  }
0x51: {  	s30 =	simm.s32 $0x5020;
	s11 =	sadd.s32 $0xFFFFE800, s26;
	v18 =	vand.u32 $0xFFF00000, v18;
	[tilespmem:v22+s19+$0x0] =	vst.idx.add.s32.msk $0xffff, v17;
	v21 =	vadd.s32 $0xFFFFFFFF, v21;
	_, v27, _ =	vpop (xrf1)  }
0x52: {  	v18 =	vor.u32 s11, v18;
	v22 =	vld [tilespmem:s3+$0x10];
	[tilespmem:s30+$0xFFFFF000] =	vst v21;
	v21 =	vadd.s32 $0xFFFFFFFF, v27  }
0x53: {  	s2 =	simm.s32 $0x3020;
	v20 =	vshll.u32 v20, $0xB;
	v18 =	vor.u32 v16, v18;
	[tilespmem:s30+$0xFFFFF010] =	vst v21  }
0x54: {  	s12 =	sadd.s32 $0xFFFFE7F0, s26;
	v20 =	vand.u32 $0xFFF00000, v20;
	[tilespmem:s2+$0xFFFFF010] =	vst v18  }
0x55: {  	v18 =	vor.u32 s12, v20;
	[tilespmem:s4+$0xFFFFF010] =	vst v25  }
0x56: {  	v18 =	vor.u32 v16, v18;
	[tilespmem:v25+s18+$0x0] =	vst.idx.add.s32.msk $0xffff, v17  }
0x57: {  	v20 =	vand.u32 $0x1FF, v22;
	[tilespmem:s2+$0xFFFFF000] =	vst v18;
	v18 =	vld [tilespmem:s4+$0xFFFFF810]  }
0x58: {  	(xrf1) =	vunique.msk.u32 $0xffff, v20;
	_ =	sdelay $0x1  }
0x59: {  	[tilespmem:s4+$0xFFFFF000] =	vst v24  }
0x5a: {  	[tilespmem:v24+s18+$0x0] =	vst.idx.add.s32.msk $0xffff, v17  }
0x5b: {  	s29 =	simm.s32 $0x1040;
	v21 =	vld [tilespmem:s4+$0xFFFFF800];
	v27 =	vand.u32 $0x1FF, v18  }
0x5c: {  	v24 =	vld [tilespmem:s29+$0xFFFFF000];
	(xrf1) =	vunique.msk.u32 $0xffff, v27  }
0x5d: {  	v25 =	vld [tilespmem:s29+$0xFFFFF010];
	_ =	sdelay $0x2  }
0x5e: {  	v28 =	vand.u32 $0x1FF, v21  }
0x5f: {  	v19 =	vshll.u32 v19, $0xB;
	v22 =	vshll.u32 v22, $0xB;
	v29 =	vand.u32 $0x1FF, v24;
	(xrf1) =	vunique.msk.u32 $0xffff, v28  }
0x60: {  	s14 =	sadd.s32 $0xFFFFEFF0, s6;
	v19 =	vand.u32 $0xFFF00000, v19;
	v30 =	vand.u32 $0x1FF, v25;
	(xrf1) =	vunique.msk.u32 $0xffff, v29  }
0x61: {  	v19 =	vor.u32 s14, v19;
	v26 =	vadd.s32 $0xFFFFFFFF, v26;
	(xrf1) =	vunique.msk.u32 $0xffff, v30  }
0x62: {  	v19 =	vor.u32 v16, v19;
	[tilespmem:s23+$0xFFFFF800] =	vst v26  }
0x63: {  	[tilespmem:s25+$0xFFFFF800] =	vst v19;
	v19 =	vand.u32 $0xFFF00000, v22;
	_, v22, _ =	vpop (xrf1)  }
0x64: {  	s15 =	sadd.s32 $0xFFFFF800, s6;
	v22 =	vadd.s32 $0xFFFFFFFF, v22  }
0x65: {  	[tilespmem:s3+$0xFFFFF800] =	vst v23;
	v19 =	vor.u32 s15, v19  }
0x66: {  	v19 =	vor.u32 v16, v19;
	[tilespmem:s23+$0x10] =	vst v22  }
0x67: {  	[tilespmem:s25+$0x10] =	vst v19  }
0x68: {  	[tilespmem:s3+$0x10] =	vst v20;
	_, v22, _ =	vpop (xrf1)  }
0x69: {  	v18 =	vshll.u32 v18, $0xB;
	[tilespmem:v20+s20+$0x0] =	vst.idx.add.s32.msk $0xffff, v17;
	v20 =	vadd.s32 $0xFFFFFFFF, v22  }
0x6a: {  	s16 =	sadd.s32 $0xFFFFF000, s26;
	[tilespmem:v23+s19+$0x0] =	vst.idx.add.s32.msk $0xffff, v17;
	v18 =	vand.u32 $0xFFF00000, v18  }
0x6b: {  	v18 =	vor.u32 s16, v18;
	v19 =	vld [tilespmem:s3+$0x0]  }
0x6c: {  	v18 =	vor.u32 v16, v18;
	[tilespmem:s30+$0xFFFFF810] =	vst v20  }
0x6d: {  	[tilespmem:s2+$0xFFFFF810] =	vst v18;
	_, v20, _ =	vpop (xrf1)  }
0x6e: {  	s8 =	sadd.s32 $0x20, s26;
	v18 =	vshll.u32 v25, $0xB;
	[tilespmem:s4+$0xFFFFF810] =	vst v27;
	_, v23, _ =	vpop (xrf1)  }
0x6f: {  	s17 =	sadd.s32 $0xFFFFE800, s8;
	s9 =	simm.s32 $0x5040;
	v18 =	vand.u32 $0xFFF00000, v18;
	[tilespmem:v27+s19+$0x0] =	vst.idx.add.s32.msk $0xffff, v17;
	v23 =	vadd.s32 $0xFFFFFFFF, v23;
	_, v26, _ =	vpop (xrf1)  }
0x70: {  	v22 =	vld [tilespmem:s3+$0x810];
	v25 =	vand.u32 $0x1FF, v19;
	v18 =	vor.u32 s17, v18;
	[tilespmem:s9+$0xFFFFF000] =	vst v23;
	v23 =	vadd.s32 $0xFFFFFFFF, v26  }
0x71: {  	s10 =	simm.s32 $0x3040;
	(xrf1) =	vunique.msk.u32 $0xffff, v25;
	v18 =	vor.u32 v16, v18;
	v26 =	vld [tilespmem:s4+$0x10];
	[tilespmem:s9+$0xFFFFF010] =	vst v23  }
0x72: {  	v24 =	vshll.u32 v24, $0xB;
	[tilespmem:s10+$0xFFFFF010] =	vst v18  }
0x73: {  	s22 =	sadd.s32 $0xFFFFE7F0, s8;
	v23 =	vand.u32 $0xFFF00000, v24;
	[tilespmem:s29+$0xFFFFF010] =	vst v30  }
0x74: {  	v18 =	vor.u32 s22, v23;
	[tilespmem:v30+s18+$0x0] =	vst.idx.add.s32.msk $0xffff, v17  }
0x75: {  	v23 =	vor.u32 v16, v18;
	v18 =	vand.u32 $0x1FF, v22;
	v24 =	vld [tilespmem:s29+$0xFFFFF810]  }
0x76: {  	(xrf1) =	vunique.msk.u32 $0xffff, v18;
	[tilespmem:s10+$0xFFFFF000] =	vst v23;
	v23 =	vand.u32 $0x1FF, v26  }
0x77: {  	[tilespmem:s29+$0xFFFFF000] =	vst v29;
	(xrf1) =	vunique.msk.u32 $0xffff, v23  }
0x78: {  	[tilespmem:v29+s18+$0x0] =	vst.idx.add.s32.msk $0xffff, v17  }
0x79: {  	s22 =	simm.s32 $0x1060;
	v27 =	vld [tilespmem:s29+$0xFFFFF800]  }
0x7a: {  	v29 =	vld [tilespmem:s22+$0xFFFFF000];
	v31 =	vand.u32 $0x1FF, v24  }
0x7b: {  	v21 =	vshll.u32 v21, $0xB;
	v30 =	vld [tilespmem:s22+$0xFFFFF010];
	(xrf1) =	vunique.msk.u32 $0xffff, v31  }
0x7c: {  	s24 =	sadd.s32 $0xFFFFEFF0, s26;
	v21 =	vand.u32 $0xFFF00000, v21  }
0x7d: {  	v21 =	vor.u32 s24, v21  }
0x7e: {  	v21 =	vor.u32 v16, v21;
	v32 =	vadd.s32 $0xFFFFFFFF, v20;
	v20 =	vand.u32 $0x1FF, v27  }
0x7f: {  	v19 =	vshll.u32 v19, $0xB;
	[tilespmem:s30+$0xFFFFF800] =	vst v32;
	v33 =	vand.u32 $0x1FF, v29;
	_, v61, _ =	vpop (xrf1);
	(xrf1) =	vunique.msk.u32 $0xffff, v20  }
0x80: {  	[tilespmem:s2+$0xFFFFF800] =	vst v21;
	v62 =	vand.u32 $0x1FF, v30;
	v21 =	vadd.s32 $0xFFFFFFFF, v61;
	(xrf1) =	vunique.msk.u32 $0xffff, v33  }
0x81: {  	s7 =	sadd.s32 $0xFFFFF7F0, s6;
	v19 =	vand.u32 $0xFFF00000, v19;
	[tilespmem:s4+$0xFFFFF800] =	vst v28;
	(xrf1) =	vunique.msk.u32 $0xffff, v62  }
0x82: {  	v19 =	vor.u32 s7, v19;
	[tilespmem:v28+s19+$0x0] =	vst.idx.add.s32.msk $0xffff, v17  }
0x83: {  	v19 =	vor.u32 v16, v19;
	[tilespmem:s23+$0x0] =	vst v21  }
0x84: {  	v26 =	vshll.u32 v26, $0xB;
	[tilespmem:s25+$0x0] =	vst v19;
	_, v21, _ =	vpop (xrf1)  }
0x85: {  	s11 =	sadd.s32 $0xFFFFF800, s26;
	v19 =	vand.u32 $0xFFF00000, v26;
	[tilespmem:s3+$0x0] =	vst v25;
	_, v28, _ =	vpop (xrf1)  }
0x86: {  	v19 =	vor.u32 s11, v19;
	[tilespmem:v25+s20+$0x0] =	vst.idx.add.s32.msk $0xffff, v17;
	v28 =	vadd.s32 $0xFFFFFFFF, v28  }
0x87: {  	v19 =	vor.u32 v16, v19;
	[tilespmem:s30+$0x10] =	vst v28  }
0x88: {  	[tilespmem:s2+$0x10] =	vst v19  }
0x89: {  	v26 =	vld [tilespmem:s4+$0x0];
	[tilespmem:s4+$0x10] =	vst v23;
	_, v25, _ =	vpop (xrf1)  }
0x8a: {  	[tilespmem:v23+s20+$0x0] =	vst.idx.add.s32.msk $0xffff, v17;
	v23 =	vadd.s32 $0xFFFFFFFF, v25;
	_ =	sdelay $0x1  }
0x8b: {  	v22 =	vshll.u32 v22, $0xB  }
0x8c: {  	v22 =	vand.u32 $0xFFF00000, v22;
	_, v28, _ =	vpop (xrf1)  }
0x8d: {  	v34 =	vor.u32 s6, v22;
	v22 =	vld [tilespmem:s3+$0x800];
	v19 =	vshll.u32 v24, $0xB;
	v24 =	vadd.s32 $0xFFFFFFFF, v21;
	[tilespmem:s9+$0xFFFFF810] =	vst v23;
	_, v23, _ =	vpop (xrf1)  }
0x8e: {  	s12 =	sadd.s32 $0xFFFFF000, s8;
	s7 =	simm.s32 $0x5060;
	v21 =	vand.u32 $0x1FF, v26;
	v19 =	vand.u32 $0xFFF00000, v19;
	v23 =	vadd.s32 $0xFFFFFFFF, v23;
	_, v25, _ =	vpop (xrf1)  }
0x8f: {  	v19 =	vor.u32 s12, v19;
	[tilespmem:s7+$0xFFFFF000] =	vst v23;
	v23 =	vadd.s32 $0xFFFFFFFF, v25;
	v25 =	vshll.u32 v27, $0xB  }
0x90: {  	s11 =	sadd.s32 $0xFFFFEFF0, s8;
	(xrf1) =	vunique.msk.u32 $0xffff, v21;
	v19 =	vor.u32 v16, v19;
	[tilespmem:s7+$0xFFFFF010] =	vst v23;
	v23 =	vand.u32 $0xFFF00000, v25  }
0x91: {  	[tilespmem:s10+$0xFFFFF810] =	vst v19;
	v19 =	vshll.u32 v29, $0xB;
	v29 =	vld [tilespmem:s4+$0x810];
	v25 =	vshll.u32 v26, $0xB;
	v27 =	vor.u32 s11, v23  }
0x92: {  	s31 =	sadd.s32 $0x20, s8;
	v23 =	vand.u32 $0xFFF00000, v25;
	v25 =	vshll.u32 v22, $0xB;
	v22 =	vand.u32 $0x1FF, v22  }
0x93: {  	s14 =	sadd.s32 $0xFFFFE7F0, s31;
	[tilespmem:s23+$0x810] =	vst v24;
	v24 =	vshll.u32 v30, $0xB;
	v19 =	vand.u32 $0xFFF00000, v19;
	(xrf1) =	vunique.msk.u32 $0xffff, v22  }
0x94: {  	s15 =	sadd.s32 $0xFFFFE800, s31;
	v24 =	vand.u32 $0xFFF00000, v24;
	[tilespmem:s29+$0xFFFFF810] =	vst v31;
	v19 =	vor.u32 s14, v19  }
0x95: {  	s1 =	simm.s32 $0x3060;
	s16 =	sadd.s32 $0xFFFFF7F0, s26;
	v24 =	vor.u32 s15, v24;
	[tilespmem:v31+s19+$0x0] =	vst.idx.add.s32.msk $0xffff, v17;
	v19 =	vor.u32 v16, v19  }
0x96: {  	v26 =	vld [tilespmem:s29+$0x10];
	[tilespmem:s1+$0xFFFFF000] =	vst v19;
	v19 =	vor.u32 v16, v24;
	v24 =	vor.u32 s16, v23;
	v23 =	vand.u32 $0x1FF, v29  }
0x97: {  	(xrf1) =	vunique.msk.u32 $0xffff, v23;
	_ =	sdelay $0x1  }
0x98: {  	s17 =	sadd.s32 $0xFFFFFFF0, s6;
	[tilespmem:s1+$0xFFFFF010] =	vst v19;
	v19 =	vand.u32 $0xFFF00000, v25  }
0x99: {  	[tilespmem:s22+$0xFFFFF010] =	vst v62;
	v29 =	vshll.u32 v29, $0xB;
	v25 =	vor.u32 s17, v19  }
0x9a: {  	[tilespmem:v62+s18+$0x0] =	vst.idx.add.s32.msk $0xffff, v17;
	v19 =	vand.u32 $0xFFF00000, v29;
	v29 =	vshll.u32 v26, $0xB;
	v26 =	vand.u32 $0x1FF, v26  }
0x9b: {  	[tilespmem:s22+$0xFFFFF000] =	vst v33;
	v30 =	vld [tilespmem:s22+$0xFFFFF810];
	(xrf1) =	vunique.msk.u32 $0xffff, v26  }
0x9c: {  	v28 =	vadd.s32 $0xFFFFFFFF, v28;
	[tilespmem:v33+s18+$0x0] =	vst.idx.add.s32.msk $0xffff, v17  }
0x9d: {  	s28 =	simm.s32 $0x2;
	s24 =	sadd.s32 $0xFFFFF800, s8;
	s15 =	simm.s32 $0x1080;
	[tilespmem:s9+$0xFFFFF800] =	vst v28;
	v63 =	vor.u32 v16, v27;
	v28 =	vld [tilespmem:s22+$0xFFFFF800];
	v29 =	vand.u32 $0xFFF00000, v29  }
0x9e: {  	s14 =	simm.s32 $0x6;
	s11 =	smov.u32 s31;
	[tilespmem:s10+$0xFFFFF800] =	vst v63;
	s17 =	simm.s32 $0x15200;
	v19 =	vor.u32 s26, v19;
	_, v31, _ =	vpop (xrf1);
	v27 =	vor.u32 s24, v29;
	v29 =	vor.u32 v16, v34  }
.LBB2_4:
0x9f: {  	v32 =	vld [tilespmem:s15+$0xFFFFF000];
	s14 =	sadd.s32 $0x2, s14;
	[tilespmem:s25+$0x810] =	vst v29;
	s24 =	simm.s32 $0x8810;
	s16 =	simm.s32 $0x8610  }
0xa0: {  	v29 =	vld [tilespmem:s15+$0xFFFFF010];
	p1 =	slt.u32 s14, $0x7E;
	v33 =	vand.u32 $0x1FF, v30;
	v30 =	vshll.u32 v30, $0xB;
	[tilespmem:s3+$0x810] =	vst v18;
	_, v34, _ =	vpop (xrf1)  }
0xa1: {  	s6 =	sadd.s32 $0xFFFFF000, s31;
	v30 =	vand.u32 $0xFFF00000, v30;
	(xrf1) =	vunique.msk.u32 $0xffff, v33;
	v34 =	vadd.s32 $0xFFFFFFFF, v34;
	[tilespmem:v18+s21+$0x0] =	vst.idx.add.s32.msk $0xffff, v17;
	v18 =	vmovc v23  }
0xa2: {  	v25 =	vor.u32 v16, v25;
	v23 =	vand.u32 $0x1FF, v28;
	v30 =	vor.u32 s6, v30;
	[tilespmem:s23+$0x800] =	vst v34;
	s23 =	smov.u32 s30;
	s30 =	smov.u32 s9;
	s9 =	smov.u32 s7  }
0xa3: {  	v28 =	vshll.u32 v28, $0xB;
	(xrf1) =	vunique.msk.u32 $0xffff, v23;
	[tilespmem:s25+$0x800] =	vst v25;
	s25 =	smov.u32 s2;
	s2 =	smov.u32 s10;
	s10 =	smov.u32 s1  }
0xa4: {  	v31 =	vadd.s32 $0xFFFFFFFF, v31;
	v34 =	vand.u32 $0x1FF, v32;
	v25 =	vshll.u32 v32, $0xB;
	_, v32, _ =	vpop (xrf1);
	[tilespmem:s3+$0x800] =	vst v22;
	s3 =	smov.u32 s4;
	s4 =	smov.u32 s29;
	s29 =	smov.u32 s22  }
0xa5: {  	s31 =	sadd.s32 $0x20, s31;
	s22 =	smov.u32 s15;
	v25 =	vand.u32 $0xFFF00000, v25;
	v35 =	vand.u32 $0x1FF, v29;
	(xrf1) =	vunique.msk.u32 $0xffff, v34;
	[tilespmem:v22+s21+$0x0] =	vst.idx.add.s32.msk $0xffff, v17  }
0xa6: {  	s6 =	sadd.s32 $0xFFFFE7F0, s31;
	v22 =	vshll.u32 v29, $0xB;
	v29 =	vadd.s32 $0xFFFFFFFF, v32;
	(xrf1) =	vunique.msk.u32 $0xffff, v35;
	[tilespmem:s23+$0x0] =	vst v31  }
0xa7: {  	s12 =	sadd.s32 $0xFFFFEFF0, s11;
	v31 =	vor.u32 s6, v25;
	s6 =	sadd.s32 $0xFFFFE800, s31;
	v22 =	vand.u32 $0xFFF00000, v22;
	v25 =	vand.u32 $0xFFF00000, v28;
	[tilespmem:s4+$0xFFFFF800] =	vst v20  }
0xa8: {  	v28 =	vor.u32 s6, v22;
	v32 =	vor.u32 s12, v25;
	v22 =	vor.u32 v16, v24;
	[tilespmem:v20+s19+$0x0] =	vst.idx.add.s32.msk $0xffff, v17;
	v20 =	vmovc v23  }
0xa9: {  	v23 =	vld [tilespmem:s4+$0x0];
	_, v24, _ =	vpop (xrf1);
	[tilespmem:s25+$0x0] =	vst v22  }
0xaa: {  	v22 =	vadd.s32 $0xFFFFFFFF, v24;
	[tilespmem:s3+$0x0] =	vst v21  }
0xab: {  	[tilespmem:v21+s20+$0x0] =	vst.idx.add.s32.msk $0xffff, v17  }
0xac: {  	v21 =	vor.u32 v16, v27;
	[tilespmem:s30+$0x10] =	vst v22;
	v25 =	vld [tilespmem:s3+$0x800]  }
0xad: {  	[tilespmem:s2+$0x10] =	vst v21  }
0xae: {  	v21 =	vand.u32 $0x1FF, v23;
	v22 =	vshll.u32 v23, $0xB;
	[tilespmem:s4+$0x10] =	vst v26  }
0xaf: {  	s6 =	sadd.s32 $0xFFFFF7F0, s8;
	_, v23, _ =	vpop (xrf1);
	v22 =	vand.u32 $0xFFF00000, v22;
	[tilespmem:v26+s20+$0x0] =	vst.idx.add.s32.msk $0xffff, v17;
	(xrf1) =	vunique.msk.u32 $0xffff, v21  }
0xb0: {  	v23 =	vadd.s32 $0xFFFFFFFF, v23;
	v24 =	vor.u32 s6, v22;
	v26 =	vld [tilespmem:s4+$0x810];
	[tilespmem:s23+$0x810] =	vst v29  }
0xb1: {  	[tilespmem:s7+$0xFFFFF810] =	vst v23;
	v23 =	vor.u32 v16, v30;
	_, v27, _ =	vpop (xrf1);
	v22 =	vand.u32 $0x1FF, v25;
	v25 =	vshll.u32 v25, $0xB  }
0xb2: {  	s6 =	sadd.s32 $0xFFFFFFF0, s26;
	s26 =	smov.u32 s8;
	s8 =	smov.u32 s11;
	[tilespmem:s1+$0xFFFFF810] =	vst v23;
	v23 =	vand.u32 $0xFFF00000, v25;
	(xrf1) =	vunique.msk.u32 $0xffff, v22  }
0xb3: {  	s11 =	smov.u32 s31;
	_, v29, _ =	vpop (xrf1);
	[tilespmem:s29+$0xFFFFF810] =	vst v33;
	v25 =	vor.u32 s6, v23  }
0xb4: {  	s7 =	sadd.s32 $0x20, s7;
	v23 =	vadd.s32 $0xFFFFFFFF, v29;
	_, v29, _ =	vpop (xrf1);
	[tilespmem:v33+s19+$0x0] =	vst.idx.add.s32.msk $0xffff, v17  }
0xb5: {  	v30 =	vor.u32 v16, v31;
	[tilespmem:s7+$0xFFFFF000] =	vst v23;
	v29 =	vadd.s32 $0xFFFFFFFF, v29;
	v31 =	vld [tilespmem:s29+$0x10];
	v23 =	vand.u32 $0x1FF, v26  }
0xb6: {  	s1 =	sadd.s32 $0x20, s1;
	v26 =	vshll.u32 v26, $0xB;
	[tilespmem:s7+$0xFFFFF010] =	vst v29;
	(xrf1) =	vunique.msk.u32 $0xffff, v23  }
0xb7: {  	v28 =	vor.u32 v16, v28;
	v26 =	vand.u32 $0xFFF00000, v26;
	[tilespmem:s1+$0xFFFFF000] =	vst v30  }
0xb8: {  	v33 =	vor.u32 s26, v26;
	[tilespmem:s1+$0xFFFFF010] =	vst v28  }
0xb9: {  	[tilespmem:s15+$0xFFFFF010] =	vst v35  }
.Ltmp1:
0xba: {  	[tilespmem:v35+s18+$0x0] =	vst.idx.add.s32.msk $0xffff, v17;
	v26 =	vand.u32 $0x1FF, v31;
	v28 =	vshll.u32 v31, $0xB;
	(pc) =	sbr.rel @p1 .LBB2_4-.Ltmp1, $4  }
0xbb: {  	s6 =	sadd.s32 $0xFFFFF800, s8;
	[tilespmem:s15+$0xFFFFF000] =	vst v34;
	v30 =	vld [tilespmem:s15+$0xFFFFF810];
	v28 =	vand.u32 $0xFFF00000, v28;
	(xrf1) =	vunique.msk.u32 $0xffff, v26  }
0xbc: {  	v29 =	vadd.s32 $0xFFFFFFFF, v27;
	[tilespmem:v34+s18+$0x0] =	vst.idx.add.s32.msk $0xffff, v17;
	v27 =	vor.u32 s6, v28  }
0xbd: {  	v28 =	vld [tilespmem:s15+$0xFFFFF800];
	[tilespmem:s9+$0xFFFFF800] =	vst v29;
	v29 =	vor.u32 v16, v32;
	_, v31, _ =	vpop (xrf1)  }
0xbe: {  	s15 =	sadd.s32 $0x20, s15;
	[tilespmem:s10+$0xFFFFF800] =	vst v29;
	v29 =	vor.u32 v16, v19;
	v19 =	vmov v33  }
0xbf: {  	_ = 	snop  }
0xc0: {  	v32 =	vand.u32 $0x1FF, v30  }
0xc1: {  	(xrf1) =	vunique.msk.u32 $0xffff, v32;
	_ =	sdelay $0x2  }
0xc2: {  	v33 =	vand.u32 $0x1FF, v28  }
0xc3: {  	(xrf1) =	vunique.msk.u32 $0xffff, v33  }
0xc4: {  	[tilespmem:s29+$0xFFFFF800] =	vst v20  }
0xc5: {  	v31 =	vadd.s32 $0xFFFFFFFF, v31;
	[tilespmem:v20+s19+$0x0] =	vst.idx.add.s32.msk $0xffff, v17;
	v20 =	vor.u32 v16, v24  }
0xc6: {  	[tilespmem:s30+$0x0] =	vst v31  }
0xc7: {  	_, v41, _ =	vpop (xrf1);
	[tilespmem:s2+$0x0] =	vst v20  }
0xc8: {  	[tilespmem:s4+$0x0] =	vst v21;
	_, v42, _ =	vpop (xrf1)  }
0xc9: {  	[tilespmem:v21+s20+$0x0] =	vst.idx.add.s32.msk $0xffff, v17;
	v21 =	vshll.u32 v30, $0xB;
	_, v20, _ =	vpop (xrf1)  }
0xca: {  	v20 =	vadd.s32 $0xFFFFFFFF, v20  }
0xcb: {  	[tilespmem:s9+$0x10] =	vst v20;
	v20 =	vor.u32 v16, v27  }
0xcc: {  	[tilespmem:s10+$0x10] =	vst v20  }
0xcd: {  	s6 =	sadd.s32 $0xFFFFF000, s31;
	v43 =	vld [tilespmem:s29+$0x0];
	v20 =	vand.u32 $0xFFF00000, v21;
	[tilespmem:s29+$0x10] =	vst v26;
	_, v21, _ =	vpop (xrf1)  }
0xce: {  	v20 =	vor.u32 s6, v20;
	[tilespmem:v26+s20+$0x0] =	vst.idx.add.s32.msk $0xffff, v17;
	v21 =	vadd.s32 $0xFFFFFFFF, v21  }
0xcf: {  	v20 =	vor.u32 v16, v20;
	[tilespmem:s7+$0xFFFFF810] =	vst v21  }
0xd0: {  	v44 =	vld [tilespmem:s4+$0x800];
	v21 =	vshll.u32 v28, $0xB;
	[tilespmem:s1+$0xFFFFF810] =	vst v20  }
0xd1: {  	s15 =	sadd.s32 $0xFFFFEFF0, s11;
	_, v45, _ =	vpop (xrf1);
	v20 =	vand.u32 $0xFFF00000, v21;
	v21 =	vld [tilespmem:s29+$0x810];
	[tilespmem:s22+$0xFFFFF810] =	vst v32  }
0xd2: {  	v47 =	vand.u32 $0x1FF, v43;
	v28 =	vadd.s32 $0xFFFFFFFF, v45;
	v20 =	vor.u32 s15, v20;
	[tilespmem:v32+s19+$0x0] =	vst.idx.add.s32.msk $0xffff, v17  }
0xd3: {  	(xrf1) =	vunique.msk.u32 $0xffff, v47;
	[tilespmem:s7+$0xFFFFF800] =	vst v28;
	v20 =	vor.u32 v16, v20;
	v46 =	vld [tilespmem:s22+$0x10]  }
0xd4: {  	[tilespmem:s1+$0xFFFFF800] =	vst v20  }
0xd5: {  	[tilespmem:s22+$0xFFFFF800] =	vst v33  }
0xd6: {  	v20 =	vand.u32 $0x1FF, v44;
	[tilespmem:v33+s19+$0x0] =	vst.idx.add.s32.msk $0xffff, v17  }
0xd7: {  	(xrf1) =	vunique.msk.u32 $0xffff, v20;
	v48 =	vand.u32 $0x1FF, v21;
	v33 =	vld [tilespmem:s22+$0x0]  }
0xd8: {  	(xrf1) =	vunique.msk.u32 $0xffff, v48;
	v34 =	vand.u32 $0x1FF, v46  }
0xd9: {  	(xrf1) =	vunique.msk.u32 $0xffff, v34;
	_ =	sdelay $0x2  }
0xda: {  	[tilespmem:s25+$0x810] =	vst v29;
	v35 =	vand.u32 $0x1FF, v33  }
0xdb: {  	[tilespmem:s3+$0x810] =	vst v18;
	(xrf1) =	vunique.msk.u32 $0xffff, v35  }
0xdc: {  	v49 =	vadd.s32 $0xFFFFFFFF, v41;
	[tilespmem:v18+s21+$0x0] =	vst.idx.add.s32.msk $0xffff, v17  }
0xdd: {  	v25 =	vor.u32 v16, v25;
	[tilespmem:s23+$0x800] =	vst v49  }
0xde: {  	[tilespmem:s25+$0x800] =	vst v25;
	v18 =	vshll.u32 v43, $0xB  }
0xdf: {  	s31 =	sadd.s32 $0xFFFFF7F0, s8;
	[tilespmem:s3+$0x800] =	vst v22;
	v18 =	vand.u32 $0xFFF00000, v18;
	_, v50, _ =	vpop (xrf1)  }
0xe0: {  	[tilespmem:v22+s21+$0x0] =	vst.idx.add.s32.msk $0xffff, v17;
	v18 =	vor.u32 s31, v18;
	v51 =	vadd.s32 $0xFFFFFFFF, v50  }
0xe1: {  	v18 =	vor.u32 v16, v18;
	[tilespmem:s9+$0x0] =	vst v51  }
0xe2: {  	[tilespmem:s10+$0x0] =	vst v18  }
0xe3: {  	[tilespmem:s29+$0x0] =	vst v47;
	_, v52, _ =	vpop (xrf1)  }
0xe4: {  	v22 =	vadd.s32 $0xFFFFFFFF, v42;
	v53 =	vshll.u32 v46, $0xB;
	[tilespmem:v47+s20+$0x0] =	vst.idx.add.s32.msk $0xffff, v17;
	_, v54, _ =	vpop (xrf1)  }
0xe5: {  	s12 =	sadd.s32 $0xFFFFF800, s11;
	v19 =	vor.u32 v16, v19;
	[tilespmem:s30+$0x810] =	vst v22;
	v18 =	vand.u32 $0xFFF00000, v53;
	v56 =	vld [tilespmem:s29+$0x800];
	_, v55, _ =	vpop (xrf1)  }
0xe6: {  	[tilespmem:s2+$0x810] =	vst v19;
	v18 =	vor.u32 s12, v18;
	v25 =	vadd.s32 $0xFFFFFFFF, v55  }
0xe7: {  	v18 =	vor.u32 v16, v18;
	[tilespmem:s7+$0x10] =	vst v25  }
0xe8: {  	[tilespmem:s1+$0x10] =	vst v18;
	v18 =	vshll.u32 v33, $0xB  }
0xe9: {  	s14 =	sadd.s32 $0xFFFFF7F0, s11;
	_, v57, _ =	vpop (xrf1);
	[tilespmem:s22+$0x10] =	vst v34;
	v18 =	vand.u32 $0xFFF00000, v18  }
0xea: {  	v59 =	vand.u32 $0x1FF, v56;
	v28 =	vadd.s32 $0xFFFFFFFF, v57;
	[tilespmem:v34+s20+$0x0] =	vst.idx.add.s32.msk $0xffff, v17;
	v18 =	vor.u32 s14, v18  }
0xeb: {  	(xrf1) =	vunique.msk.u32 $0xffff, v59;
	[tilespmem:s7+$0x0] =	vst v28;
	v58 =	vld [tilespmem:s22+$0x810];
	v18 =	vor.u32 v16, v18  }
0xec: {  	[tilespmem:s1+$0x0] =	vst v18  }
0xed: {  	[tilespmem:s22+$0x0] =	vst v35  }
0xee: {  	v22 =	vshll.u32 v44, $0xB;
	[tilespmem:v35+s20+$0x0] =	vst.idx.add.s32.msk $0xffff, v17  }
0xef: {  	[tilespmem:s4+$0x810] =	vst v23;
	v19 =	vand.u32 $0xFFF00000, v22;
	s15 =	sadd.s32 $0xFFFFFFF0, s26;
	v18 =	vld [tilespmem:s22+$0x800]  }
0xf0: {  	[tilespmem:v23+s21+$0x0] =	vst.idx.add.s32.msk $0xffff, v17;
	v19 =	vor.u32 s15, v19;
	v22 =	vadd.s32 $0xFFFFFFFF, v52;
	v60 =	vand.u32 $0x1FF, v58  }
0xf1: {  	v19 =	vor.u32 v16, v19;
	[tilespmem:s30+$0x800] =	vst v22;
	(xrf1) =	vunique.msk.u32 $0xffff, v60  }
0xf2: {  	[tilespmem:s2+$0x800] =	vst v19  }
0xf3: {  	[tilespmem:s4+$0x800] =	vst v20  }
0xf4: {  	[tilespmem:v20+s21+$0x0] =	vst.idx.add.s32.msk $0xffff, v17;
	v20 =	vadd.s32 $0xFFFFFFFF, v54;
	v23 =	vand.u32 $0x1FF, v18  }
0xf5: {  	v21 =	vshll.u32 v21, $0xB;
	[tilespmem:s9+$0x810] =	vst v20;
	v20 =	vshll.u32 v56, $0xB;
	(xrf1) =	vunique.msk.u32 $0xffff, v23  }
0xf6: {  	v19 =	vand.u32 $0xFFF00000, v21  }
0xf7: {  	v19 =	vor.u32 s8, v19  }
0xf8: {  	v19 =	vor.u32 v16, v19  }
0xf9: {  	[tilespmem:s10+$0x810] =	vst v19;
	v19 =	vand.u32 $0xFFF00000, v20;
	_, v20, _ =	vpop (xrf1)  }
0xfa: {  	s23 =	sadd.s32 $0xFFFFFFF0, s8;
	v20 =	vadd.s32 $0xFFFFFFFF, v20  }
0xfb: {  	v19 =	vor.u32 s23, v19;
	[tilespmem:s9+$0x800] =	vst v20;
	v20 =	vshll.u32 v58, $0xB  }
0xfc: {  	[tilespmem:s29+$0x810] =	vst v48;
	v19 =	vor.u32 v16, v19  }
0xfd: {  	[tilespmem:s10+$0x800] =	vst v19;
	v19 =	vand.u32 $0xFFF00000, v20  }
0xfe: {  	[tilespmem:v48+s21+$0x0] =	vst.idx.add.s32.msk $0xffff, v17;
	v19 =	vor.u32 s11, v19  }
0xff: {  	[tilespmem:s29+$0x800] =	vst v59;
	v19 =	vor.u32 v16, v19;
	_, v20, _ =	vpop (xrf1)  }
0x100: {  	[tilespmem:v59+s21+$0x0] =	vst.idx.add.s32.msk $0xffff, v17;
	v20 =	vadd.s32 $0xFFFFFFFF, v20  }
0x101: {  	[tilespmem:s7+$0x810] =	vst v20  }
0x102: {  	v18 =	vshll.u32 v18, $0xB;
	[tilespmem:s1+$0x810] =	vst v19  }
0x103: {  	s25 =	sadd.s32 $0xFFFFFFF0, s11;
	v18 =	vand.u32 $0xFFF00000, v18;
	[tilespmem:s22+$0x810] =	vst v60;
	_, v19, _ =	vpop (xrf1)  }
0x104: {  	v18 =	vor.u32 s25, v18;
	v19 =	vadd.s32 $0xFFFFFFFF, v19;
	[tilespmem:v60+s21+$0x0] =	vst.idx.add.s32.msk $0xffff, v17  }
0x105: {  	v18 =	vor.u32 v16, v18;
	[tilespmem:s7+$0x800] =	vst v19  }
0x106: {  	[tilespmem:s1+$0x800] =	vst v18  }
0x107: {  	[tilespmem:s22+$0x800] =	vst v23  }
0x108: {  	s26 =	simm.s32 $0x8010;
	[tilespmem:v23+s21+$0x0] =	vst.idx.add.s32.msk $0xffff, v17  }
0x109: {  	s29 =	simm.s32 $0x8210;
	v18 =	vld [tilespmem:s26+$0x0]  }
0x10a: {  	s30 =	simm.s32 $0x8410;
	v19 =	vld [tilespmem:s29+$0x0]  }
0x10b: {  	v20 =	vld [tilespmem:s30+$0x0]  }
0x10c: {  	v21 =	vld [tilespmem:s16+$0x0]  }
0x10d: {  	v22 =	vld [tilespmem:s29+$0xFFFFFFF0]  }
0x10e: {  	v23 =	vld [tilespmem:s26+$0xFFFFFFF0]  }
0x10f: {  	v24 =	vld [tilespmem:s30+$0xFFFFFFF0]  }
0x110: {  	s31 =	simm.s32 $0x8030;
	v61 =	vld [tilespmem:s16+$0xFFFFFFF0]  }
0x111: {  	s1 =	simm.s32 $0x8230;
	v62 =	vld [tilespmem:s31+$0x0]  }
0x112: {  	s2 =	simm.s32 $0x8430;
	v63 =	vld [tilespmem:s1+$0x0]  }
0x113: {  	s3 =	simm.s32 $0x8630;
	v28 =	vld [tilespmem:s2+$0x0]  }
0x114: {  	v18 =	vadd.s32 v18, v19;
	v19 =	vld [tilespmem:s3+$0x0]  }
0x115: {  	v22 =	vadd.s32 v23, v22;
	v20 =	vadd.s32 v20, v18;
	v18 =	vld [tilespmem:s1+$0xFFFFFFF0]  }
0x116: {  	v22 =	vadd.s32 v24, v22;
	v20 =	vadd.s32 v21, v20;
	v21 =	vld [tilespmem:s31+$0xFFFFFFF0]  }
0x117: {  	v23 =	vadd.s32 v62, v63;
	v22 =	vadd.s32 v61, v22;
	[tilespmem:s24+$0x0] =	vst v20;
	v20 =	vld [tilespmem:s2+$0xFFFFFFF0]  }
0x118: {  	s4 =	simm.s32 $0x8050;
	v23 =	vadd.s32 v28, v23;
	[tilespmem:s24+$0xFFFFFFF0] =	vst v22;
	v22 =	vld [tilespmem:s3+$0xFFFFFFF0]  }
.LBB2_6:
0x119: {  	v24 =	vld [tilespmem:s4+$0x0];
	v19 =	vadd.s32 v19, v23;
	s1 =	sadd.s32 $0x20, s1;
	s24 =	sadd.s32 $0x20, s24  }
0x11a: {  	s28 =	sadd.s32 $0x2, s28;
	s2 =	sadd.s32 $0x20, s2;
	v23 =	vld [tilespmem:s1+$0x0];
	[tilespmem:s24+$0x0] =	vst v19  }
0x11b: {  	s3 =	sadd.s32 $0x20, s3;
	p1 =	slt.u32 s28, $0x1E;
	v25 =	vld [tilespmem:s2+$0x0];
	v18 =	vadd.s32 v21, v18  }
.Ltmp2:
0x11c: {  	v19 =	vld [tilespmem:s3+$0x0];
	v20 =	vadd.s32 v20, v18;
	(pc) =	sbr.rel @p1 .LBB2_6-.Ltmp2, $4  }
0x11d: {  	v18 =	vld [tilespmem:s1+$0xFFFFFFF0];
	v20 =	vadd.s32 v22, v20  }
0x11e: {  	v21 =	vld [tilespmem:s4+$0xFFFFFFF0];
	[tilespmem:s24+$0xFFFFFFF0] =	vst v20  }
0x11f: {  	v20 =	vld [tilespmem:s2+$0xFFFFFFF0];
	v23 =	vadd.s32 v24, v23  }
0x120: {  	s4 =	sadd.s32 $0x20, s4;
	v22 =	vld [tilespmem:s3+$0xFFFFFFF0];
	v23 =	vadd.s32 v25, v23  }
0x121: {  	_ =	sdelay $0x1  }
0x122: {  	v18 =	vadd.s32 v21, v18  }
0x123: {  	v19 =	vadd.s32 v19, v23;
	s1 =	sadd.s32 $0x20, s24;
	v18 =	vadd.s32 v20, v18  }
0x124: {  	[tilespmem:s1+$0x0] =	vst v19;
	v18 =	vadd.s32 v22, v18  }
0x125: {  	s15 =	simm.s32 $0x80;
	s29 =	simm.s32 $0x400;
	[tilespmem:s1+$0xFFFFFFF0] =	vst v18  }
0x126: {  	s30 =	simm.s32 $0x8800;
	s28 =	simm.s32 $0xA;
	s26 =	rddreg [dreg:$0x8]  }
0x127: {  	[spmem:s26] =	stream.strided.scatter [tilespmem:s30], [sflag:$0xA], $0x200, s29, s15, $0x38;
	[tilespmem:$0x1FC00] =	vst v63  }
0x128: {  	_ =	swait.ge [sflag:s28], $0x200  }
0x129: {  	[sflag:s28] =	ssyncset.done $0x0  }
0x12a: {  	[sflag:s28] =	ssyncadd.s32 $0xFFFFFE00  }
0x12b: {  	[bflag:$0x0] =	sbarrier.arrive $0xFFFF  }
0x12c: {  	s31 =	simm.s32 $0x8A00;
	s12 =	rddreg [dreg:$0x3]  }
0x12d: {  	[tilespmem:s31], [sflag:$0xA] =	stream.linear.gather [spmem:s12], $0x2000, $0x38;
	[tilespmem:$0x1FC00] =	vst v63  }
0x12e: {  	s3 =	simm.s32 $0x0;
	_ =	swait.ge [sflag:s28], $0x2000  }
0x12f: {  	s6 =	sand.u32 $0x70, s3;
	s2 =	sand.u32 $0xC00, s3;
	[sflag:s28] =	ssyncset.done $0x0  }
0x130: {  	s1 =	sor.u32 s6, s2;
	[sflag:s28] =	ssyncadd.s32 $0xFFFFE000  }
0x131: {  	v18 =	vld [tilespmem:s1+$0x8A00]  }
0x132: {  	v19 =	vld [tilespmem:s1+$0x8A80]  }
0x133: {  	v20 =	vld [tilespmem:s1+$0x8B00]  }
0x134: {  	v21 =	vld [tilespmem:s1+$0x8B80]  }
0x135: {  	v22 =	vld [tilespmem:s1+$0x8C00]  }
0x136: {  	v23 =	vld [tilespmem:s1+$0x8C80]  }
0x137: {  	v25 =	vld [tilespmem:s1+$0x8D00];
	v24 =	vadd.s32 v18, v19  }
0x138: {  	v26 =	vld [tilespmem:s1+$0x8D80];
	v24 =	vadd.s32 v20, v24  }
0x139: {  	v27 =	vld [tilespmem:s1+$0x9A00];
	v24 =	vadd.s32 v21, v24  }
0x13a: {  	v28 =	vld [tilespmem:s1+$0x9A80];
	v24 =	vadd.s32 v22, v24  }
0x13b: {  	v29 =	vld [tilespmem:s1+$0x9B00];
	v24 =	vadd.s32 v23, v24  }
0x13c: {  	v30 =	vld [tilespmem:s1+$0x9B80];
	v24 =	vadd.s32 v25, v24  }
0x13d: {  	v31 =	vld [tilespmem:s1+$0x9C00];
	v24 =	vadd.s32 v26, v24  }
0x13e: {  	v32 =	vld [tilespmem:s1+$0x9C80];
	v24 =	vadd.s32 v27, v24  }
0x13f: {  	s7 =	simm.s32 $0x10;
	s8 =	simm.s32 $0x80;
	v33 =	vld [tilespmem:s1+$0x9D00];
	v24 =	vadd.s32 v28, v24  }
0x140: {  	s2 =	sand.u32 $0x70, s7;
	v34 =	vld [tilespmem:s1+$0x9D80];
	s1 =	sand.u32 $0xC00, s8;
	v24 =	vadd.s32 v29, v24  }
0x141: {  	s1 =	sor.u32 s2, s1;
	v24 =	vadd.s32 v30, v24  }
0x142: {  	v35 =	vld [tilespmem:s1+$0x8A00];
	v24 =	vadd.s32 v31, v24  }
0x143: {  	v36 =	vld [tilespmem:s1+$0x8A80];
	v24 =	vadd.s32 v32, v24  }
0x144: {  	v55 =	vld [tilespmem:s1+$0x8B00];
	v24 =	vadd.s32 v33, v24  }
0x145: {  	v37 =	vld [tilespmem:s1+$0x8B80];
	v24 =	vadd.s32 v34, v24  }
0x146: {  	v38 =	vld [tilespmem:s1+$0x8C00];
	(xrf0) =	vadd.scan.msk.s32 $0xffff, v24  }
0x147: {  	v39 =	vld [tilespmem:s1+$0x8C80]  }
0x148: {  	v41 =	vld [tilespmem:s1+$0x8D00]  }
0x149: {  	v42 =	vld [tilespmem:s1+$0x8D80];
	v18 =	vmul.u32 v0, v18  }
0x14a: {  	v19 =	vmul.u32 v1, v19;
	v20 =	vmul.u32 v2, v20;
	v40 =	vadd.s32 v35, v36  }
0x14b: {  	v21 =	vmul.u32 v3, v21;
	v18 =	vadd.s32 s3, v18;
	v40 =	vadd.s32 v55, v40  }
0x14c: {  	v43 =	vld [tilespmem:s1+$0x9A00];
	v35 =	vmul.u32 v0, v35;
	v57 =	vmul.u32 v3, v37;
	v40 =	vadd.s32 v37, v40;
	v44, _, _ =	vpop (xrf0)  }
0x14d: {  	v45 =	vld [tilespmem:s1+$0x9A80];
	v58 =	vmul.u32 v4, v38;
	v40 =	vadd.s32 v38, v40;
	(v2sf) =	vpush v44, $0xF  }
0x14e: {  	v46 =	vld [tilespmem:s1+$0x9B00];
	v59 =	vmul.u32 v6, v41;
	v60 =	vmul.u32 v7, v42;
	v40 =	vadd.s32 v39, v40  }
0x14f: {  	v47 =	vld [tilespmem:s1+$0x9B80];
	v22 =	vmul.u32 v4, v22;
	v18 =	vadd.s32 v19, v18;
	v40 =	vadd.s32 v41, v40  }
0x150: {  	v56 =	vld [tilespmem:s1+$0x9C00];
	v23 =	vmul.u32 v5, v23;
	v18 =	vadd.s32 v20, v18;
	v19 =	vadd.s32 v42, v40  }
0x151: {  	s14 =	simm.s32 $0x30;
	s16 =	simm.s32 $0x180;
	v20 =	vld [tilespmem:s1+$0x9C80];
	v25 =	vmul.u32 v6, v25;
	v18 =	vadd.s32 v21, v18;
	v19 =	vadd.s32 v43, v19  }
0x152: {  	s22 =	sand.u32 $0xC00, s16;
	s2 =	sand.u32 $0x70, s14;
	v21 =	vld [tilespmem:s1+$0x9D00];
	v26 =	vmul.u32 v7, v26;
	v18 =	vadd.s32 v22, v18;
	v19 =	vadd.s32 v45, v19  }
0x153: {  	s4 =	simm.s32 $0x20;
	s9 =	simm.s32 $0x100;
	s2 =	sor.u32 s2, s22;
	v22 =	vld [tilespmem:s1+$0x9D80];
	v27 =	vmul.u32 v8, v27;
	v18 =	vadd.s32 v23, v18;
	v19 =	vadd.s32 v46, v19  }
0x154: {  	s10 =	simm.s32 $0x8000;
	s4 =	sand.u32 $0x70, s4;
	v49 =	vld [tilespmem:s2+$0x9B80];
	s1 =	sand.u32 $0xC00, s9;
	v23 =	vmul.u32 v1, v36;
	v18 =	vadd.s32 v25, v18;
	v19 =	vadd.s32 v47, v19  }
0x155: {  	s4 =	sor.u32 s4, s1;
	v28 =	vmul.u32 v9, v28;
	v25 =	vld [tilespmem:s10+$0x0];
	v18 =	vadd.s32 v26, v18;
	v19 =	vadd.s32 v56, v19  }
0x156: {  	v29 =	vmul.u32 v10, v29;
	v26 =	vld [tilespmem:s4+$0x8A00];
	v18 =	vadd.s32 v27, v18;
	v19 =	vadd.s32 v20, v19  }
0x157: {  	v30 =	vmul.u32 v11, v30;
	v27 =	vld [tilespmem:s4+$0x8A80];
	v18 =	vadd.s32 v28, v18;
	v19 =	vadd.s32 v21, v19  }
0x158: {  	v31 =	vmul.u32 v12, v31;
	v18 =	vadd.s32 v29, v18;
	v22 =	vadd.s32 v22, v19;
	v19 =	vld [tilespmem:s4+$0x8B00]  }
0x159: {  	v41 =	vmul.u32 v8, v43;
	v32 =	vmul.u32 v13, v32;
	v29 =	vld [tilespmem:s4+$0x8B80];
	v18 =	vadd.s32 v30, v18;
	(xrf0) =	vadd.scan.msk.s32 $0xffff, v22  }
0x15a: {  	v42 =	vmul.u32 v9, v45;
	v33 =	vmul.u32 v14, v33;
	v30 =	vld [tilespmem:s4+$0x8C00];
	v18 =	vadd.s32 v31, v18  }
0x15b: {  	v40 =	vmul.u32 v12, v56;
	v43 =	vmul.u32 v10, v46;
	v31 =	vld [tilespmem:s4+$0x8C80];
	v18 =	vadd.s32 v32, v18  }
0x15c: {  	v61 =	vld [tilespmem:s4+$0x8D00];
	v45 =	vmul.u32 v11, v47;
	v62 =	vadd.s32 v26, v27;
	v18 =	vadd.s32 v33, v18;
	s11 =	spop (v2sf)  }
0x15d: {  	v63 =	vld [tilespmem:s4+$0x8D80];
	v28 =	vmul.u32 v5, v39;
	v18 =	vsub.s32 v18, v24;
	v24 =	vadd.s32 v19, v62;
	s1 =	sadd.s32 $0x0, s11  }
0x15e: {  	v52 =	vld [tilespmem:s4+$0x9A00];
	v34 =	vmul.u32 v2, v55;
	v24 =	vadd.s32 v29, v24;
	v35 =	vadd.s32 s1, v35  }
0x15f: {  	v54 =	vld [tilespmem:s4+$0x9A80];
	v18 =	vadd.s32 v44, v18;
	v24 =	vadd.s32 v30, v24;
	v53, _, _ =	vpop (xrf0);
	v23 =	vadd.s32 v23, v35  }
0x160: {  	v55 =	vld [tilespmem:s4+$0x9B00];
	v24 =	vadd.s32 v31, v24;
	(v2sf) =	vpush v53, $0xF;
	v23 =	vadd.s32 v34, v23  }
0x161: {  	v56 =	vld [tilespmem:s4+$0x9B80];
	v48 =	vadd.s32 v25, v18;
	v24 =	vadd.s32 v61, v24;
	v23 =	vadd.s32 v57, v23  }
0x162: {  	v25 =	vld [tilespmem:s4+$0x9C00];
	v24 =	vadd.s32 v63, v24;
	v57 =	vmul.u32 v1, v27;
	v23 =	vadd.s32 v58, v23  }
0x163: {  	v27 =	vld [tilespmem:s4+$0x9C80];
	v58 =	vmul.u32 v2, v19;
	v19 =	vadd.s32 v28, v23;
	v23 =	vadd.s32 v52, v24  }
0x164: {  	v20 =	vmul.u32 v13, v20;
	[tilespmem:s10+$0x0] =	vst v18;
	v24 =	vld [tilespmem:s4+$0x9D00];
	v18 =	vadd.s32 v59, v19;
	v19 =	vadd.s32 v54, v23  }
0x165: {  	v21 =	vmul.u32 v14, v21;
	v26 =	vmul.u32 v0, v26;
	v23 =	vld [tilespmem:s4+$0x9D80];
	v19 =	vadd.s32 v55, v19  }
0x166: {  	v32 =	vmul.u32 v6, v61;
	v62 =	vld [tilespmem:s2+$0x8A80];
	v18 =	vadd.s32 v60, v18;
	v19 =	vadd.s32 v56, v19  }
0x167: {  	s6 =	simm.s32 $0x8200;
	v61 =	vld [tilespmem:s2+$0x8A00];
	v35 =	vmul.u32 v10, v55;
	v18 =	vadd.s32 v41, v18;
	v19 =	vadd.s32 v25, v19  }
0x168: {  	s7 =	simm.s32 $0x8400;
	v28 =	vmul.u32 v3, v29;
	v29 =	vld [tilespmem:s6+$0x0];
	[tilespmem:s6+$0x0] =	vst v48;
	v18 =	vadd.s32 v42, v18;
	v19 =	vadd.s32 v27, v19  }
0x169: {  	v59 =	vmul.u32 v4, v30;
	v30 =	vld [tilespmem:s7+$0x0];
	v18 =	vadd.s32 v43, v18;
	v19 =	vadd.s32 v24, v19  }
0x16a: {  	s23 =	simm.s32 $0x8010;
	v60 =	vmul.u32 v5, v31;
	v18 =	vadd.s32 v45, v18;
	v19 =	vadd.s32 v23, v19;
	v23 =	vld [tilespmem:s2+$0x8B00]  }
0x16b: {  	v31 =	vld [tilespmem:s23+$0x0];
	v41 =	vmul.u32 v7, v63;
	v42 =	vmul.u32 v8, v52;
	v18 =	vadd.s32 v40, v18  }
0x16c: {  	v25 =	vmul.u32 v12, v25;
	v43 =	vmul.u32 v9, v54;
	v18 =	vadd.s32 v20, v18;
	(xrf0) =	vadd.scan.msk.s32 $0xffff, v19  }
0x16d: {  	v63 =	vld [tilespmem:s2+$0x8B80];
	v46 =	vadd.s32 v29, v48;
	v45 =	vmul.u32 v11, v56;
	v18 =	vadd.s32 v21, v18  }
0x16e: {  	v29 =	vld [tilespmem:s2+$0x8C00];
	v21 =	vmul.u32 v14, v24;
	v24 =	vadd.s32 v61, v62;
	v18 =	vsub.s32 v18, v22  }
0x16f: {  	v47 =	vadd.s32 v30, v46;
	v30 =	vld [tilespmem:s2+$0x8C80];
	s24 =	spop (v2sf);
	v44 =	vadd.s32 v53, v18;
	v33 =	vadd.s32 v23, v24  }
0x170: {  	v40 =	vmul.u32 v11, v49;
	v20 =	vmul.u32 v13, v27;
	s8 =	sadd.s32 s1, s24;
	v18 =	vadd.s32 v31, v44;
	v31 =	vld [tilespmem:s2+$0x8D00]  }
0x171: {  	v52 =	vld [tilespmem:s2+$0x8D80];
	v27 =	vmul.u32 v1, v62;
	v22 =	vmul.u32 v0, v61;
	v26 =	vadd.s32 s8, v26  }
0x172: {  	v54 =	vld [tilespmem:s2+$0x9A00];
	v26 =	vadd.s32 v57, v26;
	v24 =	vmul.u32 v2, v23;
	v53 =	vadd.s32 v63, v33;
	v33, _, _ =	vpop (xrf0)  }
0x173: {  	v56 =	vld [tilespmem:s2+$0x9A80];
	v26 =	vadd.s32 v58, v26;
	v55 =	vadd.s32 v29, v53;
	(v2sf) =	vpush v33, $0xF  }
0x174: {  	v57 =	vld [tilespmem:s2+$0x9B00];
	v23 =	vmul.u32 v3, v63;
	v26 =	vadd.s32 v28, v26;
	v36 =	vadd.s32 v30, v55  }
0x175: {  	v50 =	vld [tilespmem:s2+$0x9C00];
	v29 =	vmul.u32 v4, v29;
	v26 =	vadd.s32 v59, v26;
	v28 =	vadd.s32 v31, v36  }
0x176: {  	v30 =	vmul.u32 v5, v30;
	v58 =	vadd.s32 v60, v26;
	v28 =	vadd.s32 v52, v28  }
0x177: {  	v26 =	vmul.u32 v7, v52;
	v32 =	vadd.s32 v32, v58;
	v36 =	vld [tilespmem:s2+$0x9C80];
	v59 =	vadd.s32 v54, v28  }
0x178: {  	v38 =	vld [tilespmem:s2+$0x9D00];
	v31 =	vmul.u32 v6, v31;
	v61 =	vadd.s32 v41, v32;
	v60 =	vadd.s32 v56, v59  }
0x179: {  	s10 =	simm.s32 $0x200;
	s4 =	simm.s32 $0x8210;
	[tilespmem:s23+$0x0] =	vst v44;
	v32 =	vmul.u32 v9, v56;
	v39 =	vadd.s32 v42, v61;
	v42 =	vld [tilespmem:s2+$0x9D80];
	v62 =	vadd.s32 v57, v60  }
0x17a: {  	s25 =	simm.s32 $0x40;
	s9 =	sand.u32 $0xC00, s10;
	v34 =	vld [tilespmem:s4+$0x0];
	[tilespmem:s4+$0x0] =	vst v18;
	v41 =	vmul.u32 v12, v50;
	s2 =	simm.s32 $0x8410;
	v63 =	vadd.s32 v43, v39;
	v37 =	vadd.s32 v49, v62  }
0x17b: {  	s6 =	sand.u32 $0x70, s25;
	[tilespmem:s7+$0x0] =	vst v46;
	s7 =	simm.s32 $0x8020;
	s1 =	simm.s32 $0x8600;
	v39 =	vmul.u32 v10, v57;
	v43 =	vadd.s32 v35, v63;
	v35 =	vld [tilespmem:s2+$0x0];
	v37 =	vadd.s32 v50, v37  }
0x17c: {  	s14 =	rddreg [dreg:$0x4];
	s11 =	simm.s32 $0x50;
	s9 =	sor.u32 s6, s9;
	[tilespmem:s1+$0x0] =	vst v47;
	v28 =	vmul.u32 v8, v54;
	v43 =	vadd.s32 v45, v43;
	v44 =	vadd.s32 v36, v37;
	v37 =	vld [tilespmem:s7+$0x0]  }
.LBB2_8:
0x17d: {  	p1 =	sne.s32 s11, $0x1F0;
	v45 =	vld [tilespmem:s9+$0x8A00];
	v36 =	vmul.u32 v13, v36;
	v44 =	vadd.s32 v38, v44;
	v48 =	vadd.s32 v25, v43;
	v43 =	vmovc v39  }
0x17e: {  	v38 =	vmul.u32 v14, v38;
	v46 =	vmovc v40;
	v39 =	vld [tilespmem:s9+$0x8A80];
	v42 =	vadd.s32 v42, v44;
	v47 =	vadd.s32 v20, v48  }
0x17f: {  	v25 =	vmovc v41;
	v40 =	vld [tilespmem:s9+$0x8B00];
	(xrf0) =	vadd.scan.msk.s32 $0xffff, v42;
	v44 =	vadd.s32 v21, v47;
	v18 =	vadd.s32 v34, v18;
	v20 =	vmov v36  }
0x180: {  	s1 =	sadd.s32 $0x10, s1;
	v21 =	vmovc v38;
	v34 =	vld [tilespmem:s9+$0x8B80];
	v36 =	vsub.s32 v44, v19;
	[tilespmem:s2+$0x0] =	vst v18;
	v18 =	vadd.s32 v35, v18;
	v19 =	vmov v42  }
0x181: {  	v35 =	vld [tilespmem:s9+$0x8C00];
	v33 =	vadd.s32 v33, v36;
	[tilespmem:s1+$0x0] =	vst v18  }
0x182: {  	v36 =	vmul.u32 v0, v45;
	v38 =	vld [tilespmem:s9+$0x8C80];
	[tilespmem:s7+$0x0] =	vst v33;
	v18 =	vadd.s32 v37, v33;
	s6 =	spop (v2sf)  }
0x183: {  	v48 =	vadd.s32 v45, v39;
	v37 =	vmul.u32 v1, v39;
	v39 =	vld [tilespmem:s9+$0x8D00];
	s8 =	sadd.s32 s8, s6  }
0x184: {  	v45 =	vadd.s32 v40, v48;
	v40 =	vmul.u32 v2, v40;
	v41 =	vld [tilespmem:s9+$0x8D80];
	v42 =	vadd.s32 s8, v22;
	v22 =	vmovc v36  }
0x185: {  	v36 =	vadd.s32 v34, v45;
	v34 =	vmul.u32 v3, v34;
	v44 =	vld [tilespmem:s9+$0x9A00];
	v47 =	vadd.s32 v27, v42;
	v33, _, _ =	vpop (xrf0)  }
0x186: {  	v27 =	vmovc v37;
	v36 =	vadd.s32 v35, v36;
	v42 =	vld [tilespmem:s9+$0x9A80];
	v45 =	vadd.s32 v24, v47;
	(v2sf) =	vpush v33, $0xF;
	v24 =	vmovc v40  }
0x187: {  	v35 =	vmul.u32 v4, v35;
	v36 =	vadd.s32 v38, v36;
	v37 =	vld [tilespmem:s9+$0x9B00];
	v40 =	vadd.s32 v23, v45;
	v23 =	vmovc v34  }
0x188: {  	v34 =	vmul.u32 v5, v38;
	v36 =	vadd.s32 v39, v36;
	v45 =	vld [tilespmem:s9+$0x9B80];
	v38 =	vadd.s32 v29, v40  }
0x189: {  	v39 =	vmul.u32 v6, v39;
	v29 =	vmovc v35;
	v36 =	vadd.s32 v41, v36;
	v47 =	vld [tilespmem:s9+$0x9C00];
	v40 =	vadd.s32 v30, v38  }
0x18a: {  	v35 =	vmul.u32 v7, v41;
	v30 =	vmovc v34;
	v38 =	vadd.s32 v44, v36;
	v36 =	vld [tilespmem:s9+$0x9C80];
	v40 =	vadd.s32 v31, v40  }
.Ltmp3:
0x18b: {  	v41 =	vmul.u32 v8, v44;
	v31 =	vmovc v39;
	v34 =	vadd.s32 v42, v38;
	v38 =	vld [tilespmem:s9+$0x9D00];
	v40 =	vadd.s32 v26, v40;
	(pc) =	sbr.rel @p1 .LBB2_8-.Ltmp3, $4  }
0x18c: {  	s4 =	sadd.s32 $0x10, s4;
	v48 =	vmul.u32 v9, v42;
	v26 =	vmovc v35;
	v34 =	vadd.s32 v37, v34;
	v42 =	vld [tilespmem:s9+$0x9D80];
	v49 =	vadd.s32 v28, v40  }
0x18d: {  	s10 =	sadd.s32 $0x80, s10;
	s2 =	sadd.s32 $0x10, s2;
	v39 =	vmul.u32 v10, v37;
	v35 =	vadd.s32 v45, v34;
	v44 =	vadd.s32 v32, v49;
	v34 =	vld [tilespmem:s4+$0x0];
	[tilespmem:s4+$0x0] =	vst v18  }
0x18e: {  	s7 =	sadd.s32 $0x10, s7;
	s6 =	sand.u32 $0x70, s11;
	s9 =	sand.u32 $0xC00, s10;
	v28 =	vmovc v41;
	v40 =	vmul.u32 v11, v45;
	v45 =	vadd.s32 v47, v35;
	v37 =	vadd.s32 v43, v44;
	v35 =	vld [tilespmem:s2+$0x0]  }
0x18f: {  	s11 =	sadd.s32 $0x10, s11;
	s9 =	sor.u32 s6, s9;
	v32 =	vmovc v48;
	v41 =	vmul.u32 v12, v47;
	v44 =	vadd.s32 v36, v45;
	v43 =	vadd.s32 v46, v37;
	v37 =	vld [tilespmem:s7+$0x0]  }
0x190: {  	v44 =	vadd.s32 v38, v44  }
0x191: {  	v42 =	vadd.s32 v42, v44  }
0x192: {  	(xrf0) =	vadd.scan.msk.s32 $0xffff, v42;
	_ =	sdelay $0x5  }
0x193: {  	v45 =	vld [tilespmem:s9+$0x8A00];
	v44, _, _ =	vpop (xrf0)  }
0x194: {  	v46 =	vld [tilespmem:s9+$0x8A80];
	(v2sf) =	vpush v44, $0xF  }
0x195: {  	v47 =	vld [tilespmem:s9+$0x8B00]  }
0x196: {  	v48 =	vld [tilespmem:s9+$0x8B80]  }
0x197: {  	v49 =	vld [tilespmem:s9+$0x8C00]  }
0x198: {  	v50 =	vld [tilespmem:s9+$0x8C80]  }
0x199: {  	v52 =	vld [tilespmem:s9+$0x8D00];
	v51 =	vadd.s32 v45, v46  }
0x19a: {  	v53 =	vld [tilespmem:s9+$0x8D80];
	v51 =	vadd.s32 v47, v51  }
0x19b: {  	v54 =	vld [tilespmem:s9+$0x9A00];
	s6 =	spop (v2sf);
	v51 =	vadd.s32 v48, v51  }
0x19c: {  	v55 =	vld [tilespmem:s9+$0x9A80];
	v25 =	vadd.s32 v25, v43;
	s6 =	sadd.s32 s8, s6;
	v51 =	vadd.s32 v49, v51  }
0x19d: {  	v20 =	vadd.s32 v20, v25;
	v22 =	vadd.s32 s6, v22;
	v62 =	vadd.s32 v50, v51;
	v51 =	vld [tilespmem:s9+$0x9B00]  }
0x19e: {  	v20 =	vadd.s32 v21, v20;
	v22 =	vadd.s32 v27, v22;
	v27 =	vld [tilespmem:s9+$0x9B80];
	v63 =	vadd.s32 v52, v62  }
0x19f: {  	v57 =	vld [tilespmem:s9+$0x9C00];
	v19 =	vsub.s32 v20, v19;
	v56 =	vadd.s32 v53, v63  }
0x1a0: {  	v60 =	vld [tilespmem:s9+$0x9C80];
	v18 =	vadd.s32 v34, v18;
	v19 =	vadd.s32 v33, v19;
	v59 =	vadd.s32 v54, v56  }
0x1a1: {  	v61 =	vld [tilespmem:s9+$0x9D00];
	v33 =	vmul.u32 v1, v46;
	v46 =	vmul.u32 v4, v49;
	v21 =	vadd.s32 v55, v59  }
0x1a2: {  	v49 =	vmul.u32 v5, v50;
	v43 =	vadd.s32 v24, v22;
	v63 =	vld [tilespmem:s9+$0x9D80];
	v21 =	vadd.s32 v51, v21  }
0x1a3: {  	v50 =	vmul.u32 v6, v52;
	v62 =	vmul.u32 v0, v45;
	v21 =	vadd.s32 v27, v21;
	s9 =	spop (v2sf)  }
0x1a4: {  	v24 =	vmul.u32 v12, v57;
	v58 =	vadd.s32 v23, v43;
	v21 =	vadd.s32 v57, v21;
	s6 =	sadd.s32 s6, s9  }
0x1a5: {  	v43 =	vmul.u32 v2, v47;
	v21 =	vadd.s32 v60, v21;
	v25 =	vadd.s32 s6, v62  }
0x1a6: {  	v45 =	vmul.u32 v3, v48;
	v21 =	vadd.s32 v61, v21;
	v25 =	vadd.s32 v33, v25  }
0x1a7: {  	v20 =	vadd.s32 v29, v58;
	v21 =	vadd.s32 v63, v21;
	v25 =	vadd.s32 v43, v25  }
0x1a8: {  	v47 =	vmul.u32 v13, v36;
	v20 =	vadd.s32 v30, v20;
	(xrf0) =	vadd.scan.msk.s32 $0xffff, v21;
	v25 =	vadd.s32 v45, v25  }
0x1a9: {  	v48 =	vmul.u32 v14, v38;
	v20 =	vadd.s32 v31, v20;
	v25 =	vadd.s32 v46, v25  }
0x1aa: {  	v52 =	vmul.u32 v7, v53;
	v20 =	vadd.s32 v26, v20;
	v25 =	vadd.s32 v49, v25  }
0x1ab: {  	v53 =	vmul.u32 v8, v54;
	v20 =	vadd.s32 v28, v20;
	v25 =	vadd.s32 v50, v25  }
0x1ac: {  	v54 =	vmul.u32 v9, v55;
	v20 =	vadd.s32 v32, v20;
	v25 =	vadd.s32 v52, v25  }
0x1ad: {  	v55 =	vmul.u32 v10, v51;
	v20 =	vadd.s32 v39, v20;
	v25 =	vadd.s32 v53, v25  }
0x1ae: {  	s10 =	sadd.s32 $0x10, s7;
	v27 =	vmul.u32 v11, v27;
	v20 =	vadd.s32 v40, v20;
	v57, _, _ =	vpop (xrf0);
	v25 =	vadd.s32 v54, v25  }
0x1af: {  	v56 =	vld [tilespmem:s10+$0x0];
	v20 =	vadd.s32 v41, v20;
	(v2sf) =	vpush v57, $0xF;
	v25 =	vadd.s32 v55, v25  }
0x1b0: {  	s11 =	sadd.s32 $0x10, s10;
	v22 =	vmul.u32 v13, v60;
	v20 =	vadd.s32 v47, v20;
	v25 =	vadd.s32 v27, v25  }
0x1b1: {  	[tilespmem:s2+$0x0] =	vst v18;
	v23 =	vmul.u32 v14, v61;
	v58 =	vld [tilespmem:s11+$0x0];
	v20 =	vadd.s32 v48, v20;
	v24 =	vadd.s32 v24, v25  }
0x1b2: {  	s4 =	sadd.s32 $0x10, s4;
	[tilespmem:s7+$0x0] =	vst v19;
	v19 =	vadd.s32 v37, v19;
	v20 =	vsub.s32 v20, v42;
	v22 =	vadd.s32 v22, v24  }
0x1b3: {  	s22 =	sadd.s32 $0x10, s2;
	v59 =	vld [tilespmem:s4+$0x0];
	[tilespmem:s4+$0x0] =	vst v19;
	v20 =	vadd.s32 v44, v20;
	v22 =	vadd.s32 v23, v22  }
0x1b4: {  	s16 =	sadd.s32 $0x10, s4;
	v61 =	vld [tilespmem:s22+$0x0];
	[tilespmem:s10+$0x0] =	vst v20;
	v20 =	vadd.s32 v56, v20;
	v21 =	vsub.s32 v22, v21  }
0x1b5: {  	s23 =	sadd.s32 $0x10, s22;
	v60 =	vld [tilespmem:s16+$0x0];
	[tilespmem:s16+$0x0] =	vst v20;
	v21 =	vadd.s32 v57, v21  }
0x1b6: {  	v62 =	vld [tilespmem:s23+$0x0];
	s6 =	sadd.s32 $0x10, s16;
	[tilespmem:s11+$0x0] =	vst v21;
	v21 =	vadd.s32 v58, v21  }
0x1b7: {  	s1 =	sadd.s32 $0x10, s1;
	s24 =	sadd.s32 $0x10, s23;
	v18 =	vadd.s32 v35, v18;
	v63 =	vld [tilespmem:s6+$0x0];
	[tilespmem:s6+$0x0] =	vst v21  }
0x1b8: {  	[tilespmem:s1+$0x0] =	vst v18;
	v18 =	vadd.s32 v59, v19;
	v19 =	vld [tilespmem:s24+$0x0]  }
0x1b9: {  	s1 =	sadd.s32 $0x10, s1;
	[tilespmem:s22+$0x0] =	vst v18;
	v18 =	vadd.s32 v61, v18  }
0x1ba: {  	[tilespmem:s1+$0x0] =	vst v18;
	v18 =	vadd.s32 v60, v20  }
0x1bb: {  	s1 =	sadd.s32 $0x10, s1;
	[tilespmem:s23+$0x0] =	vst v18;
	v18 =	vadd.s32 v62, v18  }
0x1bc: {  	[tilespmem:s1+$0x0] =	vst v18;
	v18 =	vadd.s32 v63, v21  }
0x1bd: {  	s1 =	sadd.s32 $0x10, s1;
	[tilespmem:s24+$0x0] =	vst v18;
	v18 =	vadd.s32 v19, v18  }
0x1be: {  	s25 =	spop (v2sf);
	[tilespmem:s1+$0x0] =	vst v18;
	s1 =	simm.s32 $0x0  }
.LBB2_10:
0x1bf: {  	s2 =	sshra.s32 s1, $0x2  }
0x1c0: {  	v18 =	vld [tilespmem:s2+$0x0];
	_ =	sdelay $0x6  }
0x1c1: {  	v20 =	vld [tilespmem:s2+$0x4000]  }
0x1c2: {  	v19 =	vld.idx.msk [tilespmem:v18+s18+$0x0], $0xffff;
	_ =	sdelay $0x2  }
0x1c3: {  	s4 =	sshrl.u32 s1, $0x2  }
0x1c4: {  	s6 =	sand.u32 $0x70, s3;
	s4 =	sand.u32 $0x780, s4  }
0x1c5: {  	s4 =	sor.u32 s6, s4;
	v19 =	vadd.s32 v19, v20  }
0x1c6: {  	[tilespmem:s4+$0x6000] =	vst v19  }
0x1c7: {  	[tilespmem:v18+s18+$0x0] =	vst.idx.add.s32.msk $0xffff, v17  }
0x1c8: {  	v18 =	vld [tilespmem:s2+$0x800];
	_ =	sdelay $0x6  }
0x1c9: {  	v61 =	vld [tilespmem:s2+$0x4800]  }
0x1ca: {  	v19 =	vld.idx.msk [tilespmem:v18+s19+$0x0], $0xffff;
	_ =	sdelay $0x4  }
0x1cb: {  	v19 =	vadd.s32 v19, v61  }
0x1cc: {  	[tilespmem:s4+$0x6800] =	vst v19  }
0x1cd: {  	[tilespmem:v18+s19+$0x0] =	vst.idx.add.s32.msk $0xffff, v17  }
0x1ce: {  	v18 =	vld [tilespmem:s2+$0x1000];
	_ =	sdelay $0x6  }
0x1cf: {  	v62 =	vld [tilespmem:s2+$0x5000]  }
0x1d0: {  	v19 =	vld.idx.msk [tilespmem:v18+s20+$0x0], $0xffff;
	_ =	sdelay $0x4  }
0x1d1: {  	v19 =	vadd.s32 v19, v62  }
0x1d2: {  	[tilespmem:s4+$0x7000] =	vst v19  }
0x1d3: {  	[tilespmem:v18+s20+$0x0] =	vst.idx.add.s32.msk $0xffff, v17  }
0x1d4: {  	v18 =	vld [tilespmem:s2+$0x1800];
	_ =	sdelay $0x6  }
0x1d5: {  	v63 =	vld [tilespmem:s2+$0x5800]  }
0x1d6: {  	v19 =	vld.idx.msk [tilespmem:v18+s21+$0x0], $0xffff;
	_ =	sdelay $0x1  }
0x1d7: {  	p1 =	sne.s32 s1, $0x1FC0  }
.Ltmp4:
0x1d8: {  	_ = 	snop;
	(pc) =	sbr.rel @p1 .LBB2_10-.Ltmp4, $4  }
0x1d9: {  	_ = 	snop  }
0x1da: {  	v19 =	vadd.s32 v19, v63  }
0x1db: {  	[tilespmem:s4+$0x7800] =	vst v19  }
0x1dc: {  	s3 =	sadd.s32 $0x10, s3;
	s1 =	sadd.s32 $0x40, s1;
	[tilespmem:v18+s21+$0x0] =	vst.idx.add.s32.msk $0xffff, v17  }
0x1dd: {  	s1 =	simm.s32 $0x0  }
.LBB2_12:
0x1de: {  	p1 =	sne.s32 s1, $0x7E00  }
.Ltmp5:
0x1df: {  	_ = 	snop;
	(pc) =	sbr.rel @p1 .LBB2_12-.Ltmp5, $4  }
0x1e0: {  	_ = 	snop  }
0x1e1: {  	s2 =	sshra.s32 s1, $0x2  }
0x1e2: {  	s1 =	sadd.s32 $0x200, s1;
	s3 =	sadd.s32 $0x2000, s2;
	s2 =	sadd.s32 $0x6000, s2  }
0x1e3: {  	[spmem:s14] =	stream.indirect.scatter [tilespmem:s3], [sflag:$0x1], $0x1, s2, s15, $0xb8;
	[tilespmem:$0x1FC00] =	vst v63  }
0x1e4: {  	_ =	swait.ge [sflag:s13], $0x80  }
0x1e5: {  	s1 =	simm.s32 $0x3F;
	[sflag:s13] =	ssyncset.done $0x0  }
.LBB2_14:
0x1e6: {  	p1 =	sne.s32 s1, $0x1;
	s1 =	sadd.s32 $0xFFFFFFFF, s1;
	[sflag:s13] =	ssyncadd.s32 $0xFFFFFF80  }
.Ltmp6:
0x1e7: {  	(pc) =	sbr.rel @p1 .LBB2_14-.Ltmp6, $3  }
0x1e8: {  	_ =	sdelay $0x1  }
0x1e9: {  	_ =	swait.ge [sflag:s13], $0x80  }
0x1ea: {  	[sflag:s13] =	ssyncset.done $0x0  }
0x1eb: {  	[sflag:s13] =	ssyncadd.s32 $0xFFFFFF80  }
0x1ec: {  	[bflag:$0x0] =	sbarrier.arrive $0xFFFF  }
0x1ed: {  	s1 =	simm.s32 $0x0;
	s2 =	rddreg [dreg:$0xd]  }
0x1ee: {  	[tilespmem:s1], [sflag:$0xA] =	stream.linear.gather [spmem:s2], $0x2000, $0x38;
	[tilespmem:$0x1FC00] =	vst v63  }
0x1ef: {  	_ =	swait.ge [sflag:s28], $0x2000  }
0x1f0: {  	[sflag:s28] =	ssyncset.done $0x0  }
0x1f1: {  	[sflag:s28] =	ssyncadd.s32 $0xFFFFE000  }
.LBB2_16:
0x1f2: {  	p1 =	sne.s32 s1, $0x7C0  }
.Ltmp7:
0x1f3: {  	s2 =	sshra.s32 s1, $0x2;
	(pc) =	sbr.rel @p1 .LBB2_16-.Ltmp7, $4  }
0x1f4: {  	[tilespmem:s2+$0x8000] =	vst v15  }
0x1f5: {  	[tilespmem:s2+$0x8200] =	vst v15  }
0x1f6: {  	[tilespmem:s2+$0x8400] =	vst v15  }
0x1f7: {  	s1 =	sadd.s32 $0x40, s1;
	[tilespmem:s2+$0x8600] =	vst v15  }
0x1f8: {  	s2 =	simm.s32 $0x1000  }
0x1f9: {  	v18 =	vld [tilespmem:s2+$0xFFFFF010];
	_ =	sdelay $0x3  }
0x1fa: {  	v19 =	vld [tilespmem:s2+$0xFFFFF000]  }
0x1fb: {  	v20 =	vshrl.u32 v18, $0x14  }
0x1fc: {  	(xrf1) =	vunique.msk.u32 $0xffff, v20;
	_ =	sdelay $0x2  }
0x1fd: {  	v21 =	vshrl.u32 v19, $0x14  }
0x1fe: {  	(xrf1) =	vunique.msk.u32 $0xffff, v21;
	_ =	sdelay $0x9  }
0x1ff: {  	v18 =	vand.u32 $0xFFFFF, v18;
	_, v22, _ =	vpop (xrf1)  }
0x200: {  	s4 =	simm.s32 $0x5000;
	v22 =	vadd.s32 $0xFFFFFFFF, v22  }
0x201: {  	s8 =	simm.s32 $0x3000;
	[tilespmem:s4+$0xFFFFF010] =	vst v22  }
0x202: {  	[tilespmem:s8+$0xFFFFF010] =	vst v18  }
0x203: {  	_, v18, _ =	vpop (xrf1);
	[tilespmem:s2+$0xFFFFF010] =	vst v20  }
0x204: {  	v18 =	vadd.s32 $0xFFFFFFFF, v18;
	[tilespmem:v20+s18+$0x0] =	vst.idx.add.s32.msk $0xffff, v17  }
0x205: {  	v19 =	vand.u32 $0xFFFFF, v19;
	[tilespmem:s4+$0xFFFFF000] =	vst v18;
	v18 =	vld [tilespmem:s2+$0xFFFFF810]  }
0x206: {  	[tilespmem:s8+$0xFFFFF000] =	vst v19  }
0x207: {  	[tilespmem:s2+$0xFFFFF000] =	vst v21  }
0x208: {  	[tilespmem:v21+s18+$0x0] =	vst.idx.add.s32.msk $0xffff, v17  }
0x209: {  	s3 =	simm.s32 $0x1020;
	v19 =	vld [tilespmem:s2+$0xFFFFF800]  }
0x20a: {  	v20 =	vld [tilespmem:s3+$0xFFFFF010];
	v21 =	vshrl.u32 v18, $0x14  }
0x20b: {  	(xrf1) =	vunique.msk.u32 $0xffff, v21;
	_ =	sdelay $0x2  }
0x20c: {  	v22 =	vld [tilespmem:s3+$0xFFFFF000];
	v23 =	vshrl.u32 v19, $0x14  }
0x20d: {  	v24 =	vshrl.u32 v20, $0x14;
	(xrf1) =	vunique.msk.u32 $0xffff, v23  }
0x20e: {  	(xrf1) =	vunique.msk.u32 $0xffff, v24;
	_ =	sdelay $0x2  }
0x20f: {  	v25 =	vshrl.u32 v22, $0x14  }
0x210: {  	(xrf1) =	vunique.msk.u32 $0xffff, v25;
	_ =	sdelay $0x4  }
0x211: {  	v18 =	vand.u32 $0xFFFFF, v18;
	_, v26, _ =	vpop (xrf1)  }
0x212: {  	v26 =	vadd.s32 $0xFFFFFFFF, v26;
	_ =	sdelay $0x1  }
0x213: {  	[tilespmem:s4+$0xFFFFF810] =	vst v26  }
0x214: {  	[tilespmem:s8+$0xFFFFF810] =	vst v18;
	_, v18, _ =	vpop (xrf1)  }
0x215: {  	v20 =	vand.u32 $0xFFFFF, v20;
	[tilespmem:s2+$0xFFFFF810] =	vst v21;
	_, v26, _ =	vpop (xrf1)  }
0x216: {  	s9 =	simm.s32 $0x5020;
	[tilespmem:v21+s19+$0x0] =	vst.idx.add.s32.msk $0xffff, v17;
	v21 =	vadd.s32 $0xFFFFFFFF, v26  }
0x217: {  	s10 =	simm.s32 $0x3020;
	[tilespmem:s9+$0xFFFFF010] =	vst v21;
	v21 =	vld [tilespmem:s2+$0x10]  }
0x218: {  	[tilespmem:s10+$0xFFFFF010] =	vst v20  }
0x219: {  	_, v20, _ =	vpop (xrf1);
	[tilespmem:s3+$0xFFFFF010] =	vst v24  }
0x21a: {  	v20 =	vadd.s32 $0xFFFFFFFF, v20;
	[tilespmem:v24+s18+$0x0] =	vst.idx.add.s32.msk $0xffff, v17  }
0x21b: {  	v22 =	vand.u32 $0xFFFFF, v22;
	[tilespmem:s9+$0xFFFFF000] =	vst v20  }
0x21c: {  	[tilespmem:s10+$0xFFFFF000] =	vst v22;
	v22 =	vshrl.u32 v21, $0x14  }
0x21d: {  	v20 =	vld [tilespmem:s3+$0xFFFFF810];
	(xrf1) =	vunique.msk.u32 $0xffff, v22;
	_ =	sdelay $0x3  }
0x21e: {  	[tilespmem:s3+$0xFFFFF000] =	vst v25  }
0x21f: {  	[tilespmem:v25+s18+$0x0] =	vst.idx.add.s32.msk $0xffff, v17;
	v26 =	vshrl.u32 v20, $0x14  }
0x220: {  	s22 =	simm.s32 $0x1040;
	v24 =	vld [tilespmem:s3+$0xFFFFF800];
	(xrf1) =	vunique.msk.u32 $0xffff, v26  }
0x221: {  	v25 =	vld [tilespmem:s22+$0xFFFFF010];
	_ =	sdelay $0x2  }
0x222: {  	v18 =	vadd.s32 $0xFFFFFFFF, v18  }
0x223: {  	v28 =	vshrl.u32 v24, $0x14  }
0x224: {  	v29 =	vshrl.u32 v25, $0x14;
	(xrf1) =	vunique.msk.u32 $0xffff, v28  }
0x225: {  	v27 =	vld [tilespmem:s22+$0xFFFFF000];
	(xrf1) =	vunique.msk.u32 $0xffff, v29  }
0x226: {  	[tilespmem:s4+$0xFFFFF800] =	vst v18;
	_, v18, _ =	vpop (xrf1)  }
0x227: {  	v18 =	vadd.s32 $0xFFFFFFFF, v18  }
0x228: {  	[tilespmem:s4+$0x10] =	vst v18;
	v18 =	vand.u32 $0xFFFFF, v21  }
0x229: {  	v19 =	vand.u32 $0xFFFFF, v19  }
0x22a: {  	v30 =	vshrl.u32 v27, $0x14;
	[tilespmem:s8+$0xFFFFF800] =	vst v19  }
0x22b: {  	[tilespmem:s2+$0xFFFFF800] =	vst v23;
	(xrf1) =	vunique.msk.u32 $0xffff, v30  }
0x22c: {  	[tilespmem:s8+$0x10] =	vst v18;
	_, v18, _ =	vpop (xrf1)  }
0x22d: {  	[tilespmem:v23+s19+$0x0] =	vst.idx.add.s32.msk $0xffff, v17;
	v18 =	vadd.s32 $0xFFFFFFFF, v18  }
0x22e: {  	[tilespmem:s9+$0xFFFFF810] =	vst v18;
	v18 =	vand.u32 $0xFFFFF, v20  }
0x22f: {  	v19 =	vld [tilespmem:s2+$0x0];
	_ =	sdelay $0x1  }
0x230: {  	[tilespmem:s2+$0x10] =	vst v22  }
0x231: {  	[tilespmem:s10+$0xFFFFF810] =	vst v18;
	_, v18, _ =	vpop (xrf1)  }
0x232: {  	[tilespmem:v22+s20+$0x0] =	vst.idx.add.s32.msk $0xffff, v17;
	_, v22, _ =	vpop (xrf1)  }
0x233: {  	s1 =	simm.s32 $0x5040;
	v21 =	vld [tilespmem:s2+$0x810];
	v20 =	vshrl.u32 v19, $0x14;
	v22 =	vadd.s32 $0xFFFFFFFF, v22  }
0x234: {  	(xrf1) =	vunique.msk.u32 $0xffff, v20;
	[tilespmem:s1+$0xFFFFF010] =	vst v22;
	v22 =	vand.u32 $0xFFFFF, v25  }
0x235: {  	[tilespmem:s3+$0xFFFFF810] =	vst v26  }
0x236: {  	s7 =	simm.s32 $0x3040;
	[tilespmem:v26+s19+$0x0] =	vst.idx.add.s32.msk $0xffff, v17  }
0x237: {  	[tilespmem:s7+$0xFFFFF010] =	vst v22  }
0x238: {  	v23 =	vld [tilespmem:s3+$0x10];
	v25 =	vshrl.u32 v21, $0x14;
	[tilespmem:s22+$0xFFFFF010] =	vst v29;
	_, v22, _ =	vpop (xrf1)  }
0x239: {  	(xrf1) =	vunique.msk.u32 $0xffff, v25;
	[tilespmem:v29+s18+$0x0] =	vst.idx.add.s32.msk $0xffff, v17;
	v22 =	vadd.s32 $0xFFFFFFFF, v22  }
0x23a: {  	[tilespmem:s1+$0xFFFFF000] =	vst v22;
	v22 =	vld [tilespmem:s22+$0xFFFFF810];
	_ =	sdelay $0x1  }
0x23b: {  	v26 =	vand.u32 $0xFFFFF, v27  }
0x23c: {  	[tilespmem:s7+$0xFFFFF000] =	vst v26  }
0x23d: {  	v18 =	vadd.s32 $0xFFFFFFFF, v18;
	v27 =	vshrl.u32 v23, $0x14;
	[tilespmem:s22+$0xFFFFF000] =	vst v30  }
0x23e: {  	(xrf1) =	vunique.msk.u32 $0xffff, v27;
	[tilespmem:v30+s18+$0x0] =	vst.idx.add.s32.msk $0xffff, v17;
	v29 =	vshrl.u32 v22, $0x14  }
0x23f: {  	v26 =	vld [tilespmem:s22+$0xFFFFF800];
	(xrf1) =	vunique.msk.u32 $0xffff, v29  }
0x240: {  	s16 =	simm.s32 $0x1060  }
0x241: {  	v24 =	vand.u32 $0xFFFFF, v24;
	[tilespmem:s9+$0xFFFFF800] =	vst v18;
	_, v18, _ =	vpop (xrf1);
	v30 =	vld [tilespmem:s16+$0xFFFFF010]  }
0x242: {  	[tilespmem:s10+$0xFFFFF800] =	vst v24;
	v18 =	vadd.s32 $0xFFFFFFFF, v18  }
0x243: {  	[tilespmem:s3+$0xFFFFF800] =	vst v28  }
0x244: {  	[tilespmem:v28+s19+$0x0] =	vst.idx.add.s32.msk $0xffff, v17;
	v31 =	vshrl.u32 v26, $0x14  }
0x245: {  	v19 =	vand.u32 $0xFFFFF, v19;
	[tilespmem:s4+$0x0] =	vst v18;
	(xrf1) =	vunique.msk.u32 $0xffff, v31  }
0x246: {  	v28 =	vld [tilespmem:s16+$0xFFFFF000];
	[tilespmem:s8+$0x0] =	vst v19;
	v19 =	vshrl.u32 v30, $0x14;
	_, v18, _ =	vpop (xrf1)  }
0x247: {  	v18 =	vadd.s32 $0xFFFFFFFF, v18;
	(xrf1) =	vunique.msk.u32 $0xffff, v19  }
0x248: {  	[tilespmem:s4+$0x810] =	vst v18;
	v18 =	vand.u32 $0xFFFFF, v21;
	_ =	sdelay $0x2  }
0x249: {  	v33 =	vshrl.u32 v28, $0x14;
	[tilespmem:s2+$0x0] =	vst v20  }
0x24a: {  	[tilespmem:s8+$0x810] =	vst v18;
	(xrf1) =	vunique.msk.u32 $0xffff, v33;
	_, v18, _ =	vpop (xrf1)  }
0x24b: {  	[tilespmem:v20+s20+$0x0] =	vst.idx.add.s32.msk $0xffff, v17;
	_, v20, _ =	vpop (xrf1)  }
0x24c: {  	v20 =	vadd.s32 $0xFFFFFFFF, v20  }
0x24d: {  	v18 =	vadd.s32 $0xFFFFFFFF, v18;
	[tilespmem:s1+$0xFFFFF810] =	vst v20;
	v20 =	vand.u32 $0xFFFFF, v22  }
0x24e: {  	[tilespmem:s9+$0x10] =	vst v18;
	v18 =	vand.u32 $0xFFFFF, v23  }
0x24f: {  	[tilespmem:s10+$0x10] =	vst v18  }
0x250: {  	v32 =	vld [tilespmem:s3+$0x0];
	[tilespmem:s3+$0x10] =	vst v27  }
0x251: {  	v34 =	vld [tilespmem:s2+$0x800];
	[tilespmem:s7+$0xFFFFF810] =	vst v20;
	_, v20, _ =	vpop (xrf1)  }
0x252: {  	[tilespmem:v27+s20+$0x0] =	vst.idx.add.s32.msk $0xffff, v17;
	v20 =	vadd.s32 $0xFFFFFFFF, v20  }
0x253: {  	v22 =	vand.u32 $0xFFFFF, v26;
	_, v23, _ =	vpop (xrf1);
	[tilespmem:s1+$0xFFFFF800] =	vst v20  }
0x254: {  	s24 =	simm.s32 $0x5060;
	v20 =	vadd.s32 $0xFFFFFFFF, v23;
	[tilespmem:s7+$0xFFFFF800] =	vst v22;
	v22 =	vand.u32 $0xFFFFF, v30  }
0x255: {  	v21 =	vshrl.u32 v32, $0x14;
	[tilespmem:s24+$0xFFFFF010] =	vst v20;
	v20 =	vld [tilespmem:s3+$0x810]  }
0x256: {  	(xrf1) =	vunique.msk.u32 $0xffff, v21;
	v18 =	vshrl.u32 v34, $0x14  }
0x257: {  	s25 =	simm.s32 $0x3060;
	(xrf1) =	vunique.msk.u32 $0xffff, v18;
	[tilespmem:s22+$0xFFFFF810] =	vst v29  }
0x258: {  	[tilespmem:s25+$0xFFFFF010] =	vst v22;
	_, v22, _ =	vpop (xrf1)  }
0x259: {  	[tilespmem:v29+s19+$0x0] =	vst.idx.add.s32.msk $0xffff, v17;
	v22 =	vadd.s32 $0xFFFFFFFF, v22  }
0x25a: {  	[tilespmem:s24+$0xFFFFF000] =	vst v22;
	v22 =	vshrl.u32 v20, $0x14  }
0x25b: {  	v24 =	vld [tilespmem:s22+$0x10];
	(xrf1) =	vunique.msk.u32 $0xffff, v22;
	_ =	sdelay $0x1  }
0x25c: {  	[tilespmem:s2+$0x810] =	vst v25  }
0x25d: {  	[tilespmem:v25+s21+$0x0] =	vst.idx.add.s32.msk $0xffff, v17  }
0x25e: {  	[tilespmem:s16+$0xFFFFF010] =	vst v19  }
0x25f: {  	[tilespmem:v19+s18+$0x0] =	vst.idx.add.s32.msk $0xffff, v17;
	v19 =	vand.u32 $0xFFFFF, v28;
	v28 =	vshrl.u32 v24, $0x14  }
0x260: {  	v25 =	vld [tilespmem:s16+$0xFFFFF810];
	(xrf1) =	vunique.msk.u32 $0xffff, v28  }
0x261: {  	[tilespmem:s25+$0xFFFFF000] =	vst v19  }
0x262: {  	[tilespmem:s16+$0xFFFFF000] =	vst v33  }
0x263: {  	_, v23, _ =	vpop (xrf1);
	[tilespmem:v33+s18+$0x0] =	vst.idx.add.s32.msk $0xffff, v17  }
0x264: {  	v26 =	vand.u32 $0xFFFFF, v32;
	[tilespmem:s22+$0xFFFFF800] =	vst v31;
	v30 =	vadd.s32 $0xFFFFFFFF, v23;
	_, v23, _ =	vpop (xrf1);
	v29 =	vld [tilespmem:s16+$0xFFFFF800]  }
0x265: {  	s23 =	simm.s32 $0x2;
	s11 =	simm.s32 $0x6;
	s14 =	simm.s32 $0x1080;
	[tilespmem:v31+s19+$0x0] =	vst.idx.add.s32.msk $0xffff, v17;
	v19 =	vand.u32 $0xFFFFF, v34;
	v23 =	vadd.s32 $0xFFFFFFFF, v23;
	v27 =	vshrl.u32 v25, $0x14  }
.LBB2_18:
0x266: {  	v31 =	vld [tilespmem:s14+$0xFFFFF010];
	(xrf1) =	vunique.msk.u32 $0xffff, v27;
	[tilespmem:s9+$0x0] =	vst v30  }
0x267: {  	v30 =	vld [tilespmem:s14+$0xFFFFF000];
	[tilespmem:s10+$0x0] =	vst v26  }
0x268: {  	v26 =	vld [tilespmem:s22+$0x0];
	[tilespmem:s3+$0x0] =	vst v21;
	_, v32, _ =	vpop (xrf1)  }
0x269: {  	v33 =	vshrl.u32 v29, $0x14;
	v29 =	vand.u32 $0xFFFFF, v29;
	[tilespmem:v21+s20+$0x0] =	vst.idx.add.s32.msk $0xffff, v17;
	v21 =	vadd.s32 $0xFFFFFFFF, v32  }
0x26a: {  	v20 =	vand.u32 $0xFFFFF, v20;
	(xrf1) =	vunique.msk.u32 $0xffff, v33;
	v32 =	vld [tilespmem:s3+$0x800];
	[tilespmem:s9+$0x810] =	vst v21  }
0x26b: {  	v34 =	vshrl.u32 v31, $0x14;
	[tilespmem:s10+$0x810] =	vst v20  }
0x26c: {  	v35 =	vshrl.u32 v30, $0x14;
	v36 =	vand.u32 $0xFFFFF, v30;
	(xrf1) =	vunique.msk.u32 $0xffff, v34;
	[tilespmem:s3+$0x810] =	vst v22  }
0x26d: {  	(xrf1) =	vunique.msk.u32 $0xffff, v35;
	v21 =	vshrl.u32 v26, $0x14;
	v26 =	vand.u32 $0xFFFFF, v26;
	[tilespmem:v22+s21+$0x0] =	vst.idx.add.s32.msk $0xffff, v17  }
0x26e: {  	(xrf1) =	vunique.msk.u32 $0xffff, v21;
	_, v20, _ =	vpop (xrf1);
	[tilespmem:s4+$0x800] =	vst v23;
	s4 =	smov.u32 s9;
	s9 =	smov.u32 s1;
	s1 =	smov.u32 s24  }
0x26f: {  	v20 =	vadd.s32 $0xFFFFFFFF, v20;
	v22 =	vshrl.u32 v32, $0x14;
	[tilespmem:s8+$0x800] =	vst v19;
	v19 =	vand.u32 $0xFFFFF, v32;
	s8 =	smov.u32 s10;
	s10 =	smov.u32 s7;
	s7 =	smov.u32 s25  }
0x270: {  	[tilespmem:s9+$0x10] =	vst v20;
	v20 =	vand.u32 $0xFFFFF, v24;
	(xrf1) =	vunique.msk.u32 $0xffff, v22  }
0x271: {  	[tilespmem:s10+$0x10] =	vst v20  }
0x272: {  	s11 =	sadd.s32 $0x2, s11;
	[tilespmem:s22+$0x10] =	vst v28  }
0x273: {  	p1 =	slt.u32 s11, $0x7E;
	[tilespmem:v28+s20+$0x0] =	vst.idx.add.s32.msk $0xffff, v17  }
0x274: {  	_, v23, _ =	vpop (xrf1);
	v20 =	vld [tilespmem:s22+$0x810];
	[tilespmem:s2+$0x800] =	vst v18;
	s2 =	smov.u32 s3;
	s3 =	smov.u32 s22;
	s22 =	smov.u32 s16  }
0x275: {  	s16 =	smov.u32 s14;
	v23 =	vadd.s32 $0xFFFFFFFF, v23;
	[tilespmem:v18+s21+$0x0] =	vst.idx.add.s32.msk $0xffff, v17;
	v18 =	vmov v22  }
0x276: {  	[tilespmem:s24+$0xFFFFF810] =	vst v23;
	v23 =	vand.u32 $0xFFFFF, v25  }
0x277: {  	[tilespmem:s25+$0xFFFFF810] =	vst v23  }
0x278: {  	[tilespmem:s22+$0xFFFFF810] =	vst v27;
	_, v22, _ =	vpop (xrf1)  }
0x279: {  	v23 =	vadd.s32 $0xFFFFFFFF, v22;
	[tilespmem:v27+s19+$0x0] =	vst.idx.add.s32.msk $0xffff, v17;
	v22 =	vshrl.u32 v20, $0x14  }
0x27a: {  	_, v25, _ =	vpop (xrf1);
	[tilespmem:s24+$0xFFFFF800] =	vst v23;
	v24 =	vld [tilespmem:s22+$0x10];
	(xrf1) =	vunique.msk.u32 $0xffff, v22  }
0x27b: {  	s24 =	sadd.s32 $0x20, s24;
	v32 =	vadd.s32 $0xFFFFFFFF, v25;
	_, v25, _ =	vpop (xrf1);
	[tilespmem:s25+$0xFFFFF800] =	vst v29  }
0x27c: {  	v28 =	vand.u32 $0xFFFFF, v31;
	s25 =	sadd.s32 $0x20, s25;
	v25 =	vadd.s32 $0xFFFFFFFF, v25;
	[tilespmem:s24+$0xFFFFF010] =	vst v32;
	_, v27, _ =	vpop (xrf1)  }
0x27d: {  	[tilespmem:s25+$0xFFFFF010] =	vst v28;
	v30 =	vadd.s32 $0xFFFFFFFF, v27  }
0x27e: {  	[tilespmem:s14+$0xFFFFF010] =	vst v34;
	_, v23, _ =	vpop (xrf1)  }
0x27f: {  	[tilespmem:v34+s18+$0x0] =	vst.idx.add.s32.msk $0xffff, v17;
	v28 =	vshrl.u32 v24, $0x14;
	v23 =	vadd.s32 $0xFFFFFFFF, v23  }
0x280: {  	[tilespmem:s24+$0xFFFFF000] =	vst v25;
	v25 =	vld [tilespmem:s14+$0xFFFFF810];
	(xrf1) =	vunique.msk.u32 $0xffff, v28  }
.Ltmp8:
0x281: {  	[tilespmem:s25+$0xFFFFF000] =	vst v36;
	(pc) =	sbr.rel @p1 .LBB2_18-.Ltmp8, $4  }
0x282: {  	[tilespmem:s14+$0xFFFFF000] =	vst v35  }
0x283: {  	[tilespmem:v35+s18+$0x0] =	vst.idx.add.s32.msk $0xffff, v17  }
0x284: {  	v29 =	vld [tilespmem:s14+$0xFFFFF800];
	[tilespmem:s22+$0xFFFFF800] =	vst v33  }
0x285: {  	s14 =	sadd.s32 $0x20, s14;
	v27 =	vshrl.u32 v25, $0x14;
	[tilespmem:v33+s19+$0x0] =	vst.idx.add.s32.msk $0xffff, v17  }
0x286: {  	(xrf1) =	vunique.msk.u32 $0xffff, v27;
	_ =	sdelay $0x5  }
0x287: {  	[tilespmem:s9+$0x0] =	vst v30;
	v31 =	vshrl.u32 v29, $0x14  }
0x288: {  	[tilespmem:s10+$0x0] =	vst v26;
	_, v43, _ =	vpop (xrf1);
	(xrf1) =	vunique.msk.u32 $0xffff, v31  }
0x289: {  	[tilespmem:s3+$0x0] =	vst v21;
	_, v44, _ =	vpop (xrf1)  }
0x28a: {  	[tilespmem:v21+s20+$0x0] =	vst.idx.add.s32.msk $0xffff, v17;
	v21 =	vadd.s32 $0xFFFFFFFF, v44  }
0x28b: {  	[tilespmem:s1+$0x10] =	vst v21;
	v21 =	vand.u32 $0xFFFFF, v24;
	_ =	sdelay $0x2  }
0x28c: {  	[tilespmem:s7+$0x10] =	vst v21  }
0x28d: {  	[tilespmem:s22+$0x10] =	vst v28;
	_, v21, _ =	vpop (xrf1)  }
0x28e: {  	[tilespmem:v28+s20+$0x0] =	vst.idx.add.s32.msk $0xffff, v17;
	v21 =	vadd.s32 $0xFFFFFFFF, v21  }
0x28f: {  	v45 =	vld [tilespmem:s22+$0x0];
	[tilespmem:s24+$0xFFFFF810] =	vst v21;
	v21 =	vand.u32 $0xFFFFF, v25  }
0x290: {  	v46 =	vld [tilespmem:s3+$0x800];
	[tilespmem:s25+$0xFFFFF810] =	vst v21  }
0x291: {  	v21 =	vld [tilespmem:s22+$0x810];
	[tilespmem:s16+$0xFFFFF810] =	vst v27  }
0x292: {  	[tilespmem:v27+s19+$0x0] =	vst.idx.add.s32.msk $0xffff, v17  }
0x293: {  	v27 =	vld [tilespmem:s16+$0x10]  }
0x294: {  	v47 =	vshrl.u32 v45, $0x14;
	_, v48, _ =	vpop (xrf1)  }
0x295: {  	(xrf1) =	vunique.msk.u32 $0xffff, v47;
	v30 =	vadd.s32 $0xFFFFFFFF, v48  }
0x296: {  	v49 =	vand.u32 $0xFFFFF, v29;
	v32 =	vshrl.u32 v46, $0x14;
	[tilespmem:s24+$0xFFFFF800] =	vst v30  }
0x297: {  	(xrf1) =	vunique.msk.u32 $0xffff, v32;
	[tilespmem:s25+$0xFFFFF800] =	vst v49;
	v33 =	vshrl.u32 v21, $0x14  }
0x298: {  	[tilespmem:s16+$0xFFFFF800] =	vst v31;
	(xrf1) =	vunique.msk.u32 $0xffff, v33;
	v50 =	vshrl.u32 v27, $0x14  }
0x299: {  	[tilespmem:v31+s19+$0x0] =	vst.idx.add.s32.msk $0xffff, v17;
	(xrf1) =	vunique.msk.u32 $0xffff, v50  }
0x29a: {  	v30 =	vld [tilespmem:s16+$0x0];
	_ =	sdelay $0x4  }
0x29b: {  	v51 =	vshrl.u32 v30, $0x14  }
0x29c: {  	(xrf1) =	vunique.msk.u32 $0xffff, v51;
	_ =	sdelay $0x2  }
0x29d: {  	_, v34, _ =	vpop (xrf1)  }
0x29e: {  	v34 =	vadd.s32 $0xFFFFFFFF, v34  }
0x29f: {  	v24 =	vand.u32 $0xFFFFF, v45;
	[tilespmem:s1+$0x0] =	vst v34;
	_, v35, _ =	vpop (xrf1)  }
0x2a0: {  	[tilespmem:s7+$0x0] =	vst v24;
	_, v52, _ =	vpop (xrf1)  }
0x2a1: {  	[tilespmem:s22+$0x0] =	vst v47;
	_, v53, _ =	vpop (xrf1)  }
0x2a2: {  	[tilespmem:v47+s20+$0x0] =	vst.idx.add.s32.msk $0xffff, v17;
	v54 =	vadd.s32 $0xFFFFFFFF, v53  }
0x2a3: {  	v27 =	vand.u32 $0xFFFFF, v27;
	[tilespmem:s24+$0x10] =	vst v54  }
0x2a4: {  	[tilespmem:s25+$0x10] =	vst v27  }
0x2a5: {  	v55 =	vld [tilespmem:s22+$0x800];
	[tilespmem:s16+$0x10] =	vst v50  }
0x2a6: {  	[tilespmem:v50+s20+$0x0] =	vst.idx.add.s32.msk $0xffff, v17  }
0x2a7: {  	v26 =	vadd.s32 $0xFFFFFFFF, v43;
	v28 =	vld [tilespmem:s16+$0x810]  }
0x2a8: {  	v20 =	vand.u32 $0xFFFFF, v20;
	[tilespmem:s9+$0x810] =	vst v26;
	_, v56, _ =	vpop (xrf1)  }
0x2a9: {  	[tilespmem:s10+$0x810] =	vst v20;
	v20 =	vadd.s32 $0xFFFFFFFF, v56  }
0x2aa: {  	v57 =	vand.u32 $0xFFFFF, v30;
	[tilespmem:s24+$0x0] =	vst v20  }
0x2ab: {  	v20 =	vshrl.u32 v55, $0x14;
	[tilespmem:s25+$0x0] =	vst v57  }
0x2ac: {  	(xrf1) =	vunique.msk.u32 $0xffff, v20;
	[tilespmem:s16+$0x0] =	vst v51;
	v58 =	vshrl.u32 v28, $0x14  }
0x2ad: {  	[tilespmem:v51+s20+$0x0] =	vst.idx.add.s32.msk $0xffff, v17;
	(xrf1) =	vunique.msk.u32 $0xffff, v58  }
0x2ae: {  	[tilespmem:s4+$0x800] =	vst v23;
	v59 =	vld [tilespmem:s16+$0x800]  }
0x2af: {  	[tilespmem:s8+$0x800] =	vst v19  }
0x2b0: {  	[tilespmem:s2+$0x800] =	vst v18  }
0x2b1: {  	[tilespmem:v18+s21+$0x0] =	vst.idx.add.s32.msk $0xffff, v17  }
0x2b2: {  	[tilespmem:s3+$0x810] =	vst v22  }
0x2b3: {  	[tilespmem:v22+s21+$0x0] =	vst.idx.add.s32.msk $0xffff, v17;
	v18 =	vadd.s32 $0xFFFFFFFF, v52;
	v19 =	vshrl.u32 v59, $0x14  }
0x2b4: {  	[tilespmem:s1+$0x810] =	vst v18;
	v18 =	vand.u32 $0xFFFFF, v21;
	(xrf1) =	vunique.msk.u32 $0xffff, v19  }
0x2b5: {  	[tilespmem:s7+$0x810] =	vst v18  }
0x2b6: {  	v18 =	vadd.s32 $0xFFFFFFFF, v35;
	[tilespmem:s22+$0x810] =	vst v33  }
0x2b7: {  	v21 =	vand.u32 $0xFFFFF, v46;
	[tilespmem:s9+$0x800] =	vst v18  }
0x2b8: {  	[tilespmem:v33+s21+$0x0] =	vst.idx.add.s32.msk $0xffff, v17  }
0x2b9: {  	[tilespmem:s10+$0x800] =	vst v21  }
0x2ba: {  	[tilespmem:s3+$0x800] =	vst v32;
	_, v18, _ =	vpop (xrf1)  }
0x2bb: {  	[tilespmem:v32+s21+$0x0] =	vst.idx.add.s32.msk $0xffff, v17;
	v18 =	vadd.s32 $0xFFFFFFFF, v18;
	_, v21, _ =	vpop (xrf1)  }
0x2bc: {  	[tilespmem:s1+$0x800] =	vst v18;
	v21 =	vadd.s32 $0xFFFFFFFF, v21  }
0x2bd: {  	[tilespmem:s24+$0x810] =	vst v21;
	v21 =	vand.u32 $0xFFFFF, v28  }
0x2be: {  	[tilespmem:s25+$0x810] =	vst v21  }
0x2bf: {  	v21 =	vand.u32 $0xFFFFF, v55;
	[tilespmem:s16+$0x810] =	vst v58  }
0x2c0: {  	[tilespmem:s7+$0x800] =	vst v21  }
0x2c1: {  	[tilespmem:v58+s21+$0x0] =	vst.idx.add.s32.msk $0xffff, v17  }
0x2c2: {  	_, v18, _ =	vpop (xrf1);
	[tilespmem:s22+$0x800] =	vst v20  }
0x2c3: {  	v18 =	vadd.s32 $0xFFFFFFFF, v18;
	[tilespmem:v20+s21+$0x0] =	vst.idx.add.s32.msk $0xffff, v17  }
0x2c4: {  	v20 =	vand.u32 $0xFFFFF, v59;
	[tilespmem:s24+$0x800] =	vst v18  }
0x2c5: {  	[tilespmem:s25+$0x800] =	vst v20  }
0x2c6: {  	[tilespmem:s16+$0x800] =	vst v19  }
0x2c7: {  	s16 =	simm.s32 $0x8010;
	[tilespmem:v19+s21+$0x0] =	vst.idx.add.s32.msk $0xffff, v17  }
0x2c8: {  	s22 =	simm.s32 $0x8210;
	v18 =	vld [tilespmem:s16+$0x0]  }
0x2c9: {  	s24 =	simm.s32 $0x8410;
	v19 =	vld [tilespmem:s22+$0x0]  }
0x2ca: {  	s25 =	simm.s32 $0x8610;
	v20 =	vld [tilespmem:s24+$0x0]  }
0x2cb: {  	v21 =	vld [tilespmem:s25+$0x0]  }
0x2cc: {  	v22 =	vld [tilespmem:s22+$0xFFFFFFF0]  }
0x2cd: {  	v23 =	vld [tilespmem:s16+$0xFFFFFFF0]  }
0x2ce: {  	v60 =	vld [tilespmem:s24+$0xFFFFFFF0]  }
0x2cf: {  	s6 =	simm.s32 $0x8030;
	v61 =	vld [tilespmem:s25+$0xFFFFFFF0]  }
0x2d0: {  	s1 =	simm.s32 $0x8230;
	v26 =	vld [tilespmem:s6+$0x0]  }
0x2d1: {  	s2 =	simm.s32 $0x8430;
	v62 =	vld [tilespmem:s1+$0x0]  }
0x2d2: {  	s3 =	simm.s32 $0x8630;
	v63 =	vld [tilespmem:s2+$0x0]  }
0x2d3: {  	v18 =	vadd.s32 v18, v19;
	v19 =	vld [tilespmem:s3+$0x0]  }
0x2d4: {  	v22 =	vadd.s32 v23, v22;
	v20 =	vadd.s32 v20, v18;
	v18 =	vld [tilespmem:s1+$0xFFFFFFF0]  }
0x2d5: {  	s4 =	simm.s32 $0x8810;
	v22 =	vadd.s32 v60, v22;
	v20 =	vadd.s32 v21, v20;
	v21 =	vld [tilespmem:s6+$0xFFFFFFF0]  }
0x2d6: {  	v23 =	vadd.s32 v26, v62;
	v22 =	vadd.s32 v61, v22;
	[tilespmem:s4+$0x0] =	vst v20;
	v20 =	vld [tilespmem:s2+$0xFFFFFFF0]  }
0x2d7: {  	s7 =	simm.s32 $0x8050;
	v23 =	vadd.s32 v63, v23;
	[tilespmem:s4+$0xFFFFFFF0] =	vst v22;
	v22 =	vld [tilespmem:s3+$0xFFFFFFF0]  }
.LBB2_20:
0x2d8: {  	v24 =	vld [tilespmem:s7+$0x0];
	v19 =	vadd.s32 v19, v23;
	s1 =	sadd.s32 $0x20, s1;
	s4 =	sadd.s32 $0x20, s4  }
0x2d9: {  	s23 =	sadd.s32 $0x2, s23;
	s2 =	sadd.s32 $0x20, s2;
	v23 =	vld [tilespmem:s1+$0x0];
	[tilespmem:s4+$0x0] =	vst v19  }
0x2da: {  	s3 =	sadd.s32 $0x20, s3;
	p1 =	slt.u32 s23, $0xE;
	v25 =	vld [tilespmem:s2+$0x0];
	v18 =	vadd.s32 v21, v18  }
.Ltmp9:
0x2db: {  	v19 =	vld [tilespmem:s3+$0x0];
	v20 =	vadd.s32 v20, v18;
	(pc) =	sbr.rel @p1 .LBB2_20-.Ltmp9, $4  }
0x2dc: {  	v18 =	vld [tilespmem:s1+$0xFFFFFFF0];
	v20 =	vadd.s32 v22, v20  }
0x2dd: {  	v21 =	vld [tilespmem:s7+$0xFFFFFFF0];
	[tilespmem:s4+$0xFFFFFFF0] =	vst v20  }
0x2de: {  	v20 =	vld [tilespmem:s2+$0xFFFFFFF0];
	v23 =	vadd.s32 v24, v23  }
0x2df: {  	s7 =	sadd.s32 $0x20, s7;
	v22 =	vld [tilespmem:s3+$0xFFFFFFF0];
	v23 =	vadd.s32 v25, v23  }
0x2e0: {  	_ =	sdelay $0x1  }
0x2e1: {  	v18 =	vadd.s32 v21, v18  }
0x2e2: {  	v19 =	vadd.s32 v19, v23;
	s1 =	sadd.s32 $0x20, s4;
	v18 =	vadd.s32 v20, v18  }
0x2e3: {  	[tilespmem:s1+$0x0] =	vst v19;
	v18 =	vadd.s32 v22, v18  }
0x2e4: {  	[tilespmem:s1+$0xFFFFFFF0] =	vst v18  }
0x2e5: {  	[spmem:s26] =	stream.strided.scatter [tilespmem:s30], [sflag:$0xA], $0x200, s29, s15, $0x38;
	[tilespmem:$0x1FC00] =	vst v63  }
0x2e6: {  	_ =	swait.ge [sflag:s28], $0x200  }
0x2e7: {  	[sflag:s28] =	ssyncset.done $0x0  }
0x2e8: {  	[sflag:s28] =	ssyncadd.s32 $0xFFFFFE00  }
0x2e9: {  	[bflag:$0x0] =	sbarrier.arrive $0xFFFF  }
0x2ea: {  	[tilespmem:s31], [sflag:$0xA] =	stream.linear.gather [spmem:s12], $0x2000, $0x38;
	[tilespmem:$0x1FC00] =	vst v63  }
0x2eb: {  	s3 =	simm.s32 $0x0;
	_ =	swait.ge [sflag:s28], $0x2000  }
0x2ec: {  	s7 =	sand.u32 $0x70, s3;
	s2 =	sand.u32 $0x400, s3;
	[sflag:s28] =	ssyncset.done $0x0  }
0x2ed: {  	s1 =	sor.u32 s7, s2;
	[sflag:s28] =	ssyncadd.s32 $0xFFFFE000  }
0x2ee: {  	v18 =	vld [tilespmem:s1+$0x8A00]  }
0x2ef: {  	v19 =	vld [tilespmem:s1+$0x8A80]  }
0x2f0: {  	v20 =	vld [tilespmem:s1+$0x8B00]  }
0x2f1: {  	v21 =	vld [tilespmem:s1+$0x8B80]  }
0x2f2: {  	v22 =	vld [tilespmem:s1+$0x8C00]  }
0x2f3: {  	v23 =	vld [tilespmem:s1+$0x8C80]  }
0x2f4: {  	v25 =	vld [tilespmem:s1+$0x8D00];
	v24 =	vadd.s32 v18, v19  }
0x2f5: {  	v26 =	vld [tilespmem:s1+$0x8D80];
	v24 =	vadd.s32 v20, v24  }
0x2f6: {  	v27 =	vld [tilespmem:s1+$0x9A00];
	v24 =	vadd.s32 v21, v24  }
0x2f7: {  	v28 =	vld [tilespmem:s1+$0x9A80];
	v24 =	vadd.s32 v22, v24  }
0x2f8: {  	v29 =	vld [tilespmem:s1+$0x9B00];
	v24 =	vadd.s32 v23, v24  }
0x2f9: {  	v30 =	vld [tilespmem:s1+$0x9B80];
	v24 =	vadd.s32 v25, v24  }
0x2fa: {  	v31 =	vld [tilespmem:s1+$0x9C00];
	v24 =	vadd.s32 v26, v24  }
0x2fb: {  	v32 =	vld [tilespmem:s1+$0x9C80];
	v24 =	vadd.s32 v27, v24  }
0x2fc: {  	s8 =	simm.s32 $0x10;
	s9 =	simm.s32 $0x80;
	v33 =	vld [tilespmem:s1+$0x9D00];
	v24 =	vadd.s32 v28, v24  }
0x2fd: {  	s2 =	sand.u32 $0x70, s8;
	v34 =	vld [tilespmem:s1+$0x9D80];
	s1 =	sand.u32 $0x400, s9;
	v24 =	vadd.s32 v29, v24  }
0x2fe: {  	s1 =	sor.u32 s2, s1;
	v24 =	vadd.s32 v30, v24  }
0x2ff: {  	v35 =	vld [tilespmem:s1+$0x8A00];
	v24 =	vadd.s32 v31, v24  }
0x300: {  	v36 =	vld [tilespmem:s1+$0x8A80];
	v24 =	vadd.s32 v32, v24  }
0x301: {  	v55 =	vld [tilespmem:s1+$0x8B00];
	v24 =	vadd.s32 v33, v24  }
0x302: {  	v37 =	vld [tilespmem:s1+$0x8B80];
	v24 =	vadd.s32 v34, v24  }
0x303: {  	v38 =	vld [tilespmem:s1+$0x8C00];
	(xrf0) =	vadd.scan.msk.s32 $0xffff, v24  }
0x304: {  	v39 =	vld [tilespmem:s1+$0x8C80]  }
0x305: {  	v41 =	vld [tilespmem:s1+$0x8D00]  }
0x306: {  	v42 =	vld [tilespmem:s1+$0x8D80];
	v18 =	vmul.u32 v0, v18  }
0x307: {  	v19 =	vmul.u32 v1, v19;
	v20 =	vmul.u32 v2, v20;
	v40 =	vadd.s32 v35, v36  }
0x308: {  	v21 =	vmul.u32 v3, v21;
	v18 =	vadd.s32 s3, v18;
	v40 =	vadd.s32 v55, v40  }
0x309: {  	v43 =	vld [tilespmem:s1+$0x9A00];
	v35 =	vmul.u32 v0, v35;
	v57 =	vmul.u32 v3, v37;
	v40 =	vadd.s32 v37, v40;
	v44, _, _ =	vpop (xrf0)  }
0x30a: {  	v45 =	vld [tilespmem:s1+$0x9A80];
	v58 =	vmul.u32 v4, v38;
	v40 =	vadd.s32 v38, v40;
	(v2sf) =	vpush v44, $0xF  }
0x30b: {  	v46 =	vld [tilespmem:s1+$0x9B00];
	v59 =	vmul.u32 v6, v41;
	v60 =	vmul.u32 v7, v42;
	v40 =	vadd.s32 v39, v40  }
0x30c: {  	v47 =	vld [tilespmem:s1+$0x9B80];
	v22 =	vmul.u32 v4, v22;
	v18 =	vadd.s32 v19, v18;
	v40 =	vadd.s32 v41, v40  }
0x30d: {  	v56 =	vld [tilespmem:s1+$0x9C00];
	v23 =	vmul.u32 v5, v23;
	v18 =	vadd.s32 v20, v18;
	v19 =	vadd.s32 v42, v40  }
0x30e: {  	s16 =	simm.s32 $0x30;
	s22 =	simm.s32 $0x180;
	v20 =	vld [tilespmem:s1+$0x9C80];
	v25 =	vmul.u32 v6, v25;
	v18 =	vadd.s32 v21, v18;
	v19 =	vadd.s32 v43, v19  }
0x30f: {  	s23 =	sand.u32 $0x400, s22;
	s2 =	sand.u32 $0x70, s16;
	v21 =	vld [tilespmem:s1+$0x9D00];
	v26 =	vmul.u32 v7, v26;
	v18 =	vadd.s32 v22, v18;
	v19 =	vadd.s32 v45, v19  }
0x310: {  	s10 =	simm.s32 $0x20;
	s11 =	simm.s32 $0x100;
	s2 =	sor.u32 s2, s23;
	v22 =	vld [tilespmem:s1+$0x9D80];
	v27 =	vmul.u32 v8, v27;
	v18 =	vadd.s32 v23, v18;
	v19 =	vadd.s32 v46, v19  }
0x311: {  	s4 =	sand.u32 $0x70, s10;
	s12 =	simm.s32 $0x8000;
	v49 =	vld [tilespmem:s2+$0x9B80];
	s1 =	sand.u32 $0x400, s11;
	v23 =	vmul.u32 v1, v36;
	v18 =	vadd.s32 v25, v18;
	v19 =	vadd.s32 v47, v19  }
0x312: {  	s4 =	sor.u32 s4, s1;
	v28 =	vmul.u32 v9, v28;
	v25 =	vld [tilespmem:s12+$0x0];
	v18 =	vadd.s32 v26, v18;
	v19 =	vadd.s32 v56, v19  }
0x313: {  	v29 =	vmul.u32 v10, v29;
	v26 =	vld [tilespmem:s4+$0x8A00];
	v18 =	vadd.s32 v27, v18;
	v19 =	vadd.s32 v20, v19  }
0x314: {  	v30 =	vmul.u32 v11, v30;
	v27 =	vld [tilespmem:s4+$0x8A80];
	v18 =	vadd.s32 v28, v18;
	v19 =	vadd.s32 v21, v19  }
0x315: {  	v31 =	vmul.u32 v12, v31;
	v18 =	vadd.s32 v29, v18;
	v22 =	vadd.s32 v22, v19;
	v19 =	vld [tilespmem:s4+$0x8B00]  }
0x316: {  	v41 =	vmul.u32 v8, v43;
	v32 =	vmul.u32 v13, v32;
	v29 =	vld [tilespmem:s4+$0x8B80];
	v18 =	vadd.s32 v30, v18;
	(xrf0) =	vadd.scan.msk.s32 $0xffff, v22  }
0x317: {  	v42 =	vmul.u32 v9, v45;
	v33 =	vmul.u32 v14, v33;
	v30 =	vld [tilespmem:s4+$0x8C00];
	v18 =	vadd.s32 v31, v18  }
0x318: {  	v40 =	vmul.u32 v12, v56;
	v43 =	vmul.u32 v10, v46;
	v31 =	vld [tilespmem:s4+$0x8C80];
	v18 =	vadd.s32 v32, v18  }
0x319: {  	v61 =	vld [tilespmem:s4+$0x8D00];
	v45 =	vmul.u32 v11, v47;
	v62 =	vadd.s32 v26, v27;
	v18 =	vadd.s32 v33, v18;
	s14 =	spop (v2sf)  }
0x31a: {  	v63 =	vld [tilespmem:s4+$0x8D80];
	v28 =	vmul.u32 v5, v39;
	v18 =	vsub.s32 v18, v24;
	v24 =	vadd.s32 v19, v62;
	s1 =	sadd.s32 $0x0, s14  }
0x31b: {  	v52 =	vld [tilespmem:s4+$0x9A00];
	v34 =	vmul.u32 v2, v55;
	v24 =	vadd.s32 v29, v24;
	v35 =	vadd.s32 s1, v35  }
0x31c: {  	v54 =	vld [tilespmem:s4+$0x9A80];
	v18 =	vadd.s32 v44, v18;
	v24 =	vadd.s32 v30, v24;
	v53, _, _ =	vpop (xrf0);
	v23 =	vadd.s32 v23, v35  }
0x31d: {  	v55 =	vld [tilespmem:s4+$0x9B00];
	v24 =	vadd.s32 v31, v24;
	(v2sf) =	vpush v53, $0xF;
	v23 =	vadd.s32 v34, v23  }
0x31e: {  	v56 =	vld [tilespmem:s4+$0x9B80];
	v48 =	vadd.s32 v25, v18;
	v24 =	vadd.s32 v61, v24;
	v23 =	vadd.s32 v57, v23  }
0x31f: {  	v25 =	vld [tilespmem:s4+$0x9C00];
	v24 =	vadd.s32 v63, v24;
	v57 =	vmul.u32 v1, v27;
	v23 =	vadd.s32 v58, v23  }
0x320: {  	v27 =	vld [tilespmem:s4+$0x9C80];
	v58 =	vmul.u32 v2, v19;
	v19 =	vadd.s32 v28, v23;
	v23 =	vadd.s32 v52, v24  }
0x321: {  	v20 =	vmul.u32 v13, v20;
	[tilespmem:s12+$0x0] =	vst v18;
	v24 =	vld [tilespmem:s4+$0x9D00];
	v18 =	vadd.s32 v59, v19;
	v19 =	vadd.s32 v54, v23  }
0x322: {  	v21 =	vmul.u32 v14, v21;
	v26 =	vmul.u32 v0, v26;
	v23 =	vld [tilespmem:s4+$0x9D80];
	v19 =	vadd.s32 v55, v19  }
0x323: {  	v32 =	vmul.u32 v6, v61;
	v62 =	vld [tilespmem:s2+$0x8A80];
	v18 =	vadd.s32 v60, v18;
	v19 =	vadd.s32 v56, v19  }
0x324: {  	s6 =	simm.s32 $0x8200;
	v61 =	vld [tilespmem:s2+$0x8A00];
	v35 =	vmul.u32 v10, v55;
	v18 =	vadd.s32 v41, v18;
	v19 =	vadd.s32 v25, v19  }
0x325: {  	s7 =	simm.s32 $0x8400;
	v28 =	vmul.u32 v3, v29;
	v29 =	vld [tilespmem:s6+$0x0];
	[tilespmem:s6+$0x0] =	vst v48;
	v18 =	vadd.s32 v42, v18;
	v19 =	vadd.s32 v27, v19  }
0x326: {  	v59 =	vmul.u32 v4, v30;
	v30 =	vld [tilespmem:s7+$0x0];
	v18 =	vadd.s32 v43, v18;
	v19 =	vadd.s32 v24, v19  }
0x327: {  	s24 =	simm.s32 $0x8010;
	v60 =	vmul.u32 v5, v31;
	v18 =	vadd.s32 v45, v18;
	v19 =	vadd.s32 v23, v19;
	v23 =	vld [tilespmem:s2+$0x8B00]  }
0x328: {  	v31 =	vld [tilespmem:s24+$0x0];
	v41 =	vmul.u32 v7, v63;
	v42 =	vmul.u32 v8, v52;
	v18 =	vadd.s32 v40, v18  }
0x329: {  	v25 =	vmul.u32 v12, v25;
	v43 =	vmul.u32 v9, v54;
	v18 =	vadd.s32 v20, v18;
	(xrf0) =	vadd.scan.msk.s32 $0xffff, v19  }
0x32a: {  	v63 =	vld [tilespmem:s2+$0x8B80];
	v46 =	vadd.s32 v29, v48;
	v45 =	vmul.u32 v11, v56;
	v18 =	vadd.s32 v21, v18  }
0x32b: {  	v29 =	vld [tilespmem:s2+$0x8C00];
	v21 =	vmul.u32 v14, v24;
	v24 =	vadd.s32 v61, v62;
	v18 =	vsub.s32 v18, v22  }
0x32c: {  	v47 =	vadd.s32 v30, v46;
	v30 =	vld [tilespmem:s2+$0x8C80];
	s25 =	spop (v2sf);
	v44 =	vadd.s32 v53, v18;
	v33 =	vadd.s32 v23, v24  }
0x32d: {  	v40 =	vmul.u32 v11, v49;
	v20 =	vmul.u32 v13, v27;
	s8 =	sadd.s32 s1, s25;
	v18 =	vadd.s32 v31, v44;
	v31 =	vld [tilespmem:s2+$0x8D00]  }
0x32e: {  	v52 =	vld [tilespmem:s2+$0x8D80];
	v27 =	vmul.u32 v1, v62;
	v22 =	vmul.u32 v0, v61;
	v26 =	vadd.s32 s8, v26  }
0x32f: {  	v54 =	vld [tilespmem:s2+$0x9A00];
	v26 =	vadd.s32 v57, v26;
	v24 =	vmul.u32 v2, v23;
	v53 =	vadd.s32 v63, v33;
	v33, _, _ =	vpop (xrf0)  }
0x330: {  	v56 =	vld [tilespmem:s2+$0x9A80];
	v26 =	vadd.s32 v58, v26;
	v55 =	vadd.s32 v29, v53;
	(v2sf) =	vpush v33, $0xF  }
0x331: {  	v57 =	vld [tilespmem:s2+$0x9B00];
	v23 =	vmul.u32 v3, v63;
	v26 =	vadd.s32 v28, v26;
	v36 =	vadd.s32 v30, v55  }
0x332: {  	v50 =	vld [tilespmem:s2+$0x9C00];
	v29 =	vmul.u32 v4, v29;
	v26 =	vadd.s32 v59, v26;
	v28 =	vadd.s32 v31, v36  }
0x333: {  	s10 =	simm.s32 $0x200;
	s22 =	simm.s32 $0x16200;
	v30 =	vmul.u32 v5, v30;
	v58 =	vadd.s32 v60, v26;
	v28 =	vadd.s32 v52, v28  }
0x334: {  	s26 =	simm.s32 $0x40;
	s29 =	simm.s32 $0xC200;
	s30 =	simm.s32 $0xCA00;
	v26 =	vmul.u32 v7, v52;
	v32 =	vadd.s32 v32, v58;
	v36 =	vld [tilespmem:s2+$0x9C80];
	v59 =	vadd.s32 v54, v28  }
0x335: {  	s31 =	simm.s32 $0x10A00;
	s9 =	sand.u32 $0x400, s10;
	s16 =	simm.s32 $0x15A00;
	v38 =	vld [tilespmem:s2+$0x9D00];
	v31 =	vmul.u32 v6, v31;
	v61 =	vadd.s32 v41, v32;
	v60 =	vadd.s32 v56, v59  }
0x336: {  	s23 =	simm.s32 $0x10200;
	s11 =	simm.s32 $0x50;
	s4 =	simm.s32 $0x8210;
	[tilespmem:s24+$0x0] =	vst v44;
	v32 =	vmul.u32 v9, v56;
	v39 =	vadd.s32 v42, v61;
	v42 =	vld [tilespmem:s2+$0x9D80];
	v62 =	vadd.s32 v57, v60  }
0x337: {  	s12 =	rddreg [dreg:$0x5];
	s14 =	simm.s32 $0xBA00;
	v34 =	vld [tilespmem:s4+$0x0];
	[tilespmem:s4+$0x0] =	vst v18;
	v41 =	vmul.u32 v12, v50;
	s2 =	simm.s32 $0x8410;
	v63 =	vadd.s32 v43, v39;
	v37 =	vadd.s32 v49, v62  }
0x338: {  	s6 =	sand.u32 $0x70, s26;
	[tilespmem:s7+$0x0] =	vst v46;
	s7 =	simm.s32 $0x8020;
	s1 =	simm.s32 $0x8600;
	v39 =	vmul.u32 v10, v57;
	v43 =	vadd.s32 v35, v63;
	v35 =	vld [tilespmem:s2+$0x0];
	v37 =	vadd.s32 v50, v37  }
0x339: {  	s9 =	sor.u32 s6, s9;
	s25 =	simm.s32 $0x17200;
	[tilespmem:s1+$0x0] =	vst v47;
	s24 =	simm.s32 $0x16A00;
	v28 =	vmul.u32 v8, v54;
	v43 =	vadd.s32 v45, v43;
	v44 =	vadd.s32 v36, v37;
	v37 =	vld [tilespmem:s7+$0x0]  }
.LBB2_22:
0x33a: {  	p1 =	sne.s32 s11, $0xF0;
	v45 =	vld [tilespmem:s9+$0x8A00];
	v36 =	vmul.u32 v13, v36;
	v44 =	vadd.s32 v38, v44;
	v48 =	vadd.s32 v25, v43;
	v43 =	vmovc v39  }
0x33b: {  	v38 =	vmul.u32 v14, v38;
	v46 =	vmovc v40;
	v39 =	vld [tilespmem:s9+$0x8A80];
	v42 =	vadd.s32 v42, v44;
	v47 =	vadd.s32 v20, v48  }
0x33c: {  	v25 =	vmovc v41;
	v40 =	vld [tilespmem:s9+$0x8B00];
	(xrf0) =	vadd.scan.msk.s32 $0xffff, v42;
	v44 =	vadd.s32 v21, v47;
	v18 =	vadd.s32 v34, v18;
	v20 =	vmov v36  }
0x33d: {  	s1 =	sadd.s32 $0x10, s1;
	v21 =	vmovc v38;
	v34 =	vld [tilespmem:s9+$0x8B80];
	v36 =	vsub.s32 v44, v19;
	[tilespmem:s2+$0x0] =	vst v18;
	v18 =	vadd.s32 v35, v18;
	v19 =	vmov v42  }
0x33e: {  	v35 =	vld [tilespmem:s9+$0x8C00];
	v33 =	vadd.s32 v33, v36;
	[tilespmem:s1+$0x0] =	vst v18  }
0x33f: {  	v36 =	vmul.u32 v0, v45;
	v38 =	vld [tilespmem:s9+$0x8C80];
	[tilespmem:s7+$0x0] =	vst v33;
	v18 =	vadd.s32 v37, v33;
	s6 =	spop (v2sf)  }
0x340: {  	v48 =	vadd.s32 v45, v39;
	v37 =	vmul.u32 v1, v39;
	v39 =	vld [tilespmem:s9+$0x8D00];
	s8 =	sadd.s32 s8, s6  }
0x341: {  	v45 =	vadd.s32 v40, v48;
	v40 =	vmul.u32 v2, v40;
	v41 =	vld [tilespmem:s9+$0x8D80];
	v42 =	vadd.s32 s8, v22;
	v22 =	vmovc v36  }
0x342: {  	v36 =	vadd.s32 v34, v45;
	v34 =	vmul.u32 v3, v34;
	v44 =	vld [tilespmem:s9+$0x9A00];
	v47 =	vadd.s32 v27, v42;
	v33, _, _ =	vpop (xrf0)  }
0x343: {  	v27 =	vmovc v37;
	v36 =	vadd.s32 v35, v36;
	v42 =	vld [tilespmem:s9+$0x9A80];
	v45 =	vadd.s32 v24, v47;
	(v2sf) =	vpush v33, $0xF;
	v24 =	vmovc v40  }
0x344: {  	v35 =	vmul.u32 v4, v35;
	v36 =	vadd.s32 v38, v36;
	v37 =	vld [tilespmem:s9+$0x9B00];
	v40 =	vadd.s32 v23, v45;
	v23 =	vmovc v34  }
0x345: {  	v34 =	vmul.u32 v5, v38;
	v36 =	vadd.s32 v39, v36;
	v45 =	vld [tilespmem:s9+$0x9B80];
	v38 =	vadd.s32 v29, v40  }
0x346: {  	v39 =	vmul.u32 v6, v39;
	v29 =	vmovc v35;
	v36 =	vadd.s32 v41, v36;
	v47 =	vld [tilespmem:s9+$0x9C00];
	v40 =	vadd.s32 v30, v38  }
0x347: {  	v35 =	vmul.u32 v7, v41;
	v30 =	vmovc v34;
	v38 =	vadd.s32 v44, v36;
	v36 =	vld [tilespmem:s9+$0x9C80];
	v40 =	vadd.s32 v31, v40  }
.Ltmp10:
0x348: {  	v41 =	vmul.u32 v8, v44;
	v31 =	vmovc v39;
	v34 =	vadd.s32 v42, v38;
	v38 =	vld [tilespmem:s9+$0x9D00];
	v40 =	vadd.s32 v26, v40;
	(pc) =	sbr.rel @p1 .LBB2_22-.Ltmp10, $4  }
0x349: {  	s4 =	sadd.s32 $0x10, s4;
	v48 =	vmul.u32 v9, v42;
	v26 =	vmovc v35;
	v34 =	vadd.s32 v37, v34;
	v42 =	vld [tilespmem:s9+$0x9D80];
	v49 =	vadd.s32 v28, v40  }
0x34a: {  	s10 =	sadd.s32 $0x80, s10;
	s2 =	sadd.s32 $0x10, s2;
	v39 =	vmul.u32 v10, v37;
	v35 =	vadd.s32 v45, v34;
	v44 =	vadd.s32 v32, v49;
	v34 =	vld [tilespmem:s4+$0x0];
	[tilespmem:s4+$0x0] =	vst v18  }
0x34b: {  	s7 =	sadd.s32 $0x10, s7;
	s6 =	sand.u32 $0x70, s11;
	s9 =	sand.u32 $0x400, s10;
	v28 =	vmovc v41;
	v40 =	vmul.u32 v11, v45;
	v45 =	vadd.s32 v47, v35;
	v37 =	vadd.s32 v43, v44;
	v35 =	vld [tilespmem:s2+$0x0]  }
0x34c: {  	s11 =	sadd.s32 $0x10, s11;
	s9 =	sor.u32 s6, s9;
	v32 =	vmovc v48;
	v41 =	vmul.u32 v12, v47;
	v44 =	vadd.s32 v36, v45;
	v43 =	vadd.s32 v46, v37;
	v37 =	vld [tilespmem:s7+$0x0]  }
0x34d: {  	v44 =	vadd.s32 v38, v44  }
0x34e: {  	v42 =	vadd.s32 v42, v44  }
0x34f: {  	(xrf0) =	vadd.scan.msk.s32 $0xffff, v42;
	_ =	sdelay $0x5  }
0x350: {  	v45 =	vld [tilespmem:s9+$0x8A00];
	v44, _, _ =	vpop (xrf0)  }
0x351: {  	v46 =	vld [tilespmem:s9+$0x8A80];
	(v2sf) =	vpush v44, $0xF  }
0x352: {  	v47 =	vld [tilespmem:s9+$0x8B00]  }
0x353: {  	v48 =	vld [tilespmem:s9+$0x8B80]  }
0x354: {  	v49 =	vld [tilespmem:s9+$0x8C00]  }
0x355: {  	v50 =	vld [tilespmem:s9+$0x8C80]  }
0x356: {  	v52 =	vld [tilespmem:s9+$0x8D00];
	v51 =	vadd.s32 v45, v46  }
0x357: {  	v53 =	vld [tilespmem:s9+$0x8D80];
	v51 =	vadd.s32 v47, v51  }
0x358: {  	v54 =	vld [tilespmem:s9+$0x9A00];
	s6 =	spop (v2sf);
	v51 =	vadd.s32 v48, v51  }
0x359: {  	v55 =	vld [tilespmem:s9+$0x9A80];
	v25 =	vadd.s32 v25, v43;
	s6 =	sadd.s32 s8, s6;
	v51 =	vadd.s32 v49, v51  }
0x35a: {  	v20 =	vadd.s32 v20, v25;
	v22 =	vadd.s32 s6, v22;
	v62 =	vadd.s32 v50, v51;
	v51 =	vld [tilespmem:s9+$0x9B00]  }
0x35b: {  	v20 =	vadd.s32 v21, v20;
	v22 =	vadd.s32 v27, v22;
	v27 =	vld [tilespmem:s9+$0x9B80];
	v63 =	vadd.s32 v52, v62  }
0x35c: {  	v57 =	vld [tilespmem:s9+$0x9C00];
	v19 =	vsub.s32 v20, v19;
	v56 =	vadd.s32 v53, v63  }
0x35d: {  	v60 =	vld [tilespmem:s9+$0x9C80];
	v18 =	vadd.s32 v34, v18;
	v19 =	vadd.s32 v33, v19;
	v59 =	vadd.s32 v54, v56  }
0x35e: {  	v61 =	vld [tilespmem:s9+$0x9D00];
	v33 =	vmul.u32 v1, v46;
	v46 =	vmul.u32 v4, v49;
	v21 =	vadd.s32 v55, v59  }
0x35f: {  	v49 =	vmul.u32 v5, v50;
	v43 =	vadd.s32 v24, v22;
	v63 =	vld [tilespmem:s9+$0x9D80];
	v21 =	vadd.s32 v51, v21  }
0x360: {  	v50 =	vmul.u32 v6, v52;
	v62 =	vmul.u32 v0, v45;
	v21 =	vadd.s32 v27, v21;
	s10 =	spop (v2sf)  }
0x361: {  	v24 =	vmul.u32 v12, v57;
	v58 =	vadd.s32 v23, v43;
	v21 =	vadd.s32 v57, v21;
	s6 =	sadd.s32 s6, s10  }
0x362: {  	v43 =	vmul.u32 v2, v47;
	v21 =	vadd.s32 v60, v21;
	v25 =	vadd.s32 s6, v62  }
0x363: {  	v45 =	vmul.u32 v3, v48;
	v21 =	vadd.s32 v61, v21;
	v25 =	vadd.s32 v33, v25  }
0x364: {  	v20 =	vadd.s32 v29, v58;
	v21 =	vadd.s32 v63, v21;
	v25 =	vadd.s32 v43, v25  }
0x365: {  	v47 =	vmul.u32 v13, v36;
	v20 =	vadd.s32 v30, v20;
	(xrf0) =	vadd.scan.msk.s32 $0xffff, v21;
	v25 =	vadd.s32 v45, v25  }
0x366: {  	v48 =	vmul.u32 v14, v38;
	v20 =	vadd.s32 v31, v20;
	v25 =	vadd.s32 v46, v25  }
0x367: {  	v52 =	vmul.u32 v7, v53;
	v20 =	vadd.s32 v26, v20;
	v25 =	vadd.s32 v49, v25  }
0x368: {  	v53 =	vmul.u32 v8, v54;
	v20 =	vadd.s32 v28, v20;
	v25 =	vadd.s32 v50, v25  }
0x369: {  	v54 =	vmul.u32 v9, v55;
	v20 =	vadd.s32 v32, v20;
	v25 =	vadd.s32 v52, v25  }
0x36a: {  	v55 =	vmul.u32 v10, v51;
	v20 =	vadd.s32 v39, v20;
	v25 =	vadd.s32 v53, v25  }
0x36b: {  	s11 =	sadd.s32 $0x10, s7;
	v27 =	vmul.u32 v11, v27;
	v20 =	vadd.s32 v40, v20;
	v57, _, _ =	vpop (xrf0);
	v25 =	vadd.s32 v54, v25  }
0x36c: {  	v56 =	vld [tilespmem:s11+$0x0];
	v20 =	vadd.s32 v41, v20;
	(v2sf) =	vpush v57, $0xF;
	v25 =	vadd.s32 v55, v25  }
0x36d: {  	s26 =	sadd.s32 $0x10, s11;
	v22 =	vmul.u32 v13, v60;
	v20 =	vadd.s32 v47, v20;
	v25 =	vadd.s32 v27, v25  }
0x36e: {  	[tilespmem:s2+$0x0] =	vst v18;
	v23 =	vmul.u32 v14, v61;
	v58 =	vld [tilespmem:s26+$0x0];
	v20 =	vadd.s32 v48, v20;
	v24 =	vadd.s32 v24, v25  }
0x36f: {  	s4 =	sadd.s32 $0x10, s4;
	[tilespmem:s7+$0x0] =	vst v19;
	v19 =	vadd.s32 v37, v19;
	v20 =	vsub.s32 v20, v42;
	v22 =	vadd.s32 v22, v24  }
0x370: {  	s9 =	sadd.s32 $0x10, s2;
	v59 =	vld [tilespmem:s4+$0x0];
	[tilespmem:s4+$0x0] =	vst v19;
	v20 =	vadd.s32 v44, v20;
	v22 =	vadd.s32 v23, v22  }
0x371: {  	s7 =	sadd.s32 $0x10, s4;
	v61 =	vld [tilespmem:s9+$0x0];
	[tilespmem:s11+$0x0] =	vst v20;
	v20 =	vadd.s32 v56, v20;
	v21 =	vsub.s32 v22, v21  }
0x372: {  	v60 =	vld [tilespmem:s7+$0x0];
	[tilespmem:s7+$0x0] =	vst v20;
	s10 =	sadd.s32 $0x10, s9;
	v21 =	vadd.s32 v57, v21  }
0x373: {  	v62 =	vld [tilespmem:s10+$0x0];
	s6 =	sadd.s32 $0x10, s7;
	[tilespmem:s26+$0x0] =	vst v21;
	v21 =	vadd.s32 v58, v21  }
0x374: {  	s1 =	sadd.s32 $0x10, s1;
	v18 =	vadd.s32 v35, v18;
	s11 =	sadd.s32 $0x10, s10;
	v63 =	vld [tilespmem:s6+$0x0];
	[tilespmem:s6+$0x0] =	vst v21  }
0x375: {  	[tilespmem:s1+$0x0] =	vst v18;
	v18 =	vadd.s32 v59, v19;
	v19 =	vld [tilespmem:s11+$0x0]  }
0x376: {  	s1 =	sadd.s32 $0x10, s1;
	[tilespmem:s9+$0x0] =	vst v18;
	v18 =	vadd.s32 v61, v18  }
0x377: {  	[tilespmem:s1+$0x0] =	vst v18;
	v18 =	vadd.s32 v60, v20  }
0x378: {  	s1 =	sadd.s32 $0x10, s1;
	[tilespmem:s10+$0x0] =	vst v18;
	v18 =	vadd.s32 v62, v18  }
0x379: {  	s8 =	simm.s32 $0xD200;
	[tilespmem:s1+$0x0] =	vst v18;
	v18 =	vadd.s32 v63, v21  }
0x37a: {  	s9 =	simm.s32 $0xDA00;
	s10 =	simm.s32 $0xE200;
	s1 =	sadd.s32 $0x10, s1;
	[tilespmem:s11+$0x0] =	vst v18;
	v18 =	vadd.s32 v19, v18  }
0x37b: {  	s26 =	spop (v2sf);
	s11 =	simm.s32 $0xEA00;
	[tilespmem:s1+$0x0] =	vst v18;
	s1 =	simm.s32 $0x0  }
.LBB2_24:
0x37c: {  	s2 =	sshra.s32 s1, $0x2  }
0x37d: {  	v18 =	vld [tilespmem:s2+$0x0];
	_ =	sdelay $0x6  }
0x37e: {  	v20 =	vld [tilespmem:s2+$0x4000]  }
0x37f: {  	v19 =	vld.idx.msk [tilespmem:v18+s18+$0x0], $0xffff;
	_ =	sdelay $0x2  }
0x380: {  	s4 =	sshrl.u32 s1, $0x2  }
0x381: {  	s6 =	sand.u32 $0x70, s3;
	s4 =	sand.u32 $0x780, s4  }
0x382: {  	s4 =	sor.u32 s6, s4;
	v19 =	vadd.s32 v19, v20  }
0x383: {  	[tilespmem:s4+$0x6000] =	vst v19  }
0x384: {  	[tilespmem:v18+s18+$0x0] =	vst.idx.add.s32.msk $0xffff, v17  }
0x385: {  	v18 =	vld [tilespmem:s2+$0x800];
	_ =	sdelay $0x6  }
0x386: {  	v61 =	vld [tilespmem:s2+$0x4800]  }
0x387: {  	v19 =	vld.idx.msk [tilespmem:v18+s19+$0x0], $0xffff;
	_ =	sdelay $0x4  }
0x388: {  	v19 =	vadd.s32 v19, v61  }
0x389: {  	[tilespmem:s4+$0x6800] =	vst v19  }
0x38a: {  	[tilespmem:v18+s19+$0x0] =	vst.idx.add.s32.msk $0xffff, v17  }
0x38b: {  	v18 =	vld [tilespmem:s2+$0x1000];
	_ =	sdelay $0x6  }
0x38c: {  	v62 =	vld [tilespmem:s2+$0x5000]  }
0x38d: {  	v19 =	vld.idx.msk [tilespmem:v18+s20+$0x0], $0xffff;
	_ =	sdelay $0x4  }
0x38e: {  	v19 =	vadd.s32 v19, v62  }
0x38f: {  	[tilespmem:s4+$0x7000] =	vst v19  }
0x390: {  	[tilespmem:v18+s20+$0x0] =	vst.idx.add.s32.msk $0xffff, v17  }
0x391: {  	v18 =	vld [tilespmem:s2+$0x1800];
	_ =	sdelay $0x6  }
0x392: {  	v63 =	vld [tilespmem:s2+$0x5800]  }
0x393: {  	v19 =	vld.idx.msk [tilespmem:v18+s21+$0x0], $0xffff;
	_ =	sdelay $0x1  }
0x394: {  	p1 =	sne.s32 s1, $0x1FC0  }
.Ltmp11:
0x395: {  	_ = 	snop;
	(pc) =	sbr.rel @p1 .LBB2_24-.Ltmp11, $4  }
0x396: {  	_ = 	snop  }
0x397: {  	v19 =	vadd.s32 v19, v63  }
0x398: {  	[tilespmem:s4+$0x7800] =	vst v19  }
0x399: {  	s3 =	sadd.s32 $0x10, s3;
	s1 =	sadd.s32 $0x40, s1;
	[tilespmem:v18+s21+$0x0] =	vst.idx.add.s32.msk $0xffff, v17  }
0x39a: {  	s1 =	simm.s32 $0x0;
	s7 =	simm.s32 $0x3  }
.LBB2_26:
0x39b: {  	p1 =	sne.s32 s1, $0x7E00  }
.Ltmp12:
0x39c: {  	_ = 	snop;
	(pc) =	sbr.rel @p1 .LBB2_26-.Ltmp12, $4  }
0x39d: {  	_ = 	snop  }
0x39e: {  	s2 =	sshra.s32 s1, $0x2  }
0x39f: {  	s1 =	sadd.s32 $0x200, s1;
	s3 =	sadd.s32 $0x2000, s2;
	s2 =	sadd.s32 $0x6000, s2  }
0x3a0: {  	[spmem:s12] =	stream.indirect.scatter [tilespmem:s3], [sflag:$0x1], $0x1, s2, s15, $0xb8;
	[tilespmem:$0x1FC00] =	vst v63  }
0x3a1: {  	_ =	swait.ge [sflag:s13], $0x80  }
0x3a2: {  	s1 =	simm.s32 $0x3F;
	s12 =	simm.s32 $0x12A00;
	s3 =	simm.s32 $0x14200  }
0x3a3: {  	s4 =	simm.s32 $0x14A00;
	s6 =	simm.s32 $0xF200;
	[sflag:s13] =	ssyncset.done $0x0  }
.LBB2_28:
0x3a4: {  	p1 =	sne.s32 s1, $0x1;
	s1 =	sadd.s32 $0xFFFFFFFF, s1;
	[sflag:s13] =	ssyncadd.s32 $0xFFFFFF80  }
.Ltmp13:
0x3a5: {  	(pc) =	sbr.rel @p1 .LBB2_28-.Ltmp13, $3  }
0x3a6: {  	_ =	sdelay $0x1  }
0x3a7: {  	_ =	swait.ge [sflag:s13], $0x80  }
0x3a8: {  	[sflag:s13] =	ssyncset.done $0x0  }
0x3a9: {  	[sflag:s13] =	ssyncadd.s32 $0xFFFFFF80  }
0x3aa: {  	[bflag:$0x0] =	sbarrier.arrive $0xFFFF  }
0x3ab: {  	s2 =	simm.s32 $0xAA00;
	s1 =	rddreg [dreg:$0xb]  }
0x3ac: {  	[tilespmem:s2], [sflag:$0xA] =	stream.linear.gather [spmem:s1], $0x1000, $0x38;
	[tilespmem:$0x1FC00] =	vst v63  }
0x3ad: {  	_ =	swait.ge [sflag:s28], $0x1000  }
0x3ae: {  	[sflag:s28] =	ssyncset.done $0x0  }
0x3af: {  	[sflag:s28] =	ssyncadd.s32 $0xFFFFF000  }
0x3b0: {  	v18 =	vld [tilespmem:$0xAA00];
	_ =	sdelay $0x4  }
0x3b1: {  	v19 =	vshll.u32 v18, $0x1  }
0x3b2: {  	v18 =	vand.u32 $0x7, v18;
	v19 =	vand.u32 $0xFFFFFFF0, v19  }
0x3b3: {  	v21 =	vor.u32 v18, v19;
	v18 =	vand.u32 $0x7, v16;
	v19 =	vshrl.u32 v16, $0x3  }
0x3b4: {  	v22 =	vperm.xlane v21, v18;
	v19 =	vmul.u32 $0x8, v19  }
0x3b5: {  	v20 =	vor.u32 $0x8, v16  }
0x3b6: {  	v21 =	vperm.xlane v21, v20;
	v22 =	vadd.s32 v19, v22;
	_ =	sdelay $0x1  }
0x3b7: {  	v21 =	vadd.s32 v19, v21;
	_ =	sdelay $0x1  }
0x3b8: {  	s2 =	simm.s32 $0x0  }
0x3b9: {  	[tilespmem:s14], [sflag:$0x2] =	stream.indirect_vreg.gather [hbm4b:s0+s2], $0x80, v22, vm0, $0xb8;
	[tilespmem:$0x1FC00] =	vst v63  }
0x3ba: {  	_ = 	snop  }
0x3bb: {  	[tilespmem:s29], [sflag:$0x2] =	stream.indirect_vreg.gather [hbm4b:s0+s2], $0x80, v21, vm0, $0xb8;
	[tilespmem:$0x1FC00] =	vst v63  }
0x3bc: {  	v21 =	vld [tilespmem:$0xAA10];
	_ =	sdelay $0x4  }
0x3bd: {  	v22 =	vshll.u32 v21, $0x1  }
0x3be: {  	v21 =	vand.u32 $0x7, v21;
	v22 =	vand.u32 $0xFFFFFFF0, v22  }
0x3bf: {  	v21 =	vor.u32 v21, v22  }
0x3c0: {  	v22 =	vperm.xlane v21, v18;
	_ =	sdelay $0x1  }
0x3c1: {  	v21 =	vperm.xlane v21, v20;
	v22 =	vadd.s32 v19, v22;
	_ =	sdelay $0x1  }
0x3c2: {  	v21 =	vadd.s32 v19, v21;
	_ =	sdelay $0x2  }
0x3c3: {  	[tilespmem:s30], [sflag:$0x2] =	stream.indirect_vreg.gather [hbm4b:s0+s2], $0x80, v22, vm0, $0xb8;
	[tilespmem:$0x1FC00] =	vst v63  }
0x3c4: {  	_ = 	snop  }
0x3c5: {  	[tilespmem:s8], [sflag:$0x2] =	stream.indirect_vreg.gather [hbm4b:s0+s2], $0x80, v21, vm0, $0xb8;
	[tilespmem:$0x1FC00] =	vst v63  }
0x3c6: {  	v21 =	vld [tilespmem:$0xAA20];
	_ =	sdelay $0x4  }
0x3c7: {  	v22 =	vshll.u32 v21, $0x1  }
0x3c8: {  	v21 =	vand.u32 $0x7, v21;
	v22 =	vand.u32 $0xFFFFFFF0, v22  }
0x3c9: {  	v21 =	vor.u32 v21, v22  }
0x3ca: {  	v22 =	vperm.xlane v21, v18;
	_ =	sdelay $0x1  }
0x3cb: {  	v21 =	vperm.xlane v21, v20;
	v22 =	vadd.s32 v19, v22;
	_ =	sdelay $0x1  }
0x3cc: {  	v21 =	vadd.s32 v19, v21;
	_ =	sdelay $0x2  }
0x3cd: {  	[tilespmem:s9], [sflag:$0x2] =	stream.indirect_vreg.gather [hbm4b:s0+s2], $0x80, v22, vm0, $0xb8;
	[tilespmem:$0x1FC00] =	vst v63  }
0x3ce: {  	_ = 	snop  }
0x3cf: {  	[tilespmem:s10], [sflag:$0x2] =	stream.indirect_vreg.gather [hbm4b:s0+s2], $0x80, v21, vm0, $0xb8;
	[tilespmem:$0x1FC00] =	vst v63  }
0x3d0: {  	v21 =	vld [tilespmem:$0xAA30];
	_ =	sdelay $0x4  }
0x3d1: {  	v22 =	vshll.u32 v21, $0x1  }
0x3d2: {  	v21 =	vand.u32 $0x7, v21;
	v22 =	vand.u32 $0xFFFFFFF0, v22  }
0x3d3: {  	v21 =	vor.u32 v21, v22  }
0x3d4: {  	v22 =	vperm.xlane v21, v18;
	_ =	sdelay $0x1  }
0x3d5: {  	v21 =	vperm.xlane v21, v20;
	v22 =	vadd.s32 v19, v22;
	_ =	sdelay $0x1  }
0x3d6: {  	v21 =	vadd.s32 v19, v21;
	_ =	sdelay $0x2  }
0x3d7: {  	[tilespmem:s11], [sflag:$0x2] =	stream.indirect_vreg.gather [hbm4b:s0+s2], $0x80, v22, vm0, $0xb8;
	[tilespmem:$0x1FC00] =	vst v63  }
0x3d8: {  	_ = 	snop  }
0x3d9: {  	[tilespmem:s6], [sflag:$0x2] =	stream.indirect_vreg.gather [hbm4b:s0+s2], $0x80, v21, vm0, $0xb8;
	[tilespmem:$0x1FC00] =	vst v63  }
0x3da: {  	v21 =	vld [tilespmem:$0xAA40];
	_ =	sdelay $0x4  }
0x3db: {  	v22 =	vshll.u32 v21, $0x1  }
0x3dc: {  	v21 =	vand.u32 $0x7, v21;
	v22 =	vand.u32 $0xFFFFFFF0, v22  }
0x3dd: {  	v21 =	vor.u32 v21, v22  }
0x3de: {  	v22 =	vperm.xlane v21, v18;
	_ =	sdelay $0x1  }
0x3df: {  	v21 =	vperm.xlane v21, v20;
	v22 =	vadd.s32 v19, v22;
	_ =	sdelay $0x1  }
0x3e0: {  	v21 =	vadd.s32 v19, v21;
	_ =	sdelay $0x1  }
0x3e1: {  	s15 =	simm.s32 $0xFA00  }
0x3e2: {  	[tilespmem:s15], [sflag:$0x3] =	stream.indirect_vreg.gather [hbm4b:s0+s2], $0x80, v22, vm0, $0xb8;
	[tilespmem:$0x1FC00] =	vst v63  }
0x3e3: {  	_ = 	snop  }
0x3e4: {  	[tilespmem:s23], [sflag:$0x3] =	stream.indirect_vreg.gather [hbm4b:s0+s2], $0x80, v21, vm0, $0xb8;
	[tilespmem:$0x1FC00] =	vst v63  }
0x3e5: {  	v21 =	vld [tilespmem:$0xAA50];
	_ =	sdelay $0x4  }
0x3e6: {  	v22 =	vshll.u32 v21, $0x1  }
0x3e7: {  	v21 =	vand.u32 $0x7, v21;
	v22 =	vand.u32 $0xFFFFFFF0, v22  }
0x3e8: {  	v21 =	vor.u32 v21, v22  }
0x3e9: {  	v22 =	vperm.xlane v21, v18;
	_ =	sdelay $0x1  }
0x3ea: {  	v21 =	vperm.xlane v21, v20;
	v22 =	vadd.s32 v19, v22;
	_ =	sdelay $0x1  }
0x3eb: {  	v21 =	vadd.s32 v19, v21;
	_ =	sdelay $0x2  }
0x3ec: {  	[tilespmem:s31], [sflag:$0x3] =	stream.indirect_vreg.gather [hbm4b:s0+s2], $0x80, v22, vm0, $0xb8;
	[tilespmem:$0x1FC00] =	vst v63  }
0x3ed: {  	s26 =	simm.s32 $0x11200  }
0x3ee: {  	[tilespmem:s26], [sflag:$0x3] =	stream.indirect_vreg.gather [hbm4b:s0+s2], $0x80, v21, vm0, $0xb8;
	[tilespmem:$0x1FC00] =	vst v63  }
0x3ef: {  	v21 =	vld [tilespmem:$0xAA60];
	_ =	sdelay $0x4  }
0x3f0: {  	v22 =	vshll.u32 v21, $0x1  }
0x3f1: {  	v21 =	vand.u32 $0x7, v21;
	v22 =	vand.u32 $0xFFFFFFF0, v22  }
0x3f2: {  	v21 =	vor.u32 v21, v22  }
0x3f3: {  	v22 =	vperm.xlane v21, v18;
	_ =	sdelay $0x1  }
0x3f4: {  	v21 =	vperm.xlane v21, v20;
	v22 =	vadd.s32 v19, v22;
	_ =	sdelay $0x1  }
0x3f5: {  	v21 =	vadd.s32 v19, v21;
	_ =	sdelay $0x1  }
0x3f6: {  	s6 =	simm.s32 $0x11A00  }
0x3f7: {  	[tilespmem:s6], [sflag:$0x3] =	stream.indirect_vreg.gather [hbm4b:s0+s2], $0x80, v22, vm0, $0xb8;
	[tilespmem:$0x1FC00] =	vst v63  }
0x3f8: {  	s8 =	simm.s32 $0x12200  }
0x3f9: {  	[tilespmem:s8], [sflag:$0x3] =	stream.indirect_vreg.gather [hbm4b:s0+s2], $0x80, v21, vm0, $0xb8;
	[tilespmem:$0x1FC00] =	vst v63  }
0x3fa: {  	v21 =	vld [tilespmem:$0xAA70];
	_ =	sdelay $0x4  }
0x3fb: {  	v22 =	vshll.u32 v21, $0x1  }
0x3fc: {  	v21 =	vand.u32 $0x7, v21;
	v22 =	vand.u32 $0xFFFFFFF0, v22  }
0x3fd: {  	v21 =	vor.u32 v21, v22  }
0x3fe: {  	v22 =	vperm.xlane v21, v18;
	_ =	sdelay $0x1  }
0x3ff: {  	v21 =	vperm.xlane v21, v20;
	v22 =	vadd.s32 v19, v22;
	_ =	sdelay $0x1  }
0x400: {  	v21 =	vadd.s32 v19, v21;
	_ =	sdelay $0x2  }
0x401: {  	[tilespmem:s12], [sflag:$0x3] =	stream.indirect_vreg.gather [hbm4b:s0+s2], $0x80, v22, vm0, $0xb8;
	[tilespmem:$0x1FC00] =	vst v63  }
0x402: {  	s9 =	simm.s32 $0x13200;
	s15 =	simm.s32 $0x2  }
0x403: {  	[tilespmem:s9], [sflag:$0x3] =	stream.indirect_vreg.gather [hbm4b:s0+s2], $0x80, v21, vm0, $0xb8;
	[tilespmem:$0x1FC00] =	vst v63  }
0x404: {  	_ =	swait.ge [sflag:s15], $0x4000  }
0x405: {  	[sflag:s15] =	ssyncset.done $0x0  }
0x406: {  	s10 =	rddreg [dreg:$0x9];
	[sflag:s15] =	ssyncadd.s32 $0xFFFFC000  }
0x407: {  	[hbm4b:s10+s2] =	stream.linear.scatter [tilespmem:s14], [sflag:$0x6], $0x4000, $0x38;
	[tilespmem:$0x1FC00] =	vst v63  }
0x408: {  	v21 =	vld [tilespmem:$0xAA80];
	_ =	sdelay $0x4  }
0x409: {  	v22 =	vshll.u32 v21, $0x1  }
0x40a: {  	v21 =	vand.u32 $0x7, v21;
	v22 =	vand.u32 $0xFFFFFFF0, v22  }
0x40b: {  	v21 =	vor.u32 v21, v22  }
0x40c: {  	v22 =	vperm.xlane v21, v18;
	_ =	sdelay $0x1  }
0x40d: {  	v21 =	vperm.xlane v21, v20;
	v22 =	vadd.s32 v19, v22;
	_ =	sdelay $0x1  }
0x40e: {  	v21 =	vadd.s32 v19, v21;
	_ =	sdelay $0x1  }
0x40f: {  	s26 =	simm.s32 $0x13A00  }
0x410: {  	[tilespmem:s26], [sflag:$0x4] =	stream.indirect_vreg.gather [hbm4b:s0+s2], $0x80, v22, vm0, $0xb8;
	[tilespmem:$0x1FC00] =	vst v63  }
0x411: {  	_ = 	snop  }
0x412: {  	[tilespmem:s3], [sflag:$0x4] =	stream.indirect_vreg.gather [hbm4b:s0+s2], $0x80, v21, vm0, $0xb8;
	[tilespmem:$0x1FC00] =	vst v63  }
0x413: {  	v21 =	vld [tilespmem:$0xAA90];
	_ =	sdelay $0x4  }
0x414: {  	v22 =	vshll.u32 v21, $0x1  }
0x415: {  	v21 =	vand.u32 $0x7, v21;
	v22 =	vand.u32 $0xFFFFFFF0, v22  }
0x416: {  	v21 =	vor.u32 v21, v22  }
0x417: {  	v22 =	vperm.xlane v21, v18;
	_ =	sdelay $0x1  }
0x418: {  	v21 =	vperm.xlane v21, v20;
	v22 =	vadd.s32 v19, v22;
	_ =	sdelay $0x1  }
0x419: {  	v21 =	vadd.s32 v19, v21;
	_ =	sdelay $0x2  }
0x41a: {  	[tilespmem:s4], [sflag:$0x4] =	stream.indirect_vreg.gather [hbm4b:s0+s2], $0x80, v22, vm0, $0xb8;
	[tilespmem:$0x1FC00] =	vst v63  }
0x41b: {  	_ = 	snop  }
0x41c: {  	[tilespmem:s17], [sflag:$0x4] =	stream.indirect_vreg.gather [hbm4b:s0+s2], $0x80, v21, vm0, $0xb8;
	[tilespmem:$0x1FC00] =	vst v63  }
0x41d: {  	v21 =	vld [tilespmem:$0xAAA0];
	_ =	sdelay $0x4  }
0x41e: {  	v22 =	vshll.u32 v21, $0x1  }
0x41f: {  	v21 =	vand.u32 $0x7, v21;
	v22 =	vand.u32 $0xFFFFFFF0, v22  }
0x420: {  	v21 =	vor.u32 v21, v22  }
0x421: {  	v22 =	vperm.xlane v21, v18;
	_ =	sdelay $0x1  }
0x422: {  	v21 =	vperm.xlane v21, v20;
	v22 =	vadd.s32 v19, v22;
	_ =	sdelay $0x1  }
0x423: {  	v21 =	vadd.s32 v19, v21;
	_ =	sdelay $0x2  }
0x424: {  	[tilespmem:s16], [sflag:$0x4] =	stream.indirect_vreg.gather [hbm4b:s0+s2], $0x80, v22, vm0, $0xb8;
	[tilespmem:$0x1FC00] =	vst v63  }
0x425: {  	_ = 	snop  }
0x426: {  	[tilespmem:s22], [sflag:$0x4] =	stream.indirect_vreg.gather [hbm4b:s0+s2], $0x80, v21, vm0, $0xb8;
	[tilespmem:$0x1FC00] =	vst v63  }
0x427: {  	v21 =	vld [tilespmem:$0xAAB0];
	_ =	sdelay $0x4  }
0x428: {  	v22 =	vshll.u32 v21, $0x1  }
0x429: {  	v21 =	vand.u32 $0x7, v21;
	v22 =	vand.u32 $0xFFFFFFF0, v22  }
0x42a: {  	v21 =	vor.u32 v21, v22  }
0x42b: {  	v22 =	vperm.xlane v21, v18;
	_ =	sdelay $0x1  }
0x42c: {  	v21 =	vperm.xlane v21, v20;
	v22 =	vadd.s32 v19, v22;
	_ =	sdelay $0x1  }
0x42d: {  	v21 =	vadd.s32 v19, v21;
	_ =	sdelay $0x2  }
0x42e: {  	[tilespmem:s24], [sflag:$0x4] =	stream.indirect_vreg.gather [hbm4b:s0+s2], $0x80, v22, vm0, $0xb8;
	[tilespmem:$0x1FC00] =	vst v63  }
0x42f: {  	_ = 	snop  }
0x430: {  	[tilespmem:s25], [sflag:$0x4] =	stream.indirect_vreg.gather [hbm4b:s0+s2], $0x80, v21, vm0, $0xb8;
	[tilespmem:$0x1FC00] =	vst v63  }
0x431: {  	_ =	swait.ge [sflag:s7], $0x4000  }
0x432: {  	[sflag:s7] =	ssyncset.done $0x0  }
0x433: {  	s11 =	simm.s32 $0xFA00;
	s12 =	rddreg [dreg:$0xf];
	[sflag:s7] =	ssyncadd.s32 $0xFFFFC000  }
0x434: {  	[hbm4b:s12+s2] =	stream.linear.scatter [tilespmem:s11], [sflag:$0x7], $0x4000, $0x38;
	[tilespmem:$0x1FC00] =	vst v63  }
0x435: {  	v21 =	vld [tilespmem:$0xAAC0];
	_ =	sdelay $0x4  }
0x436: {  	v22 =	vshll.u32 v21, $0x1  }
0x437: {  	v21 =	vand.u32 $0x7, v21;
	v22 =	vand.u32 $0xFFFFFFF0, v22  }
0x438: {  	v21 =	vor.u32 v21, v22  }
0x439: {  	v22 =	vperm.xlane v21, v18;
	_ =	sdelay $0x1  }
0x43a: {  	v21 =	vperm.xlane v21, v20;
	v22 =	vadd.s32 v19, v22;
	_ =	sdelay $0x1  }
0x43b: {  	v21 =	vadd.s32 v19, v21;
	_ =	sdelay $0x1  }
0x43c: {  	s9 =	simm.s32 $0x17A00  }
0x43d: {  	[tilespmem:s9], [sflag:$0x5] =	stream.indirect_vreg.gather [hbm4b:s0+s2], $0x80, v22, vm0, $0xb8;
	[tilespmem:$0x1FC00] =	vst v63  }
0x43e: {  	s14 =	simm.s32 $0x18200  }
0x43f: {  	[tilespmem:s14], [sflag:$0x5] =	stream.indirect_vreg.gather [hbm4b:s0+s2], $0x80, v21, vm0, $0xb8;
	[tilespmem:$0x1FC00] =	vst v63  }
0x440: {  	v21 =	vld [tilespmem:$0xAAD0];
	_ =	sdelay $0x4  }
0x441: {  	v22 =	vshll.u32 v21, $0x1  }
0x442: {  	v21 =	vand.u32 $0x7, v21;
	v22 =	vand.u32 $0xFFFFFFF0, v22  }
0x443: {  	v21 =	vor.u32 v21, v22  }
0x444: {  	v22 =	vperm.xlane v21, v18;
	_ =	sdelay $0x1  }
0x445: {  	v21 =	vperm.xlane v21, v20;
	v22 =	vadd.s32 v19, v22;
	_ =	sdelay $0x1  }
0x446: {  	v21 =	vadd.s32 v19, v21;
	_ =	sdelay $0x1  }
0x447: {  	s16 =	simm.s32 $0x18A00  }
0x448: {  	[tilespmem:s16], [sflag:$0x5] =	stream.indirect_vreg.gather [hbm4b:s0+s2], $0x80, v22, vm0, $0xb8;
	[tilespmem:$0x1FC00] =	vst v63  }
0x449: {  	s17 =	simm.s32 $0x19200  }
0x44a: {  	[tilespmem:s17], [sflag:$0x5] =	stream.indirect_vreg.gather [hbm4b:s0+s2], $0x80, v21, vm0, $0xb8;
	[tilespmem:$0x1FC00] =	vst v63  }
0x44b: {  	v21 =	vld [tilespmem:$0xAAE0];
	_ =	sdelay $0x4  }
0x44c: {  	v22 =	vshll.u32 v21, $0x1  }
0x44d: {  	v21 =	vand.u32 $0x7, v21;
	v22 =	vand.u32 $0xFFFFFFF0, v22  }
0x44e: {  	v21 =	vor.u32 v21, v22  }
0x44f: {  	v22 =	vperm.xlane v21, v18;
	_ =	sdelay $0x1  }
0x450: {  	v21 =	vperm.xlane v21, v20;
	v22 =	vadd.s32 v19, v22;
	_ =	sdelay $0x1  }
0x451: {  	v21 =	vadd.s32 v19, v21;
	_ =	sdelay $0x1  }
0x452: {  	s22 =	simm.s32 $0x19A00  }
0x453: {  	[tilespmem:s22], [sflag:$0x5] =	stream.indirect_vreg.gather [hbm4b:s0+s2], $0x80, v22, vm0, $0xb8;
	[tilespmem:$0x1FC00] =	vst v63  }
0x454: {  	s23 =	simm.s32 $0x1A200  }
0x455: {  	[tilespmem:s23], [sflag:$0x5] =	stream.indirect_vreg.gather [hbm4b:s0+s2], $0x80, v21, vm0, $0xb8;
	[tilespmem:$0x1FC00] =	vst v63  }
0x456: {  	v21 =	vld [tilespmem:$0xAAF0];
	_ =	sdelay $0x4  }
0x457: {  	v22 =	vshll.u32 v21, $0x1  }
0x458: {  	v21 =	vand.u32 $0x7, v21;
	v22 =	vand.u32 $0xFFFFFFF0, v22  }
0x459: {  	v21 =	vor.u32 v21, v22  }
0x45a: {  	v22 =	vperm.xlane v21, v18;
	_ =	sdelay $0x1  }
0x45b: {  	s1 =	simm.s32 $0xABF0;
	v21 =	vperm.xlane v21, v20;
	v22 =	vadd.s32 v19, v22  }
0x45c: {  	s28 =	simm.s32 $0x10200;
	s29 =	simm.s32 $0x5;
	s30 =	simm.s32 $0x7  }
0x45d: {  	s31 =	simm.s32 $0x8;
	s6 =	simm.s32 $0x9;
	s8 =	simm.s32 $0x3;
	v21 =	vadd.s32 v19, v21  }
0x45e: {  	s10 =	simm.s32 $0x4;
	s24 =	simm.s32 $0x1AA00;
	s25 =	simm.s32 $0x1B200  }
0x45f: {  	s7 =	simm.s32 $0xEA00;
	s11 =	simm.s32 $0x6;
	s12 =	simm.s32 $0xBA00  }
0x460: {  	[tilespmem:s24], [sflag:$0x5] =	stream.indirect_vreg.gather [hbm4b:s0+s2], $0x80, v22, vm0, $0xb8;
	[tilespmem:$0x1FC00] =	vst v63  }
0x461: {  	s14 =	simm.s32 $0xC200;
	s16 =	simm.s32 $0xF200;
	s17 =	simm.s32 $0x10A00  }
0x462: {  	[tilespmem:s25], [sflag:$0x5] =	stream.indirect_vreg.gather [hbm4b:s0+s2], $0x80, v21, vm0, $0xb8;
	[tilespmem:$0x1FC00] =	vst v63  }
0x463: {  	s23 =	simm.s32 $0xCA00;
	s24 =	simm.s32 $0x12A00;
	s25 =	simm.s32 $0xE200  }
.LBB2_30:
0x464: {  	_ =	swait.ge [sflag:s10], $0x4000  }
0x465: {  	s3 =	rddreg [dreg:$0x7]  }
0x466: {  	[sflag:s10] =	ssyncset.done $0x0;
	s3 =	sadd.s32 s2, s3  }
0x467: {  	[sflag:s10] =	ssyncadd.s32 $0xFFFFC000;
	s4 =	sadd.s32 $0x1000, s3  }
0x468: {  	[hbm4b:s4+s5] =	stream.linear.scatter [tilespmem:s26], [sflag:$0x8], $0x4000, $0x38;
	[tilespmem:$0x1FC00] =	vst v63  }
0x469: {  	_ =	swait.ge [sflag:s11], $0x4000  }
0x46a: {  	[sflag:s11] =	ssyncset.done $0x0  }
0x46b: {  	[sflag:s11] =	ssyncadd.s32 $0xFFFFC000  }
0x46c: {  	v21 =	vld [tilespmem:s1+$0xFFFFFF10];
	_ =	sdelay $0x4  }
0x46d: {  	v22 =	vshll.u32 v21, $0x1  }
0x46e: {  	v21 =	vand.u32 $0x7, v21;
	v22 =	vand.u32 $0xFFFFFFF0, v22  }
0x46f: {  	v21 =	vor.u32 v21, v22  }
0x470: {  	v22 =	vperm.xlane v21, v18;
	_ =	sdelay $0x1  }
0x471: {  	v21 =	vperm.xlane v21, v20;
	v22 =	vadd.s32 v19, v22;
	_ =	sdelay $0x1  }
0x472: {  	v21 =	vadd.s32 v19, v21;
	_ =	sdelay $0x2  }
0x473: {  	[tilespmem:s12], [sflag:$0x2] =	stream.indirect_vreg.gather [hbm4b:s0+s5], $0x80, v22, vm0, $0xb8;
	[tilespmem:$0x1FC00] =	vst v63  }
0x474: {  	_ = 	snop  }
0x475: {  	[tilespmem:s14], [sflag:$0x2] =	stream.indirect_vreg.gather [hbm4b:s0+s5], $0x80, v21, vm0, $0xb8;
	[tilespmem:$0x1FC00] =	vst v63  }
0x476: {  	v21 =	vld [tilespmem:s1+$0xFFFFFF20];
	_ =	sdelay $0x4  }
0x477: {  	v22 =	vshll.u32 v21, $0x1  }
0x478: {  	v21 =	vand.u32 $0x7, v21;
	v22 =	vand.u32 $0xFFFFFFF0, v22  }
0x479: {  	v21 =	vor.u32 v21, v22  }
0x47a: {  	v22 =	vperm.xlane v21, v18;
	_ =	sdelay $0x1  }
0x47b: {  	v21 =	vperm.xlane v21, v20;
	v22 =	vadd.s32 v19, v22;
	_ =	sdelay $0x1  }
0x47c: {  	v21 =	vadd.s32 v19, v21;
	_ =	sdelay $0x2  }
0x47d: {  	[tilespmem:s23], [sflag:$0x2] =	stream.indirect_vreg.gather [hbm4b:s0+s5], $0x80, v22, vm0, $0xb8;
	[tilespmem:$0x1FC00] =	vst v63  }
0x47e: {  	s4 =	simm.s32 $0xD200  }
0x47f: {  	[tilespmem:s4], [sflag:$0x2] =	stream.indirect_vreg.gather [hbm4b:s0+s5], $0x80, v21, vm0, $0xb8;
	[tilespmem:$0x1FC00] =	vst v63  }
0x480: {  	v21 =	vld [tilespmem:s1+$0xFFFFFF30];
	_ =	sdelay $0x4  }
0x481: {  	v22 =	vshll.u32 v21, $0x1  }
0x482: {  	v21 =	vand.u32 $0x7, v21;
	v22 =	vand.u32 $0xFFFFFFF0, v22  }
0x483: {  	v21 =	vor.u32 v21, v22  }
0x484: {  	v22 =	vperm.xlane v21, v18;
	_ =	sdelay $0x1  }
0x485: {  	v21 =	vperm.xlane v21, v20;
	v22 =	vadd.s32 v19, v22;
	_ =	sdelay $0x1  }
0x486: {  	v21 =	vadd.s32 v19, v21;
	_ =	sdelay $0x1  }
0x487: {  	s4 =	simm.s32 $0xDA00  }
0x488: {  	[tilespmem:s4], [sflag:$0x2] =	stream.indirect_vreg.gather [hbm4b:s0+s5], $0x80, v22, vm0, $0xb8;
	[tilespmem:$0x1FC00] =	vst v63  }
0x489: {  	_ = 	snop  }
0x48a: {  	[tilespmem:s25], [sflag:$0x2] =	stream.indirect_vreg.gather [hbm4b:s0+s5], $0x80, v21, vm0, $0xb8;
	[tilespmem:$0x1FC00] =	vst v63  }
0x48b: {  	v21 =	vld [tilespmem:s1+$0xFFFFFF40];
	_ =	sdelay $0x4  }
0x48c: {  	v22 =	vshll.u32 v21, $0x1  }
0x48d: {  	v21 =	vand.u32 $0x7, v21;
	v22 =	vand.u32 $0xFFFFFFF0, v22  }
0x48e: {  	v21 =	vor.u32 v21, v22  }
0x48f: {  	v22 =	vperm.xlane v21, v18;
	_ =	sdelay $0x1  }
0x490: {  	v21 =	vperm.xlane v21, v20;
	v22 =	vadd.s32 v19, v22;
	_ =	sdelay $0x1  }
0x491: {  	v21 =	vadd.s32 v19, v21;
	_ =	sdelay $0x2  }
0x492: {  	[tilespmem:s7], [sflag:$0x2] =	stream.indirect_vreg.gather [hbm4b:s0+s5], $0x80, v22, vm0, $0xb8;
	[tilespmem:$0x1FC00] =	vst v63  }
0x493: {  	_ = 	snop  }
0x494: {  	[tilespmem:s16], [sflag:$0x2] =	stream.indirect_vreg.gather [hbm4b:s0+s5], $0x80, v21, vm0, $0xb8;
	[tilespmem:$0x1FC00] =	vst v63  }
0x495: {  	_ =	swait.ge [sflag:s29], $0x4000  }
0x496: {  	[sflag:s29] =	ssyncset.done $0x0  }
0x497: {  	s4 =	sadd.s32 $0x1800, s3;
	[sflag:s29] =	ssyncadd.s32 $0xFFFFC000  }
0x498: {  	[hbm4b:s4+s5] =	stream.linear.scatter [tilespmem:s9], [sflag:$0x9], $0x4000, $0x38;
	[tilespmem:$0x1FC00] =	vst v63  }
0x499: {  	_ =	swait.ge [sflag:s30], $0x4000  }
0x49a: {  	[sflag:s30] =	ssyncset.done $0x0  }
0x49b: {  	[sflag:s30] =	ssyncadd.s32 $0xFFFFC000  }
0x49c: {  	v21 =	vld [tilespmem:s1+$0xFFFFFF50];
	_ =	sdelay $0x4  }
0x49d: {  	v22 =	vshll.u32 v21, $0x1  }
0x49e: {  	v21 =	vand.u32 $0x7, v21;
	v22 =	vand.u32 $0xFFFFFFF0, v22  }
0x49f: {  	v21 =	vor.u32 v21, v22  }
0x4a0: {  	v22 =	vperm.xlane v21, v18;
	_ =	sdelay $0x1  }
0x4a1: {  	v21 =	vperm.xlane v21, v20;
	v22 =	vadd.s32 v19, v22;
	_ =	sdelay $0x1  }
0x4a2: {  	v21 =	vadd.s32 v19, v21;
	_ =	sdelay $0x1  }
0x4a3: {  	s22 =	simm.s32 $0xFA00  }
0x4a4: {  	[tilespmem:s22], [sflag:$0x3] =	stream.indirect_vreg.gather [hbm4b:s0+s5], $0x80, v22, vm0, $0xb8;
	[tilespmem:$0x1FC00] =	vst v63  }
0x4a5: {  	_ = 	snop  }
0x4a6: {  	[tilespmem:s28], [sflag:$0x3] =	stream.indirect_vreg.gather [hbm4b:s0+s5], $0x80, v21, vm0, $0xb8;
	[tilespmem:$0x1FC00] =	vst v63  }
0x4a7: {  	v21 =	vld [tilespmem:s1+$0xFFFFFF60];
	_ =	sdelay $0x4  }
0x4a8: {  	v22 =	vshll.u32 v21, $0x1  }
0x4a9: {  	v21 =	vand.u32 $0x7, v21;
	v22 =	vand.u32 $0xFFFFFFF0, v22  }
0x4aa: {  	v21 =	vor.u32 v21, v22  }
0x4ab: {  	v22 =	vperm.xlane v21, v18;
	_ =	sdelay $0x1  }
0x4ac: {  	v21 =	vperm.xlane v21, v20;
	v22 =	vadd.s32 v19, v22;
	_ =	sdelay $0x1  }
0x4ad: {  	v21 =	vadd.s32 v19, v21;
	_ =	sdelay $0x2  }
0x4ae: {  	[tilespmem:s17], [sflag:$0x3] =	stream.indirect_vreg.gather [hbm4b:s0+s5], $0x80, v22, vm0, $0xb8;
	[tilespmem:$0x1FC00] =	vst v63  }
0x4af: {  	s22 =	simm.s32 $0x11200  }
0x4b0: {  	[tilespmem:s22], [sflag:$0x3] =	stream.indirect_vreg.gather [hbm4b:s0+s5], $0x80, v21, vm0, $0xb8;
	[tilespmem:$0x1FC00] =	vst v63  }
0x4b1: {  	v21 =	vld [tilespmem:s1+$0xFFFFFF70];
	_ =	sdelay $0x4  }
0x4b2: {  	v22 =	vshll.u32 v21, $0x1  }
0x4b3: {  	v21 =	vand.u32 $0x7, v21;
	v22 =	vand.u32 $0xFFFFFFF0, v22  }
0x4b4: {  	v21 =	vor.u32 v21, v22  }
0x4b5: {  	v22 =	vperm.xlane v21, v18;
	_ =	sdelay $0x1  }
0x4b6: {  	v21 =	vperm.xlane v21, v20;
	v22 =	vadd.s32 v19, v22;
	_ =	sdelay $0x1  }
0x4b7: {  	v21 =	vadd.s32 v19, v21;
	_ =	sdelay $0x1  }
0x4b8: {  	s22 =	simm.s32 $0x11A00  }
0x4b9: {  	[tilespmem:s22], [sflag:$0x3] =	stream.indirect_vreg.gather [hbm4b:s0+s5], $0x80, v22, vm0, $0xb8;
	[tilespmem:$0x1FC00] =	vst v63  }
0x4ba: {  	s22 =	simm.s32 $0x12200  }
0x4bb: {  	[tilespmem:s22], [sflag:$0x3] =	stream.indirect_vreg.gather [hbm4b:s0+s5], $0x80, v21, vm0, $0xb8;
	[tilespmem:$0x1FC00] =	vst v63  }
0x4bc: {  	v21 =	vld [tilespmem:s1+$0xFFFFFF80];
	_ =	sdelay $0x4  }
0x4bd: {  	v22 =	vshll.u32 v21, $0x1  }
0x4be: {  	v21 =	vand.u32 $0x7, v21;
	v22 =	vand.u32 $0xFFFFFFF0, v22  }
0x4bf: {  	v21 =	vor.u32 v21, v22  }
0x4c0: {  	v22 =	vperm.xlane v21, v18;
	_ =	sdelay $0x1  }
0x4c1: {  	v21 =	vperm.xlane v21, v20;
	v22 =	vadd.s32 v19, v22;
	_ =	sdelay $0x1  }
0x4c2: {  	v21 =	vadd.s32 v19, v21;
	_ =	sdelay $0x2  }
0x4c3: {  	[tilespmem:s24], [sflag:$0x3] =	stream.indirect_vreg.gather [hbm4b:s0+s5], $0x80, v22, vm0, $0xb8;
	[tilespmem:$0x1FC00] =	vst v63  }
0x4c4: {  	s22 =	simm.s32 $0x13200  }
0x4c5: {  	[tilespmem:s22], [sflag:$0x3] =	stream.indirect_vreg.gather [hbm4b:s0+s5], $0x80, v21, vm0, $0xb8;
	[tilespmem:$0x1FC00] =	vst v63  }
0x4c6: {  	_ =	swait.ge [sflag:s15], $0x4000  }
0x4c7: {  	[sflag:s15] =	ssyncset.done $0x0  }
0x4c8: {  	s22 =	sadd.s32 $0x2000, s3;
	[sflag:s15] =	ssyncadd.s32 $0xFFFFC000  }
0x4c9: {  	[hbm4b:s22+s5] =	stream.linear.scatter [tilespmem:s12], [sflag:$0x6], $0x4000, $0x38;
	[tilespmem:$0x1FC00] =	vst v63  }
0x4ca: {  	_ =	swait.ge [sflag:s31], $0x4000  }
0x4cb: {  	[sflag:s31] =	ssyncset.done $0x0  }
0x4cc: {  	[sflag:s31] =	ssyncadd.s32 $0xFFFFC000  }
0x4cd: {  	v21 =	vld [tilespmem:s1+$0xFFFFFF90];
	_ =	sdelay $0x4  }
0x4ce: {  	v22 =	vshll.u32 v21, $0x1  }
0x4cf: {  	v21 =	vand.u32 $0x7, v21;
	v22 =	vand.u32 $0xFFFFFFF0, v22  }
0x4d0: {  	v21 =	vor.u32 v21, v22  }
0x4d1: {  	v22 =	vperm.xlane v21, v18;
	_ =	sdelay $0x1  }
0x4d2: {  	v21 =	vperm.xlane v21, v20;
	v22 =	vadd.s32 v19, v22;
	_ =	sdelay $0x1  }
0x4d3: {  	v21 =	vadd.s32 v19, v21;
	_ =	sdelay $0x2  }
0x4d4: {  	[tilespmem:s26], [sflag:$0x4] =	stream.indirect_vreg.gather [hbm4b:s0+s5], $0x80, v22, vm0, $0xb8;
	[tilespmem:$0x1FC00] =	vst v63  }
0x4d5: {  	s22 =	simm.s32 $0x14200  }
0x4d6: {  	[tilespmem:s22], [sflag:$0x4] =	stream.indirect_vreg.gather [hbm4b:s0+s5], $0x80, v21, vm0, $0xb8;
	[tilespmem:$0x1FC00] =	vst v63  }
0x4d7: {  	v21 =	vld [tilespmem:s1+$0xFFFFFFA0];
	_ =	sdelay $0x4  }
0x4d8: {  	v22 =	vshll.u32 v21, $0x1  }
0x4d9: {  	v21 =	vand.u32 $0x7, v21;
	v22 =	vand.u32 $0xFFFFFFF0, v22  }
0x4da: {  	v21 =	vor.u32 v21, v22  }
0x4db: {  	v22 =	vperm.xlane v21, v18;
	_ =	sdelay $0x1  }
0x4dc: {  	v21 =	vperm.xlane v21, v20;
	v22 =	vadd.s32 v19, v22;
	_ =	sdelay $0x1  }
0x4dd: {  	v21 =	vadd.s32 v19, v21;
	_ =	sdelay $0x1  }
0x4de: {  	s22 =	simm.s32 $0x14A00  }
0x4df: {  	[tilespmem:s22], [sflag:$0x4] =	stream.indirect_vreg.gather [hbm4b:s0+s5], $0x80, v22, vm0, $0xb8;
	[tilespmem:$0x1FC00] =	vst v63  }
0x4e0: {  	s22 =	simm.s32 $0x15200  }
0x4e1: {  	[tilespmem:s22], [sflag:$0x4] =	stream.indirect_vreg.gather [hbm4b:s0+s5], $0x80, v21, vm0, $0xb8;
	[tilespmem:$0x1FC00] =	vst v63  }
0x4e2: {  	v21 =	vld [tilespmem:s1+$0xFFFFFFB0];
	_ =	sdelay $0x4  }
0x4e3: {  	v22 =	vshll.u32 v21, $0x1  }
0x4e4: {  	v21 =	vand.u32 $0x7, v21;
	v22 =	vand.u32 $0xFFFFFFF0, v22  }
0x4e5: {  	v21 =	vor.u32 v21, v22  }
0x4e6: {  	v22 =	vperm.xlane v21, v18;
	_ =	sdelay $0x1  }
0x4e7: {  	v21 =	vperm.xlane v21, v20;
	v22 =	vadd.s32 v19, v22;
	_ =	sdelay $0x1  }
0x4e8: {  	v21 =	vadd.s32 v19, v21;
	_ =	sdelay $0x1  }
0x4e9: {  	s22 =	simm.s32 $0x15A00  }
0x4ea: {  	[tilespmem:s22], [sflag:$0x4] =	stream.indirect_vreg.gather [hbm4b:s0+s5], $0x80, v22, vm0, $0xb8;
	[tilespmem:$0x1FC00] =	vst v63  }
0x4eb: {  	s22 =	simm.s32 $0x16200  }
0x4ec: {  	[tilespmem:s22], [sflag:$0x4] =	stream.indirect_vreg.gather [hbm4b:s0+s5], $0x80, v21, vm0, $0xb8;
	[tilespmem:$0x1FC00] =	vst v63  }
0x4ed: {  	v21 =	vld [tilespmem:s1+$0xFFFFFFC0];
	_ =	sdelay $0x4  }
0x4ee: {  	v22 =	vshll.u32 v21, $0x1  }
0x4ef: {  	v21 =	vand.u32 $0x7, v21;
	v22 =	vand.u32 $0xFFFFFFF0, v22  }
0x4f0: {  	v21 =	vor.u32 v21, v22  }
0x4f1: {  	v22 =	vperm.xlane v21, v18;
	_ =	sdelay $0x1  }
0x4f2: {  	v21 =	vperm.xlane v21, v20;
	v22 =	vadd.s32 v19, v22;
	_ =	sdelay $0x1  }
0x4f3: {  	v21 =	vadd.s32 v19, v21;
	_ =	sdelay $0x1  }
0x4f4: {  	s22 =	simm.s32 $0x16A00  }
0x4f5: {  	[tilespmem:s22], [sflag:$0x4] =	stream.indirect_vreg.gather [hbm4b:s0+s5], $0x80, v22, vm0, $0xb8;
	[tilespmem:$0x1FC00] =	vst v63  }
0x4f6: {  	s22 =	simm.s32 $0x17200  }
0x4f7: {  	[tilespmem:s22], [sflag:$0x4] =	stream.indirect_vreg.gather [hbm4b:s0+s5], $0x80, v21, vm0, $0xb8;
	[tilespmem:$0x1FC00] =	vst v63  }
0x4f8: {  	_ =	swait.ge [sflag:s8], $0x4000  }
0x4f9: {  	[sflag:s8] =	ssyncset.done $0x0  }
0x4fa: {  	s4 =	simm.s32 $0xFA00;
	s3 =	sadd.s32 $0x2800, s3;
	[sflag:s8] =	ssyncadd.s32 $0xFFFFC000  }
0x4fb: {  	[hbm4b:s3+s5] =	stream.linear.scatter [tilespmem:s4], [sflag:$0x7], $0x4000, $0x38;
	[tilespmem:$0x1FC00] =	vst v63  }
0x4fc: {  	_ =	swait.ge [sflag:s6], $0x4000  }
0x4fd: {  	[sflag:s6] =	ssyncset.done $0x0  }
0x4fe: {  	[sflag:s6] =	ssyncadd.s32 $0xFFFFC000  }
0x4ff: {  	v21 =	vld [tilespmem:s1+$0xFFFFFFD0];
	_ =	sdelay $0x4  }
0x500: {  	v22 =	vshll.u32 v21, $0x1  }
0x501: {  	v21 =	vand.u32 $0x7, v21;
	v22 =	vand.u32 $0xFFFFFFF0, v22  }
0x502: {  	v21 =	vor.u32 v21, v22  }
0x503: {  	v22 =	vperm.xlane v21, v18;
	_ =	sdelay $0x1  }
0x504: {  	v21 =	vperm.xlane v21, v20;
	v22 =	vadd.s32 v19, v22;
	_ =	sdelay $0x1  }
0x505: {  	v21 =	vadd.s32 v19, v21;
	_ =	sdelay $0x2  }
0x506: {  	[tilespmem:s9], [sflag:$0x5] =	stream.indirect_vreg.gather [hbm4b:s0+s5], $0x80, v22, vm0, $0xb8;
	[tilespmem:$0x1FC00] =	vst v63  }
0x507: {  	s22 =	simm.s32 $0x18200  }
0x508: {  	[tilespmem:s22], [sflag:$0x5] =	stream.indirect_vreg.gather [hbm4b:s0+s5], $0x80, v21, vm0, $0xb8;
	[tilespmem:$0x1FC00] =	vst v63  }
0x509: {  	v21 =	vld [tilespmem:s1+$0xFFFFFFE0];
	_ =	sdelay $0x4  }
0x50a: {  	v22 =	vshll.u32 v21, $0x1  }
0x50b: {  	v21 =	vand.u32 $0x7, v21;
	v22 =	vand.u32 $0xFFFFFFF0, v22  }
0x50c: {  	v21 =	vor.u32 v21, v22  }
0x50d: {  	v22 =	vperm.xlane v21, v18;
	_ =	sdelay $0x1  }
0x50e: {  	v21 =	vperm.xlane v21, v20;
	v22 =	vadd.s32 v19, v22;
	_ =	sdelay $0x1  }
0x50f: {  	v21 =	vadd.s32 v19, v21;
	_ =	sdelay $0x1  }
0x510: {  	s4 =	simm.s32 $0x18A00  }
0x511: {  	[tilespmem:s4], [sflag:$0x5] =	stream.indirect_vreg.gather [hbm4b:s0+s5], $0x80, v22, vm0, $0xb8;
	[tilespmem:$0x1FC00] =	vst v63  }
0x512: {  	s22 =	simm.s32 $0x19200  }
0x513: {  	[tilespmem:s22], [sflag:$0x5] =	stream.indirect_vreg.gather [hbm4b:s0+s5], $0x80, v21, vm0, $0xb8;
	[tilespmem:$0x1FC00] =	vst v63  }
0x514: {  	v21 =	vld [tilespmem:s1+$0xFFFFFFF0];
	_ =	sdelay $0x4  }
0x515: {  	v22 =	vshll.u32 v21, $0x1  }
0x516: {  	v21 =	vand.u32 $0x7, v21;
	v22 =	vand.u32 $0xFFFFFFF0, v22  }
0x517: {  	v21 =	vor.u32 v21, v22  }
0x518: {  	v22 =	vperm.xlane v21, v18;
	_ =	sdelay $0x1  }
0x519: {  	v21 =	vperm.xlane v21, v20;
	v22 =	vadd.s32 v19, v22;
	_ =	sdelay $0x1  }
0x51a: {  	v21 =	vadd.s32 v19, v21;
	_ =	sdelay $0x1  }
0x51b: {  	s4 =	simm.s32 $0x19A00  }
0x51c: {  	[tilespmem:s4], [sflag:$0x5] =	stream.indirect_vreg.gather [hbm4b:s0+s5], $0x80, v22, vm0, $0xb8;
	[tilespmem:$0x1FC00] =	vst v63  }
0x51d: {  	s22 =	simm.s32 $0x1A200  }
0x51e: {  	[tilespmem:s22], [sflag:$0x5] =	stream.indirect_vreg.gather [hbm4b:s0+s5], $0x80, v21, vm0, $0xb8;
	[tilespmem:$0x1FC00] =	vst v63  }
0x51f: {  	v21 =	vld [tilespmem:s1+$0x0];
	_ =	sdelay $0x4  }
0x520: {  	v22 =	vshll.u32 v21, $0x1  }
0x521: {  	v21 =	vand.u32 $0x7, v21;
	v22 =	vand.u32 $0xFFFFFFF0, v22  }
0x522: {  	v21 =	vor.u32 v21, v22  }
0x523: {  	v22 =	vperm.xlane v21, v18;
	_ =	sdelay $0x1  }
0x524: {  	v21 =	vperm.xlane v21, v20;
	v22 =	vadd.s32 v19, v22;
	_ =	sdelay $0x1  }
0x525: {  	p1 =	sne.s32 s2, $0x1C000;
	v21 =	vadd.s32 v19, v21  }
.Ltmp14:
0x526: {  	_ = 	snop;
	(pc) =	sbr.rel @p1 .LBB2_30-.Ltmp14, $4  }
0x527: {  	s4 =	simm.s32 $0x1AA00  }
0x528: {  	[tilespmem:s4], [sflag:$0x5] =	stream.indirect_vreg.gather [hbm4b:s0+s5], $0x80, v22, vm0, $0xb8;
	[tilespmem:$0x1FC00] =	vst v63  }
0x529: {  	s2 =	sadd.s32 $0x2000, s2;
	s22 =	simm.s32 $0x1B200;
	s1 =	sadd.s32 $0x100, s1  }
0x52a: {  	[tilespmem:s22], [sflag:$0x5] =	stream.indirect_vreg.gather [hbm4b:s0+s5], $0x80, v21, vm0, $0xb8;
	[tilespmem:$0x1FC00] =	vst v63  }
0x52b: {  	_ =	swait.ge [sflag:s10], $0x4000  }
0x52c: {  	[sflag:s10] =	ssyncset.done $0x0  }
0x52d: {  	s1 =	rddreg [dreg:$0x10];
	[sflag:s10] =	ssyncadd.s32 $0xFFFFC000  }
0x52e: {  	[hbm4b:s1+s5] =	stream.linear.scatter [tilespmem:s26], [sflag:$0x8], $0x4000, $0x38;
	[tilespmem:$0x1FC00] =	vst v63  }
0x52f: {  	_ =	swait.ge [sflag:s29], $0x4000  }
0x530: {  	[sflag:s29] =	ssyncset.done $0x0  }
0x531: {  	[sflag:s29] =	ssyncadd.s32 $0xFFFFC000;
	s29 =	rddreg [dreg:$0x11]  }
0x532: {  	[hbm4b:s29+s5] =	stream.linear.scatter [tilespmem:s9], [sflag:$0x9], $0x4000, $0x38;
	[tilespmem:$0x1FC00] =	vst v63  }
0x533: {  	_ =	swait.ge [sflag:s11], $0x4000  }
0x534: {  	[sflag:s11] =	ssyncset.done $0x0  }
0x535: {  	[sflag:s11] =	ssyncadd.s32 $0xFFFFC000  }
0x536: {  	_ =	swait.ge [sflag:s30], $0x4000  }
0x537: {  	[sflag:s30] =	ssyncset.done $0x0  }
0x538: {  	[sflag:s30] =	ssyncadd.s32 $0xFFFFC000  }
0x539: {  	_ =	swait.ge [sflag:s31], $0x4000  }
0x53a: {  	[sflag:s31] =	ssyncset.done $0x0  }
0x53b: {  	[sflag:s31] =	ssyncadd.s32 $0xFFFFC000  }
0x53c: {  	_ =	swait.ge [sflag:s6], $0x4000  }
0x53d: {  	s2 =	rddreg [dreg:$0x12]  }
0x53e: {  	s31 =	rddreg [dreg:$0xc];
	s2 =	sadd.s32 $0x1, s2  }
0x53f: {  	p1 =	sne.s32 s2, s31  }
.Ltmp15:
0x540: {  	_ = 	snop;
	(pc) =	sbr.rel @p1 .LBB2_1-.Ltmp15, $3  }
0x541: {  	_ =	sdelay $0x1  }
0x542: {  	[sflag:s6] =	ssyncset.done $0x0  }
0x543: {  	s22 =	simm.s32 $0xA;
	[sflag:s6] =	ssyncadd.s32 $0xFFFFC000  }
0x544: {  	_ =	sfence.sel $0x180000  }
0x545: {  	[bflag:$0x0] =	sbarrier.arrive $0xFFFF  }
0x546: {  	_ =	strace $0x90000047  }
0x547: {  	[bflag:$0x2] =	sbarrier.arrive $0xFFFF  }
0x548: {  	s0 =	rddreg [dreg:$0x6]  }
0x549: {  	s0 =	sadd.s32 @!p0 $0x100000, s0  }
0x54a: {  	[sflag:s0] =	ssyncadd.tile.s32 @!p0 $0x1;
	_ =	shalt  }
.Lfunc_end2:
_tile_overlayer_lowered:
.L_overlay_start_2:
0x54b: {  	(tag) =	ssettag $0x2  }
0x54c: {  	s0 =	rddreg [dreg:$0x0];
	s2 =	stileid.u32  }
0x54d: {  	s1 =	rddreg [dreg:$0x1];
	p0 =	sne.s32 s2, $0x0  }
0x54e: {  	s3 =	rddreg [dreg:$0x2];
	[bflag:$0x3] =	sbarrier.arrive $0xFFFF;
	s2 =	simm.s32 @!p0 $0x1C0A  }
0x54f: {  	[timem:s3], [sflag:s2] =	dma.local @!p0 [hbm:s0], s1  }
0x550: {  	s0 =	simm.s32 @!p0 $0xA  }
0x551: {  	_ =	swait.ge @!p0 [sflag:s0], s1  }
0x552: {  	s1 =	ssub.s32 @!p0 $0x0, s1;
	[sflag:s0] =	ssyncset.done @!p0 $0x0  }
0x553: {  	[sflag:s0] =	ssyncadd.s32 @!p0 s1  }
0x554: {  	[bflag:$0x3] =	sbarrier.arrive $0xFFFF  }
0x555: {  	_ =	shalt  }

</sc_bundles>
